<compile_context>
chip_gen: v7x
topology: tpu7x:2x2x1
jax: 0.10.2.dev20260603
libtpu: 0.0.44.dev20260713+nightly
codegen_flags: <defaults>
</compile_context>

<pallas_src>
import functools

import jax
import jax.numpy as jnp
from jax import lax
from jax.experimental import pallas as pl
from jax.experimental.pallas import tpu as pltpu
from jax.experimental.pallas import tpu_sc as plsc

LANES = 128
CHUNK = 256
B_PER_W = 1024
SUB = 16


@functools.lru_cache(maxsize=None)
def _make_lookup(vocab, batch, hist, dim):
    info = plsc.get_sparse_core_info()
    nc, ns = info.num_cores, info.num_subcores
    h_half = hist // 2
    n_bw = batch // B_PER_W
    runs = B_PER_W // CHUNK
    n_chunks = h_half * runs
    per_w = h_half * B_PER_W
    sr = dim * 4
    streams = CHUNK // LANES

    mesh = plsc.VectorSubcoreMesh(core_axis_name="c", subcore_axis_name="s")

    @functools.partial(
        pl.kernel,
        mesh=mesh,
        out_type=jax.ShapeDtypeStruct((hist, dim, batch), jnp.float32),
        scratch_types=[
            pltpu.VMEM((per_w,), jnp.int32),
            pltpu.VMEM((streams, LANES), jnp.int32),
            pltpu.VMEM((streams, LANES), jnp.int32),
            pltpu.VMEM((CHUNK, sr), jnp.float32),
            pltpu.VMEM((CHUNK, sr), jnp.float32),
            pltpu.VMEM((dim, CHUNK), jnp.float32),
            pltpu.VMEM((dim, CHUNK), jnp.float32),
            pltpu.SemaphoreType.DMA,
            pltpu.SemaphoreType.DMA,
            pltpu.SemaphoreType.DMA,
            pltpu.SemaphoreType.DMA,
        ],
        compiler_params=pltpu.CompilerParams(use_tc_tiling_on_sc=True,
                                             needs_layout_passes=False),
    )
    def lookup(table_hbm, ids_hbm, out_hbm, idx_v, sb0, sb1, ch0, ch1,
               tr0, tr1, semg0, semg1, semt0, semt1):
        wid = lax.axis_index("s") * nc + lax.axis_index("c")
        hh = wid // n_bw
        bb = wid % n_bw
        b0 = bb * B_PER_W

        pltpu.sync_copy(ids_hbm.at[pl.ds(wid * per_w, per_w)], idx_v)

        def compute_sidx(g, sb):
            p0 = g * CHUNK
            for j in range(streams):
                for g8 in range(LANES // SUB):
                    v = idx_v[pl.ds(p0 + j * LANES + g8 * SUB, SUB)]
                    sb[j, pl.ds(g8 * SUB, SUB)] = v >> 2

        def fire_gather(sb, ch, semg):
            for j in range(streams):
                pltpu.async_copy(table_hbm.at[sb.at[j]],
                                 ch.at[pl.ds(j * LANES, LANES)], semg)

        def wait_gather(ch, semg):
            pltpu.make_async_copy(table_hbm.at[pl.ds(0, CHUNK)], ch,
                                  semg).wait()

        def extract(g, ch, tr):
            p0 = g * CHUNK
            ivec = lax.iota(jnp.int32, SUB)

            @plsc.parallel_loop(0, CHUNK // SUB, unroll=4)
            def _(g8):
                v = idx_v[pl.ds(p0 + g8 * SUB, SUB)]
                jbase = (v & 3) * dim
                rows = ivec + g8 * SUB
                for d in range(dim):
                    vals = plsc.load_gather(ch, [rows, jbase + d])
                    tr[d, pl.ds(g8 * SUB, SUB)] = vals

        def fire_store(g, tr, semt):
            h = hh * h_half + g // runs
            bcol = b0 + (g % runs) * CHUNK
            pltpu.async_copy(tr, out_hbm.at[h, :, pl.ds(bcol, CHUNK)], semt)

        def wait_store(tr, semt):
            pltpu.make_async_copy(tr, out_hbm.at[0, :, pl.ds(0, CHUNK)],
                                  semt).wait()

        compute_sidx(0, sb0)
        fire_gather(sb0, ch0, semg0)

        def body(gg, carry):
            g0 = 2 * gg

            compute_sidx(g0 + 1, sb1)
            fire_gather(sb1, ch1, semg1)
            wait_gather(ch0, semg0)

            @pl.when(gg > 0)
            def _():
                wait_store(tr0, semt0)

            extract(g0, ch0, tr0)
            fire_store(g0, tr0, semt0)

            @pl.when(gg < n_chunks // 2 - 1)
            def _():
                compute_sidx(g0 + 2, sb0)
                fire_gather(sb0, ch0, semg0)

            wait_gather(ch1, semg1)

            @pl.when(gg > 0)
            def _():
                wait_store(tr1, semt1)

            extract(g0 + 1, ch1, tr1)
            fire_store(g0 + 1, tr1, semt1)
            return carry

        lax.fori_loop(0, n_chunks // 2, body, 0)
        wait_store(tr0, semt0)
        wait_store(tr1, semt1)

    return lookup


def kernel(inputs, table):
    ids = inputs
    if ids.ndim > 2:
        ids = jnp.squeeze(ids, axis=-1)
    batch, hist = ids.shape
    vocab, dim = table.shape
    h_half = hist // 2
    n_bw = batch // B_PER_W
    ids_w = (jnp.transpose(ids)
             .reshape(2, h_half, n_bw, B_PER_W)
             .transpose(0, 2, 1, 3)
             .reshape(batch * hist))
    table_sr = table.reshape(vocab // 4, dim * 4)
    out_t = _make_lookup(vocab, batch, hist, dim)(table_sr, ids_w)
    return jnp.transpose(out_t, (2, 0, 1))

# --- scband reference (transcript-rebuilt; emitter-appended) ---
"""Pipeline reference for scband-embedding-table-35570919145674 (READ-ONLY COPY).

The authoritative reference and input builder live on the scoring server;
editing this copy changes nothing except your own understanding.
"""

import jax, jax.numpy as jnp
import numpy as np

VOCAB = 1000000
DIM = 32
BATCH = 16384
HIST = 50

def setup_inputs(seed: int = 0) -> dict:
    key = jax.random.key(seed)
    k_ids, k_tab = jax.random.split(key)
    ids = jax.random.randint(k_ids, (BATCH, HIST), 0, VOCAB, dtype=jnp.int64 if jax.config.jax_enable_x64 else jnp.int32)
    table = jax.random.normal(k_tab, (VOCAB, DIM), dtype=jnp.float32) * 0.01
    return {"inputs": ids, "table": table}

def reference(inputs, table):
    # EmbeddingTable.forward with a plain id tensor and no combiner:
    #   if ids.dim() > 2: squeeze last dim (not needed for 2-D ids)
    #   out = self.table(ids)  -> nn.Embedding lookup
    ids = inputs
    if ids.ndim > 2:
        ids = jnp.squeeze(ids, axis=-1)
    out = jnp.take(table, ids, axis=0)
    return out

if __name__ == "__main__":
    import jax
    _d = setup_inputs()
    print(jax.jit(kernel)(*tuple(_d.values())))

</pallas_src>

<mosaic_0001>
#map = affine_map<(d0, d1) -> (0, 0)>
#map1 = affine_map<(d0, d1) -> (0)>
#map2 = affine_map<(d0, d1) -> (0, 0, 0)>
module attributes {stable_mosaic.version = 14 : i64} {
  func.func @lookup(%arg0: i32, %arg1: i32, %arg2: memref<250000x128xf32, #tpu.memory_space<hbm>>, %arg3: memref<819200xi32, #tpu.memory_space<hbm>>, %arg4: memref<50x32x16384xf32, #tpu.memory_space<hbm>>, %arg5: memref<25600xi32, #tpu.memory_space<vmem>>, %arg6: memref<2x128xi32, #tpu.memory_space<vmem>>, %arg7: memref<2x128xi32, #tpu.memory_space<vmem>>, %arg8: memref<256x128xf32, #tpu.memory_space<vmem>>, %arg9: memref<256x128xf32, #tpu.memory_space<vmem>>, %arg10: memref<32x256xf32, #tpu.memory_space<vmem>>, %arg11: memref<32x256xf32, #tpu.memory_space<vmem>>, %arg12: memref<!tpu.dma_semaphore, #tpu.memory_space<semaphore_mem>>, %arg13: memref<!tpu.dma_semaphore, #tpu.memory_space<semaphore_mem>>, %arg14: memref<!tpu.dma_semaphore, #tpu.memory_space<semaphore_mem>>, %arg15: memref<!tpu.dma_semaphore, #tpu.memory_space<semaphore_mem>>) attributes {dimension_semantics = [#tpu.dimension_semantics<core_parallel>, #tpu.dimension_semantics<subcore_parallel>], iteration_bounds = array<i64: 2, 16>, scalar_prefetch = 0 : i64, scratch_operands = 11 : i64, tpu.core_type = #tpu.core_type<sc_vector_subcore>, window_params = [{transform_indices = #map}, {transform_indices = #map1}, {transform_indices = #map2}]} {
    %mul3A = arith.constant 2 : i32
    %mul3A_0 = arith.muli %arg1, %mul3A : i32
    %add3A = arith.addi %mul3A_0, %arg0 : i32
    %jit3A = arith.constant 16 : i32
    %div3A = arith.divsi %add3A, %jit3A : i32
    %sign3A = arith.constant 0 : i32
    %sign3A_1 = arith.cmpi sgt, %add3A, %sign3A : i32
    %sign3A_2 = arith.extui %sign3A_1 : i1 to i32
    %sign3A_3 = arith.constant 0 : i32
    %sign3A_4 = arith.cmpi slt, %add3A, %sign3A_3 : i32
    %sign3A_5 = arith.extui %sign3A_4 : i1 to i32
    %sign3A_6 = arith.subi %sign3A_2, %sign3A_5 : i32
    %sign3A_7 = arith.constant 0 : i32
    %sign3A_8 = arith.cmpi sgt, %jit3A, %sign3A_7 : i32
    %sign3A_9 = arith.extui %sign3A_8 : i1 to i32
    %sign3A_10 = arith.constant 0 : i32
    %sign3A_11 = arith.cmpi slt, %jit3A, %sign3A_10 : i32
    %sign3A_12 = arith.extui %sign3A_11 : i1 to i32
    %sign3A_13 = arith.subi %sign3A_9, %sign3A_12 : i32
    %ne3A = arith.cmpi ne, %sign3A_6, %sign3A_13 : i32
    %rem3A = arith.remsi %add3A, %jit3A : i32
    %ne3A_14 = arith.constant 0 : i32
    %ne3A_15 = arith.cmpi ne, %rem3A, %ne3A_14 : i32
    %and3A = arith.andi %ne3A, %ne3A_15 : i1
    %sub3A = arith.constant 1 : i32
    %sub3A_16 = arith.subi %div3A, %sub3A : i32
    %select_n3A = arith.select %and3A, %sub3A_16, %div3A : i32
    %jit3A_17 = arith.constant 16 : i32
    %eq3A = arith.constant 0 : i32
    %eq3A_18 = arith.cmpi eq, %jit3A_17, %eq3A : i32
    %jit3A_19 = arith.constant 1 : i32
    %select_n3A_20 = arith.select %eq3A_18, %jit3A_19, %jit3A_17 : i32
    %rem3A_21 = arith.remsi %add3A, %select_n3A_20 : i32
    %ne3A_22 = arith.constant 0 : i32
    %ne3A_23 = arith.cmpi ne, %rem3A_21, %ne3A_22 : i32
    %lt3A = arith.constant 0 : i32
    %lt3A_24 = arith.cmpi slt, %rem3A_21, %lt3A : i32
    %lt3A_25 = arith.constant 0 : i32
    %lt3A_26 = arith.cmpi slt, %select_n3A_20, %lt3A_25 : i32
    %ne3A_27 = arith.xori %lt3A_24, %lt3A_26 : i1
    %and3A_28 = arith.andi %ne3A_27, %ne3A_23 : i1
    %add3A_29 = arith.addi %rem3A_21, %select_n3A_20 : i32
    %select_n3A_30 = arith.select %and3A_28, %add3A_29, %rem3A_21 : i32
    %mul3A_31 = arith.constant 1024 : i32
    %mul3A_32 = arith.muli %select_n3A_30, %mul3A_31 : i32
    %mul3A_33 = arith.constant 25600 : i32
    %mul3A_34 = arith.muli %add3A, %mul3A_33 : i32
    "tpu.region"() ({
      %run_scoped3A = tpu.sem_alloc : memref<!tpu.dma_semaphore, #tpu.memory_space<semaphore_mem>>
      %dma_start3A_217 = tpu.memref_slice %arg3[%mul3A_34] : memref<819200xi32, #tpu.memory_space<hbm>> -> memref<25600xi32, #tpu.memory_space<hbm>>
      %dma_start3A_218 = tpu.memref_slice %arg3[%mul3A_34] : memref<819200xi32, #tpu.memory_space<hbm>> -> memref<25600xi32, #tpu.memory_space<hbm>>
      tpu.enqueue_dma source(%dma_start3A_218 : memref<25600xi32, #tpu.memory_space<hbm>>) target(%arg5 : memref<25600xi32, #tpu.memory_space<vmem>>) target_semaphore(%run_scoped3A : memref<!tpu.dma_semaphore, #tpu.memory_space<semaphore_mem>>)
      %dma_wait3A_219 = tpu.memref_slice %arg3[%mul3A_34] : memref<819200xi32, #tpu.memory_space<hbm>> -> memref<25600xi32, #tpu.memory_space<hbm>>
      %dma_wait3A_220 = tpu.memref_slice %arg3[%mul3A_34] : memref<819200xi32, #tpu.memory_space<hbm>> -> memref<25600xi32, #tpu.memory_space<hbm>>
      tpu.wait_dma2 semaphore(%run_scoped3A : memref<!tpu.dma_semaphore, #tpu.memory_space<semaphore_mem>>) src(%dma_wait3A_220 : memref<25600xi32, #tpu.memory_space<hbm>>) dst(%arg5 : memref<25600xi32, #tpu.memory_space<vmem>>)
      tpu.yield
    }) : () -> ()
    %get3A = arith.constant 0 : index
    %get3A_35 = tpu.vector_load %arg5[%get3A] {strides = array<i32>} : memref<25600xi32, #tpu.memory_space<vmem>>, vector<16xi32>,
    %shift_right_arithmetic3A = arith.constant 2 : i32
    %shift_right_arithmetic3A_36 = vector.broadcast %shift_right_arithmetic3A : i32 to vector<16xi32>
    %shift_right_arithmetic3A_37 = arith.shrsi %get3A_35, %shift_right_arithmetic3A_36 : vector<16xi32>
    %swap3A = arith.constant 0 : i32
    %swap3A_38 = arith.index_cast %swap3A : i32 to index
    %swap3A_39 = arith.constant 0 : index
    %swap3A_40 = tpu.vector_load %arg6[%swap3A_38, %swap3A_39] {strides = array<i32>} : memref<2x128xi32, #tpu.memory_space<vmem>>, vector<16xi32>,
    tpu.vector_store %arg6[%swap3A_38, %swap3A_39], %shift_right_arithmetic3A_37 {strides = array<i32>} : memref<2x128xi32, #tpu.memory_space<vmem>>, vector<16xi32>,
    %get3A_41 = arith.constant 16 : index
    %get3A_42 = tpu.vector_load %arg5[%get3A_41] {strides = array<i32>} : memref<25600xi32, #tpu.memory_space<vmem>>, vector<16xi32>,
    %shift_right_arithmetic3A_43 = arith.constant 2 : i32
    %shift_right_arithmetic3A_44 = vector.broadcast %shift_right_arithmetic3A_43 : i32 to vector<16xi32>
    %shift_right_arithmetic3A_45 = arith.shrsi %get3A_42, %shift_right_arithmetic3A_44 : vector<16xi32>
    %swap3A_46 = arith.constant 0 : i32
    %swap3A_47 = arith.index_cast %swap3A_46 : i32 to index
    %swap3A_48 = arith.constant 16 : index
    %swap3A_49 = tpu.vector_load %arg6[%swap3A_47, %swap3A_48] {strides = array<i32>} : memref<2x128xi32, #tpu.memory_space<vmem>>, vector<16xi32>,
    tpu.vector_store %arg6[%swap3A_47, %swap3A_48], %shift_right_arithmetic3A_45 {strides = array<i32>} : memref<2x128xi32, #tpu.memory_space<vmem>>, vector<16xi32>,
    %get3A_50 = arith.constant 32 : index
    %get3A_51 = tpu.vector_load %arg5[%get3A_50] {strides = array<i32>} : memref<25600xi32, #tpu.memory_space<vmem>>, vector<16xi32>,
    %shift_right_arithmetic3A_52 = arith.constant 2 : i32
    %shift_right_arithmetic3A_53 = vector.broadcast %shift_right_arithmetic3A_52 : i32 to vector<16xi32>
    %shift_right_arithmetic3A_54 = arith.shrsi %get3A_51, %shift_right_arithmetic3A_53 : vector<16xi32>
    %swap3A_55 = arith.constant 0 : i32
    %swap3A_56 = arith.index_cast %swap3A_55 : i32 to index
    %swap3A_57 = arith.constant 32 : index
    %swap3A_58 = tpu.vector_load %arg6[%swap3A_56, %swap3A_57] {strides = array<i32>} : memref<2x128xi32, #tpu.memory_space<vmem>>, vector<16xi32>,
    tpu.vector_store %arg6[%swap3A_56, %swap3A_57], %shift_right_arithmetic3A_54 {strides = array<i32>} : memref<2x128xi32, #tpu.memory_space<vmem>>, vector<16xi32>,
    %get3A_59 = arith.constant 48 : index
    %get3A_60 = tpu.vector_load %arg5[%get3A_59] {strides = array<i32>} : memref<25600xi32, #tpu.memory_space<vmem>>, vector<16xi32>,
    %shift_right_arithmetic3A_61 = arith.constant 2 : i32
    %shift_right_arithmetic3A_62 = vector.broadcast %shift_right_arithmetic3A_61 : i32 to vector<16xi32>
    %shift_right_arithmetic3A_63 = arith.shrsi %get3A_60, %shift_right_arithmetic3A_62 : vector<16xi32>
    %swap3A_64 = arith.constant 0 : i32
    %swap3A_65 = arith.index_cast %swap3A_64 : i32 to index
    %swap3A_66 = arith.constant 48 : index
    %swap3A_67 = tpu.vector_load %arg6[%swap3A_65, %swap3A_66] {strides = array<i32>} : memref<2x128xi32, #tpu.memory_space<vmem>>, vector<16xi32>,
    tpu.vector_store %arg6[%swap3A_65, %swap3A_66], %shift_right_arithmetic3A_63 {strides = array<i32>} : memref<2x128xi32, #tpu.memory_space<vmem>>, vector<16xi32>,
    %get3A_68 = arith.constant 64 : index
    %get3A_69 = tpu.vector_load %arg5[%get3A_68] {strides = array<i32>} : memref<25600xi32, #tpu.memory_space<vmem>>, vector<16xi32>,
    %shift_right_arithmetic3A_70 = arith.constant 2 : i32
    %shift_right_arithmetic3A_71 = vector.broadcast %shift_right_arithmetic3A_70 : i32 to vector<16xi32>
    %shift_right_arithmetic3A_72 = arith.shrsi %get3A_69, %shift_right_arithmetic3A_71 : vector<16xi32>
    %swap3A_73 = arith.constant 0 : i32
    %swap3A_74 = arith.index_cast %swap3A_73 : i32 to index
    %swap3A_75 = arith.constant 64 : index
    %swap3A_76 = tpu.vector_load %arg6[%swap3A_74, %swap3A_75] {strides = array<i32>} : memref<2x128xi32, #tpu.memory_space<vmem>>, vector<16xi32>,
    tpu.vector_store %arg6[%swap3A_74, %swap3A_75], %shift_right_arithmetic3A_72 {strides = array<i32>} : memref<2x128xi32, #tpu.memory_space<vmem>>, vector<16xi32>,
    %get3A_77 = arith.constant 80 : index
    %get3A_78 = tpu.vector_load %arg5[%get3A_77] {strides = array<i32>} : memref<25600xi32, #tpu.memory_space<vmem>>, vector<16xi32>,
    %shift_right_arithmetic3A_79 = arith.constant 2 : i32
    %shift_right_arithmetic3A_80 = vector.broadcast %shift_right_arithmetic3A_79 : i32 to vector<16xi32>
    %shift_right_arithmetic3A_81 = arith.shrsi %get3A_78, %shift_right_arithmetic3A_80 : vector<16xi32>
    %swap3A_82 = arith.constant 0 : i32
    %swap3A_83 = arith.index_cast %swap3A_82 : i32 to index
    %swap3A_84 = arith.constant 80 : index
    %swap3A_85 = tpu.vector_load %arg6[%swap3A_83, %swap3A_84] {strides = array<i32>} : memref<2x128xi32, #tpu.memory_space<vmem>>, vector<16xi32>,
    tpu.vector_store %arg6[%swap3A_83, %swap3A_84], %shift_right_arithmetic3A_81 {strides = array<i32>} : memref<2x128xi32, #tpu.memory_space<vmem>>, vector<16xi32>,
    %get3A_86 = arith.constant 96 : index
    %get3A_87 = tpu.vector_load %arg5[%get3A_86] {strides = array<i32>} : memref<25600xi32, #tpu.memory_space<vmem>>, vector<16xi32>,
    %shift_right_arithmetic3A_88 = arith.constant 2 : i32
    %shift_right_arithmetic3A_89 = vector.broadcast %shift_right_arithmetic3A_88 : i32 to vector<16xi32>
    %shift_right_arithmetic3A_90 = arith.shrsi %get3A_87, %shift_right_arithmetic3A_89 : vector<16xi32>
    %swap3A_91 = arith.constant 0 : i32
    %swap3A_92 = arith.index_cast %swap3A_91 : i32 to index
    %swap3A_93 = arith.constant 96 : index
    %swap3A_94 = tpu.vector_load %arg6[%swap3A_92, %swap3A_93] {strides = array<i32>} : memref<2x128xi32, #tpu.memory_space<vmem>>, vector<16xi32>,
    tpu.vector_store %arg6[%swap3A_92, %swap3A_93], %shift_right_arithmetic3A_90 {strides = array<i32>} : memref<2x128xi32, #tpu.memory_space<vmem>>, vector<16xi32>,
    %get3A_95 = arith.constant 112 : index
    %get3A_96 = tpu.vector_load %arg5[%get3A_95] {strides = array<i32>} : memref<25600xi32, #tpu.memory_space<vmem>>, vector<16xi32>,
    %shift_right_arithmetic3A_97 = arith.constant 2 : i32
    %shift_right_arithmetic3A_98 = vector.broadcast %shift_right_arithmetic3A_97 : i32 to vector<16xi32>
    %shift_right_arithmetic3A_99 = arith.shrsi %get3A_96, %shift_right_arithmetic3A_98 : vector<16xi32>
    %swap3A_100 = arith.constant 0 : i32
    %swap3A_101 = arith.index_cast %swap3A_100 : i32 to index
    %swap3A_102 = arith.constant 112 : index
    %swap3A_103 = tpu.vector_load %arg6[%swap3A_101, %swap3A_102] {strides = array<i32>} : memref<2x128xi32, #tpu.memory_space<vmem>>, vector<16xi32>,
    tpu.vector_store %arg6[%swap3A_101, %swap3A_102], %shift_right_arithmetic3A_99 {strides = array<i32>} : memref<2x128xi32, #tpu.memory_space<vmem>>, vector<16xi32>,
    %get3A_104 = arith.constant 128 : index
    %get3A_105 = tpu.vector_load %arg5[%get3A_104] {strides = array<i32>} : memref<25600xi32, #tpu.memory_space<vmem>>, vector<16xi32>,
    %shift_right_arithmetic3A_106 = arith.constant 2 : i32
    %shift_right_arithmetic3A_107 = vector.broadcast %shift_right_arithmetic3A_106 : i32 to vector<16xi32>
    %shift_right_arithmetic3A_108 = arith.shrsi %get3A_105, %shift_right_arithmetic3A_107 : vector<16xi32>
    %swap3A_109 = arith.constant 1 : i32
    %swap3A_110 = arith.index_cast %swap3A_109 : i32 to index
    %swap3A_111 = arith.constant 0 : index
    %swap3A_112 = tpu.vector_load %arg6[%swap3A_110, %swap3A_111] {strides = array<i32>} : memref<2x128xi32, #tpu.memory_space<vmem>>, vector<16xi32>,
    tpu.vector_store %arg6[%swap3A_110, %swap3A_111], %shift_right_arithmetic3A_108 {strides = array<i32>} : memref<2x128xi32, #tpu.memory_space<vmem>>, vector<16xi32>,
    %get3A_113 = arith.constant 144 : index
    %get3A_114 = tpu.vector_load %arg5[%get3A_113] {strides = array<i32>} : memref<25600xi32, #tpu.memory_space<vmem>>, vector<16xi32>,
    %shift_right_arithmetic3A_115 = arith.constant 2 : i32
    %shift_right_arithmetic3A_116 = vector.broadcast %shift_right_arithmetic3A_115 : i32 to vector<16xi32>
    %shift_right_arithmetic3A_117 = arith.shrsi %get3A_114, %shift_right_arithmetic3A_116 : vector<16xi32>
    %swap3A_118 = arith.constant 1 : i32
    %swap3A_119 = arith.index_cast %swap3A_118 : i32 to index
    %swap3A_120 = arith.constant 16 : index
    %swap3A_121 = tpu.vector_load %arg6[%swap3A_119, %swap3A_120] {strides = array<i32>} : memref<2x128xi32, #tpu.memory_space<vmem>>, vector<16xi32>,
    tpu.vector_store %arg6[%swap3A_119, %swap3A_120], %shift_right_arithmetic3A_117 {strides = array<i32>} : memref<2x128xi32, #tpu.memory_space<vmem>>, vector<16xi32>,
    %get3A_122 = arith.constant 160 : index
    %get3A_123 = tpu.vector_load %arg5[%get3A_122] {strides = array<i32>} : memref<25600xi32, #tpu.memory_space<vmem>>, vector<16xi32>,
    %shift_right_arithmetic3A_124 = arith.constant 2 : i32
    %shift_right_arithmetic3A_125 = vector.broadcast %shift_right_arithmetic3A_124 : i32 to vector<16xi32>
    %shift_right_arithmetic3A_126 = arith.shrsi %get3A_123, %shift_right_arithmetic3A_125 : vector<16xi32>
    %swap3A_127 = arith.constant 1 : i32
    %swap3A_128 = arith.index_cast %swap3A_127 : i32 to index
    %swap3A_129 = arith.constant 32 : index
    %swap3A_130 = tpu.vector_load %arg6[%swap3A_128, %swap3A_129] {strides = array<i32>} : memref<2x128xi32, #tpu.memory_space<vmem>>, vector<16xi32>,
    tpu.vector_store %arg6[%swap3A_128, %swap3A_129], %shift_right_arithmetic3A_126 {strides = array<i32>} : memref<2x128xi32, #tpu.memory_space<vmem>>, vector<16xi32>,
    %get3A_131 = arith.constant 176 : index
    %get3A_132 = tpu.vector_load %arg5[%get3A_131] {strides = array<i32>} : memref<25600xi32, #tpu.memory_space<vmem>>, vector<16xi32>,
    %shift_right_arithmetic3A_133 = arith.constant 2 : i32
    %shift_right_arithmetic3A_134 = vector.broadcast %shift_right_arithmetic3A_133 : i32 to vector<16xi32>
    %shift_right_arithmetic3A_135 = arith.shrsi %get3A_132, %shift_right_arithmetic3A_134 : vector<16xi32>
    %swap3A_136 = arith.constant 1 : i32
    %swap3A_137 = arith.index_cast %swap3A_136 : i32 to index
    %swap3A_138 = arith.constant 48 : index
    %swap3A_139 = tpu.vector_load %arg6[%swap3A_137, %swap3A_138] {strides = array<i32>} : memref<2x128xi32, #tpu.memory_space<vmem>>, vector<16xi32>,
    tpu.vector_store %arg6[%swap3A_137, %swap3A_138], %shift_right_arithmetic3A_135 {strides = array<i32>} : memref<2x128xi32, #tpu.memory_space<vmem>>, vector<16xi32>,
    %get3A_140 = arith.constant 192 : index
    %get3A_141 = tpu.vector_load %arg5[%get3A_140] {strides = array<i32>} : memref<25600xi32, #tpu.memory_space<vmem>>, vector<16xi32>,
    %shift_right_arithmetic3A_142 = arith.constant 2 : i32
    %shift_right_arithmetic3A_143 = vector.broadcast %shift_right_arithmetic3A_142 : i32 to vector<16xi32>
    %shift_right_arithmetic3A_144 = arith.shrsi %get3A_141, %shift_right_arithmetic3A_143 : vector<16xi32>
    %swap3A_145 = arith.constant 1 : i32
    %swap3A_146 = arith.index_cast %swap3A_145 : i32 to index
    %swap3A_147 = arith.constant 64 : index
    %swap3A_148 = tpu.vector_load %arg6[%swap3A_146, %swap3A_147] {strides = array<i32>} : memref<2x128xi32, #tpu.memory_space<vmem>>, vector<16xi32>,
    tpu.vector_store %arg6[%swap3A_146, %swap3A_147], %shift_right_arithmetic3A_144 {strides = array<i32>} : memref<2x128xi32, #tpu.memory_space<vmem>>, vector<16xi32>,
    %get3A_149 = arith.constant 208 : index
    %get3A_150 = tpu.vector_load %arg5[%get3A_149] {strides = array<i32>} : memref<25600xi32, #tpu.memory_space<vmem>>, vector<16xi32>,
    %shift_right_arithmetic3A_151 = arith.constant 2 : i32
    %shift_right_arithmetic3A_152 = vector.broadcast %shift_right_arithmetic3A_151 : i32 to vector<16xi32>
    %shift_right_arithmetic3A_153 = arith.shrsi %get3A_150, %shift_right_arithmetic3A_152 : vector<16xi32>
    %swap3A_154 = arith.constant 1 : i32
    %swap3A_155 = arith.index_cast %swap3A_154 : i32 to index
    %swap3A_156 = arith.constant 80 : index
    %swap3A_157 = tpu.vector_load %arg6[%swap3A_155, %swap3A_156] {strides = array<i32>} : memref<2x128xi32, #tpu.memory_space<vmem>>, vector<16xi32>,
    tpu.vector_store %arg6[%swap3A_155, %swap3A_156], %shift_right_arithmetic3A_153 {strides = array<i32>} : memref<2x128xi32, #tpu.memory_space<vmem>>, vector<16xi32>,
    %get3A_158 = arith.constant 224 : index
    %get3A_159 = tpu.vector_load %arg5[%get3A_158] {strides = array<i32>} : memref<25600xi32, #tpu.memory_space<vmem>>, vector<16xi32>,
    %shift_right_arithmetic3A_160 = arith.constant 2 : i32
    %shift_right_arithmetic3A_161 = vector.broadcast %shift_right_arithmetic3A_160 : i32 to vector<16xi32>
    %shift_right_arithmetic3A_162 = arith.shrsi %get3A_159, %shift_right_arithmetic3A_161 : vector<16xi32>
    %swap3A_163 = arith.constant 1 : i32
    %swap3A_164 = arith.index_cast %swap3A_163 : i32 to index
    %swap3A_165 = arith.constant 96 : index
    %swap3A_166 = tpu.vector_load %arg6[%swap3A_164, %swap3A_165] {strides = array<i32>} : memref<2x128xi32, #tpu.memory_space<vmem>>, vector<16xi32>,
    tpu.vector_store %arg6[%swap3A_164, %swap3A_165], %shift_right_arithmetic3A_162 {strides = array<i32>} : memref<2x128xi32, #tpu.memory_space<vmem>>, vector<16xi32>,
    %get3A_167 = arith.constant 240 : index
    %get3A_168 = tpu.vector_load %arg5[%get3A_167] {strides = array<i32>} : memref<25600xi32, #tpu.memory_space<vmem>>, vector<16xi32>,
    %shift_right_arithmetic3A_169 = arith.constant 2 : i32
    %shift_right_arithmetic3A_170 = vector.broadcast %shift_right_arithmetic3A_169 : i32 to vector<16xi32>
    %shift_right_arithmetic3A_171 = arith.shrsi %get3A_168, %shift_right_arithmetic3A_170 : vector<16xi32>
    %swap3A_172 = arith.constant 1 : i32
    %swap3A_173 = arith.index_cast %swap3A_172 : i32 to index
    %swap3A_174 = arith.constant 112 : index
    %swap3A_175 = tpu.vector_load %arg6[%swap3A_173, %swap3A_174] {strides = array<i32>} : memref<2x128xi32, #tpu.memory_space<vmem>>, vector<16xi32>,
    tpu.vector_store %arg6[%swap3A_173, %swap3A_174], %shift_right_arithmetic3A_171 {strides = array<i32>} : memref<2x128xi32, #tpu.memory_space<vmem>>, vector<16xi32>,
    %dma_start3A = arith.constant 0 : i32
    %dma_start3A_176 = arith.constant 0 : i32
    %dma_start3A_177 = arith.constant 0 : i32
    %dma_start3A_178 = tpu.memref_slice %arg8[%dma_start3A_176, %dma_start3A_177] : memref<256x128xf32, #tpu.memory_space<vmem>> -> memref<128x128xf32, #tpu.memory_space<vmem>>
    %dma_start3A_179 = arith.constant 0 : i32
    %dma_start3A_180 = tpu.memref_slice %arg6[%dma_start3A, %dma_start3A_179] : memref<2x128xi32, #tpu.memory_space<vmem>> -> memref<1x128xi32, #tpu.memory_space<vmem>>
    %dma_start3A_181 = tpu.memref_squeeze %dma_start3A_180 : memref<1x128xi32, #tpu.memory_space<vmem>> -> memref<128xi32, #tpu.memory_space<vmem>>
    %dma_start3A_182 = arith.constant 0 : i32
    %dma_start3A_183 = arith.constant 0 : i32
    %dma_start3A_184 = tpu.memref_slice %arg2[%dma_start3A_182, %dma_start3A_183] : memref<250000x128xf32, #tpu.memory_space<hbm>> -> memref<250000x128xf32, #tpu.memory_space<hbm>>
    tpu.enqueue_indirect_dma source(%dma_start3A_184 : memref<250000x128xf32, #tpu.memory_space<hbm>>) target(%dma_start3A_178 : memref<128x128xf32, #tpu.memory_space<vmem>>) offsets(%dma_start3A_181 : memref<128xi32, #tpu.memory_space<vmem>>) semaphore(%arg12 : memref<!tpu.dma_semaphore, #tpu.memory_space<semaphore_mem>>)
    %dma_start3A_185 = arith.constant 1 : i32
    %dma_start3A_186 = arith.constant 128 : i32
    %dma_start3A_187 = arith.constant 0 : i32
    %dma_start3A_188 = tpu.memref_slice %arg8[%dma_start3A_186, %dma_start3A_187] : memref<256x128xf32, #tpu.memory_space<vmem>> -> memref<128x128xf32, #tpu.memory_space<vmem>>
    %dma_start3A_189 = arith.constant 0 : i32
    %dma_start3A_190 = tpu.memref_slice %arg6[%dma_start3A_185, %dma_start3A_189] : memref<2x128xi32, #tpu.memory_space<vmem>> -> memref<1x128xi32, #tpu.memory_space<vmem>>
    %dma_start3A_191 = tpu.memref_squeeze %dma_start3A_190 : memref<1x128xi32, #tpu.memory_space<vmem>> -> memref<128xi32, #tpu.memory_space<vmem>>
    %dma_start3A_192 = arith.constant 0 : i32
    %dma_start3A_193 = arith.constant 0 : i32
    %dma_start3A_194 = tpu.memref_slice %arg2[%dma_start3A_192, %dma_start3A_193] : memref<250000x128xf32, #tpu.memory_space<hbm>> -> memref<250000x128xf32, #tpu.memory_space<hbm>>
    tpu.enqueue_indirect_dma source(%dma_start3A_194 : memref<250000x128xf32, #tpu.memory_space<hbm>>) target(%dma_start3A_188 : memref<128x128xf32, #tpu.memory_space<vmem>>) offsets(%dma_start3A_191 : memref<128xi32, #tpu.memory_space<vmem>>) semaphore(%arg12 : memref<!tpu.dma_semaphore, #tpu.memory_space<semaphore_mem>>)
    %scan3A = arith.constant 0 : i32
    %scan3A_195 = arith.constant 0 : i32
    %scan3A_196 = arith.constant 50 : i32
    %scan3A_197 = arith.addi %scan3A_195, %scan3A_196 : i32
    %scan3A_198 = arith.constant 1 : i32
    scf.for %scan3A_217 = %scan3A_195 to %scan3A_197 step %scan3A_198  : i32 {
      %mul3A_218 = arith.constant 2 : i32
      %mul3A_219 = arith.muli %mul3A_218, %scan3A_217 : i32
      %add3A_220 = arith.constant 1 : i32
      %add3A_221 = arith.addi %mul3A_219, %add3A_220 : i32
      %mul3A_222 = arith.constant 256 : i32
      %mul3A_223 = arith.muli %add3A_221, %mul3A_222 : i32
      %add3A_224 = arith.constant 0 : i32
      %add3A_225 = arith.addi %mul3A_223, %add3A_224 : i32
      %add3A_226 = arith.constant 0 : i32
      %add3A_227 = arith.addi %add3A_225, %add3A_226 : i32
      %get3A_228 = arith.index_cast %add3A_227 : i32 to index
      %get3A_229 = tpu.vector_load %arg5[%get3A_228] {strides = array<i32>} : memref<25600xi32, #tpu.memory_space<vmem>>, vector<16xi32>,
      %shift_right_arithmetic3A_230 = arith.constant 2 : i32
      %shift_right_arithmetic3A_231 = vector.broadcast %shift_right_arithmetic3A_230 : i32 to vector<16xi32>
      %shift_right_arithmetic3A_232 = arith.shrsi %get3A_229, %shift_right_arithmetic3A_231 : vector<16xi32>
      %swap3A_233 = arith.constant 0 : i32
      %swap3A_234 = arith.index_cast %swap3A_233 : i32 to index
      %swap3A_235 = arith.constant 0 : index
      %swap3A_236 = tpu.vector_load %arg7[%swap3A_234, %swap3A_235] {strides = array<i32>} : memref<2x128xi32, #tpu.memory_space<vmem>>, vector<16xi32>,
      tpu.vector_store %arg7[%swap3A_234, %swap3A_235], %shift_right_arithmetic3A_232 {strides = array<i32>} : memref<2x128xi32, #tpu.memory_space<vmem>>, vector<16xi32>,
      %add3A_237 = arith.constant 0 : i32
      %add3A_238 = arith.addi %mul3A_223, %add3A_237 : i32
      %add3A_239 = arith.constant 16 : i32
      %add3A_240 = arith.addi %add3A_238, %add3A_239 : i32
      %get3A_241 = arith.index_cast %add3A_240 : i32 to index
      %get3A_242 = tpu.vector_load %arg5[%get3A_241] {strides = array<i32>} : memref<25600xi32, #tpu.memory_space<vmem>>, vector<16xi32>,
      %shift_right_arithmetic3A_243 = arith.constant 2 : i32
      %shift_right_arithmetic3A_244 = vector.broadcast %shift_right_arithmetic3A_243 : i32 to vector<16xi32>
      %shift_right_arithmetic3A_245 = arith.shrsi %get3A_242, %shift_right_arithmetic3A_244 : vector<16xi32>
      %swap3A_246 = arith.constant 0 : i32
      %swap3A_247 = arith.index_cast %swap3A_246 : i32 to index
      %swap3A_248 = arith.constant 16 : index
      %swap3A_249 = tpu.vector_load %arg7[%swap3A_247, %swap3A_248] {strides = array<i32>} : memref<2x128xi32, #tpu.memory_space<vmem>>, vector<16xi32>,
      tpu.vector_store %arg7[%swap3A_247, %swap3A_248], %shift_right_arithmetic3A_245 {strides = array<i32>} : memref<2x128xi32, #tpu.memory_space<vmem>>, vector<16xi32>,
      %add3A_250 = arith.constant 0 : i32
      %add3A_251 = arith.addi %mul3A_223, %add3A_250 : i32
      %add3A_252 = arith.constant 32 : i32
      %add3A_253 = arith.addi %add3A_251, %add3A_252 : i32
      %get3A_254 = arith.index_cast %add3A_253 : i32 to index
      %get3A_255 = tpu.vector_load %arg5[%get3A_254] {strides = array<i32>} : memref<25600xi32, #tpu.memory_space<vmem>>, vector<16xi32>,
      %shift_right_arithmetic3A_256 = arith.constant 2 : i32
      %shift_right_arithmetic3A_257 = vector.broadcast %shift_right_arithmetic3A_256 : i32 to vector<16xi32>
      %shift_right_arithmetic3A_258 = arith.shrsi %get3A_255, %shift_right_arithmetic3A_257 : vector<16xi32>
      %swap3A_259 = arith.constant 0 : i32
      %swap3A_260 = arith.index_cast %swap3A_259 : i32 to index
      %swap3A_261 = arith.constant 32 : index
      %swap3A_262 = tpu.vector_load %arg7[%swap3A_260, %swap3A_261] {strides = array<i32>} : memref<2x128xi32, #tpu.memory_space<vmem>>, vector<16xi32>,
      tpu.vector_store %arg7[%swap3A_260, %swap3A_261], %shift_right_arithmetic3A_258 {strides = array<i32>} : memref<2x128xi32, #tpu.memory_space<vmem>>, vector<16xi32>,
      %add3A_263 = arith.constant 0 : i32
      %add3A_264 = arith.addi %mul3A_223, %add3A_263 : i32
      %add3A_265 = arith.constant 48 : i32
      %add3A_266 = arith.addi %add3A_264, %add3A_265 : i32
      %get3A_267 = arith.index_cast %add3A_266 : i32 to index
      %get3A_268 = tpu.vector_load %arg5[%get3A_267] {strides = array<i32>} : memref<25600xi32, #tpu.memory_space<vmem>>, vector<16xi32>,
      %shift_right_arithmetic3A_269 = arith.constant 2 : i32
      %shift_right_arithmetic3A_270 = vector.broadcast %shift_right_arithmetic3A_269 : i32 to vector<16xi32>
      %shift_right_arithmetic3A_271 = arith.shrsi %get3A_268, %shift_right_arithmetic3A_270 : vector<16xi32>
      %swap3A_272 = arith.constant 0 : i32
      %swap3A_273 = arith.index_cast %swap3A_272 : i32 to index
      %swap3A_274 = arith.constant 48 : index
      %swap3A_275 = tpu.vector_load %arg7[%swap3A_273, %swap3A_274] {strides = array<i32>} : memref<2x128xi32, #tpu.memory_space<vmem>>, vector<16xi32>,
      tpu.vector_store %arg7[%swap3A_273, %swap3A_274], %shift_right_arithmetic3A_271 {strides = array<i32>} : memref<2x128xi32, #tpu.memory_space<vmem>>, vector<16xi32>,
      %add3A_276 = arith.constant 0 : i32
      %add3A_277 = arith.addi %mul3A_223, %add3A_276 : i32
      %add3A_278 = arith.constant 64 : i32
      %add3A_279 = arith.addi %add3A_277, %add3A_278 : i32
      %get3A_280 = arith.index_cast %add3A_279 : i32 to index
      %get3A_281 = tpu.vector_load %arg5[%get3A_280] {strides = array<i32>} : memref<25600xi32, #tpu.memory_space<vmem>>, vector<16xi32>,
      %shift_right_arithmetic3A_282 = arith.constant 2 : i32
      %shift_right_arithmetic3A_283 = vector.broadcast %shift_right_arithmetic3A_282 : i32 to vector<16xi32>
      %shift_right_arithmetic3A_284 = arith.shrsi %get3A_281, %shift_right_arithmetic3A_283 : vector<16xi32>
      %swap3A_285 = arith.constant 0 : i32
      %swap3A_286 = arith.index_cast %swap3A_285 : i32 to index
      %swap3A_287 = arith.constant 64 : index
      %swap3A_288 = tpu.vector_load %arg7[%swap3A_286, %swap3A_287] {strides = array<i32>} : memref<2x128xi32, #tpu.memory_space<vmem>>, vector<16xi32>,
      tpu.vector_store %arg7[%swap3A_286, %swap3A_287], %shift_right_arithmetic3A_284 {strides = array<i32>} : memref<2x128xi32, #tpu.memory_space<vmem>>, vector<16xi32>,
      %add3A_289 = arith.constant 0 : i32
      %add3A_290 = arith.addi %mul3A_223, %add3A_289 : i32
      %add3A_291 = arith.constant 80 : i32
      %add3A_292 = arith.addi %add3A_290, %add3A_291 : i32
      %get3A_293 = arith.index_cast %add3A_292 : i32 to index
      %get3A_294 = tpu.vector_load %arg5[%get3A_293] {strides = array<i32>} : memref<25600xi32, #tpu.memory_space<vmem>>, vector<16xi32>,
      %shift_right_arithmetic3A_295 = arith.constant 2 : i32
      %shift_right_arithmetic3A_296 = vector.broadcast %shift_right_arithmetic3A_295 : i32 to vector<16xi32>
      %shift_right_arithmetic3A_297 = arith.shrsi %get3A_294, %shift_right_arithmetic3A_296 : vector<16xi32>
      %swap3A_298 = arith.constant 0 : i32
      %swap3A_299 = arith.index_cast %swap3A_298 : i32 to index
      %swap3A_300 = arith.constant 80 : index
      %swap3A_301 = tpu.vector_load %arg7[%swap3A_299, %swap3A_300] {strides = array<i32>} : memref<2x128xi32, #tpu.memory_space<vmem>>, vector<16xi32>,
      tpu.vector_store %arg7[%swap3A_299, %swap3A_300], %shift_right_arithmetic3A_297 {strides = array<i32>} : memref<2x128xi32, #tpu.memory_space<vmem>>, vector<16xi32>,
      %add3A_302 = arith.constant 0 : i32
      %add3A_303 = arith.addi %mul3A_223, %add3A_302 : i32
      %add3A_304 = arith.constant 96 : i32
      %add3A_305 = arith.addi %add3A_303, %add3A_304 : i32
      %get3A_306 = arith.index_cast %add3A_305 : i32 to index
      %get3A_307 = tpu.vector_load %arg5[%get3A_306] {strides = array<i32>} : memref<25600xi32, #tpu.memory_space<vmem>>, vector<16xi32>,
      %shift_right_arithmetic3A_308 = arith.constant 2 : i32
      %shift_right_arithmetic3A_309 = vector.broadcast %shift_right_arithmetic3A_308 : i32 to vector<16xi32>
      %shift_right_arithmetic3A_310 = arith.shrsi %get3A_307, %shift_right_arithmetic3A_309 : vector<16xi32>
      %swap3A_311 = arith.constant 0 : i32
      %swap3A_312 = arith.index_cast %swap3A_311 : i32 to index
      %swap3A_313 = arith.constant 96 : index
      %swap3A_314 = tpu.vector_load %arg7[%swap3A_312, %swap3A_313] {strides = array<i32>} : memref<2x128xi32, #tpu.memory_space<vmem>>, vector<16xi32>,
      tpu.vector_store %arg7[%swap3A_312, %swap3A_313], %shift_right_arithmetic3A_310 {strides = array<i32>} : memref<2x128xi32, #tpu.memory_space<vmem>>, vector<16xi32>,
      %add3A_315 = arith.constant 0 : i32
      %add3A_316 = arith.addi %mul3A_223, %add3A_315 : i32
      %add3A_317 = arith.constant 112 : i32
      %add3A_318 = arith.addi %add3A_316, %add3A_317 : i32
      %get3A_319 = arith.index_cast %add3A_318 : i32 to index
      %get3A_320 = tpu.vector_load %arg5[%get3A_319] {strides = array<i32>} : memref<25600xi32, #tpu.memory_space<vmem>>, vector<16xi32>,
      %shift_right_arithmetic3A_321 = arith.constant 2 : i32
      %shift_right_arithmetic3A_322 = vector.broadcast %shift_right_arithmetic3A_321 : i32 to vector<16xi32>
      %shift_right_arithmetic3A_323 = arith.shrsi %get3A_320, %shift_right_arithmetic3A_322 : vector<16xi32>
      %swap3A_324 = arith.constant 0 : i32
      %swap3A_325 = arith.index_cast %swap3A_324 : i32 to index
      %swap3A_326 = arith.constant 112 : index
      %swap3A_327 = tpu.vector_load %arg7[%swap3A_325, %swap3A_326] {strides = array<i32>} : memref<2x128xi32, #tpu.memory_space<vmem>>, vector<16xi32>,
      tpu.vector_store %arg7[%swap3A_325, %swap3A_326], %shift_right_arithmetic3A_323 {strides = array<i32>} : memref<2x128xi32, #tpu.memory_space<vmem>>, vector<16xi32>,
      %add3A_328 = arith.constant 128 : i32
      %add3A_329 = arith.addi %mul3A_223, %add3A_328 : i32
      %add3A_330 = arith.constant 0 : i32
      %add3A_331 = arith.addi %add3A_329, %add3A_330 : i32
      %get3A_332 = arith.index_cast %add3A_331 : i32 to index
      %get3A_333 = tpu.vector_load %arg5[%get3A_332] {strides = array<i32>} : memref<25600xi32, #tpu.memory_space<vmem>>, vector<16xi32>,
      %shift_right_arithmetic3A_334 = arith.constant 2 : i32
      %shift_right_arithmetic3A_335 = vector.broadcast %shift_right_arithmetic3A_334 : i32 to vector<16xi32>
      %shift_right_arithmetic3A_336 = arith.shrsi %get3A_333, %shift_right_arithmetic3A_335 : vector<16xi32>
      %swap3A_337 = arith.constant 1 : i32
      %swap3A_338 = arith.index_cast %swap3A_337 : i32 to index
      %swap3A_339 = arith.constant 0 : index
      %swap3A_340 = tpu.vector_load %arg7[%swap3A_338, %swap3A_339] {strides = array<i32>} : memref<2x128xi32, #tpu.memory_space<vmem>>, vector<16xi32>,
      tpu.vector_store %arg7[%swap3A_338, %swap3A_339], %shift_right_arithmetic3A_336 {strides = array<i32>} : memref<2x128xi32, #tpu.memory_space<vmem>>, vector<16xi32>,
      %add3A_341 = arith.constant 128 : i32
      %add3A_342 = arith.addi %mul3A_223, %add3A_341 : i32
      %add3A_343 = arith.constant 16 : i32
      %add3A_344 = arith.addi %add3A_342, %add3A_343 : i32
      %get3A_345 = arith.index_cast %add3A_344 : i32 to index
      %get3A_346 = tpu.vector_load %arg5[%get3A_345] {strides = array<i32>} : memref<25600xi32, #tpu.memory_space<vmem>>, vector<16xi32>,
      %shift_right_arithmetic3A_347 = arith.constant 2 : i32
      %shift_right_arithmetic3A_348 = vector.broadcast %shift_right_arithmetic3A_347 : i32 to vector<16xi32>
      %shift_right_arithmetic3A_349 = arith.shrsi %get3A_346, %shift_right_arithmetic3A_348 : vector<16xi32>
      %swap3A_350 = arith.constant 1 : i32
      %swap3A_351 = arith.index_cast %swap3A_350 : i32 to index
      %swap3A_352 = arith.constant 16 : index
      %swap3A_353 = tpu.vector_load %arg7[%swap3A_351, %swap3A_352] {strides = array<i32>} : memref<2x128xi32, #tpu.memory_space<vmem>>, vector<16xi32>,
      tpu.vector_store %arg7[%swap3A_351, %swap3A_352], %shift_right_arithmetic3A_349 {strides = array<i32>} : memref<2x128xi32, #tpu.memory_space<vmem>>, vector<16xi32>,
      %add3A_354 = arith.constant 128 : i32
      %add3A_355 = arith.addi %mul3A_223, %add3A_354 : i32
      %add3A_356 = arith.constant 32 : i32
      %add3A_357 = arith.addi %add3A_355, %add3A_356 : i32
      %get3A_358 = arith.index_cast %add3A_357 : i32 to index
      %get3A_359 = tpu.vector_load %arg5[%get3A_358] {strides = array<i32>} : memref<25600xi32, #tpu.memory_space<vmem>>, vector<16xi32>,
      %shift_right_arithmetic3A_360 = arith.constant 2 : i32
      %shift_right_arithmetic3A_361 = vector.broadcast %shift_right_arithmetic3A_360 : i32 to vector<16xi32>
      %shift_right_arithmetic3A_362 = arith.shrsi %get3A_359, %shift_right_arithmetic3A_361 : vector<16xi32>
      %swap3A_363 = arith.constant 1 : i32
      %swap3A_364 = arith.index_cast %swap3A_363 : i32 to index
      %swap3A_365 = arith.constant 32 : index
      %swap3A_366 = tpu.vector_load %arg7[%swap3A_364, %swap3A_365] {strides = array<i32>} : memref<2x128xi32, #tpu.memory_space<vmem>>, vector<16xi32>,
      tpu.vector_store %arg7[%swap3A_364, %swap3A_365], %shift_right_arithmetic3A_362 {strides = array<i32>} : memref<2x128xi32, #tpu.memory_space<vmem>>, vector<16xi32>,
      %add3A_367 = arith.constant 128 : i32
      %add3A_368 = arith.addi %mul3A_223, %add3A_367 : i32
      %add3A_369 = arith.constant 48 : i32
      %add3A_370 = arith.addi %add3A_368, %add3A_369 : i32
      %get3A_371 = arith.index_cast %add3A_370 : i32 to index
      %get3A_372 = tpu.vector_load %arg5[%get3A_371] {strides = array<i32>} : memref<25600xi32, #tpu.memory_space<vmem>>, vector<16xi32>,
      %shift_right_arithmetic3A_373 = arith.constant 2 : i32
      %shift_right_arithmetic3A_374 = vector.broadcast %shift_right_arithmetic3A_373 : i32 to vector<16xi32>
      %shift_right_arithmetic3A_375 = arith.shrsi %get3A_372, %shift_right_arithmetic3A_374 : vector<16xi32>
      %swap3A_376 = arith.constant 1 : i32
      %swap3A_377 = arith.index_cast %swap3A_376 : i32 to index
      %swap3A_378 = arith.constant 48 : index
      %swap3A_379 = tpu.vector_load %arg7[%swap3A_377, %swap3A_378] {strides = array<i32>} : memref<2x128xi32, #tpu.memory_space<vmem>>, vector<16xi32>,
      tpu.vector_store %arg7[%swap3A_377, %swap3A_378], %shift_right_arithmetic3A_375 {strides = array<i32>} : memref<2x128xi32, #tpu.memory_space<vmem>>, vector<16xi32>,
      %add3A_380 = arith.constant 128 : i32
      %add3A_381 = arith.addi %mul3A_223, %add3A_380 : i32
      %add3A_382 = arith.constant 64 : i32
      %add3A_383 = arith.addi %add3A_381, %add3A_382 : i32
      %get3A_384 = arith.index_cast %add3A_383 : i32 to index
      %get3A_385 = tpu.vector_load %arg5[%get3A_384] {strides = array<i32>} : memref<25600xi32, #tpu.memory_space<vmem>>, vector<16xi32>,
      %shift_right_arithmetic3A_386 = arith.constant 2 : i32
      %shift_right_arithmetic3A_387 = vector.broadcast %shift_right_arithmetic3A_386 : i32 to vector<16xi32>
      %shift_right_arithmetic3A_388 = arith.shrsi %get3A_385, %shift_right_arithmetic3A_387 : vector<16xi32>
      %swap3A_389 = arith.constant 1 : i32
      %swap3A_390 = arith.index_cast %swap3A_389 : i32 to index
      %swap3A_391 = arith.constant 64 : index
      %swap3A_392 = tpu.vector_load %arg7[%swap3A_390, %swap3A_391] {strides = array<i32>} : memref<2x128xi32, #tpu.memory_space<vmem>>, vector<16xi32>,
      tpu.vector_store %arg7[%swap3A_390, %swap3A_391], %shift_right_arithmetic3A_388 {strides = array<i32>} : memref<2x128xi32, #tpu.memory_space<vmem>>, vector<16xi32>,
      %add3A_393 = arith.constant 128 : i32
      %add3A_394 = arith.addi %mul3A_223, %add3A_393 : i32
      %add3A_395 = arith.constant 80 : i32
      %add3A_396 = arith.addi %add3A_394, %add3A_395 : i32
      %get3A_397 = arith.index_cast %add3A_396 : i32 to index
      %get3A_398 = tpu.vector_load %arg5[%get3A_397] {strides = array<i32>} : memref<25600xi32, #tpu.memory_space<vmem>>, vector<16xi32>,
      %shift_right_arithmetic3A_399 = arith.constant 2 : i32
      %shift_right_arithmetic3A_400 = vector.broadcast %shift_right_arithmetic3A_399 : i32 to vector<16xi32>
      %shift_right_arithmetic3A_401 = arith.shrsi %get3A_398, %shift_right_arithmetic3A_400 : vector<16xi32>
      %swap3A_402 = arith.constant 1 : i32
      %swap3A_403 = arith.index_cast %swap3A_402 : i32 to index
      %swap3A_404 = arith.constant 80 : index
      %swap3A_405 = tpu.vector_load %arg7[%swap3A_403, %swap3A_404] {strides = array<i32>} : memref<2x128xi32, #tpu.memory_space<vmem>>, vector<16xi32>,
      tpu.vector_store %arg7[%swap3A_403, %swap3A_404], %shift_right_arithmetic3A_401 {strides = array<i32>} : memref<2x128xi32, #tpu.memory_space<vmem>>, vector<16xi32>,
      %add3A_406 = arith.constant 128 : i32
      %add3A_407 = arith.addi %mul3A_223, %add3A_406 : i32
      %add3A_408 = arith.constant 96 : i32
      %add3A_409 = arith.addi %add3A_407, %add3A_408 : i32
      %get3A_410 = arith.index_cast %add3A_409 : i32 to index
      %get3A_411 = tpu.vector_load %arg5[%get3A_410] {strides = array<i32>} : memref<25600xi32, #tpu.memory_space<vmem>>, vector<16xi32>,
      %shift_right_arithmetic3A_412 = arith.constant 2 : i32
      %shift_right_arithmetic3A_413 = vector.broadcast %shift_right_arithmetic3A_412 : i32 to vector<16xi32>
      %shift_right_arithmetic3A_414 = arith.shrsi %get3A_411, %shift_right_arithmetic3A_413 : vector<16xi32>
      %swap3A_415 = arith.constant 1 : i32
      %swap3A_416 = arith.index_cast %swap3A_415 : i32 to index
      %swap3A_417 = arith.constant 96 : index
      %swap3A_418 = tpu.vector_load %arg7[%swap3A_416, %swap3A_417] {strides = array<i32>} : memref<2x128xi32, #tpu.memory_space<vmem>>, vector<16xi32>,
      tpu.vector_store %arg7[%swap3A_416, %swap3A_417], %shift_right_arithmetic3A_414 {strides = array<i32>} : memref<2x128xi32, #tpu.memory_space<vmem>>, vector<16xi32>,
      %add3A_419 = arith.constant 128 : i32
      %add3A_420 = arith.addi %mul3A_223, %add3A_419 : i32
      %add3A_421 = arith.constant 112 : i32
      %add3A_422 = arith.addi %add3A_420, %add3A_421 : i32
      %get3A_423 = arith.index_cast %add3A_422 : i32 to index
      %get3A_424 = tpu.vector_load %arg5[%get3A_423] {strides = array<i32>} : memref<25600xi32, #tpu.memory_space<vmem>>, vector<16xi32>,
      %shift_right_arithmetic3A_425 = arith.constant 2 : i32
      %shift_right_arithmetic3A_426 = vector.broadcast %shift_right_arithmetic3A_425 : i32 to vector<16xi32>
      %shift_right_arithmetic3A_427 = arith.shrsi %get3A_424, %shift_right_arithmetic3A_426 : vector<16xi32>
      %swap3A_428 = arith.constant 1 : i32
      %swap3A_429 = arith.index_cast %swap3A_428 : i32 to index
      %swap3A_430 = arith.constant 112 : index
      %swap3A_431 = tpu.vector_load %arg7[%swap3A_429, %swap3A_430] {strides = array<i32>} : memref<2x128xi32, #tpu.memory_space<vmem>>, vector<16xi32>,
      tpu.vector_store %arg7[%swap3A_429, %swap3A_430], %shift_right_arithmetic3A_427 {strides = array<i32>} : memref<2x128xi32, #tpu.memory_space<vmem>>, vector<16xi32>,
      %dma_start3A_432 = arith.constant 0 : i32
      %dma_start3A_433 = arith.constant 0 : i32
      %dma_start3A_434 = arith.constant 0 : i32
      %dma_start3A_435 = tpu.memref_slice %arg9[%dma_start3A_433, %dma_start3A_434] : memref<256x128xf32, #tpu.memory_space<vmem>> -> memref<128x128xf32, #tpu.memory_space<vmem>>
      %dma_start3A_436 = arith.constant 0 : i32
      %dma_start3A_437 = tpu.memref_slice %arg7[%dma_start3A_432, %dma_start3A_436] : memref<2x128xi32, #tpu.memory_space<vmem>> -> memref<1x128xi32, #tpu.memory_space<vmem>>
      %dma_start3A_438 = tpu.memref_squeeze %dma_start3A_437 : memref<1x128xi32, #tpu.memory_space<vmem>> -> memref<128xi32, #tpu.memory_space<vmem>>
      %dma_start3A_439 = arith.constant 0 : i32
      %dma_start3A_440 = arith.constant 0 : i32
      %dma_start3A_441 = tpu.memref_slice %arg2[%dma_start3A_439, %dma_start3A_440] : memref<250000x128xf32, #tpu.memory_space<hbm>> -> memref<250000x128xf32, #tpu.memory_space<hbm>>
      tpu.enqueue_indirect_dma source(%dma_start3A_441 : memref<250000x128xf32, #tpu.memory_space<hbm>>) target(%dma_start3A_435 : memref<128x128xf32, #tpu.memory_space<vmem>>) offsets(%dma_start3A_438 : memref<128xi32, #tpu.memory_space<vmem>>) semaphore(%arg13 : memref<!tpu.dma_semaphore, #tpu.memory_space<semaphore_mem>>)
      %dma_start3A_442 = arith.constant 1 : i32
      %dma_start3A_443 = arith.constant 128 : i32
      %dma_start3A_444 = arith.constant 0 : i32
      %dma_start3A_445 = tpu.memref_slice %arg9[%dma_start3A_443, %dma_start3A_444] : memref<256x128xf32, #tpu.memory_space<vmem>> -> memref<128x128xf32, #tpu.memory_space<vmem>>
      %dma_start3A_446 = arith.constant 0 : i32
      %dma_start3A_447 = tpu.memref_slice %arg7[%dma_start3A_442, %dma_start3A_446] : memref<2x128xi32, #tpu.memory_space<vmem>> -> memref<1x128xi32, #tpu.memory_space<vmem>>
      %dma_start3A_448 = tpu.memref_squeeze %dma_start3A_447 : memref<1x128xi32, #tpu.memory_space<vmem>> -> memref<128xi32, #tpu.memory_space<vmem>>
      %dma_start3A_449 = arith.constant 0 : i32
      %dma_start3A_450 = arith.constant 0 : i32
      %dma_start3A_451 = tpu.memref_slice %arg2[%dma_start3A_449, %dma_start3A_450] : memref<250000x128xf32, #tpu.memory_space<hbm>> -> memref<250000x128xf32, #tpu.memory_space<hbm>>
      tpu.enqueue_indirect_dma source(%dma_start3A_451 : memref<250000x128xf32, #tpu.memory_space<hbm>>) target(%dma_start3A_445 : memref<128x128xf32, #tpu.memory_space<vmem>>) offsets(%dma_start3A_448 : memref<128xi32, #tpu.memory_space<vmem>>) semaphore(%arg13 : memref<!tpu.dma_semaphore, #tpu.memory_space<semaphore_mem>>)
      %dma_wait3A_452 = arith.constant 0 : i32
      %dma_wait3A_453 = arith.constant 0 : i32
      %dma_wait3A_454 = tpu.memref_slice %arg2[%dma_wait3A_452, %dma_wait3A_453] : memref<250000x128xf32, #tpu.memory_space<hbm>> -> memref<256x128xf32, #tpu.memory_space<hbm>>
      %dma_wait3A_455 = arith.constant 0 : i32
      %dma_wait3A_456 = arith.constant 0 : i32
      %dma_wait3A_457 = tpu.memref_slice %arg2[%dma_wait3A_455, %dma_wait3A_456] : memref<250000x128xf32, #tpu.memory_space<hbm>> -> memref<256x128xf32, #tpu.memory_space<hbm>>
      tpu.wait_dma2 semaphore(%arg12 : memref<!tpu.dma_semaphore, #tpu.memory_space<semaphore_mem>>) src(%dma_wait3A_457 : memref<256x128xf32, #tpu.memory_space<hbm>>) dst(%arg8 : memref<256x128xf32, #tpu.memory_space<vmem>>)
      %gt3A = arith.constant 0 : i32
      %gt3A_458 = arith.cmpi sgt, %scan3A_217, %gt3A : i32
      %convert_element_type3A = arith.extui %gt3A_458 : i1 to i32
      %cond3A = arith.constant 0 : i32
      %cond3A_459 = arith.cmpi ne, %convert_element_type3A, %cond3A : i32
      scf.if %cond3A_459 {
        %dma_wait3A_594 = arith.constant 0 : i32
        %dma_wait3A_595 = arith.constant 0 : i32
        %dma_wait3A_596 = arith.constant 0 : i32
        %dma_wait3A_597 = tpu.memref_slice %arg4[%dma_wait3A_594, %dma_wait3A_595, %dma_wait3A_596] : memref<50x32x16384xf32, #tpu.memory_space<hbm>> -> memref<1x32x256xf32, #tpu.memory_space<hbm>>
        %dma_wait3A_598 = tpu.memref_squeeze %dma_wait3A_597 : memref<1x32x256xf32, #tpu.memory_space<hbm>> -> memref<32x256xf32, #tpu.memory_space<hbm>>
        %dma_wait3A_599 = arith.constant 0 : i32
        %dma_wait3A_600 = arith.constant 0 : i32
        %dma_wait3A_601 = tpu.memref_slice %arg4[%dma_wait3A_594, %dma_wait3A_599, %dma_wait3A_600] : memref<50x32x16384xf32, #tpu.memory_space<hbm>> -> memref<1x32x256xf32, #tpu.memory_space<hbm>>
        %dma_wait3A_602 = tpu.memref_squeeze %dma_wait3A_601 : memref<1x32x256xf32, #tpu.memory_space<hbm>> -> memref<32x256xf32, #tpu.memory_space<hbm>>
        tpu.wait_dma2 semaphore(%arg14 : memref<!tpu.dma_semaphore, #tpu.memory_space<semaphore_mem>>) src(%arg10 : memref<32x256xf32, #tpu.memory_space<vmem>>) dst(%dma_wait3A_602 : memref<32x256xf32, #tpu.memory_space<hbm>>)
      } else {
      }
      %mul3A_460 = arith.constant 256 : i32
      %mul3A_461 = arith.muli %mul3A_219, %mul3A_460 : i32
      %iota3A = tpu.iota {dimensions = array<i32: 0>} : vector<16xi32>
      %parallel_loop3A = arith.constant 0 : i32
      %parallel_loop3A_462 = arith.constant 16 : i32
      %parallel_loop3A_463 = arith.constant 1 : i32
      scf.for %parallel_loop3A_594 = %parallel_loop3A to %parallel_loop3A_462 step %parallel_loop3A_463  : i32 {
        %parallel_loop3A_595 = arith.constant 16 : i32
        %parallel_loop3A_596 = arith.muli %parallel_loop3A_594, %parallel_loop3A_595 : i32
        %parallel_loop3A_597 = arith.addi %mul3A_461, %parallel_loop3A_596 : i32
        %parallel_loop3A_598 = arith.index_cast %parallel_loop3A_597 : i32 to index
        %parallel_loop3A_599 = tpu.vector_load %arg5[%parallel_loop3A_598] {strides = array<i32>} : memref<25600xi32, #tpu.memory_space<vmem>>, vector<16xi32>,
        %parallel_loop3A_600 = arith.constant 3 : i32
        %parallel_loop3A_601 = vector.broadcast %parallel_loop3A_600 : i32 to vector<16xi32>
        %parallel_loop3A_602 = arith.andi %parallel_loop3A_599, %parallel_loop3A_601 : vector<16xi32>
        %parallel_loop3A_603 = arith.constant 32 : i32
        %parallel_loop3A_604 = vector.broadcast %parallel_loop3A_603 : i32 to vector<16xi32>
        %parallel_loop3A_605 = arith.muli %parallel_loop3A_602, %parallel_loop3A_604 : vector<16xi32>
        %parallel_loop3A_606 = arith.constant 16 : i32
        %parallel_loop3A_607 = arith.muli %parallel_loop3A_594, %parallel_loop3A_606 : i32
        %parallel_loop3A_608 = vector.broadcast %parallel_loop3A_607 : i32 to vector<16xi32>
        %parallel_loop3A_609 = arith.addi %iota3A, %parallel_loop3A_608 : vector<16xi32>
        %parallel_loop3A_610 = arith.constant 0 : i32
        %parallel_loop3A_611 = vector.broadcast %parallel_loop3A_610 : i32 to vector<16xi32>
        %parallel_loop3A_612 = arith.addi %parallel_loop3A_605, %parallel_loop3A_611 : vector<16xi32>
        %parallel_loop3A_613 = tpu.vector_load_idx %arg8[%parallel_loop3A_609, %parallel_loop3A_612] : memref<256x128xf32, #tpu.memory_space<vmem>>[vector<16xi32>, vector<16xi32>], vector<16xf32>,
        %parallel_loop3A_614 = arith.constant 16 : i32
        %parallel_loop3A_615 = arith.muli %parallel_loop3A_594, %parallel_loop3A_614 : i32
        %parallel_loop3A_616 = arith.constant 0 : i32
        %parallel_loop3A_617 = arith.index_cast %parallel_loop3A_616 : i32 to index
        %parallel_loop3A_618 = arith.index_cast %parallel_loop3A_615 : i32 to index
        %parallel_loop3A_619 = tpu.vector_load %arg10[%parallel_loop3A_617, %parallel_loop3A_618] {strides = array<i32>} : memref<32x256xf32, #tpu.memory_space<vmem>>, vector<16xf32>,
        tpu.vector_store %arg10[%parallel_loop3A_617, %parallel_loop3A_618], %parallel_loop3A_613 {strides = array<i32>} : memref<32x256xf32, #tpu.memory_space<vmem>>, vector<16xf32>,
        %parallel_loop3A_620 = arith.constant 1 : i32
        %parallel_loop3A_621 = vector.broadcast %parallel_loop3A_620 : i32 to vector<16xi32>
        %parallel_loop3A_622 = arith.addi %parallel_loop3A_605, %parallel_loop3A_621 : vector<16xi32>
        %parallel_loop3A_623 = tpu.vector_load_idx %arg8[%parallel_loop3A_609, %parallel_loop3A_622] : memref<256x128xf32, #tpu.memory_space<vmem>>[vector<16xi32>, vector<16xi32>], vector<16xf32>,
        %parallel_loop3A_624 = arith.constant 16 : i32
        %parallel_loop3A_625 = arith.muli %parallel_loop3A_594, %parallel_loop3A_624 : i32
        %parallel_loop3A_626 = arith.constant 1 : i32
        %parallel_loop3A_627 = arith.index_cast %parallel_loop3A_626 : i32 to index
        %parallel_loop3A_628 = arith.index_cast %parallel_loop3A_625 : i32 to index
        %parallel_loop3A_629 = tpu.vector_load %arg10[%parallel_loop3A_627, %parallel_loop3A_628] {strides = array<i32>} : memref<32x256xf32, #tpu.memory_space<vmem>>, vector<16xf32>,
        tpu.vector_store %arg10[%parallel_loop3A_627, %parallel_loop3A_628], %parallel_loop3A_623 {strides = array<i32>} : memref<32x256xf32, #tpu.memory_space<vmem>>, vector<16xf32>,
        %parallel_loop3A_630 = arith.constant 2 : i32
        %parallel_loop3A_631 = vector.broadcast %parallel_loop3A_630 : i32 to vector<16xi32>
        %parallel_loop3A_632 = arith.addi %parallel_loop3A_605, %parallel_loop3A_631 : vector<16xi32>
        %parallel_loop3A_633 = tpu.vector_load_idx %arg8[%parallel_loop3A_609, %parallel_loop3A_632] : memref<256x128xf32, #tpu.memory_space<vmem>>[vector<16xi32>, vector<16xi32>], vector<16xf32>,
        %parallel_loop3A_634 = arith.constant 16 : i32
        %parallel_loop3A_635 = arith.muli %parallel_loop3A_594, %parallel_loop3A_634 : i32
        %parallel_loop3A_636 = arith.constant 2 : i32
        %parallel_loop3A_637 = arith.index_cast %parallel_loop3A_636 : i32 to index
        %parallel_loop3A_638 = arith.index_cast %parallel_loop3A_635 : i32 to index
        %parallel_loop3A_639 = tpu.vector_load %arg10[%parallel_loop3A_637, %parallel_loop3A_638] {strides = array<i32>} : memref<32x256xf32, #tpu.memory_space<vmem>>, vector<16xf32>,
        tpu.vector_store %arg10[%parallel_loop3A_637, %parallel_loop3A_638], %parallel_loop3A_633 {strides = array<i32>} : memref<32x256xf32, #tpu.memory_space<vmem>>, vector<16xf32>,
        %parallel_loop3A_640 = arith.constant 3 : i32
        %parallel_loop3A_641 = vector.broadcast %parallel_loop3A_640 : i32 to vector<16xi32>
        %parallel_loop3A_642 = arith.addi %parallel_loop3A_605, %parallel_loop3A_641 : vector<16xi32>
        %parallel_loop3A_643 = tpu.vector_load_idx %arg8[%parallel_loop3A_609, %parallel_loop3A_642] : memref<256x128xf32, #tpu.memory_space<vmem>>[vector<16xi32>, vector<16xi32>], vector<16xf32>,
        %parallel_loop3A_644 = arith.constant 16 : i32
        %parallel_loop3A_645 = arith.muli %parallel_loop3A_594, %parallel_loop3A_644 : i32
        %parallel_loop3A_646 = arith.constant 3 : i32
        %parallel_loop3A_647 = arith.index_cast %parallel_loop3A_646 : i32 to index
        %parallel_loop3A_648 = arith.index_cast %parallel_loop3A_645 : i32 to index
        %parallel_loop3A_649 = tpu.vector_load %arg10[%parallel_loop3A_647, %parallel_loop3A_648] {strides = array<i32>} : memref<32x256xf32, #tpu.memory_space<vmem>>, vector<16xf32>,
        tpu.vector_store %arg10[%parallel_loop3A_647, %parallel_loop3A_648], %parallel_loop3A_643 {strides = array<i32>} : memref<32x256xf32, #tpu.memory_space<vmem>>, vector<16xf32>,
        %parallel_loop3A_650 = arith.constant 4 : i32
        %parallel_loop3A_651 = vector.broadcast %parallel_loop3A_650 : i32 to vector<16xi32>
        %parallel_loop3A_652 = arith.addi %parallel_loop3A_605, %parallel_loop3A_651 : vector<16xi32>
        %parallel_loop3A_653 = tpu.vector_load_idx %arg8[%parallel_loop3A_609, %parallel_loop3A_652] : memref<256x128xf32, #tpu.memory_space<vmem>>[vector<16xi32>, vector<16xi32>], vector<16xf32>,
        %parallel_loop3A_654 = arith.constant 16 : i32
        %parallel_loop3A_655 = arith.muli %parallel_loop3A_594, %parallel_loop3A_654 : i32
        %parallel_loop3A_656 = arith.constant 4 : i32
        %parallel_loop3A_657 = arith.index_cast %parallel_loop3A_656 : i32 to index
        %parallel_loop3A_658 = arith.index_cast %parallel_loop3A_655 : i32 to index
        %parallel_loop3A_659 = tpu.vector_load %arg10[%parallel_loop3A_657, %parallel_loop3A_658] {strides = array<i32>} : memref<32x256xf32, #tpu.memory_space<vmem>>, vector<16xf32>,
        tpu.vector_store %arg10[%parallel_loop3A_657, %parallel_loop3A_658], %parallel_loop3A_653 {strides = array<i32>} : memref<32x256xf32, #tpu.memory_space<vmem>>, vector<16xf32>,
        %parallel_loop3A_660 = arith.constant 5 : i32
        %parallel_loop3A_661 = vector.broadcast %parallel_loop3A_660 : i32 to vector<16xi32>
        %parallel_loop3A_662 = arith.addi %parallel_loop3A_605, %parallel_loop3A_661 : vector<16xi32>
        %parallel_loop3A_663 = tpu.vector_load_idx %arg8[%parallel_loop3A_609, %parallel_loop3A_662] : memref<256x128xf32, #tpu.memory_space<vmem>>[vector<16xi32>, vector<16xi32>], vector<16xf32>,
        %parallel_loop3A_664 = arith.constant 16 : i32
        %parallel_loop3A_665 = arith.muli %parallel_loop3A_594, %parallel_loop3A_664 : i32
        %parallel_loop3A_666 = arith.constant 5 : i32
        %parallel_loop3A_667 = arith.index_cast %parallel_loop3A_666 : i32 to index
        %parallel_loop3A_668 = arith.index_cast %parallel_loop3A_665 : i32 to index
        %parallel_loop3A_669 = tpu.vector_load %arg10[%parallel_loop3A_667, %parallel_loop3A_668] {strides = array<i32>} : memref<32x256xf32, #tpu.memory_space<vmem>>, vector<16xf32>,
        tpu.vector_store %arg10[%parallel_loop3A_667, %parallel_loop3A_668], %parallel_loop3A_663 {strides = array<i32>} : memref<32x256xf32, #tpu.memory_space<vmem>>, vector<16xf32>,
        %parallel_loop3A_670 = arith.constant 6 : i32
        %parallel_loop3A_671 = vector.broadcast %parallel_loop3A_670 : i32 to vector<16xi32>
        %parallel_loop3A_672 = arith.addi %parallel_loop3A_605, %parallel_loop3A_671 : vector<16xi32>
        %parallel_loop3A_673 = tpu.vector_load_idx %arg8[%parallel_loop3A_609, %parallel_loop3A_672] : memref<256x128xf32, #tpu.memory_space<vmem>>[vector<16xi32>, vector<16xi32>], vector<16xf32>,
        %parallel_loop3A_674 = arith.constant 16 : i32
        %parallel_loop3A_675 = arith.muli %parallel_loop3A_594, %parallel_loop3A_674 : i32
        %parallel_loop3A_676 = arith.constant 6 : i32
        %parallel_loop3A_677 = arith.index_cast %parallel_loop3A_676 : i32 to index
        %parallel_loop3A_678 = arith.index_cast %parallel_loop3A_675 : i32 to index
        %parallel_loop3A_679 = tpu.vector_load %arg10[%parallel_loop3A_677, %parallel_loop3A_678] {strides = array<i32>} : memref<32x256xf32, #tpu.memory_space<vmem>>, vector<16xf32>,
        tpu.vector_store %arg10[%parallel_loop3A_677, %parallel_loop3A_678], %parallel_loop3A_673 {strides = array<i32>} : memref<32x256xf32, #tpu.memory_space<vmem>>, vector<16xf32>,
        %parallel_loop3A_680 = arith.constant 7 : i32
        %parallel_loop3A_681 = vector.broadcast %parallel_loop3A_680 : i32 to vector<16xi32>
        %parallel_loop3A_682 = arith.addi %parallel_loop3A_605, %parallel_loop3A_681 : vector<16xi32>
        %parallel_loop3A_683 = tpu.vector_load_idx %arg8[%parallel_loop3A_609, %parallel_loop3A_682] : memref<256x128xf32, #tpu.memory_space<vmem>>[vector<16xi32>, vector<16xi32>], vector<16xf32>,
        %parallel_loop3A_684 = arith.constant 16 : i32
        %parallel_loop3A_685 = arith.muli %parallel_loop3A_594, %parallel_loop3A_684 : i32
        %parallel_loop3A_686 = arith.constant 7 : i32
        %parallel_loop3A_687 = arith.index_cast %parallel_loop3A_686 : i32 to index
        %parallel_loop3A_688 = arith.index_cast %parallel_loop3A_685 : i32 to index
        %parallel_loop3A_689 = tpu.vector_load %arg10[%parallel_loop3A_687, %parallel_loop3A_688] {strides = array<i32>} : memref<32x256xf32, #tpu.memory_space<vmem>>, vector<16xf32>,
        tpu.vector_store %arg10[%parallel_loop3A_687, %parallel_loop3A_688], %parallel_loop3A_683 {strides = array<i32>} : memref<32x256xf32, #tpu.memory_space<vmem>>, vector<16xf32>,
        %parallel_loop3A_690 = arith.constant 8 : i32
        %parallel_loop3A_691 = vector.broadcast %parallel_loop3A_690 : i32 to vector<16xi32>
        %parallel_loop3A_692 = arith.addi %parallel_loop3A_605, %parallel_loop3A_691 : vector<16xi32>
        %parallel_loop3A_693 = tpu.vector_load_idx %arg8[%parallel_loop3A_609, %parallel_loop3A_692] : memref<256x128xf32, #tpu.memory_space<vmem>>[vector<16xi32>, vector<16xi32>], vector<16xf32>,
        %parallel_loop3A_694 = arith.constant 16 : i32
        %parallel_loop3A_695 = arith.muli %parallel_loop3A_594, %parallel_loop3A_694 : i32
        %parallel_loop3A_696 = arith.constant 8 : i32
        %parallel_loop3A_697 = arith.index_cast %parallel_loop3A_696 : i32 to index
        %parallel_loop3A_698 = arith.index_cast %parallel_loop3A_695 : i32 to index
        %parallel_loop3A_699 = tpu.vector_load %arg10[%parallel_loop3A_697, %parallel_loop3A_698] {strides = array<i32>} : memref<32x256xf32, #tpu.memory_space<vmem>>, vector<16xf32>,
        tpu.vector_store %arg10[%parallel_loop3A_697, %parallel_loop3A_698], %parallel_loop3A_693 {strides = array<i32>} : memref<32x256xf32, #tpu.memory_space<vmem>>, vector<16xf32>,
        %parallel_loop3A_700 = arith.constant 9 : i32
        %parallel_loop3A_701 = vector.broadcast %parallel_loop3A_700 : i32 to vector<16xi32>
        %parallel_loop3A_702 = arith.addi %parallel_loop3A_605, %parallel_loop3A_701 : vector<16xi32>
        %parallel_loop3A_703 = tpu.vector_load_idx %arg8[%parallel_loop3A_609, %parallel_loop3A_702] : memref<256x128xf32, #tpu.memory_space<vmem>>[vector<16xi32>, vector<16xi32>], vector<16xf32>,
        %parallel_loop3A_704 = arith.constant 16 : i32
        %parallel_loop3A_705 = arith.muli %parallel_loop3A_594, %parallel_loop3A_704 : i32
        %parallel_loop3A_706 = arith.constant 9 : i32
        %parallel_loop3A_707 = arith.index_cast %parallel_loop3A_706 : i32 to index
        %parallel_loop3A_708 = arith.index_cast %parallel_loop3A_705 : i32 to index
        %parallel_loop3A_709 = tpu.vector_load %arg10[%parallel_loop3A_707, %parallel_loop3A_708] {strides = array<i32>} : memref<32x256xf32, #tpu.memory_space<vmem>>, vector<16xf32>,
        tpu.vector_store %arg10[%parallel_loop3A_707, %parallel_loop3A_708], %parallel_loop3A_703 {strides = array<i32>} : memref<32x256xf32, #tpu.memory_space<vmem>>, vector<16xf32>,
        %parallel_loop3A_710 = arith.constant 10 : i32
        %parallel_loop3A_711 = vector.broadcast %parallel_loop3A_710 : i32 to vector<16xi32>
        %parallel_loop3A_712 = arith.addi %parallel_loop3A_605, %parallel_loop3A_711 : vector<16xi32>
        %parallel_loop3A_713 = tpu.vector_load_idx %arg8[%parallel_loop3A_609, %parallel_loop3A_712] : memref<256x128xf32, #tpu.memory_space<vmem>>[vector<16xi32>, vector<16xi32>], vector<16xf32>,
        %parallel_loop3A_714 = arith.constant 16 : i32
        %parallel_loop3A_715 = arith.muli %parallel_loop3A_594, %parallel_loop3A_714 : i32
        %parallel_loop3A_716 = arith.constant 10 : i32
        %parallel_loop3A_717 = arith.index_cast %parallel_loop3A_716 : i32 to index
        %parallel_loop3A_718 = arith.index_cast %parallel_loop3A_715 : i32 to index
        %parallel_loop3A_719 = tpu.vector_load %arg10[%parallel_loop3A_717, %parallel_loop3A_718] {strides = array<i32>} : memref<32x256xf32, #tpu.memory_space<vmem>>, vector<16xf32>,
        tpu.vector_store %arg10[%parallel_loop3A_717, %parallel_loop3A_718], %parallel_loop3A_713 {strides = array<i32>} : memref<32x256xf32, #tpu.memory_space<vmem>>, vector<16xf32>,
        %parallel_loop3A_720 = arith.constant 11 : i32
        %parallel_loop3A_721 = vector.broadcast %parallel_loop3A_720 : i32 to vector<16xi32>
        %parallel_loop3A_722 = arith.addi %parallel_loop3A_605, %parallel_loop3A_721 : vector<16xi32>
        %parallel_loop3A_723 = tpu.vector_load_idx %arg8[%parallel_loop3A_609, %parallel_loop3A_722] : memref<256x128xf32, #tpu.memory_space<vmem>>[vector<16xi32>, vector<16xi32>], vector<16xf32>,
        %parallel_loop3A_724 = arith.constant 16 : i32
        %parallel_loop3A_725 = arith.muli %parallel_loop3A_594, %parallel_loop3A_724 : i32
        %parallel_loop3A_726 = arith.constant 11 : i32
        %parallel_loop3A_727 = arith.index_cast %parallel_loop3A_726 : i32 to index
        %parallel_loop3A_728 = arith.index_cast %parallel_loop3A_725 : i32 to index
        %parallel_loop3A_729 = tpu.vector_load %arg10[%parallel_loop3A_727, %parallel_loop3A_728] {strides = array<i32>} : memref<32x256xf32, #tpu.memory_space<vmem>>, vector<16xf32>,
        tpu.vector_store %arg10[%parallel_loop3A_727, %parallel_loop3A_728], %parallel_loop3A_723 {strides = array<i32>} : memref<32x256xf32, #tpu.memory_space<vmem>>, vector<16xf32>,
        %parallel_loop3A_730 = arith.constant 12 : i32
        %parallel_loop3A_731 = vector.broadcast %parallel_loop3A_730 : i32 to vector<16xi32>
        %parallel_loop3A_732 = arith.addi %parallel_loop3A_605, %parallel_loop3A_731 : vector<16xi32>
        %parallel_loop3A_733 = tpu.vector_load_idx %arg8[%parallel_loop3A_609, %parallel_loop3A_732] : memref<256x128xf32, #tpu.memory_space<vmem>>[vector<16xi32>, vector<16xi32>], vector<16xf32>,
        %parallel_loop3A_734 = arith.constant 16 : i32
        %parallel_loop3A_735 = arith.muli %parallel_loop3A_594, %parallel_loop3A_734 : i32
        %parallel_loop3A_736 = arith.constant 12 : i32
        %parallel_loop3A_737 = arith.index_cast %parallel_loop3A_736 : i32 to index
        %parallel_loop3A_738 = arith.index_cast %parallel_loop3A_735 : i32 to index
        %parallel_loop3A_739 = tpu.vector_load %arg10[%parallel_loop3A_737, %parallel_loop3A_738] {strides = array<i32>} : memref<32x256xf32, #tpu.memory_space<vmem>>, vector<16xf32>,
        tpu.vector_store %arg10[%parallel_loop3A_737, %parallel_loop3A_738], %parallel_loop3A_733 {strides = array<i32>} : memref<32x256xf32, #tpu.memory_space<vmem>>, vector<16xf32>,
        %parallel_loop3A_740 = arith.constant 13 : i32
        %parallel_loop3A_741 = vector.broadcast %parallel_loop3A_740 : i32 to vector<16xi32>
        %parallel_loop3A_742 = arith.addi %parallel_loop3A_605, %parallel_loop3A_741 : vector<16xi32>
        %parallel_loop3A_743 = tpu.vector_load_idx %arg8[%parallel_loop3A_609, %parallel_loop3A_742] : memref<256x128xf32, #tpu.memory_space<vmem>>[vector<16xi32>, vector<16xi32>], vector<16xf32>,
        %parallel_loop3A_744 = arith.constant 16 : i32
        %parallel_loop3A_745 = arith.muli %parallel_loop3A_594, %parallel_loop3A_744 : i32
        %parallel_loop3A_746 = arith.constant 13 : i32
        %parallel_loop3A_747 = arith.index_cast %parallel_loop3A_746 : i32 to index
        %parallel_loop3A_748 = arith.index_cast %parallel_loop3A_745 : i32 to index
        %parallel_loop3A_749 = tpu.vector_load %arg10[%parallel_loop3A_747, %parallel_loop3A_748] {strides = array<i32>} : memref<32x256xf32, #tpu.memory_space<vmem>>, vector<16xf32>,
        tpu.vector_store %arg10[%parallel_loop3A_747, %parallel_loop3A_748], %parallel_loop3A_743 {strides = array<i32>} : memref<32x256xf32, #tpu.memory_space<vmem>>, vector<16xf32>,
        %parallel_loop3A_750 = arith.constant 14 : i32
        %parallel_loop3A_751 = vector.broadcast %parallel_loop3A_750 : i32 to vector<16xi32>
        %parallel_loop3A_752 = arith.addi %parallel_loop3A_605, %parallel_loop3A_751 : vector<16xi32>
        %parallel_loop3A_753 = tpu.vector_load_idx %arg8[%parallel_loop3A_609, %parallel_loop3A_752] : memref<256x128xf32, #tpu.memory_space<vmem>>[vector<16xi32>, vector<16xi32>], vector<16xf32>,
        %parallel_loop3A_754 = arith.constant 16 : i32
        %parallel_loop3A_755 = arith.muli %parallel_loop3A_594, %parallel_loop3A_754 : i32
        %parallel_loop3A_756 = arith.constant 14 : i32
        %parallel_loop3A_757 = arith.index_cast %parallel_loop3A_756 : i32 to index
        %parallel_loop3A_758 = arith.index_cast %parallel_loop3A_755 : i32 to index
        %parallel_loop3A_759 = tpu.vector_load %arg10[%parallel_loop3A_757, %parallel_loop3A_758] {strides = array<i32>} : memref<32x256xf32, #tpu.memory_space<vmem>>, vector<16xf32>,
        tpu.vector_store %arg10[%parallel_loop3A_757, %parallel_loop3A_758], %parallel_loop3A_753 {strides = array<i32>} : memref<32x256xf32, #tpu.memory_space<vmem>>, vector<16xf32>,
        %parallel_loop3A_760 = arith.constant 15 : i32
        %parallel_loop3A_761 = vector.broadcast %parallel_loop3A_760 : i32 to vector<16xi32>
        %parallel_loop3A_762 = arith.addi %parallel_loop3A_605, %parallel_loop3A_761 : vector<16xi32>
        %parallel_loop3A_763 = tpu.vector_load_idx %arg8[%parallel_loop3A_609, %parallel_loop3A_762] : memref<256x128xf32, #tpu.memory_space<vmem>>[vector<16xi32>, vector<16xi32>], vector<16xf32>,
        %parallel_loop3A_764 = arith.constant 16 : i32
        %parallel_loop3A_765 = arith.muli %parallel_loop3A_594, %parallel_loop3A_764 : i32
        %parallel_loop3A_766 = arith.constant 15 : i32
        %parallel_loop3A_767 = arith.index_cast %parallel_loop3A_766 : i32 to index
        %parallel_loop3A_768 = arith.index_cast %parallel_loop3A_765 : i32 to index
        %parallel_loop3A_769 = tpu.vector_load %arg10[%parallel_loop3A_767, %parallel_loop3A_768] {strides = array<i32>} : memref<32x256xf32, #tpu.memory_space<vmem>>, vector<16xf32>,
        tpu.vector_store %arg10[%parallel_loop3A_767, %parallel_loop3A_768], %parallel_loop3A_763 {strides = array<i32>} : memref<32x256xf32, #tpu.memory_space<vmem>>, vector<16xf32>,
        %parallel_loop3A_770 = arith.constant 16 : i32
        %parallel_loop3A_771 = vector.broadcast %parallel_loop3A_770 : i32 to vector<16xi32>
        %parallel_loop3A_772 = arith.addi %parallel_loop3A_605, %parallel_loop3A_771 : vector<16xi32>
        %parallel_loop3A_773 = tpu.vector_load_idx %arg8[%parallel_loop3A_609, %parallel_loop3A_772] : memref<256x128xf32, #tpu.memory_space<vmem>>[vector<16xi32>, vector<16xi32>], vector<16xf32>,
        %parallel_loop3A_774 = arith.constant 16 : i32
        %parallel_loop3A_775 = arith.muli %parallel_loop3A_594, %parallel_loop3A_774 : i32
        %parallel_loop3A_776 = arith.constant 16 : i32
        %parallel_loop3A_777 = arith.index_cast %parallel_loop3A_776 : i32 to index
        %parallel_loop3A_778 = arith.index_cast %parallel_loop3A_775 : i32 to index
        %parallel_loop3A_779 = tpu.vector_load %arg10[%parallel_loop3A_777, %parallel_loop3A_778] {strides = array<i32>} : memref<32x256xf32, #tpu.memory_space<vmem>>, vector<16xf32>,
        tpu.vector_store %arg10[%parallel_loop3A_777, %parallel_loop3A_778], %parallel_loop3A_773 {strides = array<i32>} : memref<32x256xf32, #tpu.memory_space<vmem>>, vector<16xf32>,
        %parallel_loop3A_780 = arith.constant 17 : i32
        %parallel_loop3A_781 = vector.broadcast %parallel_loop3A_780 : i32 to vector<16xi32>
        %parallel_loop3A_782 = arith.addi %parallel_loop3A_605, %parallel_loop3A_781 : vector<16xi32>
        %parallel_loop3A_783 = tpu.vector_load_idx %arg8[%parallel_loop3A_609, %parallel_loop3A_782] : memref<256x128xf32, #tpu.memory_space<vmem>>[vector<16xi32>, vector<16xi32>], vector<16xf32>,
        %parallel_loop3A_784 = arith.constant 16 : i32
        %parallel_loop3A_785 = arith.muli %parallel_loop3A_594, %parallel_loop3A_784 : i32
        %parallel_loop3A_786 = arith.constant 17 : i32
        %parallel_loop3A_787 = arith.index_cast %parallel_loop3A_786 : i32 to index
        %parallel_loop3A_788 = arith.index_cast %parallel_loop3A_785 : i32 to index
        %parallel_loop3A_789 = tpu.vector_load %arg10[%parallel_loop3A_787, %parallel_loop3A_788] {strides = array<i32>} : memref<32x256xf32, #tpu.memory_space<vmem>>, vector<16xf32>,
        tpu.vector_store %arg10[%parallel_loop3A_787, %parallel_loop3A_788], %parallel_loop3A_783 {strides = array<i32>} : memref<32x256xf32, #tpu.memory_space<vmem>>, vector<16xf32>,
        %parallel_loop3A_790 = arith.constant 18 : i32
        %parallel_loop3A_791 = vector.broadcast %parallel_loop3A_790 : i32 to vector<16xi32>
        %parallel_loop3A_792 = arith.addi %parallel_loop3A_605, %parallel_loop3A_791 : vector<16xi32>
        %parallel_loop3A_793 = tpu.vector_load_idx %arg8[%parallel_loop3A_609, %parallel_loop3A_792] : memref<256x128xf32, #tpu.memory_space<vmem>>[vector<16xi32>, vector<16xi32>], vector<16xf32>,
        %parallel_loop3A_794 = arith.constant 16 : i32
        %parallel_loop3A_795 = arith.muli %parallel_loop3A_594, %parallel_loop3A_794 : i32
        %parallel_loop3A_796 = arith.constant 18 : i32
        %parallel_loop3A_797 = arith.index_cast %parallel_loop3A_796 : i32 to index
        %parallel_loop3A_798 = arith.index_cast %parallel_loop3A_795 : i32 to index
        %parallel_loop3A_799 = tpu.vector_load %arg10[%parallel_loop3A_797, %parallel_loop3A_798] {strides = array<i32>} : memref<32x256xf32, #tpu.memory_space<vmem>>, vector<16xf32>,
        tpu.vector_store %arg10[%parallel_loop3A_797, %parallel_loop3A_798], %parallel_loop3A_793 {strides = array<i32>} : memref<32x256xf32, #tpu.memory_space<vmem>>, vector<16xf32>,
        %parallel_loop3A_800 = arith.constant 19 : i32
        %parallel_loop3A_801 = vector.broadcast %parallel_loop3A_800 : i32 to vector<16xi32>
        %parallel_loop3A_802 = arith.addi %parallel_loop3A_605, %parallel_loop3A_801 : vector<16xi32>
        %parallel_loop3A_803 = tpu.vector_load_idx %arg8[%parallel_loop3A_609, %parallel_loop3A_802] : memref<256x128xf32, #tpu.memory_space<vmem>>[vector<16xi32>, vector<16xi32>], vector<16xf32>,
        %parallel_loop3A_804 = arith.constant 16 : i32
        %parallel_loop3A_805 = arith.muli %parallel_loop3A_594, %parallel_loop3A_804 : i32
        %parallel_loop3A_806 = arith.constant 19 : i32
        %parallel_loop3A_807 = arith.index_cast %parallel_loop3A_806 : i32 to index
        %parallel_loop3A_808 = arith.index_cast %parallel_loop3A_805 : i32 to index
        %parallel_loop3A_809 = tpu.vector_load %arg10[%parallel_loop3A_807, %parallel_loop3A_808] {strides = array<i32>} : memref<32x256xf32, #tpu.memory_space<vmem>>, vector<16xf32>,
        tpu.vector_store %arg10[%parallel_loop3A_807, %parallel_loop3A_808], %parallel_loop3A_803 {strides = array<i32>} : memref<32x256xf32, #tpu.memory_space<vmem>>, vector<16xf32>,
        %parallel_loop3A_810 = arith.constant 20 : i32
        %parallel_loop3A_811 = vector.broadcast %parallel_loop3A_810 : i32 to vector<16xi32>
        %parallel_loop3A_812 = arith.addi %parallel_loop3A_605, %parallel_loop3A_811 : vector<16xi32>
        %parallel_loop3A_813 = tpu.vector_load_idx %arg8[%parallel_loop3A_609, %parallel_loop3A_812] : memref<256x128xf32, #tpu.memory_space<vmem>>[vector<16xi32>, vector<16xi32>], vector<16xf32>,
        %parallel_loop3A_814 = arith.constant 16 : i32
        %parallel_loop3A_815 = arith.muli %parallel_loop3A_594, %parallel_loop3A_814 : i32
        %parallel_loop3A_816 = arith.constant 20 : i32
        %parallel_loop3A_817 = arith.index_cast %parallel_loop3A_816 : i32 to index
        %parallel_loop3A_818 = arith.index_cast %parallel_loop3A_815 : i32 to index
        %parallel_loop3A_819 = tpu.vector_load %arg10[%parallel_loop3A_817, %parallel_loop3A_818] {strides = array<i32>} : memref<32x256xf32, #tpu.memory_space<vmem>>, vector<16xf32>,
        tpu.vector_store %arg10[%parallel_loop3A_817, %parallel_loop3A_818], %parallel_loop3A_813 {strides = array<i32>} : memref<32x256xf32, #tpu.memory_space<vmem>>, vector<16xf32>,
        %parallel_loop3A_820 = arith.constant 21 : i32
        %parallel_loop3A_821 = vector.broadcast %parallel_loop3A_820 : i32 to vector<16xi32>
        %parallel_loop3A_822 = arith.addi %parallel_loop3A_605, %parallel_loop3A_821 : vector<16xi32>
        %parallel_loop3A_823 = tpu.vector_load_idx %arg8[%parallel_loop3A_609, %parallel_loop3A_822] : memref<256x128xf32, #tpu.memory_space<vmem>>[vector<16xi32>, vector<16xi32>], vector<16xf32>,
        %parallel_loop3A_824 = arith.constant 16 : i32
        %parallel_loop3A_825 = arith.muli %parallel_loop3A_594, %parallel_loop3A_824 : i32
        %parallel_loop3A_826 = arith.constant 21 : i32
        %parallel_loop3A_827 = arith.index_cast %parallel_loop3A_826 : i32 to index
        %parallel_loop3A_828 = arith.index_cast %parallel_loop3A_825 : i32 to index
        %parallel_loop3A_829 = tpu.vector_load %arg10[%parallel_loop3A_827, %parallel_loop3A_828] {strides = array<i32>} : memref<32x256xf32, #tpu.memory_space<vmem>>, vector<16xf32>,
        tpu.vector_store %arg10[%parallel_loop3A_827, %parallel_loop3A_828], %parallel_loop3A_823 {strides = array<i32>} : memref<32x256xf32, #tpu.memory_space<vmem>>, vector<16xf32>,
        %parallel_loop3A_830 = arith.constant 22 : i32
        %parallel_loop3A_831 = vector.broadcast %parallel_loop3A_830 : i32 to vector<16xi32>
        %parallel_loop3A_832 = arith.addi %parallel_loop3A_605, %parallel_loop3A_831 : vector<16xi32>
        %parallel_loop3A_833 = tpu.vector_load_idx %arg8[%parallel_loop3A_609, %parallel_loop3A_832] : memref<256x128xf32, #tpu.memory_space<vmem>>[vector<16xi32>, vector<16xi32>], vector<16xf32>,
        %parallel_loop3A_834 = arith.constant 16 : i32
        %parallel_loop3A_835 = arith.muli %parallel_loop3A_594, %parallel_loop3A_834 : i32
        %parallel_loop3A_836 = arith.constant 22 : i32
        %parallel_loop3A_837 = arith.index_cast %parallel_loop3A_836 : i32 to index
        %parallel_loop3A_838 = arith.index_cast %parallel_loop3A_835 : i32 to index
        %parallel_loop3A_839 = tpu.vector_load %arg10[%parallel_loop3A_837, %parallel_loop3A_838] {strides = array<i32>} : memref<32x256xf32, #tpu.memory_space<vmem>>, vector<16xf32>,
        tpu.vector_store %arg10[%parallel_loop3A_837, %parallel_loop3A_838], %parallel_loop3A_833 {strides = array<i32>} : memref<32x256xf32, #tpu.memory_space<vmem>>, vector<16xf32>,
        %parallel_loop3A_840 = arith.constant 23 : i32
        %parallel_loop3A_841 = vector.broadcast %parallel_loop3A_840 : i32 to vector<16xi32>
        %parallel_loop3A_842 = arith.addi %parallel_loop3A_605, %parallel_loop3A_841 : vector<16xi32>
        %parallel_loop3A_843 = tpu.vector_load_idx %arg8[%parallel_loop3A_609, %parallel_loop3A_842] : memref<256x128xf32, #tpu.memory_space<vmem>>[vector<16xi32>, vector<16xi32>], vector<16xf32>,
        %parallel_loop3A_844 = arith.constant 16 : i32
        %parallel_loop3A_845 = arith.muli %parallel_loop3A_594, %parallel_loop3A_844 : i32
        %parallel_loop3A_846 = arith.constant 23 : i32
        %parallel_loop3A_847 = arith.index_cast %parallel_loop3A_846 : i32 to index
        %parallel_loop3A_848 = arith.index_cast %parallel_loop3A_845 : i32 to index
        %parallel_loop3A_849 = tpu.vector_load %arg10[%parallel_loop3A_847, %parallel_loop3A_848] {strides = array<i32>} : memref<32x256xf32, #tpu.memory_space<vmem>>, vector<16xf32>,
        tpu.vector_store %arg10[%parallel_loop3A_847, %parallel_loop3A_848], %parallel_loop3A_843 {strides = array<i32>} : memref<32x256xf32, #tpu.memory_space<vmem>>, vector<16xf32>,
        %parallel_loop3A_850 = arith.constant 24 : i32
        %parallel_loop3A_851 = vector.broadcast %parallel_loop3A_850 : i32 to vector<16xi32>
        %parallel_loop3A_852 = arith.addi %parallel_loop3A_605, %parallel_loop3A_851 : vector<16xi32>
        %parallel_loop3A_853 = tpu.vector_load_idx %arg8[%parallel_loop3A_609, %parallel_loop3A_852] : memref<256x128xf32, #tpu.memory_space<vmem>>[vector<16xi32>, vector<16xi32>], vector<16xf32>,
        %parallel_loop3A_854 = arith.constant 16 : i32
        %parallel_loop3A_855 = arith.muli %parallel_loop3A_594, %parallel_loop3A_854 : i32
        %parallel_loop3A_856 = arith.constant 24 : i32
        %parallel_loop3A_857 = arith.index_cast %parallel_loop3A_856 : i32 to index
        %parallel_loop3A_858 = arith.index_cast %parallel_loop3A_855 : i32 to index
        %parallel_loop3A_859 = tpu.vector_load %arg10[%parallel_loop3A_857, %parallel_loop3A_858] {strides = array<i32>} : memref<32x256xf32, #tpu.memory_space<vmem>>, vector<16xf32>,
        tpu.vector_store %arg10[%parallel_loop3A_857, %parallel_loop3A_858], %parallel_loop3A_853 {strides = array<i32>} : memref<32x256xf32, #tpu.memory_space<vmem>>, vector<16xf32>,
        %parallel_loop3A_860 = arith.constant 25 : i32
        %parallel_loop3A_861 = vector.broadcast %parallel_loop3A_860 : i32 to vector<16xi32>
        %parallel_loop3A_862 = arith.addi %parallel_loop3A_605, %parallel_loop3A_861 : vector<16xi32>
        %parallel_loop3A_863 = tpu.vector_load_idx %arg8[%parallel_loop3A_609, %parallel_loop3A_862] : memref<256x128xf32, #tpu.memory_space<vmem>>[vector<16xi32>, vector<16xi32>], vector<16xf32>,
        %parallel_loop3A_864 = arith.constant 16 : i32
        %parallel_loop3A_865 = arith.muli %parallel_loop3A_594, %parallel_loop3A_864 : i32
        %parallel_loop3A_866 = arith.constant 25 : i32
        %parallel_loop3A_867 = arith.index_cast %parallel_loop3A_866 : i32 to index
        %parallel_loop3A_868 = arith.index_cast %parallel_loop3A_865 : i32 to index
        %parallel_loop3A_869 = tpu.vector_load %arg10[%parallel_loop3A_867, %parallel_loop3A_868] {strides = array<i32>} : memref<32x256xf32, #tpu.memory_space<vmem>>, vector<16xf32>,
        tpu.vector_store %arg10[%parallel_loop3A_867, %parallel_loop3A_868], %parallel_loop3A_863 {strides = array<i32>} : memref<32x256xf32, #tpu.memory_space<vmem>>, vector<16xf32>,
        %parallel_loop3A_870 = arith.constant 26 : i32
        %parallel_loop3A_871 = vector.broadcast %parallel_loop3A_870 : i32 to vector<16xi32>
        %parallel_loop3A_872 = arith.addi %parallel_loop3A_605, %parallel_loop3A_871 : vector<16xi32>
        %parallel_loop3A_873 = tpu.vector_load_idx %arg8[%parallel_loop3A_609, %parallel_loop3A_872] : memref<256x128xf32, #tpu.memory_space<vmem>>[vector<16xi32>, vector<16xi32>], vector<16xf32>,
        %parallel_loop3A_874 = arith.constant 16 : i32
        %parallel_loop3A_875 = arith.muli %parallel_loop3A_594, %parallel_loop3A_874 : i32
        %parallel_loop3A_876 = arith.constant 26 : i32
        %parallel_loop3A_877 = arith.index_cast %parallel_loop3A_876 : i32 to index
        %parallel_loop3A_878 = arith.index_cast %parallel_loop3A_875 : i32 to index
        %parallel_loop3A_879 = tpu.vector_load %arg10[%parallel_loop3A_877, %parallel_loop3A_878] {strides = array<i32>} : memref<32x256xf32, #tpu.memory_space<vmem>>, vector<16xf32>,
        tpu.vector_store %arg10[%parallel_loop3A_877, %parallel_loop3A_878], %parallel_loop3A_873 {strides = array<i32>} : memref<32x256xf32, #tpu.memory_space<vmem>>, vector<16xf32>,
        %parallel_loop3A_880 = arith.constant 27 : i32
        %parallel_loop3A_881 = vector.broadcast %parallel_loop3A_880 : i32 to vector<16xi32>
        %parallel_loop3A_882 = arith.addi %parallel_loop3A_605, %parallel_loop3A_881 : vector<16xi32>
        %parallel_loop3A_883 = tpu.vector_load_idx %arg8[%parallel_loop3A_609, %parallel_loop3A_882] : memref<256x128xf32, #tpu.memory_space<vmem>>[vector<16xi32>, vector<16xi32>], vector<16xf32>,
        %parallel_loop3A_884 = arith.constant 16 : i32
        %parallel_loop3A_885 = arith.muli %parallel_loop3A_594, %parallel_loop3A_884 : i32
        %parallel_loop3A_886 = arith.constant 27 : i32
        %parallel_loop3A_887 = arith.index_cast %parallel_loop3A_886 : i32 to index
        %parallel_loop3A_888 = arith.index_cast %parallel_loop3A_885 : i32 to index
        %parallel_loop3A_889 = tpu.vector_load %arg10[%parallel_loop3A_887, %parallel_loop3A_888] {strides = array<i32>} : memref<32x256xf32, #tpu.memory_space<vmem>>, vector<16xf32>,
        tpu.vector_store %arg10[%parallel_loop3A_887, %parallel_loop3A_888], %parallel_loop3A_883 {strides = array<i32>} : memref<32x256xf32, #tpu.memory_space<vmem>>, vector<16xf32>,
        %parallel_loop3A_890 = arith.constant 28 : i32
        %parallel_loop3A_891 = vector.broadcast %parallel_loop3A_890 : i32 to vector<16xi32>
        %parallel_loop3A_892 = arith.addi %parallel_loop3A_605, %parallel_loop3A_891 : vector<16xi32>
        %parallel_loop3A_893 = tpu.vector_load_idx %arg8[%parallel_loop3A_609, %parallel_loop3A_892] : memref<256x128xf32, #tpu.memory_space<vmem>>[vector<16xi32>, vector<16xi32>], vector<16xf32>,
        %parallel_loop3A_894 = arith.constant 16 : i32
        %parallel_loop3A_895 = arith.muli %parallel_loop3A_594, %parallel_loop3A_894 : i32
        %parallel_loop3A_896 = arith.constant 28 : i32
        %parallel_loop3A_897 = arith.index_cast %parallel_loop3A_896 : i32 to index
        %parallel_loop3A_898 = arith.index_cast %parallel_loop3A_895 : i32 to index
        %parallel_loop3A_899 = tpu.vector_load %arg10[%parallel_loop3A_897, %parallel_loop3A_898] {strides = array<i32>} : memref<32x256xf32, #tpu.memory_space<vmem>>, vector<16xf32>,
        tpu.vector_store %arg10[%parallel_loop3A_897, %parallel_loop3A_898], %parallel_loop3A_893 {strides = array<i32>} : memref<32x256xf32, #tpu.memory_space<vmem>>, vector<16xf32>,
        %parallel_loop3A_900 = arith.constant 29 : i32
        %parallel_loop3A_901 = vector.broadcast %parallel_loop3A_900 : i32 to vector<16xi32>
        %parallel_loop3A_902 = arith.addi %parallel_loop3A_605, %parallel_loop3A_901 : vector<16xi32>
        %parallel_loop3A_903 = tpu.vector_load_idx %arg8[%parallel_loop3A_609, %parallel_loop3A_902] : memref<256x128xf32, #tpu.memory_space<vmem>>[vector<16xi32>, vector<16xi32>], vector<16xf32>,
        %parallel_loop3A_904 = arith.constant 16 : i32
        %parallel_loop3A_905 = arith.muli %parallel_loop3A_594, %parallel_loop3A_904 : i32
        %parallel_loop3A_906 = arith.constant 29 : i32
        %parallel_loop3A_907 = arith.index_cast %parallel_loop3A_906 : i32 to index
        %parallel_loop3A_908 = arith.index_cast %parallel_loop3A_905 : i32 to index
        %parallel_loop3A_909 = tpu.vector_load %arg10[%parallel_loop3A_907, %parallel_loop3A_908] {strides = array<i32>} : memref<32x256xf32, #tpu.memory_space<vmem>>, vector<16xf32>,
        tpu.vector_store %arg10[%parallel_loop3A_907, %parallel_loop3A_908], %parallel_loop3A_903 {strides = array<i32>} : memref<32x256xf32, #tpu.memory_space<vmem>>, vector<16xf32>,
        %parallel_loop3A_910 = arith.constant 30 : i32
        %parallel_loop3A_911 = vector.broadcast %parallel_loop3A_910 : i32 to vector<16xi32>
        %parallel_loop3A_912 = arith.addi %parallel_loop3A_605, %parallel_loop3A_911 : vector<16xi32>
        %parallel_loop3A_913 = tpu.vector_load_idx %arg8[%parallel_loop3A_609, %parallel_loop3A_912] : memref<256x128xf32, #tpu.memory_space<vmem>>[vector<16xi32>, vector<16xi32>], vector<16xf32>,
        %parallel_loop3A_914 = arith.constant 16 : i32
        %parallel_loop3A_915 = arith.muli %parallel_loop3A_594, %parallel_loop3A_914 : i32
        %parallel_loop3A_916 = arith.constant 30 : i32
        %parallel_loop3A_917 = arith.index_cast %parallel_loop3A_916 : i32 to index
        %parallel_loop3A_918 = arith.index_cast %parallel_loop3A_915 : i32 to index
        %parallel_loop3A_919 = tpu.vector_load %arg10[%parallel_loop3A_917, %parallel_loop3A_918] {strides = array<i32>} : memref<32x256xf32, #tpu.memory_space<vmem>>, vector<16xf32>,
        tpu.vector_store %arg10[%parallel_loop3A_917, %parallel_loop3A_918], %parallel_loop3A_913 {strides = array<i32>} : memref<32x256xf32, #tpu.memory_space<vmem>>, vector<16xf32>,
        %parallel_loop3A_920 = arith.constant 31 : i32
        %parallel_loop3A_921 = vector.broadcast %parallel_loop3A_920 : i32 to vector<16xi32>
        %parallel_loop3A_922 = arith.addi %parallel_loop3A_605, %parallel_loop3A_921 : vector<16xi32>
        %parallel_loop3A_923 = tpu.vector_load_idx %arg8[%parallel_loop3A_609, %parallel_loop3A_922] : memref<256x128xf32, #tpu.memory_space<vmem>>[vector<16xi32>, vector<16xi32>], vector<16xf32>,
        %parallel_loop3A_924 = arith.constant 16 : i32
        %parallel_loop3A_925 = arith.muli %parallel_loop3A_594, %parallel_loop3A_924 : i32
        %parallel_loop3A_926 = arith.constant 31 : i32
        %parallel_loop3A_927 = arith.index_cast %parallel_loop3A_926 : i32 to index
        %parallel_loop3A_928 = arith.index_cast %parallel_loop3A_925 : i32 to index
        %parallel_loop3A_929 = tpu.vector_load %arg10[%parallel_loop3A_927, %parallel_loop3A_928] {strides = array<i32>} : memref<32x256xf32, #tpu.memory_space<vmem>>, vector<16xf32>,
        tpu.vector_store %arg10[%parallel_loop3A_927, %parallel_loop3A_928], %parallel_loop3A_923 {strides = array<i32>} : memref<32x256xf32, #tpu.memory_space<vmem>>, vector<16xf32>,
      } {sc.loop_unroll_factor = 4 : i64, sc.parallel_access}
      %mul3A_464 = arith.constant 25 : i32
      %mul3A_465 = arith.muli %select_n3A, %mul3A_464 : i32
      %jit3A_466 = arith.constant 4 : i32
      %div3A_467 = arith.divsi %mul3A_219, %jit3A_466 : i32
      %sign3A_468 = arith.constant 0 : i32
      %sign3A_469 = arith.cmpi sgt, %mul3A_219, %sign3A_468 : i32
      %sign3A_470 = arith.extui %sign3A_469 : i1 to i32
      %sign3A_471 = arith.constant 0 : i32
      %sign3A_472 = arith.cmpi slt, %mul3A_219, %sign3A_471 : i32
      %sign3A_473 = arith.extui %sign3A_472 : i1 to i32
      %sign3A_474 = arith.subi %sign3A_470, %sign3A_473 : i32
      %sign3A_475 = arith.constant 0 : i32
      %sign3A_476 = arith.cmpi sgt, %jit3A_466, %sign3A_475 : i32
      %sign3A_477 = arith.extui %sign3A_476 : i1 to i32
      %sign3A_478 = arith.constant 0 : i32
      %sign3A_479 = arith.cmpi slt, %jit3A_466, %sign3A_478 : i32
      %sign3A_480 = arith.extui %sign3A_479 : i1 to i32
      %sign3A_481 = arith.subi %sign3A_477, %sign3A_480 : i32
      %ne3A_482 = arith.cmpi ne, %sign3A_474, %sign3A_481 : i32
      %rem3A_483 = arith.remsi %mul3A_219, %jit3A_466 : i32
      %ne3A_484 = arith.constant 0 : i32
      %ne3A_485 = arith.cmpi ne, %rem3A_483, %ne3A_484 : i32
      %and3A_486 = arith.andi %ne3A_482, %ne3A_485 : i1
      %sub3A_487 = arith.constant 1 : i32
      %sub3A_488 = arith.subi %div3A_467, %sub3A_487 : i32
      %select_n3A_489 = arith.select %and3A_486, %sub3A_488, %div3A_467 : i32
      %add3A_490 = arith.addi %mul3A_465, %select_n3A_489 : i32
      %jit3A_491 = arith.constant 4 : i32
      %eq3A_492 = arith.constant 0 : i32
      %eq3A_493 = arith.cmpi eq, %jit3A_491, %eq3A_492 : i32
      %jit3A_494 = arith.constant 1 : i32
      %select_n3A_495 = arith.select %eq3A_493, %jit3A_494, %jit3A_491 : i32
      %rem3A_496 = arith.remsi %mul3A_219, %select_n3A_495 : i32
      %ne3A_497 = arith.constant 0 : i32
      %ne3A_498 = arith.cmpi ne, %rem3A_496, %ne3A_497 : i32
      %lt3A_499 = arith.constant 0 : i32
      %lt3A_500 = arith.cmpi slt, %rem3A_496, %lt3A_499 : i32
      %lt3A_501 = arith.constant 0 : i32
      %lt3A_502 = arith.cmpi slt, %select_n3A_495, %lt3A_501 : i32
      %ne3A_503 = arith.xori %lt3A_500, %lt3A_502 : i1
      %and3A_504 = arith.andi %ne3A_503, %ne3A_498 : i1
      %add3A_505 = arith.addi %rem3A_496, %select_n3A_495 : i32
      %select_n3A_506 = arith.select %and3A_504, %add3A_505, %rem3A_496 : i32
      %mul3A_507 = arith.constant 256 : i32
      %mul3A_508 = arith.muli %select_n3A_506, %mul3A_507 : i32
      %add3A_509 = arith.addi %mul3A_32, %mul3A_508 : i32
      %dma_start3A_510 = arith.constant 0 : i32
      %dma_start3A_511 = tpu.memref_slice %arg4[%add3A_490, %dma_start3A_510, %add3A_509] : memref<50x32x16384xf32, #tpu.memory_space<hbm>> -> memref<1x32x256xf32, #tpu.memory_space<hbm>>
      %dma_start3A_512 = tpu.memref_squeeze %dma_start3A_511 : memref<1x32x256xf32, #tpu.memory_space<hbm>> -> memref<32x256xf32, #tpu.memory_space<hbm>>
      %dma_start3A_513 = arith.constant 0 : i32
      %dma_start3A_514 = tpu.memref_slice %arg4[%add3A_490, %dma_start3A_513, %add3A_509] : memref<50x32x16384xf32, #tpu.memory_space<hbm>> -> memref<1x32x256xf32, #tpu.memory_space<hbm>>
      %dma_start3A_515 = tpu.memref_squeeze %dma_start3A_514 : memref<1x32x256xf32, #tpu.memory_space<hbm>> -> memref<32x256xf32, #tpu.memory_space<hbm>>
      tpu.enqueue_dma source(%arg10 : memref<32x256xf32, #tpu.memory_space<vmem>>) target(%dma_start3A_515 : memref<32x256xf32, #tpu.memory_space<hbm>>) target_semaphore(%arg14 : memref<!tpu.dma_semaphore, #tpu.memory_space<semaphore_mem>>)
      %lt3A_516 = arith.constant 49 : i32
      %lt3A_517 = arith.cmpi slt, %scan3A_217, %lt3A_516 : i32
      %convert_element_type3A_518 = arith.extui %lt3A_517 : i1 to i32
      %cond3A_519 = arith.constant 0 : i32
      %cond3A_520 = arith.cmpi ne, %convert_element_type3A_518, %cond3A_519 : i32
      scf.if %cond3A_520 {
        %add3A_594 = arith.constant 2 : i32
        %add3A_595 = arith.addi %mul3A_219, %add3A_594 : i32
        %mul3A_596 = arith.constant 256 : i32
        %mul3A_597 = arith.muli %add3A_595, %mul3A_596 : i32
        %add3A_598 = arith.constant 0 : i32
        %add3A_599 = arith.addi %mul3A_597, %add3A_598 : i32
        %add3A_600 = arith.constant 0 : i32
        %add3A_601 = arith.addi %add3A_599, %add3A_600 : i32
        %get3A_602 = arith.index_cast %add3A_601 : i32 to index
        %get3A_603 = tpu.vector_load %arg5[%get3A_602] {strides = array<i32>} : memref<25600xi32, #tpu.memory_space<vmem>>, vector<16xi32>,
        %shift_right_arithmetic3A_604 = arith.constant 2 : i32
        %shift_right_arithmetic3A_605 = vector.broadcast %shift_right_arithmetic3A_604 : i32 to vector<16xi32>
        %shift_right_arithmetic3A_606 = arith.shrsi %get3A_603, %shift_right_arithmetic3A_605 : vector<16xi32>
        %swap3A_607 = arith.constant 0 : i32
        %swap3A_608 = arith.index_cast %swap3A_607 : i32 to index
        %swap3A_609 = arith.constant 0 : index
        %swap3A_610 = tpu.vector_load %arg6[%swap3A_608, %swap3A_609] {strides = array<i32>} : memref<2x128xi32, #tpu.memory_space<vmem>>, vector<16xi32>,
        tpu.vector_store %arg6[%swap3A_608, %swap3A_609], %shift_right_arithmetic3A_606 {strides = array<i32>} : memref<2x128xi32, #tpu.memory_space<vmem>>, vector<16xi32>,
        %add3A_611 = arith.constant 0 : i32
        %add3A_612 = arith.addi %mul3A_597, %add3A_611 : i32
        %add3A_613 = arith.constant 16 : i32
        %add3A_614 = arith.addi %add3A_612, %add3A_613 : i32
        %get3A_615 = arith.index_cast %add3A_614 : i32 to index
        %get3A_616 = tpu.vector_load %arg5[%get3A_615] {strides = array<i32>} : memref<25600xi32, #tpu.memory_space<vmem>>, vector<16xi32>,
        %shift_right_arithmetic3A_617 = arith.constant 2 : i32
        %shift_right_arithmetic3A_618 = vector.broadcast %shift_right_arithmetic3A_617 : i32 to vector<16xi32>
        %shift_right_arithmetic3A_619 = arith.shrsi %get3A_616, %shift_right_arithmetic3A_618 : vector<16xi32>
        %swap3A_620 = arith.constant 0 : i32
        %swap3A_621 = arith.index_cast %swap3A_620 : i32 to index
        %swap3A_622 = arith.constant 16 : index
        %swap3A_623 = tpu.vector_load %arg6[%swap3A_621, %swap3A_622] {strides = array<i32>} : memref<2x128xi32, #tpu.memory_space<vmem>>, vector<16xi32>,
        tpu.vector_store %arg6[%swap3A_621, %swap3A_622], %shift_right_arithmetic3A_619 {strides = array<i32>} : memref<2x128xi32, #tpu.memory_space<vmem>>, vector<16xi32>,
        %add3A_624 = arith.constant 0 : i32
        %add3A_625 = arith.addi %mul3A_597, %add3A_624 : i32
        %add3A_626 = arith.constant 32 : i32
        %add3A_627 = arith.addi %add3A_625, %add3A_626 : i32
        %get3A_628 = arith.index_cast %add3A_627 : i32 to index
        %get3A_629 = tpu.vector_load %arg5[%get3A_628] {strides = array<i32>} : memref<25600xi32, #tpu.memory_space<vmem>>, vector<16xi32>,
        %shift_right_arithmetic3A_630 = arith.constant 2 : i32
        %shift_right_arithmetic3A_631 = vector.broadcast %shift_right_arithmetic3A_630 : i32 to vector<16xi32>
        %shift_right_arithmetic3A_632 = arith.shrsi %get3A_629, %shift_right_arithmetic3A_631 : vector<16xi32>
        %swap3A_633 = arith.constant 0 : i32
        %swap3A_634 = arith.index_cast %swap3A_633 : i32 to index
        %swap3A_635 = arith.constant 32 : index
        %swap3A_636 = tpu.vector_load %arg6[%swap3A_634, %swap3A_635] {strides = array<i32>} : memref<2x128xi32, #tpu.memory_space<vmem>>, vector<16xi32>,
        tpu.vector_store %arg6[%swap3A_634, %swap3A_635], %shift_right_arithmetic3A_632 {strides = array<i32>} : memref<2x128xi32, #tpu.memory_space<vmem>>, vector<16xi32>,
        %add3A_637 = arith.constant 0 : i32
        %add3A_638 = arith.addi %mul3A_597, %add3A_637 : i32
        %add3A_639 = arith.constant 48 : i32
        %add3A_640 = arith.addi %add3A_638, %add3A_639 : i32
        %get3A_641 = arith.index_cast %add3A_640 : i32 to index
        %get3A_642 = tpu.vector_load %arg5[%get3A_641] {strides = array<i32>} : memref<25600xi32, #tpu.memory_space<vmem>>, vector<16xi32>,
        %shift_right_arithmetic3A_643 = arith.constant 2 : i32
        %shift_right_arithmetic3A_644 = vector.broadcast %shift_right_arithmetic3A_643 : i32 to vector<16xi32>
        %shift_right_arithmetic3A_645 = arith.shrsi %get3A_642, %shift_right_arithmetic3A_644 : vector<16xi32>
        %swap3A_646 = arith.constant 0 : i32
        %swap3A_647 = arith.index_cast %swap3A_646 : i32 to index
        %swap3A_648 = arith.constant 48 : index
        %swap3A_649 = tpu.vector_load %arg6[%swap3A_647, %swap3A_648] {strides = array<i32>} : memref<2x128xi32, #tpu.memory_space<vmem>>, vector<16xi32>,
        tpu.vector_store %arg6[%swap3A_647, %swap3A_648], %shift_right_arithmetic3A_645 {strides = array<i32>} : memref<2x128xi32, #tpu.memory_space<vmem>>, vector<16xi32>,
        %add3A_650 = arith.constant 0 : i32
        %add3A_651 = arith.addi %mul3A_597, %add3A_650 : i32
        %add3A_652 = arith.constant 64 : i32
        %add3A_653 = arith.addi %add3A_651, %add3A_652 : i32
        %get3A_654 = arith.index_cast %add3A_653 : i32 to index
        %get3A_655 = tpu.vector_load %arg5[%get3A_654] {strides = array<i32>} : memref<25600xi32, #tpu.memory_space<vmem>>, vector<16xi32>,
        %shift_right_arithmetic3A_656 = arith.constant 2 : i32
        %shift_right_arithmetic3A_657 = vector.broadcast %shift_right_arithmetic3A_656 : i32 to vector<16xi32>
        %shift_right_arithmetic3A_658 = arith.shrsi %get3A_655, %shift_right_arithmetic3A_657 : vector<16xi32>
        %swap3A_659 = arith.constant 0 : i32
        %swap3A_660 = arith.index_cast %swap3A_659 : i32 to index
        %swap3A_661 = arith.constant 64 : index
        %swap3A_662 = tpu.vector_load %arg6[%swap3A_660, %swap3A_661] {strides = array<i32>} : memref<2x128xi32, #tpu.memory_space<vmem>>, vector<16xi32>,
        tpu.vector_store %arg6[%swap3A_660, %swap3A_661], %shift_right_arithmetic3A_658 {strides = array<i32>} : memref<2x128xi32, #tpu.memory_space<vmem>>, vector<16xi32>,
        %add3A_663 = arith.constant 0 : i32
        %add3A_664 = arith.addi %mul3A_597, %add3A_663 : i32
        %add3A_665 = arith.constant 80 : i32
        %add3A_666 = arith.addi %add3A_664, %add3A_665 : i32
        %get3A_667 = arith.index_cast %add3A_666 : i32 to index
        %get3A_668 = tpu.vector_load %arg5[%get3A_667] {strides = array<i32>} : memref<25600xi32, #tpu.memory_space<vmem>>, vector<16xi32>,
        %shift_right_arithmetic3A_669 = arith.constant 2 : i32
        %shift_right_arithmetic3A_670 = vector.broadcast %shift_right_arithmetic3A_669 : i32 to vector<16xi32>
        %shift_right_arithmetic3A_671 = arith.shrsi %get3A_668, %shift_right_arithmetic3A_670 : vector<16xi32>
        %swap3A_672 = arith.constant 0 : i32
        %swap3A_673 = arith.index_cast %swap3A_672 : i32 to index
        %swap3A_674 = arith.constant 80 : index
        %swap3A_675 = tpu.vector_load %arg6[%swap3A_673, %swap3A_674] {strides = array<i32>} : memref<2x128xi32, #tpu.memory_space<vmem>>, vector<16xi32>,
        tpu.vector_store %arg6[%swap3A_673, %swap3A_674], %shift_right_arithmetic3A_671 {strides = array<i32>} : memref<2x128xi32, #tpu.memory_space<vmem>>, vector<16xi32>,
        %add3A_676 = arith.constant 0 : i32
        %add3A_677 = arith.addi %mul3A_597, %add3A_676 : i32
        %add3A_678 = arith.constant 96 : i32
        %add3A_679 = arith.addi %add3A_677, %add3A_678 : i32
        %get3A_680 = arith.index_cast %add3A_679 : i32 to index
        %get3A_681 = tpu.vector_load %arg5[%get3A_680] {strides = array<i32>} : memref<25600xi32, #tpu.memory_space<vmem>>, vector<16xi32>,
        %shift_right_arithmetic3A_682 = arith.constant 2 : i32
        %shift_right_arithmetic3A_683 = vector.broadcast %shift_right_arithmetic3A_682 : i32 to vector<16xi32>
        %shift_right_arithmetic3A_684 = arith.shrsi %get3A_681, %shift_right_arithmetic3A_683 : vector<16xi32>
        %swap3A_685 = arith.constant 0 : i32
        %swap3A_686 = arith.index_cast %swap3A_685 : i32 to index
        %swap3A_687 = arith.constant 96 : index
        %swap3A_688 = tpu.vector_load %arg6[%swap3A_686, %swap3A_687] {strides = array<i32>} : memref<2x128xi32, #tpu.memory_space<vmem>>, vector<16xi32>,
        tpu.vector_store %arg6[%swap3A_686, %swap3A_687], %shift_right_arithmetic3A_684 {strides = array<i32>} : memref<2x128xi32, #tpu.memory_space<vmem>>, vector<16xi32>,
        %add3A_689 = arith.constant 0 : i32
        %add3A_690 = arith.addi %mul3A_597, %add3A_689 : i32
        %add3A_691 = arith.constant 112 : i32
        %add3A_692 = arith.addi %add3A_690, %add3A_691 : i32
        %get3A_693 = arith.index_cast %add3A_692 : i32 to index
        %get3A_694 = tpu.vector_load %arg5[%get3A_693] {strides = array<i32>} : memref<25600xi32, #tpu.memory_space<vmem>>, vector<16xi32>,
        %shift_right_arithmetic3A_695 = arith.constant 2 : i32
        %shift_right_arithmetic3A_696 = vector.broadcast %shift_right_arithmetic3A_695 : i32 to vector<16xi32>
        %shift_right_arithmetic3A_697 = arith.shrsi %get3A_694, %shift_right_arithmetic3A_696 : vector<16xi32>
        %swap3A_698 = arith.constant 0 : i32
        %swap3A_699 = arith.index_cast %swap3A_698 : i32 to index
        %swap3A_700 = arith.constant 112 : index
        %swap3A_701 = tpu.vector_load %arg6[%swap3A_699, %swap3A_700] {strides = array<i32>} : memref<2x128xi32, #tpu.memory_space<vmem>>, vector<16xi32>,
        tpu.vector_store %arg6[%swap3A_699, %swap3A_700], %shift_right_arithmetic3A_697 {strides = array<i32>} : memref<2x128xi32, #tpu.memory_space<vmem>>, vector<16xi32>,
        %add3A_702 = arith.constant 128 : i32
        %add3A_703 = arith.addi %mul3A_597, %add3A_702 : i32
        %add3A_704 = arith.constant 0 : i32
        %add3A_705 = arith.addi %add3A_703, %add3A_704 : i32
        %get3A_706 = arith.index_cast %add3A_705 : i32 to index
        %get3A_707 = tpu.vector_load %arg5[%get3A_706] {strides = array<i32>} : memref<25600xi32, #tpu.memory_space<vmem>>, vector<16xi32>,
        %shift_right_arithmetic3A_708 = arith.constant 2 : i32
        %shift_right_arithmetic3A_709 = vector.broadcast %shift_right_arithmetic3A_708 : i32 to vector<16xi32>
        %shift_right_arithmetic3A_710 = arith.shrsi %get3A_707, %shift_right_arithmetic3A_709 : vector<16xi32>
        %swap3A_711 = arith.constant 1 : i32
        %swap3A_712 = arith.index_cast %swap3A_711 : i32 to index
        %swap3A_713 = arith.constant 0 : index
        %swap3A_714 = tpu.vector_load %arg6[%swap3A_712, %swap3A_713] {strides = array<i32>} : memref<2x128xi32, #tpu.memory_space<vmem>>, vector<16xi32>,
        tpu.vector_store %arg6[%swap3A_712, %swap3A_713], %shift_right_arithmetic3A_710 {strides = array<i32>} : memref<2x128xi32, #tpu.memory_space<vmem>>, vector<16xi32>,
        %add3A_715 = arith.constant 128 : i32
        %add3A_716 = arith.addi %mul3A_597, %add3A_715 : i32
        %add3A_717 = arith.constant 16 : i32
        %add3A_718 = arith.addi %add3A_716, %add3A_717 : i32
        %get3A_719 = arith.index_cast %add3A_718 : i32 to index
        %get3A_720 = tpu.vector_load %arg5[%get3A_719] {strides = array<i32>} : memref<25600xi32, #tpu.memory_space<vmem>>, vector<16xi32>,
        %shift_right_arithmetic3A_721 = arith.constant 2 : i32
        %shift_right_arithmetic3A_722 = vector.broadcast %shift_right_arithmetic3A_721 : i32 to vector<16xi32>
        %shift_right_arithmetic3A_723 = arith.shrsi %get3A_720, %shift_right_arithmetic3A_722 : vector<16xi32>
        %swap3A_724 = arith.constant 1 : i32
        %swap3A_725 = arith.index_cast %swap3A_724 : i32 to index
        %swap3A_726 = arith.constant 16 : index
        %swap3A_727 = tpu.vector_load %arg6[%swap3A_725, %swap3A_726] {strides = array<i32>} : memref<2x128xi32, #tpu.memory_space<vmem>>, vector<16xi32>,
        tpu.vector_store %arg6[%swap3A_725, %swap3A_726], %shift_right_arithmetic3A_723 {strides = array<i32>} : memref<2x128xi32, #tpu.memory_space<vmem>>, vector<16xi32>,
        %add3A_728 = arith.constant 128 : i32
        %add3A_729 = arith.addi %mul3A_597, %add3A_728 : i32
        %add3A_730 = arith.constant 32 : i32
        %add3A_731 = arith.addi %add3A_729, %add3A_730 : i32
        %get3A_732 = arith.index_cast %add3A_731 : i32 to index
        %get3A_733 = tpu.vector_load %arg5[%get3A_732] {strides = array<i32>} : memref<25600xi32, #tpu.memory_space<vmem>>, vector<16xi32>,
        %shift_right_arithmetic3A_734 = arith.constant 2 : i32
        %shift_right_arithmetic3A_735 = vector.broadcast %shift_right_arithmetic3A_734 : i32 to vector<16xi32>
        %shift_right_arithmetic3A_736 = arith.shrsi %get3A_733, %shift_right_arithmetic3A_735 : vector<16xi32>
        %swap3A_737 = arith.constant 1 : i32
        %swap3A_738 = arith.index_cast %swap3A_737 : i32 to index
        %swap3A_739 = arith.constant 32 : index
        %swap3A_740 = tpu.vector_load %arg6[%swap3A_738, %swap3A_739] {strides = array<i32>} : memref<2x128xi32, #tpu.memory_space<vmem>>, vector<16xi32>,
        tpu.vector_store %arg6[%swap3A_738, %swap3A_739], %shift_right_arithmetic3A_736 {strides = array<i32>} : memref<2x128xi32, #tpu.memory_space<vmem>>, vector<16xi32>,
        %add3A_741 = arith.constant 128 : i32
        %add3A_742 = arith.addi %mul3A_597, %add3A_741 : i32
        %add3A_743 = arith.constant 48 : i32
        %add3A_744 = arith.addi %add3A_742, %add3A_743 : i32
        %get3A_745 = arith.index_cast %add3A_744 : i32 to index
        %get3A_746 = tpu.vector_load %arg5[%get3A_745] {strides = array<i32>} : memref<25600xi32, #tpu.memory_space<vmem>>, vector<16xi32>,
        %shift_right_arithmetic3A_747 = arith.constant 2 : i32
        %shift_right_arithmetic3A_748 = vector.broadcast %shift_right_arithmetic3A_747 : i32 to vector<16xi32>
        %shift_right_arithmetic3A_749 = arith.shrsi %get3A_746, %shift_right_arithmetic3A_748 : vector<16xi32>
        %swap3A_750 = arith.constant 1 : i32
        %swap3A_751 = arith.index_cast %swap3A_750 : i32 to index
        %swap3A_752 = arith.constant 48 : index
        %swap3A_753 = tpu.vector_load %arg6[%swap3A_751, %swap3A_752] {strides = array<i32>} : memref<2x128xi32, #tpu.memory_space<vmem>>, vector<16xi32>,
        tpu.vector_store %arg6[%swap3A_751, %swap3A_752], %shift_right_arithmetic3A_749 {strides = array<i32>} : memref<2x128xi32, #tpu.memory_space<vmem>>, vector<16xi32>,
        %add3A_754 = arith.constant 128 : i32
        %add3A_755 = arith.addi %mul3A_597, %add3A_754 : i32
        %add3A_756 = arith.constant 64 : i32
        %add3A_757 = arith.addi %add3A_755, %add3A_756 : i32
        %get3A_758 = arith.index_cast %add3A_757 : i32 to index
        %get3A_759 = tpu.vector_load %arg5[%get3A_758] {strides = array<i32>} : memref<25600xi32, #tpu.memory_space<vmem>>, vector<16xi32>,
        %shift_right_arithmetic3A_760 = arith.constant 2 : i32
        %shift_right_arithmetic3A_761 = vector.broadcast %shift_right_arithmetic3A_760 : i32 to vector<16xi32>
        %shift_right_arithmetic3A_762 = arith.shrsi %get3A_759, %shift_right_arithmetic3A_761 : vector<16xi32>
        %swap3A_763 = arith.constant 1 : i32
        %swap3A_764 = arith.index_cast %swap3A_763 : i32 to index
        %swap3A_765 = arith.constant 64 : index
        %swap3A_766 = tpu.vector_load %arg6[%swap3A_764, %swap3A_765] {strides = array<i32>} : memref<2x128xi32, #tpu.memory_space<vmem>>, vector<16xi32>,
        tpu.vector_store %arg6[%swap3A_764, %swap3A_765], %shift_right_arithmetic3A_762 {strides = array<i32>} : memref<2x128xi32, #tpu.memory_space<vmem>>, vector<16xi32>,
        %add3A_767 = arith.constant 128 : i32
        %add3A_768 = arith.addi %mul3A_597, %add3A_767 : i32
        %add3A_769 = arith.constant 80 : i32
        %add3A_770 = arith.addi %add3A_768, %add3A_769 : i32
        %get3A_771 = arith.index_cast %add3A_770 : i32 to index
        %get3A_772 = tpu.vector_load %arg5[%get3A_771] {strides = array<i32>} : memref<25600xi32, #tpu.memory_space<vmem>>, vector<16xi32>,
        %shift_right_arithmetic3A_773 = arith.constant 2 : i32
        %shift_right_arithmetic3A_774 = vector.broadcast %shift_right_arithmetic3A_773 : i32 to vector<16xi32>
        %shift_right_arithmetic3A_775 = arith.shrsi %get3A_772, %shift_right_arithmetic3A_774 : vector<16xi32>
        %swap3A_776 = arith.constant 1 : i32
        %swap3A_777 = arith.index_cast %swap3A_776 : i32 to index
        %swap3A_778 = arith.constant 80 : index
        %swap3A_779 = tpu.vector_load %arg6[%swap3A_777, %swap3A_778] {strides = array<i32>} : memref<2x128xi32, #tpu.memory_space<vmem>>, vector<16xi32>,
        tpu.vector_store %arg6[%swap3A_777, %swap3A_778], %shift_right_arithmetic3A_775 {strides = array<i32>} : memref<2x128xi32, #tpu.memory_space<vmem>>, vector<16xi32>,
        %add3A_780 = arith.constant 128 : i32
        %add3A_781 = arith.addi %mul3A_597, %add3A_780 : i32
        %add3A_782 = arith.constant 96 : i32
        %add3A_783 = arith.addi %add3A_781, %add3A_782 : i32
        %get3A_784 = arith.index_cast %add3A_783 : i32 to index
        %get3A_785 = tpu.vector_load %arg5[%get3A_784] {strides = array<i32>} : memref<25600xi32, #tpu.memory_space<vmem>>, vector<16xi32>,
        %shift_right_arithmetic3A_786 = arith.constant 2 : i32
        %shift_right_arithmetic3A_787 = vector.broadcast %shift_right_arithmetic3A_786 : i32 to vector<16xi32>
        %shift_right_arithmetic3A_788 = arith.shrsi %get3A_785, %shift_right_arithmetic3A_787 : vector<16xi32>
        %swap3A_789 = arith.constant 1 : i32
        %swap3A_790 = arith.index_cast %swap3A_789 : i32 to index
        %swap3A_791 = arith.constant 96 : index
        %swap3A_792 = tpu.vector_load %arg6[%swap3A_790, %swap3A_791] {strides = array<i32>} : memref<2x128xi32, #tpu.memory_space<vmem>>, vector<16xi32>,
        tpu.vector_store %arg6[%swap3A_790, %swap3A_791], %shift_right_arithmetic3A_788 {strides = array<i32>} : memref<2x128xi32, #tpu.memory_space<vmem>>, vector<16xi32>,
        %add3A_793 = arith.constant 128 : i32
        %add3A_794 = arith.addi %mul3A_597, %add3A_793 : i32
        %add3A_795 = arith.constant 112 : i32
        %add3A_796 = arith.addi %add3A_794, %add3A_795 : i32
        %get3A_797 = arith.index_cast %add3A_796 : i32 to index
        %get3A_798 = tpu.vector_load %arg5[%get3A_797] {strides = array<i32>} : memref<25600xi32, #tpu.memory_space<vmem>>, vector<16xi32>,
        %shift_right_arithmetic3A_799 = arith.constant 2 : i32
        %shift_right_arithmetic3A_800 = vector.broadcast %shift_right_arithmetic3A_799 : i32 to vector<16xi32>
        %shift_right_arithmetic3A_801 = arith.shrsi %get3A_798, %shift_right_arithmetic3A_800 : vector<16xi32>
        %swap3A_802 = arith.constant 1 : i32
        %swap3A_803 = arith.index_cast %swap3A_802 : i32 to index
        %swap3A_804 = arith.constant 112 : index
        %swap3A_805 = tpu.vector_load %arg6[%swap3A_803, %swap3A_804] {strides = array<i32>} : memref<2x128xi32, #tpu.memory_space<vmem>>, vector<16xi32>,
        tpu.vector_store %arg6[%swap3A_803, %swap3A_804], %shift_right_arithmetic3A_801 {strides = array<i32>} : memref<2x128xi32, #tpu.memory_space<vmem>>, vector<16xi32>,
        %dma_start3A_806 = arith.constant 0 : i32
        %dma_start3A_807 = arith.constant 0 : i32
        %dma_start3A_808 = arith.constant 0 : i32
        %dma_start3A_809 = tpu.memref_slice %arg8[%dma_start3A_807, %dma_start3A_808] : memref<256x128xf32, #tpu.memory_space<vmem>> -> memref<128x128xf32, #tpu.memory_space<vmem>>
        %dma_start3A_810 = arith.constant 0 : i32
        %dma_start3A_811 = tpu.memref_slice %arg6[%dma_start3A_806, %dma_start3A_810] : memref<2x128xi32, #tpu.memory_space<vmem>> -> memref<1x128xi32, #tpu.memory_space<vmem>>
        %dma_start3A_812 = tpu.memref_squeeze %dma_start3A_811 : memref<1x128xi32, #tpu.memory_space<vmem>> -> memref<128xi32, #tpu.memory_space<vmem>>
        %dma_start3A_813 = arith.constant 0 : i32
        %dma_start3A_814 = arith.constant 0 : i32
        %dma_start3A_815 = tpu.memref_slice %arg2[%dma_start3A_813, %dma_start3A_814] : memref<250000x128xf32, #tpu.memory_space<hbm>> -> memref<250000x128xf32, #tpu.memory_space<hbm>>
        tpu.enqueue_indirect_dma source(%dma_start3A_815 : memref<250000x128xf32, #tpu.memory_space<hbm>>) target(%dma_start3A_809 : memref<128x128xf32, #tpu.memory_space<vmem>>) offsets(%dma_start3A_812 : memref<128xi32, #tpu.memory_space<vmem>>) semaphore(%arg12 : memref<!tpu.dma_semaphore, #tpu.memory_space<semaphore_mem>>)
        %dma_start3A_816 = arith.constant 1 : i32
        %dma_start3A_817 = arith.constant 128 : i32
        %dma_start3A_818 = arith.constant 0 : i32
        %dma_start3A_819 = tpu.memref_slice %arg8[%dma_start3A_817, %dma_start3A_818] : memref<256x128xf32, #tpu.memory_space<vmem>> -> memref<128x128xf32, #tpu.memory_space<vmem>>
        %dma_start3A_820 = arith.constant 0 : i32
        %dma_start3A_821 = tpu.memref_slice %arg6[%dma_start3A_816, %dma_start3A_820] : memref<2x128xi32, #tpu.memory_space<vmem>> -> memref<1x128xi32, #tpu.memory_space<vmem>>
        %dma_start3A_822 = tpu.memref_squeeze %dma_start3A_821 : memref<1x128xi32, #tpu.memory_space<vmem>> -> memref<128xi32, #tpu.memory_space<vmem>>
        %dma_start3A_823 = arith.constant 0 : i32
        %dma_start3A_824 = arith.constant 0 : i32
        %dma_start3A_825 = tpu.memref_slice %arg2[%dma_start3A_823, %dma_start3A_824] : memref<250000x128xf32, #tpu.memory_space<hbm>> -> memref<250000x128xf32, #tpu.memory_space<hbm>>
        tpu.enqueue_indirect_dma source(%dma_start3A_825 : memref<250000x128xf32, #tpu.memory_space<hbm>>) target(%dma_start3A_819 : memref<128x128xf32, #tpu.memory_space<vmem>>) offsets(%dma_start3A_822 : memref<128xi32, #tpu.memory_space<vmem>>) semaphore(%arg12 : memref<!tpu.dma_semaphore, #tpu.memory_space<semaphore_mem>>)
      } else {
      }
      %dma_wait3A_521 = arith.constant 0 : i32
      %dma_wait3A_522 = arith.constant 0 : i32
      %dma_wait3A_523 = tpu.memref_slice %arg2[%dma_wait3A_521, %dma_wait3A_522] : memref<250000x128xf32, #tpu.memory_space<hbm>> -> memref<256x128xf32, #tpu.memory_space<hbm>>
      %dma_wait3A_524 = arith.constant 0 : i32
      %dma_wait3A_525 = arith.constant 0 : i32
      %dma_wait3A_526 = tpu.memref_slice %arg2[%dma_wait3A_524, %dma_wait3A_525] : memref<250000x128xf32, #tpu.memory_space<hbm>> -> memref<256x128xf32, #tpu.memory_space<hbm>>
      tpu.wait_dma2 semaphore(%arg13 : memref<!tpu.dma_semaphore, #tpu.memory_space<semaphore_mem>>) src(%dma_wait3A_526 : memref<256x128xf32, #tpu.memory_space<hbm>>) dst(%arg9 : memref<256x128xf32, #tpu.memory_space<vmem>>)
      %gt3A_527 = arith.constant 0 : i32
      %gt3A_528 = arith.cmpi sgt, %scan3A_217, %gt3A_527 : i32
      %convert_element_type3A_529 = arith.extui %gt3A_528 : i1 to i32
      %cond3A_530 = arith.constant 0 : i32
      %cond3A_531 = arith.cmpi ne, %convert_element_type3A_529, %cond3A_530 : i32
      scf.if %cond3A_531 {
        %dma_wait3A_594 = arith.constant 0 : i32
        %dma_wait3A_595 = arith.constant 0 : i32
        %dma_wait3A_596 = arith.constant 0 : i32
        %dma_wait3A_597 = tpu.memref_slice %arg4[%dma_wait3A_594, %dma_wait3A_595, %dma_wait3A_596] : memref<50x32x16384xf32, #tpu.memory_space<hbm>> -> memref<1x32x256xf32, #tpu.memory_space<hbm>>
        %dma_wait3A_598 = tpu.memref_squeeze %dma_wait3A_597 : memref<1x32x256xf32, #tpu.memory_space<hbm>> -> memref<32x256xf32, #tpu.memory_space<hbm>>
        %dma_wait3A_599 = arith.constant 0 : i32
        %dma_wait3A_600 = arith.constant 0 : i32
        %dma_wait3A_601 = tpu.memref_slice %arg4[%dma_wait3A_594, %dma_wait3A_599, %dma_wait3A_600] : memref<50x32x16384xf32, #tpu.memory_space<hbm>> -> memref<1x32x256xf32, #tpu.memory_space<hbm>>
        %dma_wait3A_602 = tpu.memref_squeeze %dma_wait3A_601 : memref<1x32x256xf32, #tpu.memory_space<hbm>> -> memref<32x256xf32, #tpu.memory_space<hbm>>
        tpu.wait_dma2 semaphore(%arg15 : memref<!tpu.dma_semaphore, #tpu.memory_space<semaphore_mem>>) src(%arg11 : memref<32x256xf32, #tpu.memory_space<vmem>>) dst(%dma_wait3A_602 : memref<32x256xf32, #tpu.memory_space<hbm>>)
      } else {
      }
      %add3A_532 = arith.constant 1 : i32
      %add3A_533 = arith.addi %mul3A_219, %add3A_532 : i32
      %mul3A_534 = arith.constant 256 : i32
      %mul3A_535 = arith.muli %add3A_533, %mul3A_534 : i32
      %iota3A_536 = tpu.iota {dimensions = array<i32: 0>} : vector<16xi32>
      %parallel_loop3A_537 = arith.constant 0 : i32
      %parallel_loop3A_538 = arith.constant 16 : i32
      %parallel_loop3A_539 = arith.constant 1 : i32
      scf.for %parallel_loop3A_594 = %parallel_loop3A_537 to %parallel_loop3A_538 step %parallel_loop3A_539  : i32 {
        %parallel_loop3A_595 = arith.constant 16 : i32
        %parallel_loop3A_596 = arith.muli %parallel_loop3A_594, %parallel_loop3A_595 : i32
        %parallel_loop3A_597 = arith.addi %mul3A_535, %parallel_loop3A_596 : i32
        %parallel_loop3A_598 = arith.index_cast %parallel_loop3A_597 : i32 to index
        %parallel_loop3A_599 = tpu.vector_load %arg5[%parallel_loop3A_598] {strides = array<i32>} : memref<25600xi32, #tpu.memory_space<vmem>>, vector<16xi32>,
        %parallel_loop3A_600 = arith.constant 3 : i32
        %parallel_loop3A_601 = vector.broadcast %parallel_loop3A_600 : i32 to vector<16xi32>
        %parallel_loop3A_602 = arith.andi %parallel_loop3A_599, %parallel_loop3A_601 : vector<16xi32>
        %parallel_loop3A_603 = arith.constant 32 : i32
        %parallel_loop3A_604 = vector.broadcast %parallel_loop3A_603 : i32 to vector<16xi32>
        %parallel_loop3A_605 = arith.muli %parallel_loop3A_602, %parallel_loop3A_604 : vector<16xi32>
        %parallel_loop3A_606 = arith.constant 16 : i32
        %parallel_loop3A_607 = arith.muli %parallel_loop3A_594, %parallel_loop3A_606 : i32
        %parallel_loop3A_608 = vector.broadcast %parallel_loop3A_607 : i32 to vector<16xi32>
        %parallel_loop3A_609 = arith.addi %iota3A_536, %parallel_loop3A_608 : vector<16xi32>
        %parallel_loop3A_610 = arith.constant 0 : i32
        %parallel_loop3A_611 = vector.broadcast %parallel_loop3A_610 : i32 to vector<16xi32>
        %parallel_loop3A_612 = arith.addi %parallel_loop3A_605, %parallel_loop3A_611 : vector<16xi32>
        %parallel_loop3A_613 = tpu.vector_load_idx %arg9[%parallel_loop3A_609, %parallel_loop3A_612] : memref<256x128xf32, #tpu.memory_space<vmem>>[vector<16xi32>, vector<16xi32>], vector<16xf32>,
        %parallel_loop3A_614 = arith.constant 16 : i32
        %parallel_loop3A_615 = arith.muli %parallel_loop3A_594, %parallel_loop3A_614 : i32
        %parallel_loop3A_616 = arith.constant 0 : i32
        %parallel_loop3A_617 = arith.index_cast %parallel_loop3A_616 : i32 to index
        %parallel_loop3A_618 = arith.index_cast %parallel_loop3A_615 : i32 to index
        %parallel_loop3A_619 = tpu.vector_load %arg11[%parallel_loop3A_617, %parallel_loop3A_618] {strides = array<i32>} : memref<32x256xf32, #tpu.memory_space<vmem>>, vector<16xf32>,
        tpu.vector_store %arg11[%parallel_loop3A_617, %parallel_loop3A_618], %parallel_loop3A_613 {strides = array<i32>} : memref<32x256xf32, #tpu.memory_space<vmem>>, vector<16xf32>,
        %parallel_loop3A_620 = arith.constant 1 : i32
        %parallel_loop3A_621 = vector.broadcast %parallel_loop3A_620 : i32 to vector<16xi32>
        %parallel_loop3A_622 = arith.addi %parallel_loop3A_605, %parallel_loop3A_621 : vector<16xi32>
        %parallel_loop3A_623 = tpu.vector_load_idx %arg9[%parallel_loop3A_609, %parallel_loop3A_622] : memref<256x128xf32, #tpu.memory_space<vmem>>[vector<16xi32>, vector<16xi32>], vector<16xf32>,
        %parallel_loop3A_624 = arith.constant 16 : i32
        %parallel_loop3A_625 = arith.muli %parallel_loop3A_594, %parallel_loop3A_624 : i32
        %parallel_loop3A_626 = arith.constant 1 : i32
        %parallel_loop3A_627 = arith.index_cast %parallel_loop3A_626 : i32 to index
        %parallel_loop3A_628 = arith.index_cast %parallel_loop3A_625 : i32 to index
        %parallel_loop3A_629 = tpu.vector_load %arg11[%parallel_loop3A_627, %parallel_loop3A_628] {strides = array<i32>} : memref<32x256xf32, #tpu.memory_space<vmem>>, vector<16xf32>,
        tpu.vector_store %arg11[%parallel_loop3A_627, %parallel_loop3A_628], %parallel_loop3A_623 {strides = array<i32>} : memref<32x256xf32, #tpu.memory_space<vmem>>, vector<16xf32>,
        %parallel_loop3A_630 = arith.constant 2 : i32
        %parallel_loop3A_631 = vector.broadcast %parallel_loop3A_630 : i32 to vector<16xi32>
        %parallel_loop3A_632 = arith.addi %parallel_loop3A_605, %parallel_loop3A_631 : vector<16xi32>
        %parallel_loop3A_633 = tpu.vector_load_idx %arg9[%parallel_loop3A_609, %parallel_loop3A_632] : memref<256x128xf32, #tpu.memory_space<vmem>>[vector<16xi32>, vector<16xi32>], vector<16xf32>,
        %parallel_loop3A_634 = arith.constant 16 : i32
        %parallel_loop3A_635 = arith.muli %parallel_loop3A_594, %parallel_loop3A_634 : i32
        %parallel_loop3A_636 = arith.constant 2 : i32
        %parallel_loop3A_637 = arith.index_cast %parallel_loop3A_636 : i32 to index
        %parallel_loop3A_638 = arith.index_cast %parallel_loop3A_635 : i32 to index
        %parallel_loop3A_639 = tpu.vector_load %arg11[%parallel_loop3A_637, %parallel_loop3A_638] {strides = array<i32>} : memref<32x256xf32, #tpu.memory_space<vmem>>, vector<16xf32>,
        tpu.vector_store %arg11[%parallel_loop3A_637, %parallel_loop3A_638], %parallel_loop3A_633 {strides = array<i32>} : memref<32x256xf32, #tpu.memory_space<vmem>>, vector<16xf32>,
        %parallel_loop3A_640 = arith.constant 3 : i32
        %parallel_loop3A_641 = vector.broadcast %parallel_loop3A_640 : i32 to vector<16xi32>
        %parallel_loop3A_642 = arith.addi %parallel_loop3A_605, %parallel_loop3A_641 : vector<16xi32>
        %parallel_loop3A_643 = tpu.vector_load_idx %arg9[%parallel_loop3A_609, %parallel_loop3A_642] : memref<256x128xf32, #tpu.memory_space<vmem>>[vector<16xi32>, vector<16xi32>], vector<16xf32>,
        %parallel_loop3A_644 = arith.constant 16 : i32
        %parallel_loop3A_645 = arith.muli %parallel_loop3A_594, %parallel_loop3A_644 : i32
        %parallel_loop3A_646 = arith.constant 3 : i32
        %parallel_loop3A_647 = arith.index_cast %parallel_loop3A_646 : i32 to index
        %parallel_loop3A_648 = arith.index_cast %parallel_loop3A_645 : i32 to index
        %parallel_loop3A_649 = tpu.vector_load %arg11[%parallel_loop3A_647, %parallel_loop3A_648] {strides = array<i32>} : memref<32x256xf32, #tpu.memory_space<vmem>>, vector<16xf32>,
        tpu.vector_store %arg11[%parallel_loop3A_647, %parallel_loop3A_648], %parallel_loop3A_643 {strides = array<i32>} : memref<32x256xf32, #tpu.memory_space<vmem>>, vector<16xf32>,
        %parallel_loop3A_650 = arith.constant 4 : i32
        %parallel_loop3A_651 = vector.broadcast %parallel_loop3A_650 : i32 to vector<16xi32>
        %parallel_loop3A_652 = arith.addi %parallel_loop3A_605, %parallel_loop3A_651 : vector<16xi32>
        %parallel_loop3A_653 = tpu.vector_load_idx %arg9[%parallel_loop3A_609, %parallel_loop3A_652] : memref<256x128xf32, #tpu.memory_space<vmem>>[vector<16xi32>, vector<16xi32>], vector<16xf32>,
        %parallel_loop3A_654 = arith.constant 16 : i32
        %parallel_loop3A_655 = arith.muli %parallel_loop3A_594, %parallel_loop3A_654 : i32
        %parallel_loop3A_656 = arith.constant 4 : i32
        %parallel_loop3A_657 = arith.index_cast %parallel_loop3A_656 : i32 to index
        %parallel_loop3A_658 = arith.index_cast %parallel_loop3A_655 : i32 to index
        %parallel_loop3A_659 = tpu.vector_load %arg11[%parallel_loop3A_657, %parallel_loop3A_658] {strides = array<i32>} : memref<32x256xf32, #tpu.memory_space<vmem>>, vector<16xf32>,
        tpu.vector_store %arg11[%parallel_loop3A_657, %parallel_loop3A_658], %parallel_loop3A_653 {strides = array<i32>} : memref<32x256xf32, #tpu.memory_space<vmem>>, vector<16xf32>,
        %parallel_loop3A_660 = arith.constant 5 : i32
        %parallel_loop3A_661 = vector.broadcast %parallel_loop3A_660 : i32 to vector<16xi32>
        %parallel_loop3A_662 = arith.addi %parallel_loop3A_605, %parallel_loop3A_661 : vector<16xi32>
        %parallel_loop3A_663 = tpu.vector_load_idx %arg9[%parallel_loop3A_609, %parallel_loop3A_662] : memref<256x128xf32, #tpu.memory_space<vmem>>[vector<16xi32>, vector<16xi32>], vector<16xf32>,
        %parallel_loop3A_664 = arith.constant 16 : i32
        %parallel_loop3A_665 = arith.muli %parallel_loop3A_594, %parallel_loop3A_664 : i32
        %parallel_loop3A_666 = arith.constant 5 : i32
        %parallel_loop3A_667 = arith.index_cast %parallel_loop3A_666 : i32 to index
        %parallel_loop3A_668 = arith.index_cast %parallel_loop3A_665 : i32 to index
        %parallel_loop3A_669 = tpu.vector_load %arg11[%parallel_loop3A_667, %parallel_loop3A_668] {strides = array<i32>} : memref<32x256xf32, #tpu.memory_space<vmem>>, vector<16xf32>,
        tpu.vector_store %arg11[%parallel_loop3A_667, %parallel_loop3A_668], %parallel_loop3A_663 {strides = array<i32>} : memref<32x256xf32, #tpu.memory_space<vmem>>, vector<16xf32>,
        %parallel_loop3A_670 = arith.constant 6 : i32
        %parallel_loop3A_671 = vector.broadcast %parallel_loop3A_670 : i32 to vector<16xi32>
        %parallel_loop3A_672 = arith.addi %parallel_loop3A_605, %parallel_loop3A_671 : vector<16xi32>
        %parallel_loop3A_673 = tpu.vector_load_idx %arg9[%parallel_loop3A_609, %parallel_loop3A_672] : memref<256x128xf32, #tpu.memory_space<vmem>>[vector<16xi32>, vector<16xi32>], vector<16xf32>,
        %parallel_loop3A_674 = arith.constant 16 : i32
        %parallel_loop3A_675 = arith.muli %parallel_loop3A_594, %parallel_loop3A_674 : i32
        %parallel_loop3A_676 = arith.constant 6 : i32
        %parallel_loop3A_677 = arith.index_cast %parallel_loop3A_676 : i32 to index
        %parallel_loop3A_678 = arith.index_cast %parallel_loop3A_675 : i32 to index
        %parallel_loop3A_679 = tpu.vector_load %arg11[%parallel_loop3A_677, %parallel_loop3A_678] {strides = array<i32>} : memref<32x256xf32, #tpu.memory_space<vmem>>, vector<16xf32>,
        tpu.vector_store %arg11[%parallel_loop3A_677, %parallel_loop3A_678], %parallel_loop3A_673 {strides = array<i32>} : memref<32x256xf32, #tpu.memory_space<vmem>>, vector<16xf32>,
        %parallel_loop3A_680 = arith.constant 7 : i32
        %parallel_loop3A_681 = vector.broadcast %parallel_loop3A_680 : i32 to vector<16xi32>
        %parallel_loop3A_682 = arith.addi %parallel_loop3A_605, %parallel_loop3A_681 : vector<16xi32>
        %parallel_loop3A_683 = tpu.vector_load_idx %arg9[%parallel_loop3A_609, %parallel_loop3A_682] : memref<256x128xf32, #tpu.memory_space<vmem>>[vector<16xi32>, vector<16xi32>], vector<16xf32>,
        %parallel_loop3A_684 = arith.constant 16 : i32
        %parallel_loop3A_685 = arith.muli %parallel_loop3A_594, %parallel_loop3A_684 : i32
        %parallel_loop3A_686 = arith.constant 7 : i32
        %parallel_loop3A_687 = arith.index_cast %parallel_loop3A_686 : i32 to index
        %parallel_loop3A_688 = arith.index_cast %parallel_loop3A_685 : i32 to index
        %parallel_loop3A_689 = tpu.vector_load %arg11[%parallel_loop3A_687, %parallel_loop3A_688] {strides = array<i32>} : memref<32x256xf32, #tpu.memory_space<vmem>>, vector<16xf32>,
        tpu.vector_store %arg11[%parallel_loop3A_687, %parallel_loop3A_688], %parallel_loop3A_683 {strides = array<i32>} : memref<32x256xf32, #tpu.memory_space<vmem>>, vector<16xf32>,
        %parallel_loop3A_690 = arith.constant 8 : i32
        %parallel_loop3A_691 = vector.broadcast %parallel_loop3A_690 : i32 to vector<16xi32>
        %parallel_loop3A_692 = arith.addi %parallel_loop3A_605, %parallel_loop3A_691 : vector<16xi32>
        %parallel_loop3A_693 = tpu.vector_load_idx %arg9[%parallel_loop3A_609, %parallel_loop3A_692] : memref<256x128xf32, #tpu.memory_space<vmem>>[vector<16xi32>, vector<16xi32>], vector<16xf32>,
        %parallel_loop3A_694 = arith.constant 16 : i32
        %parallel_loop3A_695 = arith.muli %parallel_loop3A_594, %parallel_loop3A_694 : i32
        %parallel_loop3A_696 = arith.constant 8 : i32
        %parallel_loop3A_697 = arith.index_cast %parallel_loop3A_696 : i32 to index
        %parallel_loop3A_698 = arith.index_cast %parallel_loop3A_695 : i32 to index
        %parallel_loop3A_699 = tpu.vector_load %arg11[%parallel_loop3A_697, %parallel_loop3A_698] {strides = array<i32>} : memref<32x256xf32, #tpu.memory_space<vmem>>, vector<16xf32>,
        tpu.vector_store %arg11[%parallel_loop3A_697, %parallel_loop3A_698], %parallel_loop3A_693 {strides = array<i32>} : memref<32x256xf32, #tpu.memory_space<vmem>>, vector<16xf32>,
        %parallel_loop3A_700 = arith.constant 9 : i32
        %parallel_loop3A_701 = vector.broadcast %parallel_loop3A_700 : i32 to vector<16xi32>
        %parallel_loop3A_702 = arith.addi %parallel_loop3A_605, %parallel_loop3A_701 : vector<16xi32>
        %parallel_loop3A_703 = tpu.vector_load_idx %arg9[%parallel_loop3A_609, %parallel_loop3A_702] : memref<256x128xf32, #tpu.memory_space<vmem>>[vector<16xi32>, vector<16xi32>], vector<16xf32>,
        %parallel_loop3A_704 = arith.constant 16 : i32
        %parallel_loop3A_705 = arith.muli %parallel_loop3A_594, %parallel_loop3A_704 : i32
        %parallel_loop3A_706 = arith.constant 9 : i32
        %parallel_loop3A_707 = arith.index_cast %parallel_loop3A_706 : i32 to index
        %parallel_loop3A_708 = arith.index_cast %parallel_loop3A_705 : i32 to index
        %parallel_loop3A_709 = tpu.vector_load %arg11[%parallel_loop3A_707, %parallel_loop3A_708] {strides = array<i32>} : memref<32x256xf32, #tpu.memory_space<vmem>>, vector<16xf32>,
        tpu.vector_store %arg11[%parallel_loop3A_707, %parallel_loop3A_708], %parallel_loop3A_703 {strides = array<i32>} : memref<32x256xf32, #tpu.memory_space<vmem>>, vector<16xf32>,
        %parallel_loop3A_710 = arith.constant 10 : i32
        %parallel_loop3A_711 = vector.broadcast %parallel_loop3A_710 : i32 to vector<16xi32>
        %parallel_loop3A_712 = arith.addi %parallel_loop3A_605, %parallel_loop3A_711 : vector<16xi32>
        %parallel_loop3A_713 = tpu.vector_load_idx %arg9[%parallel_loop3A_609, %parallel_loop3A_712] : memref<256x128xf32, #tpu.memory_space<vmem>>[vector<16xi32>, vector<16xi32>], vector<16xf32>,
        %parallel_loop3A_714 = arith.constant 16 : i32
        %parallel_loop3A_715 = arith.muli %parallel_loop3A_594, %parallel_loop3A_714 : i32
        %parallel_loop3A_716 = arith.constant 10 : i32
        %parallel_loop3A_717 = arith.index_cast %parallel_loop3A_716 : i32 to index
        %parallel_loop3A_718 = arith.index_cast %parallel_loop3A_715 : i32 to index
        %parallel_loop3A_719 = tpu.vector_load %arg11[%parallel_loop3A_717, %parallel_loop3A_718] {strides = array<i32>} : memref<32x256xf32, #tpu.memory_space<vmem>>, vector<16xf32>,
        tpu.vector_store %arg11[%parallel_loop3A_717, %parallel_loop3A_718], %parallel_loop3A_713 {strides = array<i32>} : memref<32x256xf32, #tpu.memory_space<vmem>>, vector<16xf32>,
        %parallel_loop3A_720 = arith.constant 11 : i32
        %parallel_loop3A_721 = vector.broadcast %parallel_loop3A_720 : i32 to vector<16xi32>
        %parallel_loop3A_722 = arith.addi %parallel_loop3A_605, %parallel_loop3A_721 : vector<16xi32>
        %parallel_loop3A_723 = tpu.vector_load_idx %arg9[%parallel_loop3A_609, %parallel_loop3A_722] : memref<256x128xf32, #tpu.memory_space<vmem>>[vector<16xi32>, vector<16xi32>], vector<16xf32>,
        %parallel_loop3A_724 = arith.constant 16 : i32
        %parallel_loop3A_725 = arith.muli %parallel_loop3A_594, %parallel_loop3A_724 : i32
        %parallel_loop3A_726 = arith.constant 11 : i32
        %parallel_loop3A_727 = arith.index_cast %parallel_loop3A_726 : i32 to index
        %parallel_loop3A_728 = arith.index_cast %parallel_loop3A_725 : i32 to index
        %parallel_loop3A_729 = tpu.vector_load %arg11[%parallel_loop3A_727, %parallel_loop3A_728] {strides = array<i32>} : memref<32x256xf32, #tpu.memory_space<vmem>>, vector<16xf32>,
        tpu.vector_store %arg11[%parallel_loop3A_727, %parallel_loop3A_728], %parallel_loop3A_723 {strides = array<i32>} : memref<32x256xf32, #tpu.memory_space<vmem>>, vector<16xf32>,
        %parallel_loop3A_730 = arith.constant 12 : i32
        %parallel_loop3A_731 = vector.broadcast %parallel_loop3A_730 : i32 to vector<16xi32>
        %parallel_loop3A_732 = arith.addi %parallel_loop3A_605, %parallel_loop3A_731 : vector<16xi32>
        %parallel_loop3A_733 = tpu.vector_load_idx %arg9[%parallel_loop3A_609, %parallel_loop3A_732] : memref<256x128xf32, #tpu.memory_space<vmem>>[vector<16xi32>, vector<16xi32>], vector<16xf32>,
        %parallel_loop3A_734 = arith.constant 16 : i32
        %parallel_loop3A_735 = arith.muli %parallel_loop3A_594, %parallel_loop3A_734 : i32
        %parallel_loop3A_736 = arith.constant 12 : i32
        %parallel_loop3A_737 = arith.index_cast %parallel_loop3A_736 : i32 to index
        %parallel_loop3A_738 = arith.index_cast %parallel_loop3A_735 : i32 to index
        %parallel_loop3A_739 = tpu.vector_load %arg11[%parallel_loop3A_737, %parallel_loop3A_738] {strides = array<i32>} : memref<32x256xf32, #tpu.memory_space<vmem>>, vector<16xf32>,
        tpu.vector_store %arg11[%parallel_loop3A_737, %parallel_loop3A_738], %parallel_loop3A_733 {strides = array<i32>} : memref<32x256xf32, #tpu.memory_space<vmem>>, vector<16xf32>,
        %parallel_loop3A_740 = arith.constant 13 : i32
        %parallel_loop3A_741 = vector.broadcast %parallel_loop3A_740 : i32 to vector<16xi32>
        %parallel_loop3A_742 = arith.addi %parallel_loop3A_605, %parallel_loop3A_741 : vector<16xi32>
        %parallel_loop3A_743 = tpu.vector_load_idx %arg9[%parallel_loop3A_609, %parallel_loop3A_742] : memref<256x128xf32, #tpu.memory_space<vmem>>[vector<16xi32>, vector<16xi32>], vector<16xf32>,
        %parallel_loop3A_744 = arith.constant 16 : i32
        %parallel_loop3A_745 = arith.muli %parallel_loop3A_594, %parallel_loop3A_744 : i32
        %parallel_loop3A_746 = arith.constant 13 : i32
        %parallel_loop3A_747 = arith.index_cast %parallel_loop3A_746 : i32 to index
        %parallel_loop3A_748 = arith.index_cast %parallel_loop3A_745 : i32 to index
        %parallel_loop3A_749 = tpu.vector_load %arg11[%parallel_loop3A_747, %parallel_loop3A_748] {strides = array<i32>} : memref<32x256xf32, #tpu.memory_space<vmem>>, vector<16xf32>,
        tpu.vector_store %arg11[%parallel_loop3A_747, %parallel_loop3A_748], %parallel_loop3A_743 {strides = array<i32>} : memref<32x256xf32, #tpu.memory_space<vmem>>, vector<16xf32>,
        %parallel_loop3A_750 = arith.constant 14 : i32
        %parallel_loop3A_751 = vector.broadcast %parallel_loop3A_750 : i32 to vector<16xi32>
        %parallel_loop3A_752 = arith.addi %parallel_loop3A_605, %parallel_loop3A_751 : vector<16xi32>
        %parallel_loop3A_753 = tpu.vector_load_idx %arg9[%parallel_loop3A_609, %parallel_loop3A_752] : memref<256x128xf32, #tpu.memory_space<vmem>>[vector<16xi32>, vector<16xi32>], vector<16xf32>,
        %parallel_loop3A_754 = arith.constant 16 : i32
        %parallel_loop3A_755 = arith.muli %parallel_loop3A_594, %parallel_loop3A_754 : i32
        %parallel_loop3A_756 = arith.constant 14 : i32
        %parallel_loop3A_757 = arith.index_cast %parallel_loop3A_756 : i32 to index
        %parallel_loop3A_758 = arith.index_cast %parallel_loop3A_755 : i32 to index
        %parallel_loop3A_759 = tpu.vector_load %arg11[%parallel_loop3A_757, %parallel_loop3A_758] {strides = array<i32>} : memref<32x256xf32, #tpu.memory_space<vmem>>, vector<16xf32>,
        tpu.vector_store %arg11[%parallel_loop3A_757, %parallel_loop3A_758], %parallel_loop3A_753 {strides = array<i32>} : memref<32x256xf32, #tpu.memory_space<vmem>>, vector<16xf32>,
        %parallel_loop3A_760 = arith.constant 15 : i32
        %parallel_loop3A_761 = vector.broadcast %parallel_loop3A_760 : i32 to vector<16xi32>
        %parallel_loop3A_762 = arith.addi %parallel_loop3A_605, %parallel_loop3A_761 : vector<16xi32>
        %parallel_loop3A_763 = tpu.vector_load_idx %arg9[%parallel_loop3A_609, %parallel_loop3A_762] : memref<256x128xf32, #tpu.memory_space<vmem>>[vector<16xi32>, vector<16xi32>], vector<16xf32>,
        %parallel_loop3A_764 = arith.constant 16 : i32
        %parallel_loop3A_765 = arith.muli %parallel_loop3A_594, %parallel_loop3A_764 : i32
        %parallel_loop3A_766 = arith.constant 15 : i32
        %parallel_loop3A_767 = arith.index_cast %parallel_loop3A_766 : i32 to index
        %parallel_loop3A_768 = arith.index_cast %parallel_loop3A_765 : i32 to index
        %parallel_loop3A_769 = tpu.vector_load %arg11[%parallel_loop3A_767, %parallel_loop3A_768] {strides = array<i32>} : memref<32x256xf32, #tpu.memory_space<vmem>>, vector<16xf32>,
        tpu.vector_store %arg11[%parallel_loop3A_767, %parallel_loop3A_768], %parallel_loop3A_763 {strides = array<i32>} : memref<32x256xf32, #tpu.memory_space<vmem>>, vector<16xf32>,
        %parallel_loop3A_770 = arith.constant 16 : i32
        %parallel_loop3A_771 = vector.broadcast %parallel_loop3A_770 : i32 to vector<16xi32>
        %parallel_loop3A_772 = arith.addi %parallel_loop3A_605, %parallel_loop3A_771 : vector<16xi32>
        %parallel_loop3A_773 = tpu.vector_load_idx %arg9[%parallel_loop3A_609, %parallel_loop3A_772] : memref<256x128xf32, #tpu.memory_space<vmem>>[vector<16xi32>, vector<16xi32>], vector<16xf32>,
        %parallel_loop3A_774 = arith.constant 16 : i32
        %parallel_loop3A_775 = arith.muli %parallel_loop3A_594, %parallel_loop3A_774 : i32
        %parallel_loop3A_776 = arith.constant 16 : i32
        %parallel_loop3A_777 = arith.index_cast %parallel_loop3A_776 : i32 to index
        %parallel_loop3A_778 = arith.index_cast %parallel_loop3A_775 : i32 to index
        %parallel_loop3A_779 = tpu.vector_load %arg11[%parallel_loop3A_777, %parallel_loop3A_778] {strides = array<i32>} : memref<32x256xf32, #tpu.memory_space<vmem>>, vector<16xf32>,
        tpu.vector_store %arg11[%parallel_loop3A_777, %parallel_loop3A_778], %parallel_loop3A_773 {strides = array<i32>} : memref<32x256xf32, #tpu.memory_space<vmem>>, vector<16xf32>,
        %parallel_loop3A_780 = arith.constant 17 : i32
        %parallel_loop3A_781 = vector.broadcast %parallel_loop3A_780 : i32 to vector<16xi32>
        %parallel_loop3A_782 = arith.addi %parallel_loop3A_605, %parallel_loop3A_781 : vector<16xi32>
        %parallel_loop3A_783 = tpu.vector_load_idx %arg9[%parallel_loop3A_609, %parallel_loop3A_782] : memref<256x128xf32, #tpu.memory_space<vmem>>[vector<16xi32>, vector<16xi32>], vector<16xf32>,
        %parallel_loop3A_784 = arith.constant 16 : i32
        %parallel_loop3A_785 = arith.muli %parallel_loop3A_594, %parallel_loop3A_784 : i32
        %parallel_loop3A_786 = arith.constant 17 : i32
        %parallel_loop3A_787 = arith.index_cast %parallel_loop3A_786 : i32 to index
        %parallel_loop3A_788 = arith.index_cast %parallel_loop3A_785 : i32 to index
        %parallel_loop3A_789 = tpu.vector_load %arg11[%parallel_loop3A_787, %parallel_loop3A_788] {strides = array<i32>} : memref<32x256xf32, #tpu.memory_space<vmem>>, vector<16xf32>,
        tpu.vector_store %arg11[%parallel_loop3A_787, %parallel_loop3A_788], %parallel_loop3A_783 {strides = array<i32>} : memref<32x256xf32, #tpu.memory_space<vmem>>, vector<16xf32>,
        %parallel_loop3A_790 = arith.constant 18 : i32
        %parallel_loop3A_791 = vector.broadcast %parallel_loop3A_790 : i32 to vector<16xi32>
        %parallel_loop3A_792 = arith.addi %parallel_loop3A_605, %parallel_loop3A_791 : vector<16xi32>
        %parallel_loop3A_793 = tpu.vector_load_idx %arg9[%parallel_loop3A_609, %parallel_loop3A_792] : memref<256x128xf32, #tpu.memory_space<vmem>>[vector<16xi32>, vector<16xi32>], vector<16xf32>,
        %parallel_loop3A_794 = arith.constant 16 : i32
        %parallel_loop3A_795 = arith.muli %parallel_loop3A_594, %parallel_loop3A_794 : i32
        %parallel_loop3A_796 = arith.constant 18 : i32
        %parallel_loop3A_797 = arith.index_cast %parallel_loop3A_796 : i32 to index
        %parallel_loop3A_798 = arith.index_cast %parallel_loop3A_795 : i32 to index
        %parallel_loop3A_799 = tpu.vector_load %arg11[%parallel_loop3A_797, %parallel_loop3A_798] {strides = array<i32>} : memref<32x256xf32, #tpu.memory_space<vmem>>, vector<16xf32>,
        tpu.vector_store %arg11[%parallel_loop3A_797, %parallel_loop3A_798], %parallel_loop3A_793 {strides = array<i32>} : memref<32x256xf32, #tpu.memory_space<vmem>>, vector<16xf32>,
        %parallel_loop3A_800 = arith.constant 19 : i32
        %parallel_loop3A_801 = vector.broadcast %parallel_loop3A_800 : i32 to vector<16xi32>
        %parallel_loop3A_802 = arith.addi %parallel_loop3A_605, %parallel_loop3A_801 : vector<16xi32>
        %parallel_loop3A_803 = tpu.vector_load_idx %arg9[%parallel_loop3A_609, %parallel_loop3A_802] : memref<256x128xf32, #tpu.memory_space<vmem>>[vector<16xi32>, vector<16xi32>], vector<16xf32>,
        %parallel_loop3A_804 = arith.constant 16 : i32
        %parallel_loop3A_805 = arith.muli %parallel_loop3A_594, %parallel_loop3A_804 : i32
        %parallel_loop3A_806 = arith.constant 19 : i32
        %parallel_loop3A_807 = arith.index_cast %parallel_loop3A_806 : i32 to index
        %parallel_loop3A_808 = arith.index_cast %parallel_loop3A_805 : i32 to index
        %parallel_loop3A_809 = tpu.vector_load %arg11[%parallel_loop3A_807, %parallel_loop3A_808] {strides = array<i32>} : memref<32x256xf32, #tpu.memory_space<vmem>>, vector<16xf32>,
        tpu.vector_store %arg11[%parallel_loop3A_807, %parallel_loop3A_808], %parallel_loop3A_803 {strides = array<i32>} : memref<32x256xf32, #tpu.memory_space<vmem>>, vector<16xf32>,
        %parallel_loop3A_810 = arith.constant 20 : i32
        %parallel_loop3A_811 = vector.broadcast %parallel_loop3A_810 : i32 to vector<16xi32>
        %parallel_loop3A_812 = arith.addi %parallel_loop3A_605, %parallel_loop3A_811 : vector<16xi32>
        %parallel_loop3A_813 = tpu.vector_load_idx %arg9[%parallel_loop3A_609, %parallel_loop3A_812] : memref<256x128xf32, #tpu.memory_space<vmem>>[vector<16xi32>, vector<16xi32>], vector<16xf32>,
        %parallel_loop3A_814 = arith.constant 16 : i32
        %parallel_loop3A_815 = arith.muli %parallel_loop3A_594, %parallel_loop3A_814 : i32
        %parallel_loop3A_816 = arith.constant 20 : i32
        %parallel_loop3A_817 = arith.index_cast %parallel_loop3A_816 : i32 to index
        %parallel_loop3A_818 = arith.index_cast %parallel_loop3A_815 : i32 to index
        %parallel_loop3A_819 = tpu.vector_load %arg11[%parallel_loop3A_817, %parallel_loop3A_818] {strides = array<i32>} : memref<32x256xf32, #tpu.memory_space<vmem>>, vector<16xf32>,
        tpu.vector_store %arg11[%parallel_loop3A_817, %parallel_loop3A_818], %parallel_loop3A_813 {strides = array<i32>} : memref<32x256xf32, #tpu.memory_space<vmem>>, vector<16xf32>,
        %parallel_loop3A_820 = arith.constant 21 : i32
        %parallel_loop3A_821 = vector.broadcast %parallel_loop3A_820 : i32 to vector<16xi32>
        %parallel_loop3A_822 = arith.addi %parallel_loop3A_605, %parallel_loop3A_821 : vector<16xi32>
        %parallel_loop3A_823 = tpu.vector_load_idx %arg9[%parallel_loop3A_609, %parallel_loop3A_822] : memref<256x128xf32, #tpu.memory_space<vmem>>[vector<16xi32>, vector<16xi32>], vector<16xf32>,
        %parallel_loop3A_824 = arith.constant 16 : i32
        %parallel_loop3A_825 = arith.muli %parallel_loop3A_594, %parallel_loop3A_824 : i32
        %parallel_loop3A_826 = arith.constant 21 : i32
        %parallel_loop3A_827 = arith.index_cast %parallel_loop3A_826 : i32 to index
        %parallel_loop3A_828 = arith.index_cast %parallel_loop3A_825 : i32 to index
        %parallel_loop3A_829 = tpu.vector_load %arg11[%parallel_loop3A_827, %parallel_loop3A_828] {strides = array<i32>} : memref<32x256xf32, #tpu.memory_space<vmem>>, vector<16xf32>,
        tpu.vector_store %arg11[%parallel_loop3A_827, %parallel_loop3A_828], %parallel_loop3A_823 {strides = array<i32>} : memref<32x256xf32, #tpu.memory_space<vmem>>, vector<16xf32>,
        %parallel_loop3A_830 = arith.constant 22 : i32
        %parallel_loop3A_831 = vector.broadcast %parallel_loop3A_830 : i32 to vector<16xi32>
        %parallel_loop3A_832 = arith.addi %parallel_loop3A_605, %parallel_loop3A_831 : vector<16xi32>
        %parallel_loop3A_833 = tpu.vector_load_idx %arg9[%parallel_loop3A_609, %parallel_loop3A_832] : memref<256x128xf32, #tpu.memory_space<vmem>>[vector<16xi32>, vector<16xi32>], vector<16xf32>,
        %parallel_loop3A_834 = arith.constant 16 : i32
        %parallel_loop3A_835 = arith.muli %parallel_loop3A_594, %parallel_loop3A_834 : i32
        %parallel_loop3A_836 = arith.constant 22 : i32
        %parallel_loop3A_837 = arith.index_cast %parallel_loop3A_836 : i32 to index
        %parallel_loop3A_838 = arith.index_cast %parallel_loop3A_835 : i32 to index
        %parallel_loop3A_839 = tpu.vector_load %arg11[%parallel_loop3A_837, %parallel_loop3A_838] {strides = array<i32>} : memref<32x256xf32, #tpu.memory_space<vmem>>, vector<16xf32>,
        tpu.vector_store %arg11[%parallel_loop3A_837, %parallel_loop3A_838], %parallel_loop3A_833 {strides = array<i32>} : memref<32x256xf32, #tpu.memory_space<vmem>>, vector<16xf32>,
        %parallel_loop3A_840 = arith.constant 23 : i32
        %parallel_loop3A_841 = vector.broadcast %parallel_loop3A_840 : i32 to vector<16xi32>
        %parallel_loop3A_842 = arith.addi %parallel_loop3A_605, %parallel_loop3A_841 : vector<16xi32>
        %parallel_loop3A_843 = tpu.vector_load_idx %arg9[%parallel_loop3A_609, %parallel_loop3A_842] : memref<256x128xf32, #tpu.memory_space<vmem>>[vector<16xi32>, vector<16xi32>], vector<16xf32>,
        %parallel_loop3A_844 = arith.constant 16 : i32
        %parallel_loop3A_845 = arith.muli %parallel_loop3A_594, %parallel_loop3A_844 : i32
        %parallel_loop3A_846 = arith.constant 23 : i32
        %parallel_loop3A_847 = arith.index_cast %parallel_loop3A_846 : i32 to index
        %parallel_loop3A_848 = arith.index_cast %parallel_loop3A_845 : i32 to index
        %parallel_loop3A_849 = tpu.vector_load %arg11[%parallel_loop3A_847, %parallel_loop3A_848] {strides = array<i32>} : memref<32x256xf32, #tpu.memory_space<vmem>>, vector<16xf32>,
        tpu.vector_store %arg11[%parallel_loop3A_847, %parallel_loop3A_848], %parallel_loop3A_843 {strides = array<i32>} : memref<32x256xf32, #tpu.memory_space<vmem>>, vector<16xf32>,
        %parallel_loop3A_850 = arith.constant 24 : i32
        %parallel_loop3A_851 = vector.broadcast %parallel_loop3A_850 : i32 to vector<16xi32>
        %parallel_loop3A_852 = arith.addi %parallel_loop3A_605, %parallel_loop3A_851 : vector<16xi32>
        %parallel_loop3A_853 = tpu.vector_load_idx %arg9[%parallel_loop3A_609, %parallel_loop3A_852] : memref<256x128xf32, #tpu.memory_space<vmem>>[vector<16xi32>, vector<16xi32>], vector<16xf32>,
        %parallel_loop3A_854 = arith.constant 16 : i32
        %parallel_loop3A_855 = arith.muli %parallel_loop3A_594, %parallel_loop3A_854 : i32
        %parallel_loop3A_856 = arith.constant 24 : i32
        %parallel_loop3A_857 = arith.index_cast %parallel_loop3A_856 : i32 to index
        %parallel_loop3A_858 = arith.index_cast %parallel_loop3A_855 : i32 to index
        %parallel_loop3A_859 = tpu.vector_load %arg11[%parallel_loop3A_857, %parallel_loop3A_858] {strides = array<i32>} : memref<32x256xf32, #tpu.memory_space<vmem>>, vector<16xf32>,
        tpu.vector_store %arg11[%parallel_loop3A_857, %parallel_loop3A_858], %parallel_loop3A_853 {strides = array<i32>} : memref<32x256xf32, #tpu.memory_space<vmem>>, vector<16xf32>,
        %parallel_loop3A_860 = arith.constant 25 : i32
        %parallel_loop3A_861 = vector.broadcast %parallel_loop3A_860 : i32 to vector<16xi32>
        %parallel_loop3A_862 = arith.addi %parallel_loop3A_605, %parallel_loop3A_861 : vector<16xi32>
        %parallel_loop3A_863 = tpu.vector_load_idx %arg9[%parallel_loop3A_609, %parallel_loop3A_862] : memref<256x128xf32, #tpu.memory_space<vmem>>[vector<16xi32>, vector<16xi32>], vector<16xf32>,
        %parallel_loop3A_864 = arith.constant 16 : i32
        %parallel_loop3A_865 = arith.muli %parallel_loop3A_594, %parallel_loop3A_864 : i32
        %parallel_loop3A_866 = arith.constant 25 : i32
        %parallel_loop3A_867 = arith.index_cast %parallel_loop3A_866 : i32 to index
        %parallel_loop3A_868 = arith.index_cast %parallel_loop3A_865 : i32 to index
        %parallel_loop3A_869 = tpu.vector_load %arg11[%parallel_loop3A_867, %parallel_loop3A_868] {strides = array<i32>} : memref<32x256xf32, #tpu.memory_space<vmem>>, vector<16xf32>,
        tpu.vector_store %arg11[%parallel_loop3A_867, %parallel_loop3A_868], %parallel_loop3A_863 {strides = array<i32>} : memref<32x256xf32, #tpu.memory_space<vmem>>, vector<16xf32>,
        %parallel_loop3A_870 = arith.constant 26 : i32
        %parallel_loop3A_871 = vector.broadcast %parallel_loop3A_870 : i32 to vector<16xi32>
        %parallel_loop3A_872 = arith.addi %parallel_loop3A_605, %parallel_loop3A_871 : vector<16xi32>
        %parallel_loop3A_873 = tpu.vector_load_idx %arg9[%parallel_loop3A_609, %parallel_loop3A_872] : memref<256x128xf32, #tpu.memory_space<vmem>>[vector<16xi32>, vector<16xi32>], vector<16xf32>,
        %parallel_loop3A_874 = arith.constant 16 : i32
        %parallel_loop3A_875 = arith.muli %parallel_loop3A_594, %parallel_loop3A_874 : i32
        %parallel_loop3A_876 = arith.constant 26 : i32
        %parallel_loop3A_877 = arith.index_cast %parallel_loop3A_876 : i32 to index
        %parallel_loop3A_878 = arith.index_cast %parallel_loop3A_875 : i32 to index
        %parallel_loop3A_879 = tpu.vector_load %arg11[%parallel_loop3A_877, %parallel_loop3A_878] {strides = array<i32>} : memref<32x256xf32, #tpu.memory_space<vmem>>, vector<16xf32>,
        tpu.vector_store %arg11[%parallel_loop3A_877, %parallel_loop3A_878], %parallel_loop3A_873 {strides = array<i32>} : memref<32x256xf32, #tpu.memory_space<vmem>>, vector<16xf32>,
        %parallel_loop3A_880 = arith.constant 27 : i32
        %parallel_loop3A_881 = vector.broadcast %parallel_loop3A_880 : i32 to vector<16xi32>
        %parallel_loop3A_882 = arith.addi %parallel_loop3A_605, %parallel_loop3A_881 : vector<16xi32>
        %parallel_loop3A_883 = tpu.vector_load_idx %arg9[%parallel_loop3A_609, %parallel_loop3A_882] : memref<256x128xf32, #tpu.memory_space<vmem>>[vector<16xi32>, vector<16xi32>], vector<16xf32>,
        %parallel_loop3A_884 = arith.constant 16 : i32
        %parallel_loop3A_885 = arith.muli %parallel_loop3A_594, %parallel_loop3A_884 : i32
        %parallel_loop3A_886 = arith.constant 27 : i32
        %parallel_loop3A_887 = arith.index_cast %parallel_loop3A_886 : i32 to index
        %parallel_loop3A_888 = arith.index_cast %parallel_loop3A_885 : i32 to index
        %parallel_loop3A_889 = tpu.vector_load %arg11[%parallel_loop3A_887, %parallel_loop3A_888] {strides = array<i32>} : memref<32x256xf32, #tpu.memory_space<vmem>>, vector<16xf32>,
        tpu.vector_store %arg11[%parallel_loop3A_887, %parallel_loop3A_888], %parallel_loop3A_883 {strides = array<i32>} : memref<32x256xf32, #tpu.memory_space<vmem>>, vector<16xf32>,
        %parallel_loop3A_890 = arith.constant 28 : i32
        %parallel_loop3A_891 = vector.broadcast %parallel_loop3A_890 : i32 to vector<16xi32>
        %parallel_loop3A_892 = arith.addi %parallel_loop3A_605, %parallel_loop3A_891 : vector<16xi32>
        %parallel_loop3A_893 = tpu.vector_load_idx %arg9[%parallel_loop3A_609, %parallel_loop3A_892] : memref<256x128xf32, #tpu.memory_space<vmem>>[vector<16xi32>, vector<16xi32>], vector<16xf32>,
        %parallel_loop3A_894 = arith.constant 16 : i32
        %parallel_loop3A_895 = arith.muli %parallel_loop3A_594, %parallel_loop3A_894 : i32
        %parallel_loop3A_896 = arith.constant 28 : i32
        %parallel_loop3A_897 = arith.index_cast %parallel_loop3A_896 : i32 to index
        %parallel_loop3A_898 = arith.index_cast %parallel_loop3A_895 : i32 to index
        %parallel_loop3A_899 = tpu.vector_load %arg11[%parallel_loop3A_897, %parallel_loop3A_898] {strides = array<i32>} : memref<32x256xf32, #tpu.memory_space<vmem>>, vector<16xf32>,
        tpu.vector_store %arg11[%parallel_loop3A_897, %parallel_loop3A_898], %parallel_loop3A_893 {strides = array<i32>} : memref<32x256xf32, #tpu.memory_space<vmem>>, vector<16xf32>,
        %parallel_loop3A_900 = arith.constant 29 : i32
        %parallel_loop3A_901 = vector.broadcast %parallel_loop3A_900 : i32 to vector<16xi32>
        %parallel_loop3A_902 = arith.addi %parallel_loop3A_605, %parallel_loop3A_901 : vector<16xi32>
        %parallel_loop3A_903 = tpu.vector_load_idx %arg9[%parallel_loop3A_609, %parallel_loop3A_902] : memref<256x128xf32, #tpu.memory_space<vmem>>[vector<16xi32>, vector<16xi32>], vector<16xf32>,
        %parallel_loop3A_904 = arith.constant 16 : i32
        %parallel_loop3A_905 = arith.muli %parallel_loop3A_594, %parallel_loop3A_904 : i32
        %parallel_loop3A_906 = arith.constant 29 : i32
        %parallel_loop3A_907 = arith.index_cast %parallel_loop3A_906 : i32 to index
        %parallel_loop3A_908 = arith.index_cast %parallel_loop3A_905 : i32 to index
        %parallel_loop3A_909 = tpu.vector_load %arg11[%parallel_loop3A_907, %parallel_loop3A_908] {strides = array<i32>} : memref<32x256xf32, #tpu.memory_space<vmem>>, vector<16xf32>,
        tpu.vector_store %arg11[%parallel_loop3A_907, %parallel_loop3A_908], %parallel_loop3A_903 {strides = array<i32>} : memref<32x256xf32, #tpu.memory_space<vmem>>, vector<16xf32>,
        %parallel_loop3A_910 = arith.constant 30 : i32
        %parallel_loop3A_911 = vector.broadcast %parallel_loop3A_910 : i32 to vector<16xi32>
        %parallel_loop3A_912 = arith.addi %parallel_loop3A_605, %parallel_loop3A_911 : vector<16xi32>
        %parallel_loop3A_913 = tpu.vector_load_idx %arg9[%parallel_loop3A_609, %parallel_loop3A_912] : memref<256x128xf32, #tpu.memory_space<vmem>>[vector<16xi32>, vector<16xi32>], vector<16xf32>,
        %parallel_loop3A_914 = arith.constant 16 : i32
        %parallel_loop3A_915 = arith.muli %parallel_loop3A_594, %parallel_loop3A_914 : i32
        %parallel_loop3A_916 = arith.constant 30 : i32
        %parallel_loop3A_917 = arith.index_cast %parallel_loop3A_916 : i32 to index
        %parallel_loop3A_918 = arith.index_cast %parallel_loop3A_915 : i32 to index
        %parallel_loop3A_919 = tpu.vector_load %arg11[%parallel_loop3A_917, %parallel_loop3A_918] {strides = array<i32>} : memref<32x256xf32, #tpu.memory_space<vmem>>, vector<16xf32>,
        tpu.vector_store %arg11[%parallel_loop3A_917, %parallel_loop3A_918], %parallel_loop3A_913 {strides = array<i32>} : memref<32x256xf32, #tpu.memory_space<vmem>>, vector<16xf32>,
        %parallel_loop3A_920 = arith.constant 31 : i32
        %parallel_loop3A_921 = vector.broadcast %parallel_loop3A_920 : i32 to vector<16xi32>
        %parallel_loop3A_922 = arith.addi %parallel_loop3A_605, %parallel_loop3A_921 : vector<16xi32>
        %parallel_loop3A_923 = tpu.vector_load_idx %arg9[%parallel_loop3A_609, %parallel_loop3A_922] : memref<256x128xf32, #tpu.memory_space<vmem>>[vector<16xi32>, vector<16xi32>], vector<16xf32>,
        %parallel_loop3A_924 = arith.constant 16 : i32
        %parallel_loop3A_925 = arith.muli %parallel_loop3A_594, %parallel_loop3A_924 : i32
        %parallel_loop3A_926 = arith.constant 31 : i32
        %parallel_loop3A_927 = arith.index_cast %parallel_loop3A_926 : i32 to index
        %parallel_loop3A_928 = arith.index_cast %parallel_loop3A_925 : i32 to index
        %parallel_loop3A_929 = tpu.vector_load %arg11[%parallel_loop3A_927, %parallel_loop3A_928] {strides = array<i32>} : memref<32x256xf32, #tpu.memory_space<vmem>>, vector<16xf32>,
        tpu.vector_store %arg11[%parallel_loop3A_927, %parallel_loop3A_928], %parallel_loop3A_923 {strides = array<i32>} : memref<32x256xf32, #tpu.memory_space<vmem>>, vector<16xf32>,
      } {sc.loop_unroll_factor = 4 : i64, sc.parallel_access}
      %add3A_540 = arith.constant 1 : i32
      %add3A_541 = arith.addi %mul3A_219, %add3A_540 : i32
      %mul3A_542 = arith.constant 25 : i32
      %mul3A_543 = arith.muli %select_n3A, %mul3A_542 : i32
      %jit3A_544 = arith.constant 4 : i32
      %div3A_545 = arith.divsi %add3A_541, %jit3A_544 : i32
      %sign3A_546 = arith.constant 0 : i32
      %sign3A_547 = arith.cmpi sgt, %add3A_541, %sign3A_546 : i32
      %sign3A_548 = arith.extui %sign3A_547 : i1 to i32
      %sign3A_549 = arith.constant 0 : i32
      %sign3A_550 = arith.cmpi slt, %add3A_541, %sign3A_549 : i32
      %sign3A_551 = arith.extui %sign3A_550 : i1 to i32
      %sign3A_552 = arith.subi %sign3A_548, %sign3A_551 : i32
      %sign3A_553 = arith.constant 0 : i32
      %sign3A_554 = arith.cmpi sgt, %jit3A_544, %sign3A_553 : i32
      %sign3A_555 = arith.extui %sign3A_554 : i1 to i32
      %sign3A_556 = arith.constant 0 : i32
      %sign3A_557 = arith.cmpi slt, %jit3A_544, %sign3A_556 : i32
      %sign3A_558 = arith.extui %sign3A_557 : i1 to i32
      %sign3A_559 = arith.subi %sign3A_555, %sign3A_558 : i32
      %ne3A_560 = arith.cmpi ne, %sign3A_552, %sign3A_559 : i32
      %rem3A_561 = arith.remsi %add3A_541, %jit3A_544 : i32
      %ne3A_562 = arith.constant 0 : i32
      %ne3A_563 = arith.cmpi ne, %rem3A_561, %ne3A_562 : i32
      %and3A_564 = arith.andi %ne3A_560, %ne3A_563 : i1
      %sub3A_565 = arith.constant 1 : i32
      %sub3A_566 = arith.subi %div3A_545, %sub3A_565 : i32
      %select_n3A_567 = arith.select %and3A_564, %sub3A_566, %div3A_545 : i32
      %add3A_568 = arith.addi %mul3A_543, %select_n3A_567 : i32
      %jit3A_569 = arith.constant 4 : i32
      %eq3A_570 = arith.constant 0 : i32
      %eq3A_571 = arith.cmpi eq, %jit3A_569, %eq3A_570 : i32
      %jit3A_572 = arith.constant 1 : i32
      %select_n3A_573 = arith.select %eq3A_571, %jit3A_572, %jit3A_569 : i32
      %rem3A_574 = arith.remsi %add3A_541, %select_n3A_573 : i32
      %ne3A_575 = arith.constant 0 : i32
      %ne3A_576 = arith.cmpi ne, %rem3A_574, %ne3A_575 : i32
      %lt3A_577 = arith.constant 0 : i32
      %lt3A_578 = arith.cmpi slt, %rem3A_574, %lt3A_577 : i32
      %lt3A_579 = arith.constant 0 : i32
      %lt3A_580 = arith.cmpi slt, %select_n3A_573, %lt3A_579 : i32
      %ne3A_581 = arith.xori %lt3A_578, %lt3A_580 : i1
      %and3A_582 = arith.andi %ne3A_581, %ne3A_576 : i1
      %add3A_583 = arith.addi %rem3A_574, %select_n3A_573 : i32
      %select_n3A_584 = arith.select %and3A_582, %add3A_583, %rem3A_574 : i32
      %mul3A_585 = arith.constant 256 : i32
      %mul3A_586 = arith.muli %select_n3A_584, %mul3A_585 : i32
      %add3A_587 = arith.addi %mul3A_32, %mul3A_586 : i32
      %dma_start3A_588 = arith.constant 0 : i32
      %dma_start3A_589 = tpu.memref_slice %arg4[%add3A_568, %dma_start3A_588, %add3A_587] : memref<50x32x16384xf32, #tpu.memory_space<hbm>> -> memref<1x32x256xf32, #tpu.memory_space<hbm>>
      %dma_start3A_590 = tpu.memref_squeeze %dma_start3A_589 : memref<1x32x256xf32, #tpu.memory_space<hbm>> -> memref<32x256xf32, #tpu.memory_space<hbm>>
      %dma_start3A_591 = arith.constant 0 : i32
      %dma_start3A_592 = tpu.memref_slice %arg4[%add3A_568, %dma_start3A_591, %add3A_587] : memref<50x32x16384xf32, #tpu.memory_space<hbm>> -> memref<1x32x256xf32, #tpu.memory_space<hbm>>
      %dma_start3A_593 = tpu.memref_squeeze %dma_start3A_592 : memref<1x32x256xf32, #tpu.memory_space<hbm>> -> memref<32x256xf32, #tpu.memory_space<hbm>>
      tpu.enqueue_dma source(%arg11 : memref<32x256xf32, #tpu.memory_space<vmem>>) target(%dma_start3A_593 : memref<32x256xf32, #tpu.memory_space<hbm>>) target_semaphore(%arg15 : memref<!tpu.dma_semaphore, #tpu.memory_space<semaphore_mem>>)
    }
    %scan3A_199 = arith.constant 50 : i32
    %dma_wait3A = arith.constant 0 : i32
    %dma_wait3A_200 = arith.constant 0 : i32
    %dma_wait3A_201 = arith.constant 0 : i32
    %dma_wait3A_202 = tpu.memref_slice %arg4[%dma_wait3A, %dma_wait3A_200, %dma_wait3A_201] : memref<50x32x16384xf32, #tpu.memory_space<hbm>> -> memref<1x32x256xf32, #tpu.memory_space<hbm>>
    %dma_wait3A_203 = tpu.memref_squeeze %dma_wait3A_202 : memref<1x32x256xf32, #tpu.memory_space<hbm>> -> memref<32x256xf32, #tpu.memory_space<hbm>>
    %dma_wait3A_204 = arith.constant 0 : i32
    %dma_wait3A_205 = arith.constant 0 : i32
    %dma_wait3A_206 = tpu.memref_slice %arg4[%dma_wait3A, %dma_wait3A_204, %dma_wait3A_205] : memref<50x32x16384xf32, #tpu.memory_space<hbm>> -> memref<1x32x256xf32, #tpu.memory_space<hbm>>
    %dma_wait3A_207 = tpu.memref_squeeze %dma_wait3A_206 : memref<1x32x256xf32, #tpu.memory_space<hbm>> -> memref<32x256xf32, #tpu.memory_space<hbm>>
    tpu.wait_dma2 semaphore(%arg14 : memref<!tpu.dma_semaphore, #tpu.memory_space<semaphore_mem>>) src(%arg10 : memref<32x256xf32, #tpu.memory_space<vmem>>) dst(%dma_wait3A_207 : memref<32x256xf32, #tpu.memory_space<hbm>>)
    %dma_wait3A_208 = arith.constant 0 : i32
    %dma_wait3A_209 = arith.constant 0 : i32
    %dma_wait3A_210 = arith.constant 0 : i32
    %dma_wait3A_211 = tpu.memref_slice %arg4[%dma_wait3A_208, %dma_wait3A_209, %dma_wait3A_210] : memref<50x32x16384xf32, #tpu.memory_space<hbm>> -> memref<1x32x256xf32, #tpu.memory_space<hbm>>
    %dma_wait3A_212 = tpu.memref_squeeze %dma_wait3A_211 : memref<1x32x256xf32, #tpu.memory_space<hbm>> -> memref<32x256xf32, #tpu.memory_space<hbm>>
    %dma_wait3A_213 = arith.constant 0 : i32
    %dma_wait3A_214 = arith.constant 0 : i32
    %dma_wait3A_215 = tpu.memref_slice %arg4[%dma_wait3A_208, %dma_wait3A_213, %dma_wait3A_214] : memref<50x32x16384xf32, #tpu.memory_space<hbm>> -> memref<1x32x256xf32, #tpu.memory_space<hbm>>
    %dma_wait3A_216 = tpu.memref_squeeze %dma_wait3A_215 : memref<1x32x256xf32, #tpu.memory_space<hbm>> -> memref<32x256xf32, #tpu.memory_space<hbm>>
    tpu.wait_dma2 semaphore(%arg15 : memref<!tpu.dma_semaphore, #tpu.memory_space<semaphore_mem>>) src(%arg11 : memref<32x256xf32, #tpu.memory_space<vmem>>) dst(%dma_wait3A_216 : memref<32x256xf32, #tpu.memory_space<hbm>>)
    return
  }
}

</mosaic_0001>

<sc_bundles>
// kernel: kernel.3.cloned.1.call-start
scs
__scs_entry_jumppad:
0x0: {  	(pc) =	sbr.rel $0x88, $3  }
0x1: {  	(tag) =	ssettag $0x0;
	lr =	simm.s32 $0x1  }
0x2: {  	[smem:$0x3F9F] =	sst lr;
	_ =	strace $0xD0000000  }
0x3: {  	_ = 	snop  }
0x4: {  	_ = 	snop  }
0x5: {  	_ = 	snop  }
0x6: {  	_ = 	snop  }
0x7: {  	_ = 	snop  }
__scs_overlays_trampoline_lowered:
0x8: {  	[smem:$0x3FAE] =	sst s0  }
0x9: {  	[smem:$0x3FAF] =	sst s1  }
0xa: {  	[smem:$0x3FB0] =	sst s2  }
0xb: {  	[smem:$0x3FB1] =	sst s3  }
0xc: {  	[smem:$0x3FB2] =	sst s4  }
0xd: {  	[smem:$0x3FB3] =	sst s5  }
0xe: {  	[smem:$0x3FB4] =	sst s6  }
0xf: {  	[smem:$0x3FB5] =	sst s7  }
0x10: {  	[smem:$0x3FB6] =	sst s8  }
0x11: {  	[smem:$0x3FB7] =	sst s9;
	s0 =	simm.s32 @!p0 $0x0  }
0x12: {  	s1 =	sld [smem:$0x3F9D];
	s0 =	simm.s32 @p0 $0x1  }
0x13: {  	[smem:$0x3FB8] =	sst s0;
	s0 =	simm.s32 @!p1 $0x0  }
0x14: {  	s2 =	sld [smem:$0x3F9C];
	s0 =	simm.s32 @p1 $0x1  }
0x15: {  	[smem:$0x3FB9] =	sst s0;
	s0 =	simm.s32 @!p2 $0x0  }
0x16: {  	s3 =	sld [smem:$0x3FDB];
	s0 =	simm.s32 @p2 $0x1  }
0x17: {  	s4 =	simm.s32 $0x1BF5;
	[smem:$0x3FBB] =	sst s0  }
0x18: {  	s0 =	sld [smem:$0x3F9E];
	_ =	swait.ge [sflag:s4], $0x0  }
0x19: {  	s7 =	sld [smem:$0x3F9F]  }
0x1a: {  	s8 =	sadd.s32 $0xFFFFE003, lr  }
0x1b: {  	s9 =	sadd.s32 $0xFFFFFEF7, lr;
	s5 =	simm.s32 $0xFFFFFFFF;
	p2 =	slt.u32 s8, $0xFFFFF086  }
0x1c: {  	p1 =	slt.u32 s9, $0xF7A;
	s5 =	simm.s32 @!p2 $0x0  }
0x1d: {  	s5 =	simm.s32 @p1 $0x1;
	p0 =	seq.s32 s7, s2  }
0x1e: {  	s7 =	smul.u32 @!p0 $0xF7A, s2;
	p2 =	seq.s32 @!p0 s5, $0x0  }
0x1f: {  	s9 =	smul.u32 $0xF7A, s1;
	s8 =	simm.s32 @!p0 $0x1BF5;
	p2 =	por !p2, p0  }
0x20: {  	[sflag:s8] =	ssyncset.s32 @!p0 $0xFFFFF086;
	s6 =	sadd.s32 @!p0 s3, s7;
	s7 =	simm.s32 @!p0 $0x108  }
0x21: {  	s3 =	sadd.s32 s3, s9;
	s6 =	sadd.s32 @!p0 $0x88, s6;
	s7 =	simm.s32 @p2 $0x1082  }
0x22: {  	[simem:s7], [sflag:s8] =	dma.local @!p0 [hbm:s6], $0xF7A  }
0x23: {  	s9 =	sor.u32 $0xD0000000, s2;
	s6 =	simm.s32 $0x108;
	_ =	swait.ge @!p0 [sflag:s8], $0x0  }
0x24: {  	s3 =	sadd.s32 $0x88, s3;
	s6 =	simm.s32 @!p1 $0x1082;
	[sflag:s4] =	ssyncset.s32 $0xFFFFF086  }
0x25: {  	[simem:s6], [sflag:s4] =	dma.local [hbm:s3], $0xF7A  }
0x26: {  	[smem:$0x3F9F] =	sst s1;
	(tag) =	ssettag s2;
	_ =	strace s9  }
0x27: {  	s1 =	sld [smem:$0x3FAF]  }
0x28: {  	s2 =	sld [smem:$0x3FB0]  }
0x29: {  	s4 =	sld [smem:$0x3FB2]  }
0x2a: {  	p0 =	seq.s32 s5, $0x0;
	s5 =	sld [smem:$0x3FB3]  }
0x2b: {  	s6 =	sld [smem:$0x3FB4]  }
0x2c: {  	s7 =	sld [smem:$0x3FB5]  }
0x2d: {  	s3 =	simm.s32 $0x108;
	s8 =	sld [smem:$0x3FB6]  }
0x2e: {  	s3 =	simm.s32 @!p0 $0x1082;
	s9 =	sld [smem:$0x3FB7]  }
0x2f: {  	lr =	sadd.s32 s0, s3;
	s0 =	sld [smem:$0x3FAE]  }
0x30: {  	s3 =	sld [smem:$0x3FB1]  }
0x31: {  	[smem:$0x3FBA] =	sst s10  }
0x32: {  	s10 =	sld [smem:$0x3FB8];
	_ =	sdelay $0x3  }
0x33: {  	p0 =	seq.s32 s10, $0x1;
	s10 =	sld [smem:$0x3FBA];
	_ =	sdelay $0x3  }
0x34: {  	[smem:$0x3FBA] =	sst s10  }
0x35: {  	s10 =	sld [smem:$0x3FB9];
	_ =	sdelay $0x3  }
0x36: {  	p1 =	seq.s32 s10, $0x1;
	s10 =	sld [smem:$0x3FBA];
	_ =	sdelay $0x3  }
0x37: {  	[smem:$0x3FBA] =	sst s10  }
0x38: {  	s10 =	sld [smem:$0x3FBB]  }
0x39: {  	_ = 	snop;
	(pc) =	sbr.ind lr, $3  }
0x3a: {  	_ = 	snop  }
0x3b: {  	_ = 	snop  }
0x3c: {  	p2 =	seq.s32 s10, $0x1;
	s10 =	sld [smem:$0x3FBA]  }
0x3d: {  	_ =	shalt  }
0x3e: {  	_ =	shalt  }
0x3f: {  	_ =	shalt  }
0x40: {  	_ =	shalt  }
0x41: {  	_ =	shalt  }
0x42: {  	_ =	shalt  }
0x43: {  	_ =	shalt  }
0x44: {  	_ =	shalt  }
0x45: {  	_ =	shalt  }
0x46: {  	_ =	shalt  }
0x47: {  	_ =	shalt  }
0x48: {  	_ =	shalt  }
0x49: {  	_ =	shalt  }
0x4a: {  	_ =	shalt  }
0x4b: {  	_ =	shalt  }
0x4c: {  	_ =	shalt  }
0x4d: {  	_ =	shalt  }
0x4e: {  	_ =	shalt  }
0x4f: {  	_ =	shalt  }
0x50: {  	_ =	shalt  }
0x51: {  	_ =	shalt  }
0x52: {  	_ =	shalt  }
0x53: {  	_ =	shalt  }
0x54: {  	_ =	shalt  }
0x55: {  	_ =	shalt  }
0x56: {  	_ =	shalt  }
0x57: {  	_ =	shalt  }
0x58: {  	_ =	shalt  }
0x59: {  	_ =	shalt  }
0x5a: {  	_ =	shalt  }
0x5b: {  	_ =	shalt  }
0x5c: {  	_ =	shalt  }
0x5d: {  	_ =	shalt  }
0x5e: {  	_ =	shalt  }
0x5f: {  	_ =	shalt  }
0x60: {  	_ =	shalt  }
0x61: {  	_ =	shalt  }
0x62: {  	_ =	shalt  }
0x63: {  	_ =	shalt  }
0x64: {  	_ =	shalt  }
0x65: {  	_ =	shalt  }
0x66: {  	_ =	shalt  }
0x67: {  	_ =	shalt  }
0x68: {  	_ =	shalt  }
0x69: {  	_ =	shalt  }
0x6a: {  	_ =	shalt  }
0x6b: {  	_ =	shalt  }
0x6c: {  	_ =	shalt  }
0x6d: {  	_ =	shalt  }
0x6e: {  	_ =	shalt  }
0x6f: {  	_ =	shalt  }
0x70: {  	_ =	shalt  }
0x71: {  	_ =	shalt  }
0x72: {  	_ =	shalt  }
0x73: {  	_ =	shalt  }
0x74: {  	_ =	shalt  }
0x75: {  	_ =	shalt  }
0x76: {  	_ =	shalt  }
0x77: {  	_ =	shalt  }
0x78: {  	_ =	shalt  }
0x79: {  	_ =	shalt  }
0x7a: {  	_ =	shalt  }
0x7b: {  	_ =	shalt  }
0x7c: {  	_ =	shalt  }
0x7d: {  	_ =	shalt  }
0x7e: {  	_ =	shalt  }
0x7f: {  	_ =	shalt  }
0x80: {  	_ =	shalt  }
0x81: {  	_ =	shalt  }
0x82: {  	_ =	shalt  }
0x83: {  	_ =	shalt  }
0x84: {  	_ =	shalt  }
0x85: {  	_ =	shalt  }
0x86: {  	_ =	shalt  }
0x87: {  	_ =	shalt  }
.Lfunc_end0:
.L_simem_size_0:
called_computation_lowered:
.L_overlay_start_0:
0x88: {  	s2 =	sld [smem:$0x3FD9]  }
0x89: {  	s3 =	sld [smem:$0x3FFE];
	_ =	sdelay $0x1  }
0x8a: {  	s1 =	srdreg.scid  }
0x8b: {  	s0 =	sand.u32 $0x1, s1  }
0x8c: {  	s17 =	sshll.u32 s0, $0xA;
	s2 =	sadd.s32 s3, s2  }
0x8d: {  	s2 =	sadd.s32 s2, s17  }
0x8e: {  	[smem:$0x3FC6] =	sst s2  }
0x8f: {  	_ = 	snop  }
0x90: {  	s2 =	sld [smem:$0x3FD0];
	(tm) =	ssettm $0x1  }
0x91: {  	s18 =	sld [smem:$0x3FFB];
	_ =	sdelay $0x3  }
0x92: {  	_ =	strace s18  }
0x93: {  	s3 =	sld [smem:$0x3FFC];
	_ =	sdelay $0x3  }
0x94: {  	_ =	strace s3  }
0x95: {  	s3 =	sld [smem:$0x3FFD];
	_ =	sdelay $0x3  }
0x96: {  	_ =	strace s3  }
0x97: {  	_ =	strace $0x8FFFFFFF  }
0x98: {  	s19 =	sld [smem:$0x3FDB];
	_ =	sdelay $0x1  }
0x99: {  	s4 =	simm.s32 $_scs_section_size  }
0x9a: {  	s5 =	simm.s32 $_size__tile_overlayer_lowered;
	s6 =	simm.s32 $_tile_overlayer_lowered  }
0x9b: {  	s22 =	simm.s32 $0x1BFF;
	s21 =	sshll.u32 s6, $0x1;
	s3 =	sadd.s32 s4, s19  }
0x9c: {  	s7 =	simm.s32 $0x0;
	s20 =	sshll.u32 s5, $0x1;
	s5 =	sadd.s32 s21, s3  }
0x9d: {  	[timem:s7], [sflag:s22] =	dma.local [hbm:s5], s20  }
0x9e: {  	_ =	swait.ge [sflag:s22], s20  }
0x9f: {  	s4 =	ssub.s32 $0x0, s20;
	[sflag:s22] =	ssyncset.done $0x0  }
0xa0: {  	[sflag:s22] =	ssyncadd.s32 s4;
	_ =	sdelay $0x1  }
0xa1: {  	s23 =	simm.s32 $0x1B8B  }
0xa2: {  	_ =	swait.ge [sflag:s23], $0x1  }
0xa3: {  	[sflag:s23] =	ssyncset.done $0x0  }
0xa4: {  	s25 =	simm.s32 $0x1B8E;
	s24 =	sld [smem:$0x3FFE];
	[sflag:s23] =	ssyncadd.s32 $0xFFFFFFFF  }
0xa5: {  	s26 =	simm.s32 $execute0_lowered;
	[smem:$0x3FD2] =	sst s25  }
0xa6: {  	s5 =	sshll.u32 s26, $0x1;
	_ =	strace $0x80000046;
	[dreg:$0x1] =	wrdreg $0xFFFFFFFF  }
0xa7: {  	s28 =	simm.s32 $_size_execute0_lowered;
	s3 =	sadd.s32 s3, s5;
	[dreg:$0x0] =	wrdreg $0x0  }
0xa8: {  	s5 =	sshll.u32 s28, $0x1;
	[dreg:$0x2] =	wrdreg s3  }
0xa9: {  	[dreg:$0x3] =	wrdreg s5  }
0xaa: {  	[dreg:$0x4] =	wrdreg $0xC0  }
0xab: {  	_ =	task [dreg:s7], $0x5FFFF  }
0xac: {  	[dreg:$0x1] =	wrdreg $0xFFFFFFFF  }
0xad: {  	[dreg:$0x0] =	wrdreg $0x60  }
0xae: {  	[dreg:$0x2] =	wrdreg s24  }
0xaf: {  	[dreg:$0x3] =	wrdreg s2  }
0xb0: {  	[dreg:$0x4] =	wrdreg $0x9  }
0xb1: {  	_ =	task.clear_ibuf [dreg:s7], $0x5FFFF;
	_ =	strace $0x90000046  }
0xb2: {  	s29 =	simm.s32 $0x9;
	_ =	strace $0x80000048  }
0xb3: {  	_ =	swait.ge [sflag:s29], $0x1  }
0xb4: {  	[sflag:s29] =	ssyncadd.s32 $0xFFFFFFFF  }
0xb5: {  	_ =	strace $0x90000048  }
0xb6: {  	_ =	sfence  }
0xb7: {  	s30 =	sld [smem:$0x0];
	_ =	sdelay $0x2  }
0xb8: {  	s31 =	sshll.u32 s1, $0xD;
	s1 =	sshrl.u32 s1, $0x2  }
0xb9: {  	s3 =	sand.u32 $0x4000, s31;
	s1 =	sadd.s32 s1, s30  }
0xba: {  	s0 =	sor.u32 s3, s0;
	s1 =	sshll.u32 s1, $0x11  }
0xbb: {  	s0 =	sor.u32 s1, s0  }
0xbc: {  	s0 =	sadd.s32 $0x8F2B, s0  }
0xbd: {  	[sflag:s0] =	ssyncadd.remote.s32 $0x1  }
0xbe: {  	_ =	sfence.sel $0xFFFF  }
0xbf: {  	[dreg:$0x0] =	wrdreg $0xFFFFFFFF;
	(pc) =	sbr.abs _section_cstart, $3  }
0xc0: {  	[dreg:$0x1] =	wrdreg $0xFFFFFFFF  }
0xc1: {  	_ =	task.clear_ibuf [dreg:s7], $0x2FFFF;
	_ =	strace $0x9FFFFFFF  }
0xc2: {  	(tm) =	ssettm $0x7FFFFFFF  }
0xc3: {  	_ =	shalt  }
tec
execute0_lowered:
.L_overlay_start_1:
0x0: {  	(tag) =	ssettag $0x1  }
0x1: {  	s0 =	rddreg [dreg:$0x0];
	s1 =	srdreg.scid  }
0x2: {  	s5 =	stileid.u32;
	s2 =	rddreg [dreg:$0x1]  }
0x3: {  	s4 =	simm.s32 $0x0;
	s1 =	sand.u32 $0x1, s1;
	s3 =	sshll.u32 s5, $0x1  }
0x4: {  	[smem:$0x7FF] =	sst s4;
	s6 =	sadd.s32 $0xF42A00, s0;
	s28 =	sshrl.u32 s5, $0x3  }
0x5: {  	s3 =	sor.u32 s1, s3;
	_ =	strace $0x80000047;
	s29 =	smul.u32 $0x19, s28  }
0x6: {  	s1 =	ssub.s32 $0x2, s1;
	s25 =	smul.u32 $0xC80, s3;
	s3 =	sshll.u32 s3, $0xA  }
0x7: {  	[dreg:$0x19] =	wrdreg s6;
	s26 =	sshrl.u32 s1, $0x1;
	s3 =	sand.u32 $0x3C00, s3  }
0x8: {  	v0 =	vlaneseq.u32;
	s1 =	ssub.s32 s1, s26;
	[dreg:$0x1b] =	wrdreg s29;
	s30 =	sadd.s32 s2, s3  }
0x9: {  	v24 =	vmul.u32 $0x80, v0;
	s0 =	sadd.s32 s25, s0;
	s31 =	smax.u32 s1, $0x1;
	[dreg:$0x1c] =	wrdreg s30  }
0xa: {  	s11 =	simm.s32 $0x6600;
	s0 =	sadd.s32 $0x600, s0;
	[dreg:$0x1d] =	wrdreg s31  }
0xb: {  	s15 =	simm.s32 $0xE600;
	[tilespmem:$0x1FFF0] =	vst v24;
	s2 =	simm.s32 $0x0;
	[dreg:$0x1a] =	wrdreg s0  }
.LBB2_1:
0xc: {  	[dreg:$0x1e] =	wrdreg s2  }
0xd: {  	s0 =	simm.s32 $0x0;
	s1 =	rddreg [dreg:$0x1a];
	s26 =	simm.s32 $0x5  }
0xe: {  	[tilespmem:s0], [sflag:$0x5] =	stream.linear.gather [hbm4b:s1+s0], $0x6400, $0x38;
	[tilespmem:$0x1A600] =	vst v63  }
0xf: {  	_ =	swait.ge [sflag:s26], $0x6400  }
0x10: {  	[sflag:s26] =	ssyncset.done $0x0  }
0x11: {  	[sflag:s26] =	ssyncadd.s32 $0xFFFF9C00  }
0x12: {  	v0 =	vld [tilespmem:$0x0]  }
0x13: {  	v1 =	vld [tilespmem:$0x10]  }
0x14: {  	v2 =	vld [tilespmem:$0x20]  }
0x15: {  	v3 =	vld [tilespmem:$0x30]  }
0x16: {  	v4 =	vld [tilespmem:$0x40]  }
0x17: {  	v5 =	vld [tilespmem:$0x50];
	v0 =	vshra.s32 v0, $0x2  }
0x18: {  	v40 =	vld [tilespmem:$0x60];
	v39 =	vshra.s32 v1, $0x2;
	[tilespmem:$0x6400] =	vst v0  }
0x19: {  	v42 =	vld [tilespmem:$0x70];
	v41 =	vshra.s32 v2, $0x2;
	[tilespmem:$0x6410] =	vst v39  }
0x1a: {  	v44 =	vld [tilespmem:$0x80];
	v43 =	vshra.s32 v3, $0x2;
	[tilespmem:$0x6420] =	vst v41  }
0x1b: {  	v46 =	vld [tilespmem:$0x90];
	v45 =	vshra.s32 v4, $0x2;
	[tilespmem:$0x6430] =	vst v43  }
0x1c: {  	v48 =	vld [tilespmem:$0xA0];
	v47 =	vshra.s32 v5, $0x2;
	[tilespmem:$0x6440] =	vst v45  }
0x1d: {  	v50 =	vld [tilespmem:$0xB0];
	v49 =	vshra.s32 v40, $0x2;
	[tilespmem:$0x6450] =	vst v47  }
0x1e: {  	v52 =	vld [tilespmem:$0xC0];
	v51 =	vshra.s32 v42, $0x2;
	[tilespmem:$0x6460] =	vst v49  }
0x1f: {  	v54 =	vld [tilespmem:$0xD0];
	v53 =	vshra.s32 v44, $0x2;
	[tilespmem:$0x6470] =	vst v51  }
0x20: {  	v56 =	vld [tilespmem:$0xE0];
	v55 =	vshra.s32 v46, $0x2;
	[tilespmem:$0x6480] =	vst v53  }
0x21: {  	v58 =	vld [tilespmem:$0xF0];
	v57 =	vshra.s32 v48, $0x2;
	[tilespmem:$0x6490] =	vst v55  }
0x22: {  	v59 =	vshra.s32 v50, $0x2;
	[tilespmem:$0x64A0] =	vst v57  }
0x23: {  	v60 =	vshra.s32 v52, $0x2;
	[tilespmem:$0x64B0] =	vst v59  }
0x24: {  	v61 =	vshra.s32 v54, $0x2;
	[tilespmem:$0x64C0] =	vst v60  }
0x25: {  	v62 =	vshra.s32 v56, $0x2;
	[tilespmem:$0x64D0] =	vst v61  }
0x26: {  	v63 =	vshra.s32 v58, $0x2;
	[tilespmem:$0x64E0] =	vst v62  }
0x27: {  	s29 =	simm.s32 $0x80;
	s30 =	simm.s32 $0x6400;
	s28 =	rddreg [dreg:$0x19];
	[tilespmem:$0x64F0] =	vst v63  }
0x28: {  	[tilespmem:s11], [sflag:$0x1] =	stream.indirect.gather [hbm4b:s28+s29], $0x80, s30, s29, $0xb8;
	[tilespmem:$0x1A600] =	vst v63  }
0x29: {  	s31 =	simm.s32 $0x6480;
	s3 =	simm.s32 $0xA600;
	s4 =	simm.s32 $0x0  }
0x2a: {  	[tilespmem:s3], [sflag:$0x1] =	stream.indirect.gather [hbm4b:s28+s29], $0x80, s31, s29, $0xb8;
	[tilespmem:$0x1A600] =	vst v63  }
.LBB2_2:
0x2b: {  	s23 =	sshll.u32 s4, $0x9  }
0x2c: {  	v0 =	vld [tilespmem:s23+$0x100];
	_ =	sdelay $0x4  }
0x2d: {  	v0 =	vshra.s32 v0, $0x2  }
0x2e: {  	[tilespmem:$0x6500] =	vst v0  }
0x2f: {  	v0 =	vld [tilespmem:s23+$0x110];
	_ =	sdelay $0x4  }
0x30: {  	v0 =	vshra.s32 v0, $0x2  }
0x31: {  	[tilespmem:$0x6510] =	vst v0  }
0x32: {  	v0 =	vld [tilespmem:s23+$0x120];
	_ =	sdelay $0x4  }
0x33: {  	v0 =	vshra.s32 v0, $0x2  }
0x34: {  	[tilespmem:$0x6520] =	vst v0  }
0x35: {  	v0 =	vld [tilespmem:s23+$0x130];
	_ =	sdelay $0x4  }
0x36: {  	v0 =	vshra.s32 v0, $0x2  }
0x37: {  	[tilespmem:$0x6530] =	vst v0  }
0x38: {  	v0 =	vld [tilespmem:s23+$0x140];
	_ =	sdelay $0x4  }
0x39: {  	v0 =	vshra.s32 v0, $0x2  }
0x3a: {  	[tilespmem:$0x6540] =	vst v0  }
0x3b: {  	v0 =	vld [tilespmem:s23+$0x150];
	_ =	sdelay $0x4  }
0x3c: {  	v0 =	vshra.s32 v0, $0x2  }
0x3d: {  	[tilespmem:$0x6550] =	vst v0  }
0x3e: {  	v0 =	vld [tilespmem:s23+$0x160];
	_ =	sdelay $0x4  }
0x3f: {  	v0 =	vshra.s32 v0, $0x2  }
0x40: {  	[tilespmem:$0x6560] =	vst v0  }
0x41: {  	v0 =	vld [tilespmem:s23+$0x170];
	_ =	sdelay $0x4  }
0x42: {  	v0 =	vshra.s32 v0, $0x2  }
0x43: {  	[tilespmem:$0x6570] =	vst v0  }
0x44: {  	v0 =	vld [tilespmem:s23+$0x180];
	_ =	sdelay $0x4  }
0x45: {  	v0 =	vshra.s32 v0, $0x2  }
0x46: {  	[tilespmem:$0x6580] =	vst v0  }
0x47: {  	v0 =	vld [tilespmem:s23+$0x190];
	_ =	sdelay $0x4  }
0x48: {  	v0 =	vshra.s32 v0, $0x2  }
0x49: {  	[tilespmem:$0x6590] =	vst v0  }
0x4a: {  	v0 =	vld [tilespmem:s23+$0x1A0];
	_ =	sdelay $0x4  }
0x4b: {  	v0 =	vshra.s32 v0, $0x2  }
0x4c: {  	[tilespmem:$0x65A0] =	vst v0  }
0x4d: {  	v0 =	vld [tilespmem:s23+$0x1B0];
	_ =	sdelay $0x4  }
0x4e: {  	v0 =	vshra.s32 v0, $0x2  }
0x4f: {  	[tilespmem:$0x65B0] =	vst v0  }
0x50: {  	v0 =	vld [tilespmem:s23+$0x1C0];
	_ =	sdelay $0x4  }
0x51: {  	v0 =	vshra.s32 v0, $0x2  }
0x52: {  	[tilespmem:$0x65C0] =	vst v0  }
0x53: {  	v0 =	vld [tilespmem:s23+$0x1D0];
	_ =	sdelay $0x4  }
0x54: {  	v0 =	vshra.s32 v0, $0x2  }
0x55: {  	[tilespmem:$0x65D0] =	vst v0  }
0x56: {  	v0 =	vld [tilespmem:s23+$0x1E0];
	_ =	sdelay $0x4  }
0x57: {  	v0 =	vshra.s32 v0, $0x2  }
0x58: {  	[tilespmem:$0x65E0] =	vst v0  }
0x59: {  	v0 =	vld [tilespmem:s23+$0x1F0];
	_ =	sdelay $0x4  }
0x5a: {  	v0 =	vshra.s32 v0, $0x2  }
0x5b: {  	s0 =	rddreg [dreg:$0x19];
	s1 =	simm.s32 $0x80;
	s2 =	simm.s32 $0x6500;
	[tilespmem:$0x65F0] =	vst v0  }
0x5c: {  	[tilespmem:s15], [sflag:$0x2] =	stream.indirect.gather [hbm4b:s0+s1], $0x80, s2, s1, $0xb8;
	[tilespmem:$0x1A600] =	vst v63  }
0x5d: {  	s30 =	simm.s32 $0x6580;
	s3 =	simm.s32 $0x12600;
	s5 =	simm.s32 $0x1  }
0x5e: {  	[tilespmem:s3], [sflag:$0x2] =	stream.indirect.gather [hbm4b:s0+s1], $0x80, s30, s1, $0xb8;
	[tilespmem:$0x1A600] =	vst v63  }
0x5f: {  	p0 =	seq.s32 s4, $0x0;
	_ =	swait.ge [sflag:s5], $0x8000  }
0x60: {  	s2 =	simm.s32 @!p0 $0x3;
	[sflag:s5] =	ssyncset.done $0x0  }
0x61: {  	s0 =	simm.s32 $0x0;
	[dreg:$0x1f] =	wrdreg s4;
	[sflag:s5] =	ssyncadd.s32 $0xFFFF8000  }
0x62: {  	s1 =	simm.s32 $0x30;
	s6 =	sand.u32 $0x80, s0;
	_ =	swait.ge @!p0 [sflag:s2], $0x2000  }
0x63: {  	s22 =	sand.u32 $0x70, s1;
	s7 =	sadd.s32 s6, s23;
	[sflag:s2] =	ssyncset.done @!p0 $0x0  }
0x64: {  	s10 =	sand.u32 $0x40, s0;
	s3 =	sadd.s32 s22, s7;
	[sflag:s2] =	ssyncadd.s32 @!p0 $0xFFFFE000  }
0x65: {  	s5 =	sadd.s32 s10, s7;
	s2 =	simm.s32 $0x10;
	v0 =	vld [tilespmem:s3+$0x0]  }
0x66: {  	s3 =	simm.s32 $0x20;
	s24 =	sand.u32 $0x50, s2;
	v2 =	vld [tilespmem:s5+$0x0]  }
0x67: {  	s12 =	sand.u32 $0x60, s3;
	s8 =	sadd.s32 s24, s7  }
0x68: {  	v1 =	vmov s0;
	v6 =	vmov s1;
	s4 =	sadd.s32 s12, s7;
	v3 =	vld [tilespmem:s8+$0x0]  }
0x69: {  	v1 =	vshll.u32 v1, $0x7;
	v6 =	vshll.u32 v6, $0x7;
	v4 =	vmov s2;
	v5 =	vld [tilespmem:s4+$0x0]  }
0x6a: {  	v1 =	vor.u32 v24, v1;
	v6 =	vor.u32 v24, v6;
	v4 =	vshll.u32 v4, $0x7  }
0x6b: {  	v7 =	vmov s3;
	v0 =	vshll.u32 v0, $0x5;
	v2 =	vshll.u32 v2, $0x5  }
0x6c: {  	v8 =	vor.u32 v24, v4;
	v0 =	vand.u32 $0x60, v0;
	v2 =	vand.u32 $0x60, v2  }
0x6d: {  	v4 =	vor.u32 v6, v0;
	v0 =	vshll.u32 v7, $0x7;
	v3 =	vshll.u32 v3, $0x5  }
0x6e: {  	v6 =	vand.u32 $0x60, v3;
	v5 =	vshll.u32 v5, $0x5;
	v3 =	vor.u32 v1, v2  }
0x6f: {  	v0 =	vor.u32 v24, v0;
	v2 =	vor.u32 v8, v6;
	v1 =	vand.u32 $0x60, v5  }
0x70: {  	v7 =	vor.u32 v0, v1;
	_ =	sdelay $0x1  }
0x71: {  	v0 =	vld.idx.msk [tilespmem:v4+s11+$0x0], $0xffff  }
0x72: {  	s9 =	simm.s32 $0x0;
	v1 =	vor.u32 $0x1, v4;
	v5 =	vld.idx.msk [tilespmem:v3+s11+$0x0], $0xffff  }
0x73: {  	s14 =	sand.u32 $0x400, s9;
	v6 =	vor.u32 $0x1, v3;
	v8 =	vld.idx.msk [tilespmem:v2+s11+$0x0], $0xffff  }
0x74: {  	s13 =	sadd.s32 $0x16600, s14;
	v9 =	vor.u32 $0x1, v2;
	v10 =	vld.idx.msk [tilespmem:v7+s11+$0x0], $0xffff  }
0x75: {  	s6 =	sor.u32 s22, s13;
	v11 =	vor.u32 $0x1, v7  }
0x76: {  	s7 =	sor.u32 s10, s13;
	[tilespmem:s6+$0x0] =	vst v0  }
0x77: {  	s8 =	sor.u32 s24, s13;
	v0 =	vld.idx.msk [tilespmem:v1+s11+$0x0], $0xffff;
	[tilespmem:s7+$0x0] =	vst v5  }
0x78: {  	s5 =	sor.u32 s12, s13;
	v1 =	vor.u32 $0x2, v4;
	v5 =	vld.idx.msk [tilespmem:v6+s11+$0x0], $0xffff;
	[tilespmem:s8+$0x0] =	vst v8  }
0x79: {  	v6 =	vor.u32 $0x2, v3;
	v8 =	vld.idx.msk [tilespmem:v9+s11+$0x0], $0xffff;
	[tilespmem:s5+$0x0] =	vst v10  }
0x7a: {  	v9 =	vor.u32 $0x2, v2;
	v10 =	vld.idx.msk [tilespmem:v11+s11+$0x0], $0xffff  }
0x7b: {  	v11 =	vor.u32 $0x2, v7  }
0x7c: {  	[tilespmem:s6+$0x80] =	vst v0  }
0x7d: {  	v0 =	vld.idx.msk [tilespmem:v1+s11+$0x0], $0xffff;
	[tilespmem:s7+$0x80] =	vst v5  }
0x7e: {  	v1 =	vor.u32 $0x3, v4;
	v5 =	vld.idx.msk [tilespmem:v6+s11+$0x0], $0xffff;
	[tilespmem:s8+$0x80] =	vst v8  }
0x7f: {  	v6 =	vor.u32 $0x3, v3;
	v8 =	vld.idx.msk [tilespmem:v9+s11+$0x0], $0xffff;
	[tilespmem:s5+$0x80] =	vst v10  }
0x80: {  	v9 =	vor.u32 $0x3, v2;
	v10 =	vld.idx.msk [tilespmem:v11+s11+$0x0], $0xffff  }
0x81: {  	v11 =	vor.u32 $0x3, v7  }
0x82: {  	[tilespmem:s6+$0x100] =	vst v0  }
0x83: {  	v0 =	vld.idx.msk [tilespmem:v1+s11+$0x0], $0xffff;
	[tilespmem:s7+$0x100] =	vst v5  }
0x84: {  	v1 =	vor.u32 $0x4, v4;
	v5 =	vld.idx.msk [tilespmem:v6+s11+$0x0], $0xffff;
	[tilespmem:s8+$0x100] =	vst v8  }
0x85: {  	v6 =	vor.u32 $0x4, v3;
	v8 =	vld.idx.msk [tilespmem:v9+s11+$0x0], $0xffff;
	[tilespmem:s5+$0x100] =	vst v10  }
0x86: {  	v9 =	vor.u32 $0x4, v2;
	v10 =	vld.idx.msk [tilespmem:v11+s11+$0x0], $0xffff  }
0x87: {  	v11 =	vor.u32 $0x4, v7  }
0x88: {  	[tilespmem:s6+$0x180] =	vst v0  }
0x89: {  	s16 =	sand.u32 $0x7, s9;
	v0 =	vld.idx.msk [tilespmem:v1+s11+$0x0], $0xffff;
	[tilespmem:s7+$0x180] =	vst v5  }
0x8a: {  	p1 =	por $0x0, $0x0;
	s6 =	sshll.u32 s16, $0x4;
	v1 =	vor.u32 $0x5, v4;
	s7 =	simm.s32 $0x1;
	v5 =	vld.idx.msk [tilespmem:v6+s11+$0x0], $0xffff;
	[tilespmem:s8+$0x180] =	vst v8  }
0x8b: {  	s6 =	sadd.s32 $0x0, s6;
	s7 =	simm.s32 @!p1 $0x0;
	v6 =	vor.u32 $0x5, v3;
	v8 =	vld.idx.msk [tilespmem:v9+s11+$0x0], $0xffff;
	[tilespmem:s5+$0x180] =	vst v10  }
0x8c: {  	s4 =	sand.u32 $0x3, s9;
	s17 =	sadd.s32 $0x30, s6;
	s7 =	sshll.u32 s7, $0x6;
	v9 =	vor.u32 $0x5, v2;
	v10 =	vld.idx.msk [tilespmem:v11+s11+$0x0], $0xffff  }
0x8d: {  	s4 =	sshll.u32 s4, $0x5;
	s18 =	sor.u32 $0x200, s17;
	s7 =	sadd.s32 $0x0, s7;
	v11 =	vor.u32 $0x5, v7  }
0x8e: {  	s4 =	sadd.s32 $0x0, s4;
	s6 =	sadd.s32 $0x10, s6;
	s19 =	sor.u32 $0x200, s7;
	[tilespmem:s18+$0x16600] =	vst v0  }
0x8f: {  	s4 =	sadd.s32 $0x20, s4;
	s9 =	sor.u32 $0x200, s6;
	v0 =	vld.idx.msk [tilespmem:v1+s11+$0x0], $0xffff;
	[tilespmem:s19+$0x16600] =	vst v5  }
0x90: {  	s20 =	sor.u32 $0x200, s4;
	v1 =	vor.u32 $0x6, v4;
	v5 =	vld.idx.msk [tilespmem:v6+s11+$0x0], $0xffff;
	[tilespmem:s9+$0x16600] =	vst v8  }
0x91: {  	v6 =	vor.u32 $0x6, v3;
	v8 =	vld.idx.msk [tilespmem:v9+s11+$0x0], $0xffff;
	[tilespmem:s20+$0x16600] =	vst v10  }
0x92: {  	v9 =	vor.u32 $0x6, v2;
	v10 =	vld.idx.msk [tilespmem:v11+s11+$0x0], $0xffff  }
0x93: {  	s21 =	sor.u32 $0x280, s1;
	v11 =	vor.u32 $0x6, v7  }
0x94: {  	s25 =	sor.u32 $0x280, s0;
	[tilespmem:s21+$0x16600] =	vst v0  }
0x95: {  	s26 =	sor.u32 $0x280, s2;
	v0 =	vld.idx.msk [tilespmem:v1+s11+$0x0], $0xffff;
	[tilespmem:s25+$0x16600] =	vst v5  }
0x96: {  	s30 =	sor.u32 $0x280, s3;
	v1 =	vor.u32 $0x7, v4;
	v5 =	vld.idx.msk [tilespmem:v6+s11+$0x0], $0xffff;
	[tilespmem:s26+$0x16600] =	vst v8  }
0x97: {  	v6 =	vor.u32 $0x7, v3;
	v8 =	vld.idx.msk [tilespmem:v9+s11+$0x0], $0xffff;
	[tilespmem:s30+$0x16600] =	vst v10  }
0x98: {  	v9 =	vor.u32 $0x7, v2;
	v10 =	vld.idx.msk [tilespmem:v11+s11+$0x0], $0xffff  }
0x99: {  	s5 =	sor.u32 $0x300, s17;
	v11 =	vor.u32 $0x7, v7  }
0x9a: {  	s7 =	sor.u32 $0x300, s7;
	[tilespmem:s5+$0x16600] =	vst v0  }
0x9b: {  	s6 =	sor.u32 $0x300, s6;
	v0 =	vld.idx.msk [tilespmem:v1+s11+$0x0], $0xffff;
	[tilespmem:s7+$0x16600] =	vst v5  }
0x9c: {  	s4 =	sor.u32 $0x300, s4;
	v1 =	vor.u32 $0x8, v4;
	v5 =	vld.idx.msk [tilespmem:v6+s11+$0x0], $0xffff;
	[tilespmem:s6+$0x16600] =	vst v8  }
0x9d: {  	v6 =	vor.u32 $0x8, v3;
	v8 =	vld.idx.msk [tilespmem:v9+s11+$0x0], $0xffff;
	[tilespmem:s4+$0x16600] =	vst v10  }
0x9e: {  	v9 =	vor.u32 $0x8, v2;
	v10 =	vld.idx.msk [tilespmem:v11+s11+$0x0], $0xffff  }
0x9f: {  	s1 =	sor.u32 $0x380, s1;
	v11 =	vor.u32 $0x8, v7  }
0xa0: {  	s0 =	sor.u32 $0x380, s0;
	[tilespmem:s1+$0x16600] =	vst v0  }
0xa1: {  	s8 =	sor.u32 $0x380, s2;
	v0 =	vld.idx.msk [tilespmem:v1+s11+$0x0], $0xffff;
	[tilespmem:s0+$0x16600] =	vst v5  }
0xa2: {  	s9 =	sor.u32 $0x380, s3;
	v1 =	vor.u32 $0x9, v4;
	v5 =	vld.idx.msk [tilespmem:v6+s11+$0x0], $0xffff;
	[tilespmem:s8+$0x16600] =	vst v8  }
0xa3: {  	v6 =	vor.u32 $0x9, v3;
	v8 =	vld.idx.msk [tilespmem:v9+s11+$0x0], $0xffff;
	[tilespmem:s9+$0x16600] =	vst v10  }
0xa4: {  	s13 =	sadd.s32 $0x16E00, s14;
	v9 =	vor.u32 $0x9, v2;
	v10 =	vld.idx.msk [tilespmem:v11+s11+$0x0], $0xffff  }
0xa5: {  	s16 =	sor.u32 s22, s13;
	v11 =	vor.u32 $0x9, v7  }
0xa6: {  	s17 =	sor.u32 s10, s13;
	[tilespmem:s16+$0x0] =	vst v0  }
0xa7: {  	s18 =	sor.u32 s24, s13;
	v0 =	vld.idx.msk [tilespmem:v1+s11+$0x0], $0xffff;
	[tilespmem:s17+$0x0] =	vst v5  }
0xa8: {  	s0 =	sor.u32 s12, s13;
	v1 =	vor.u32 $0xA, v4;
	v5 =	vld.idx.msk [tilespmem:v6+s11+$0x0], $0xffff;
	[tilespmem:s18+$0x0] =	vst v8  }
0xa9: {  	v6 =	vor.u32 $0xA, v3;
	v8 =	vld.idx.msk [tilespmem:v9+s11+$0x0], $0xffff;
	[tilespmem:s0+$0x0] =	vst v10  }
0xaa: {  	s19 =	sadd.s32 $0x16E80, s14;
	v9 =	vor.u32 $0xA, v2;
	v10 =	vld.idx.msk [tilespmem:v11+s11+$0x0], $0xffff  }
0xab: {  	s20 =	sor.u32 s22, s19;
	v11 =	vor.u32 $0xA, v7  }
0xac: {  	s21 =	sor.u32 s10, s19;
	[tilespmem:s20+$0x0] =	vst v0  }
0xad: {  	s25 =	sor.u32 s24, s19;
	v0 =	vld.idx.msk [tilespmem:v1+s11+$0x0], $0xffff;
	[tilespmem:s21+$0x0] =	vst v5  }
0xae: {  	s0 =	sor.u32 s12, s19;
	v1 =	vor.u32 $0xB, v4;
	v5 =	vld.idx.msk [tilespmem:v6+s11+$0x0], $0xffff;
	[tilespmem:s25+$0x0] =	vst v8  }
0xaf: {  	v6 =	vor.u32 $0xB, v3;
	v8 =	vld.idx.msk [tilespmem:v9+s11+$0x0], $0xffff;
	[tilespmem:s0+$0x0] =	vst v10  }
0xb0: {  	s26 =	sadd.s32 $0x16F00, s14;
	v9 =	vor.u32 $0xB, v2;
	v10 =	vld.idx.msk [tilespmem:v11+s11+$0x0], $0xffff  }
0xb1: {  	s30 =	sor.u32 s22, s26;
	v11 =	vor.u32 $0xB, v7  }
0xb2: {  	s2 =	sor.u32 s10, s26;
	[tilespmem:s30+$0x0] =	vst v0  }
0xb3: {  	s3 =	sor.u32 s24, s26;
	v0 =	vld.idx.msk [tilespmem:v1+s11+$0x0], $0xffff;
	[tilespmem:s2+$0x0] =	vst v5  }
0xb4: {  	s0 =	sor.u32 s12, s26;
	v1 =	vor.u32 $0xC, v4;
	v5 =	vld.idx.msk [tilespmem:v6+s11+$0x0], $0xffff;
	[tilespmem:s3+$0x0] =	vst v8  }
0xb5: {  	v6 =	vor.u32 $0xC, v3;
	v8 =	vld.idx.msk [tilespmem:v9+s11+$0x0], $0xffff;
	[tilespmem:s0+$0x0] =	vst v10  }
0xb6: {  	s4 =	sadd.s32 $0x16F80, s14;
	v9 =	vor.u32 $0xC, v2;
	v10 =	vld.idx.msk [tilespmem:v11+s11+$0x0], $0xffff  }
0xb7: {  	s5 =	sor.u32 s22, s4;
	v11 =	vor.u32 $0xC, v7  }
0xb8: {  	s6 =	sor.u32 s10, s4;
	[tilespmem:s5+$0x0] =	vst v0  }
0xb9: {  	s7 =	sor.u32 s24, s4;
	v0 =	vld.idx.msk [tilespmem:v1+s11+$0x0], $0xffff;
	[tilespmem:s6+$0x0] =	vst v5  }
0xba: {  	s0 =	sor.u32 s12, s4;
	v1 =	vor.u32 $0xD, v4;
	v5 =	vld.idx.msk [tilespmem:v6+s11+$0x0], $0xffff;
	[tilespmem:s7+$0x0] =	vst v8  }
0xbb: {  	v6 =	vor.u32 $0xD, v3;
	v8 =	vld.idx.msk [tilespmem:v9+s11+$0x0], $0xffff;
	[tilespmem:s0+$0x0] =	vst v10  }
0xbc: {  	s8 =	sor.u32 $0x17000, s14;
	v9 =	vor.u32 $0xD, v2;
	v10 =	vld.idx.msk [tilespmem:v11+s11+$0x0], $0xffff  }
0xbd: {  	s9 =	sor.u32 s22, s8;
	v11 =	vor.u32 $0xD, v7  }
0xbe: {  	s13 =	sor.u32 s10, s8;
	[tilespmem:s9+$0x0] =	vst v0  }
0xbf: {  	s16 =	sor.u32 s24, s8;
	v0 =	vld.idx.msk [tilespmem:v1+s11+$0x0], $0xffff;
	[tilespmem:s13+$0x0] =	vst v5  }
0xc0: {  	s0 =	sor.u32 s12, s8;
	v1 =	vor.u32 $0xE, v4;
	v5 =	vld.idx.msk [tilespmem:v6+s11+$0x0], $0xffff;
	[tilespmem:s16+$0x0] =	vst v8  }
0xc1: {  	v6 =	vor.u32 $0xE, v3;
	v8 =	vld.idx.msk [tilespmem:v9+s11+$0x0], $0xffff;
	[tilespmem:s0+$0x0] =	vst v10  }
0xc2: {  	s17 =	sor.u32 $0x17080, s14;
	v9 =	vor.u32 $0xE, v2;
	v10 =	vld.idx.msk [tilespmem:v11+s11+$0x0], $0xffff  }
0xc3: {  	s18 =	sor.u32 s22, s17;
	v11 =	vor.u32 $0xE, v7  }
0xc4: {  	s19 =	sor.u32 s10, s17;
	[tilespmem:s18+$0x0] =	vst v0  }
0xc5: {  	s20 =	sor.u32 s24, s17;
	v0 =	vld.idx.msk [tilespmem:v1+s11+$0x0], $0xffff;
	[tilespmem:s19+$0x0] =	vst v5  }
0xc6: {  	s0 =	sor.u32 s12, s17;
	v1 =	vor.u32 $0xF, v4;
	v5 =	vld.idx.msk [tilespmem:v6+s11+$0x0], $0xffff;
	[tilespmem:s20+$0x0] =	vst v8  }
0xc7: {  	v6 =	vor.u32 $0xF, v3;
	v8 =	vld.idx.msk [tilespmem:v9+s11+$0x0], $0xffff;
	[tilespmem:s0+$0x0] =	vst v10  }
0xc8: {  	s21 =	sor.u32 $0x17100, s14;
	v9 =	vor.u32 $0xF, v2;
	v10 =	vld.idx.msk [tilespmem:v11+s11+$0x0], $0xffff  }
0xc9: {  	s25 =	sor.u32 s22, s21;
	v11 =	vor.u32 $0xF, v7  }
0xca: {  	s26 =	sor.u32 s10, s21;
	[tilespmem:s25+$0x0] =	vst v0  }
0xcb: {  	s30 =	sor.u32 s24, s21;
	v0 =	vld.idx.msk [tilespmem:v1+s11+$0x0], $0xffff;
	[tilespmem:s26+$0x0] =	vst v5  }
0xcc: {  	s0 =	sor.u32 s12, s21;
	v1 =	vor.u32 $0x10, v4;
	v5 =	vld.idx.msk [tilespmem:v6+s11+$0x0], $0xffff;
	[tilespmem:s30+$0x0] =	vst v8  }
0xcd: {  	v6 =	vor.u32 $0x10, v3;
	v8 =	vld.idx.msk [tilespmem:v9+s11+$0x0], $0xffff;
	[tilespmem:s0+$0x0] =	vst v10  }
0xce: {  	s3 =	sor.u32 $0x17180, s14;
	v9 =	vor.u32 $0x10, v2;
	v10 =	vld.idx.msk [tilespmem:v11+s11+$0x0], $0xffff  }
0xcf: {  	s4 =	sor.u32 s22, s3;
	v11 =	vor.u32 $0x10, v7  }
0xd0: {  	s5 =	sor.u32 s10, s3;
	[tilespmem:s4+$0x0] =	vst v0  }
0xd1: {  	s6 =	sor.u32 s24, s3;
	s7 =	simm.s32 $0x40;
	v0 =	vld.idx.msk [tilespmem:v1+s11+$0x0], $0xffff;
	[tilespmem:s5+$0x0] =	vst v5  }
0xd2: {  	s16 =	sand.u32 $0x80, s7;
	s20 =	simm.s32 $0x50;
	s0 =	sor.u32 s12, s3;
	v1 =	vor.u32 $0x11, v4;
	v5 =	vld.idx.msk [tilespmem:v6+s11+$0x0], $0xffff;
	[tilespmem:s6+$0x0] =	vst v8  }
0xd3: {  	s8 =	simm.s32 $0x70;
	s17 =	sadd.s32 s16, s23;
	v6 =	vld.idx.msk [tilespmem:v9+s11+$0x0], $0xffff;
	[tilespmem:s0+$0x0] =	vst v10;
	s0 =	sand.u32 $0x50, s20  }
0xd4: {  	s13 =	sand.u32 $0x70, s8;
	s5 =	sadd.s32 $0x17600, s14;
	v8 =	vld.idx.msk [tilespmem:v11+s11+$0x0], $0xffff;
	s26 =	sadd.s32 s0, s17  }
0xd5: {  	s19 =	sadd.s32 s13, s17;
	s18 =	sor.u32 s22, s5;
	v9 =	vor.u32 $0x11, v3;
	v17 =	vld [tilespmem:s26+$0x0]  }
0xd6: {  	v14 =	vor.u32 $0x12, v4;
	s1 =	sand.u32 $0x40, s7;
	s21 =	simm.s32 $0x60;
	[tilespmem:s18+$0x0] =	vst v0;
	v0 =	vld [tilespmem:s19+$0x0]  }
0xd7: {  	v15 =	vor.u32 $0x12, v3;
	v12 =	vmov s7;
	s2 =	sand.u32 $0x60, s21;
	s25 =	sadd.s32 s1, s17;
	v10 =	vor.u32 $0x11, v2;
	v1 =	vld.idx.msk [tilespmem:v1+s11+$0x0], $0xffff  }
0xd8: {  	v12 =	vshll.u32 v12, $0x7;
	v18 =	vmov s8;
	v16 =	vmov s20;
	v13 =	vld [tilespmem:s25+$0x0];
	s6 =	sadd.s32 s2, s17;
	s30 =	sor.u32 s10, s5  }
0xd9: {  	v12 =	vor.u32 v24, v12;
	v18 =	vshll.u32 v18, $0x7;
	v16 =	vshll.u32 v16, $0x7;
	s16 =	sor.u32 s24, s5;
	[tilespmem:s30+$0x0] =	vst v5;
	v5 =	vld [tilespmem:s6+$0x0]  }
0xda: {  	s7 =	sadd.s32 $0x17680, s14;
	v19 =	vmov s21;
	s5 =	sor.u32 s12, s5;
	v11 =	vor.u32 $0x11, v7;
	v9 =	vld.idx.msk [tilespmem:v9+s11+$0x0], $0xffff;
	[tilespmem:s16+$0x0] =	vst v6;
	v6 =	vshll.u32 v17, $0x5  }
0xdb: {  	s9 =	sor.u32 s22, s7;
	v16 =	vor.u32 v24, v16;
	[tilespmem:s5+$0x0] =	vst v8;
	v0 =	vshll.u32 v0, $0x5;
	v6 =	vand.u32 $0x60, v6  }
0xdc: {  	v8 =	vld.idx.msk [tilespmem:v10+s11+$0x0], $0xffff;
	[tilespmem:s9+$0x0] =	vst v1;
	v0 =	vand.u32 $0x60, v0;
	v1 =	vor.u32 v24, v18;
	v44 =	vor.u32 v16, v6  }
0xdd: {  	v13 =	vshll.u32 v13, $0x5;
	v18 =	vshll.u32 v19, $0x7;
	v14 =	vld.idx.msk [tilespmem:v14+s11+$0x0], $0xffff;
	v63 =	vor.u32 v1, v0  }
0xde: {  	s17 =	sor.u32 s10, s7;
	v5 =	vshll.u32 v5, $0x5;
	v0 =	vand.u32 $0x60, v13;
	v13 =	vor.u32 $0x13, v4  }
0xdf: {  	v10 =	vld.idx.msk [tilespmem:v11+s11+$0x0], $0xffff;
	v5 =	vand.u32 $0x60, v5;
	[tilespmem:s17+$0x0] =	vst v9;
	v45 =	vor.u32 v12, v0;
	v0 =	vor.u32 v24, v18  }
0xe0: {  	s20 =	sor.u32 s24, s7;
	s18 =	sadd.s32 $0x17700, s14;
	v0 =	vor.u32 v0, v5;
	v5 =	vld.idx.msk [tilespmem:v15+s11+$0x0], $0xffff  }
0xe1: {  	s19 =	sor.u32 s22, s18;
	v6 =	vor.u32 $0x12, v2;
	[tilespmem:s20+$0x0] =	vst v8;
	v8 =	vld.idx.msk [tilespmem:v44+s11+$0x0], $0xffff  }
0xe2: {  	s31 =	simm.s32 $0x200;
	v11 =	vor.u32 $0x12, v7;
	v9 =	vld.idx.msk [tilespmem:v63+s11+$0x0], $0xffff;
	[tilespmem:s19+$0x0] =	vst v14  }
0xe3: {  	s3 =	sor.u32 s12, s7;
	s4 =	sand.u32 $0x400, s31;
	v14 =	vor.u32 $0x1, v63;
	v12 =	vld.idx.msk [tilespmem:v13+s11+$0x0], $0xffff  }
0xe4: {  	s25 =	sadd.s32 $0x16600, s4;
	s21 =	sor.u32 s10, s18;
	v15 =	vor.u32 $0x14, v4;
	[tilespmem:s3+$0x0] =	vst v10;
	v13 =	vld.idx.msk [tilespmem:v45+s11+$0x0], $0xffff  }
0xe5: {  	s5 =	sor.u32 s0, s25;
	v16 =	vor.u32 $0x1, v45;
	v10 =	vld.idx.msk [tilespmem:v0+s11+$0x0], $0xffff;
	[tilespmem:s21+$0x0] =	vst v5  }
0xe6: {  	s26 =	sor.u32 s13, s25;
	s30 =	sadd.s32 $0x17780, s14;
	v17 =	vor.u32 $0x1, v44;
	v5 =	vld.idx.msk [tilespmem:v6+s11+$0x0], $0xffff;
	[tilespmem:s5+$0x0] =	vst v8  }
0xe7: {  	s17 =	sor.u32 s22, s30;
	v6 =	vor.u32 $0x1, v0;
	[tilespmem:s26+$0x0] =	vst v9;
	v9 =	vld.idx.msk [tilespmem:v11+s11+$0x0], $0xffff  }
0xe8: {  	s8 =	sor.u32 s1, s25;
	v11 =	vor.u32 $0x13, v3;
	v14 =	vld.idx.msk [tilespmem:v14+s11+$0x0], $0xffff;
	[tilespmem:s17+$0x0] =	vst v12  }
0xe9: {  	s3 =	sor.u32 s2, s25;
	v12 =	vor.u32 $0x13, v2;
	[tilespmem:s8+$0x0] =	vst v13;
	v13 =	vld.idx.msk [tilespmem:v15+s11+$0x0], $0xffff  }
0xea: {  	s16 =	sor.u32 s24, s18;
	v8 =	vor.u32 $0x2, v63;
	v15 =	vld.idx.msk [tilespmem:v16+s11+$0x0], $0xffff;
	[tilespmem:s3+$0x0] =	vst v10  }
0xeb: {  	s7 =	sor.u32 s12, s18;
	v16 =	vld.idx.msk [tilespmem:v17+s11+$0x0], $0xffff;
	v10 =	vor.u32 $0x15, v4;
	[tilespmem:s16+$0x0] =	vst v5  }
0xec: {  	v17 =	vor.u32 $0x2, v45;
	s16 =	sor.u32 $0x17800, s14;
	v6 =	vld.idx.msk [tilespmem:v6+s11+$0x0], $0xffff;
	[tilespmem:s7+$0x0] =	vst v9  }
0xed: {  	v5 =	vor.u32 $0x2, v44;
	s18 =	sor.u32 s22, s16;
	v11 =	vld.idx.msk [tilespmem:v11+s11+$0x0], $0xffff;
	[tilespmem:s26+$0x80] =	vst v14  }
0xee: {  	v9 =	vor.u32 $0x2, v0;
	v12 =	vld.idx.msk [tilespmem:v12+s11+$0x0], $0xffff;
	[tilespmem:s18+$0x0] =	vst v13  }
0xef: {  	v14 =	vor.u32 $0x13, v7;
	v8 =	vld.idx.msk [tilespmem:v8+s11+$0x0], $0xffff;
	[tilespmem:s8+$0x80] =	vst v15  }
0xf0: {  	v13 =	vor.u32 $0x14, v3;
	[tilespmem:s5+$0x80] =	vst v16;
	v10 =	vld.idx.msk [tilespmem:v10+s11+$0x0], $0xffff  }
0xf1: {  	s19 =	sor.u32 s10, s30;
	v16 =	vor.u32 $0x3, v63;
	v15 =	vld.idx.msk [tilespmem:v17+s11+$0x0], $0xffff;
	[tilespmem:s3+$0x80] =	vst v6  }
0xf2: {  	s17 =	sor.u32 s24, s30;
	v5 =	vld.idx.msk [tilespmem:v5+s11+$0x0], $0xffff;
	v6 =	vor.u32 $0x16, v4;
	[tilespmem:s19+$0x0] =	vst v11  }
0xf3: {  	s7 =	sor.u32 $0x17880, s14;
	v17 =	vor.u32 $0x3, v45;
	v9 =	vld.idx.msk [tilespmem:v9+s11+$0x0], $0xffff;
	[tilespmem:s17+$0x0] =	vst v12  }
0xf4: {  	s20 =	sor.u32 s22, s7;
	v11 =	vor.u32 $0x3, v44;
	v12 =	vld.idx.msk [tilespmem:v14+s11+$0x0], $0xffff;
	[tilespmem:s26+$0x100] =	vst v8  }
0xf5: {  	v14 =	vor.u32 $0x3, v0;
	v8 =	vld.idx.msk [tilespmem:v13+s11+$0x0], $0xffff;
	[tilespmem:s20+$0x0] =	vst v10  }
0xf6: {  	v13 =	vor.u32 $0x14, v2;
	v16 =	vld.idx.msk [tilespmem:v16+s11+$0x0], $0xffff;
	[tilespmem:s8+$0x100] =	vst v15  }
0xf7: {  	v10 =	vor.u32 $0x14, v7;
	[tilespmem:s5+$0x100] =	vst v5;
	v6 =	vld.idx.msk [tilespmem:v6+s11+$0x0], $0xffff  }
0xf8: {  	s6 =	sor.u32 s12, s30;
	v5 =	vor.u32 $0x4, v63;
	v15 =	vld.idx.msk [tilespmem:v17+s11+$0x0], $0xffff;
	[tilespmem:s3+$0x100] =	vst v9  }
0xf9: {  	s21 =	sor.u32 s10, s16;
	v11 =	vld.idx.msk [tilespmem:v11+s11+$0x0], $0xffff;
	[tilespmem:s6+$0x0] =	vst v12  }
0xfa: {  	v9 =	vor.u32 $0x17, v4;
	v14 =	vld.idx.msk [tilespmem:v14+s11+$0x0], $0xffff;
	s6 =	sor.u32 $0x17900, s14;
	[tilespmem:s21+$0x0] =	vst v8  }
0xfb: {  	v17 =	vor.u32 $0x4, v45;
	v8 =	vld.idx.msk [tilespmem:v13+s11+$0x0], $0xffff;
	s25 =	sor.u32 s22, s6;
	[tilespmem:s26+$0x180] =	vst v16  }
0xfc: {  	s30 =	simm.s32 $0x4;
	v12 =	vor.u32 $0x4, v44;
	v10 =	vld.idx.msk [tilespmem:v10+s11+$0x0], $0xffff;
	[tilespmem:s25+$0x0] =	vst v6  }
0xfd: {  	v13 =	vor.u32 $0x4, v0;
	s26 =	simm.s32 $0x4;
	v5 =	vld.idx.msk [tilespmem:v5+s11+$0x0], $0xffff;
	[dreg:$0x7] =	wrdreg s30  }
0xfe: {  	p1 =	por !p1, !p1;
	v16 =	vor.u32 $0x15, v3;
	s18 =	sand.u32 $0x7, s26;
	[tilespmem:s8+$0x180] =	vst v15  }
0xff: {  	s20 =	sor.u32 s24, s16;
	s21 =	sor.u32 s12, s16;
	v6 =	vor.u32 $0x15, v2;
	s9 =	sshll.u32 s18, $0x4;
	v9 =	vld.idx.msk [tilespmem:v9+s11+$0x0], $0xffff;
	[tilespmem:s5+$0x180] =	vst v11  }
0x100: {  	s25 =	simm.s32 $0x2;
	v11 =	vor.u32 $0x5, v63;
	s5 =	simm.s32 $0x1;
	s18 =	sadd.s32 $0x200, s9;
	[tilespmem:s3+$0x180] =	vst v14;
	v15 =	vld.idx.msk [tilespmem:v17+s11+$0x0], $0xffff  }
0x101: {  	s19 =	sand.u32 $0x3, s25;
	v14 =	vor.u32 $0x18, v4;
	v12 =	vld.idx.msk [tilespmem:v12+s11+$0x0], $0xffff;
	s5 =	simm.s32 @!p1 $0x0;
	s9 =	sadd.s32 $0x30, s18;
	[tilespmem:s20+$0x0] =	vst v8  }
0x102: {  	v17 =	vor.u32 $0x5, v45;
	v13 =	vld.idx.msk [tilespmem:v13+s11+$0x0], $0xffff;
	s26 =	sshll.u32 s5, $0x6;
	s30 =	sor.u32 $0x200, s9;
	s5 =	sor.u32 $0x17980, s14;
	[tilespmem:s21+$0x0] =	vst v10  }
0x103: {  	s19 =	sshll.u32 s19, $0x5;
	v8 =	vor.u32 $0x5, v44;
	v16 =	vld.idx.msk [tilespmem:v16+s11+$0x0], $0xffff;
	s8 =	sadd.s32 $0x200, s26;
	[tilespmem:s30+$0x16600] =	vst v5;
	s20 =	sor.u32 s22, s5  }
0x104: {  	s3 =	sadd.s32 $0x200, s19;
	s16 =	sadd.s32 $0x10, s18;
	v10 =	vor.u32 $0x5, v0;
	v5 =	vld.idx.msk [tilespmem:v6+s11+$0x0], $0xffff;
	s19 =	sor.u32 $0x200, s8;
	[tilespmem:s20+$0x0] =	vst v9  }
0x105: {  	s17 =	sadd.s32 $0x20, s3;
	s21 =	sor.u32 $0x200, s16;
	v6 =	vor.u32 $0x15, v7;
	v11 =	vld.idx.msk [tilespmem:v11+s11+$0x0], $0xffff;
	[tilespmem:s19+$0x16600] =	vst v15  }
0x106: {  	s26 =	sor.u32 $0x200, s17;
	v9 =	vor.u32 $0x16, v3;
	v14 =	vld.idx.msk [tilespmem:v14+s11+$0x0], $0xffff;
	[tilespmem:s21+$0x16600] =	vst v12  }
0x107: {  	s30 =	sor.u32 s10, s7;
	v12 =	vor.u32 $0x6, v63;
	[tilespmem:s26+$0x16600] =	vst v13;
	v15 =	vld.idx.msk [tilespmem:v17+s11+$0x0], $0xffff  }
0x108: {  	v13 =	vor.u32 $0x19, v4;
	s19 =	sor.u32 s24, s7;
	s26 =	simm.s32 $0x270;
	v8 =	vld.idx.msk [tilespmem:v8+s11+$0x0], $0xffff;
	[tilespmem:s30+$0x0] =	vst v16  }
0x109: {  	s3 =	sadd.s32 $0x17E00, s14;
	v17 =	vor.u32 $0x6, v45;
	v10 =	vld.idx.msk [tilespmem:v10+s11+$0x0], $0xffff;
	s20 =	sor.u32 $0x280, s26;
	[tilespmem:s19+$0x0] =	vst v5  }
0x10a: {  	s18 =	simm.s32 $0x240;
	v16 =	vor.u32 $0x6, v44;
	v5 =	vld.idx.msk [tilespmem:v6+s11+$0x0], $0xffff;
	[tilespmem:s20+$0x16600] =	vst v11;
	s20 =	sor.u32 s22, s3  }
0x10b: {  	s21 =	sor.u32 $0x280, s18;
	v6 =	vor.u32 $0x6, v0;
	s19 =	simm.s32 $0x250;
	v9 =	vld.idx.msk [tilespmem:v9+s11+$0x0], $0xffff;
	[tilespmem:s20+$0x0] =	vst v14  }
0x10c: {  	v11 =	vor.u32 $0x16, v2;
	v12 =	vld.idx.msk [tilespmem:v12+s11+$0x0], $0xffff;
	s20 =	simm.s32 $0x260;
	[tilespmem:s21+$0x16600] =	vst v15;
	s21 =	sor.u32 $0x280, s19  }
0x10d: {  	v14 =	vor.u32 $0x16, v7;
	v13 =	vld.idx.msk [tilespmem:v13+s11+$0x0], $0xffff;
	s30 =	sor.u32 $0x280, s20;
	[tilespmem:s21+$0x16600] =	vst v8  }
0x10e: {  	s7 =	sor.u32 s12, s7;
	v15 =	vor.u32 $0x7, v63;
	v8 =	vld.idx.msk [tilespmem:v17+s11+$0x0], $0xffff;
	[tilespmem:s30+$0x16600] =	vst v10  }
0x10f: {  	[tilespmem:s7+$0x0] =	vst v5;
	s21 =	sor.u32 s10, s6;
	v10 =	vld.idx.msk [tilespmem:v16+s11+$0x0], $0xffff;
	v16 =	vor.u32 $0x1A, v4  }
0x110: {  	s9 =	sor.u32 $0x300, s9;
	v17 =	vor.u32 $0x7, v45;
	s7 =	sadd.s32 $0x17E80, s14;
	v5 =	vld.idx.msk [tilespmem:v6+s11+$0x0], $0xffff;
	[tilespmem:s21+$0x0] =	vst v9  }
0x111: {  	v6 =	vor.u32 $0x7, v44;
	s30 =	sor.u32 s22, s7;
	v9 =	vld.idx.msk [tilespmem:v11+s11+$0x0], $0xffff;
	[tilespmem:s9+$0x16600] =	vst v12  }
0x112: {  	s8 =	sor.u32 $0x300, s8;
	v11 =	vor.u32 $0x7, v0;
	v12 =	vld.idx.msk [tilespmem:v14+s11+$0x0], $0xffff;
	[tilespmem:s30+$0x0] =	vst v13  }
0x113: {  	s21 =	sor.u32 $0x300, s16;
	v14 =	vld.idx.msk [tilespmem:v15+s11+$0x0], $0xffff;
	[tilespmem:s8+$0x16600] =	vst v8  }
0x114: {  	v13 =	vor.u32 $0x17, v3;
	s30 =	sor.u32 $0x300, s17;
	v15 =	vld.idx.msk [tilespmem:v16+s11+$0x0], $0xffff;
	[tilespmem:s21+$0x16600] =	vst v10  }
0x115: {  	s9 =	sor.u32 s24, s6;
	v8 =	vor.u32 $0x17, v2;
	v10 =	vld.idx.msk [tilespmem:v17+s11+$0x0], $0xffff;
	[tilespmem:s30+$0x16600] =	vst v5  }
0x116: {  	s16 =	simm.s32 $0x270;
	v16 =	vor.u32 $0x8, v63;
	v5 =	vld.idx.msk [tilespmem:v6+s11+$0x0], $0xffff;
	[tilespmem:s9+$0x0] =	vst v9  }
0x117: {  	s6 =	sor.u32 s12, s6;
	v6 =	vor.u32 $0x1B, v4;
	v11 =	vld.idx.msk [tilespmem:v11+s11+$0x0], $0xffff;
	[dreg:$0xb] =	wrdreg s16  }
0x118: {  	s17 =	sor.u32 $0x380, s26;
	s8 =	sadd.s32 $0x17F00, s14;
	v17 =	vor.u32 $0x8, v45;
	[tilespmem:s6+$0x0] =	vst v12  }
0x119: {  	s21 =	sor.u32 s22, s8;
	v9 =	vor.u32 $0x8, v44;
	v13 =	vld.idx.msk [tilespmem:v13+s11+$0x0], $0xffff;
	[tilespmem:s17+$0x16600] =	vst v14  }
0x11a: {  	s26 =	sor.u32 $0x380, s18;
	v12 =	vor.u32 $0x8, v0;
	v8 =	vld.idx.msk [tilespmem:v8+s11+$0x0], $0xffff;
	[tilespmem:s21+$0x0] =	vst v15  }
0x11b: {  	s30 =	sor.u32 $0x380, s19;
	v14 =	vor.u32 $0x17, v7;
	v16 =	vld.idx.msk [tilespmem:v16+s11+$0x0], $0xffff;
	[tilespmem:s26+$0x16600] =	vst v10  }
0x11c: {  	s16 =	sor.u32 $0x380, s20;
	v15 =	vor.u32 $0x18, v3;
	v6 =	vld.idx.msk [tilespmem:v6+s11+$0x0], $0xffff;
	[tilespmem:s30+$0x16600] =	vst v5  }
0x11d: {  	s17 =	sor.u32 s10, s5;
	v10 =	vld.idx.msk [tilespmem:v17+s11+$0x0], $0xffff;
	v5 =	vor.u32 $0x9, v63;
	[tilespmem:s16+$0x16600] =	vst v11  }
0x11e: {  	s18 =	sor.u32 s24, s5;
	s19 =	sadd.s32 $0x16E00, s4;
	v11 =	vor.u32 $0x1C, v4;
	v9 =	vld.idx.msk [tilespmem:v9+s11+$0x0], $0xffff;
	[tilespmem:s17+$0x0] =	vst v13  }
0x11f: {  	s20 =	sor.u32 s13, s19;
	s6 =	sadd.s32 $0x17F80, s14;
	v17 =	vor.u32 $0x9, v45;
	v12 =	vld.idx.msk [tilespmem:v12+s11+$0x0], $0xffff;
	[tilespmem:s18+$0x0] =	vst v8  }
0x120: {  	s21 =	sor.u32 s22, s6;
	v13 =	vor.u32 $0x9, v44;
	v8 =	vld.idx.msk [tilespmem:v14+s11+$0x0], $0xffff;
	[tilespmem:s20+$0x0] =	vst v16  }
0x121: {  	s26 =	sor.u32 s1, s19;
	v14 =	vor.u32 $0x9, v0;
	v15 =	vld.idx.msk [tilespmem:v15+s11+$0x0], $0xffff;
	[tilespmem:s21+$0x0] =	vst v6  }
0x122: {  	s30 =	sor.u32 s0, s19;
	v16 =	vor.u32 $0x18, v2;
	v5 =	vld.idx.msk [tilespmem:v5+s11+$0x0], $0xffff;
	[tilespmem:s26+$0x0] =	vst v10  }
0x123: {  	s16 =	sor.u32 s2, s19;
	v6 =	vor.u32 $0x18, v7;
	v10 =	vld.idx.msk [tilespmem:v11+s11+$0x0], $0xffff;
	[tilespmem:s30+$0x0] =	vst v9  }
0x124: {  	s5 =	sor.u32 s12, s5;
	v11 =	vld.idx.msk [tilespmem:v17+s11+$0x0], $0xffff;
	v9 =	vor.u32 $0xA, v63;
	[tilespmem:s16+$0x0] =	vst v12  }
0x125: {  	s17 =	sor.u32 s10, s3;
	s18 =	sadd.s32 $0x16E80, s4;
	v13 =	vld.idx.msk [tilespmem:v13+s11+$0x0], $0xffff;
	v12 =	vor.u32 $0x1D, v4;
	[tilespmem:s5+$0x0] =	vst v8  }
0x126: {  	s19 =	sor.u32 s13, s18;
	v17 =	vor.u32 $0xA, v45;
	v14 =	vld.idx.msk [tilespmem:v14+s11+$0x0], $0xffff;
	s5 =	sor.u32 $0x18000, s14;
	[tilespmem:s17+$0x0] =	vst v15  }
0x127: {  	v8 =	vor.u32 $0xA, v44;
	v15 =	vld.idx.msk [tilespmem:v16+s11+$0x0], $0xffff;
	s20 =	sor.u32 s22, s5;
	[tilespmem:s19+$0x0] =	vst v5  }
0x128: {  	s21 =	sor.u32 s1, s18;
	v16 =	vor.u32 $0xA, v0;
	v5 =	vld.idx.msk [tilespmem:v6+s11+$0x0], $0xffff;
	[tilespmem:s20+$0x0] =	vst v10  }
0x129: {  	s26 =	sor.u32 s0, s18;
	v6 =	vor.u32 $0x19, v3;
	v9 =	vld.idx.msk [tilespmem:v9+s11+$0x0], $0xffff;
	[tilespmem:s21+$0x0] =	vst v11  }
0x12a: {  	s16 =	sor.u32 s2, s18;
	v10 =	vor.u32 $0x19, v2;
	v11 =	vld.idx.msk [tilespmem:v12+s11+$0x0], $0xffff;
	[tilespmem:s26+$0x0] =	vst v13  }
0x12b: {  	s30 =	sor.u32 s24, s3;
	v12 =	vld.idx.msk [tilespmem:v17+s11+$0x0], $0xffff;
	v13 =	vor.u32 $0xB, v63;
	[tilespmem:s16+$0x0] =	vst v14  }
0x12c: {  	s18 =	sadd.s32 $0x16F00, s4;
	s17 =	sor.u32 s12, s3;
	v8 =	vld.idx.msk [tilespmem:v8+s11+$0x0], $0xffff;
	v14 =	vor.u32 $0x1E, v4;
	[tilespmem:s30+$0x0] =	vst v15  }
0x12d: {  	s3 =	sor.u32 $0x18080, s14;
	s19 =	sor.u32 s13, s18;
	v17 =	vor.u32 $0xB, v45;
	v16 =	vld.idx.msk [tilespmem:v16+s11+$0x0], $0xffff;
	[tilespmem:s17+$0x0] =	vst v5  }
0x12e: {  	s20 =	sor.u32 s22, s3;
	v15 =	vor.u32 $0xB, v44;
	v6 =	vld.idx.msk [tilespmem:v6+s11+$0x0], $0xffff;
	[tilespmem:s19+$0x0] =	vst v9  }
0x12f: {  	s21 =	sor.u32 s1, s18;
	v5 =	vor.u32 $0xB, v0;
	v9 =	vld.idx.msk [tilespmem:v10+s11+$0x0], $0xffff;
	[tilespmem:s20+$0x0] =	vst v11  }
0x130: {  	s26 =	sor.u32 s0, s18;
	v10 =	vor.u32 $0x19, v7;
	v13 =	vld.idx.msk [tilespmem:v13+s11+$0x0], $0xffff;
	[tilespmem:s21+$0x0] =	vst v12  }
0x131: {  	s30 =	sor.u32 s2, s18;
	v11 =	vor.u32 $0x1A, v3;
	v12 =	vld.idx.msk [tilespmem:v14+s11+$0x0], $0xffff;
	[tilespmem:s26+$0x0] =	vst v8  }
0x132: {  	s17 =	sor.u32 s10, s7;
	v14 =	vld.idx.msk [tilespmem:v17+s11+$0x0], $0xffff;
	v8 =	vor.u32 $0xC, v63;
	[tilespmem:s30+$0x0] =	vst v16  }
0x133: {  	v4 =	vor.u32 $0x1F, v4;
	s18 =	sor.u32 s24, s7;
	s19 =	sadd.s32 $0x16F80, s4;
	v15 =	vld.idx.msk [tilespmem:v15+s11+$0x0], $0xffff;
	[tilespmem:s17+$0x0] =	vst v6  }
0x134: {  	s16 =	sor.u32 $0x18100, s14;
	s20 =	sor.u32 s13, s19;
	v16 =	vor.u32 $0xC, v45;
	v5 =	vld.idx.msk [tilespmem:v5+s11+$0x0], $0xffff;
	[tilespmem:s18+$0x0] =	vst v9  }
0x135: {  	s21 =	sor.u32 s22, s16;
	v6 =	vor.u32 $0xC, v44;
	v9 =	vld.idx.msk [tilespmem:v10+s11+$0x0], $0xffff;
	[tilespmem:s20+$0x0] =	vst v13  }
0x136: {  	s26 =	sor.u32 s1, s19;
	v10 =	vor.u32 $0xC, v0;
	v11 =	vld.idx.msk [tilespmem:v11+s11+$0x0], $0xffff;
	[tilespmem:s21+$0x0] =	vst v12  }
0x137: {  	s30 =	sor.u32 s0, s19;
	v13 =	vor.u32 $0x1A, v2;
	v8 =	vld.idx.msk [tilespmem:v8+s11+$0x0], $0xffff;
	[tilespmem:s26+$0x0] =	vst v14  }
0x138: {  	s18 =	sor.u32 s2, s19;
	v12 =	vor.u32 $0x1A, v7;
	v4 =	vld.idx.msk [tilespmem:v4+s11+$0x0], $0xffff;
	[tilespmem:s30+$0x0] =	vst v15  }
0x139: {  	s7 =	sor.u32 s12, s7;
	v14 =	vld.idx.msk [tilespmem:v16+s11+$0x0], $0xffff;
	v15 =	vor.u32 $0xD, v63;
	[tilespmem:s18+$0x0] =	vst v5  }
0x13a: {  	s19 =	sor.u32 s10, s8;
	s20 =	sor.u32 $0x17000, s4;
	v16 =	vor.u32 $0x1B, v3;
	v6 =	vld.idx.msk [tilespmem:v6+s11+$0x0], $0xffff;
	[tilespmem:s7+$0x0] =	vst v9  }
0x13b: {  	s21 =	sor.u32 s13, s20;
	v5 =	vor.u32 $0xD, v45;
	v9 =	vld.idx.msk [tilespmem:v10+s11+$0x0], $0xffff;
	s7 =	sor.u32 $0x18180, s14;
	[tilespmem:s19+$0x0] =	vst v11  }
0x13c: {  	v10 =	vor.u32 $0xD, v44;
	v11 =	vld.idx.msk [tilespmem:v13+s11+$0x0], $0xffff;
	s26 =	sor.u32 s22, s7;
	[tilespmem:s21+$0x0] =	vst v8  }
0x13d: {  	s30 =	sor.u32 s1, s20;
	v13 =	vor.u32 $0xD, v0;
	v8 =	vld.idx.msk [tilespmem:v12+s11+$0x0], $0xffff;
	[tilespmem:s26+$0x0] =	vst v4  }
0x13e: {  	s18 =	sor.u32 s0, s20;
	v12 =	vor.u32 $0x1B, v2;
	v15 =	vld.idx.msk [tilespmem:v15+s11+$0x0], $0xffff;
	[tilespmem:s30+$0x0] =	vst v14  }
0x13f: {  	s19 =	sor.u32 s2, s20;
	v4 =	vor.u32 $0x1B, v7;
	v14 =	vld.idx.msk [tilespmem:v16+s11+$0x0], $0xffff;
	[tilespmem:s18+$0x0] =	vst v6  }
0x140: {  	s20 =	sor.u32 s24, s8;
	v5 =	vld.idx.msk [tilespmem:v5+s11+$0x0], $0xffff;
	v6 =	vor.u32 $0xE, v63;
	[tilespmem:s19+$0x0] =	vst v9  }
0x141: {  	v17 =	vor.u32 $0x1C, v3;
	s8 =	sor.u32 s12, s8;
	s21 =	sor.u32 $0x17080, s4;
	v10 =	vld.idx.msk [tilespmem:v10+s11+$0x0], $0xffff;
	[tilespmem:s20+$0x0] =	vst v11  }
0x142: {  	s22 =	sor.u32 s13, s21;
	v13 =	vld.idx.msk [tilespmem:v13+s11+$0x0], $0xffff;
	[tilespmem:s8+$0x0] =	vst v8  }
0x143: {  	s26 =	sor.u32 s10, s6;
	v11 =	vld.idx.msk [tilespmem:v12+s11+$0x0], $0xffff;
	[tilespmem:s22+$0x0] =	vst v15  }
0x144: {  	v27 =	vor.u32 $0x1F, v3;
	v20 =	vor.u32 $0x1D, v2;
	v22 =	vor.u32 $0xE, v45;
	s30 =	sor.u32 s1, s21;
	v4 =	vld.idx.msk [tilespmem:v4+s11+$0x0], $0xffff;
	[tilespmem:s26+$0x0] =	vst v14  }
0x145: {  	v29 =	vor.u32 $0x1E, v2;
	v19 =	vor.u32 $0x1D, v3;
	v1 =	vor.u32 $0x10, v0;
	v6 =	vld.idx.msk [tilespmem:v6+s11+$0x0], $0xffff;
	[tilespmem:s30+$0x0] =	vst v5  }
0x146: {  	v9 =	vor.u32 $0x1E, v3;
	v3 =	vor.u32 $0xE, v44;
	v5 =	vld.idx.msk [tilespmem:v17+s11+$0x0], $0xffff;
	[tilespmem:$0x1FF80] =	vst v1;
	v1 =	vor.u32 $0x11, v44  }
0x147: {  	v26 =	vor.u32 $0x1F, v2;
	v16 =	vor.u32 $0x1C, v2;
	v2 =	vor.u32 $0xE, v0;
	s17 =	sor.u32 s0, s21;
	[tilespmem:$0x1FF90] =	vst v1  }
0x148: {  	v1 =	vor.u32 $0x11, v0;
	[tilespmem:s17+$0x0] =	vst v10  }
0x149: {  	s18 =	sor.u32 s2, s21;
	v17 =	vld.idx.msk [tilespmem:v22+s11+$0x0], $0xffff;
	[tilespmem:$0x1FFA0] =	vst v1  }
0x14a: {  	s19 =	sor.u32 s24, s6;
	[tilespmem:s18+$0x0] =	vst v13  }
0x14b: {  	v1 =	vor.u32 $0x14, v44;
	v3 =	vld.idx.msk [tilespmem:v3+s11+$0x0], $0xffff;
	[tilespmem:s19+$0x0] =	vst v11  }
0x14c: {  	v18 =	vor.u32 $0x1C, v7;
	s6 =	sor.u32 s12, s6;
	v2 =	vld.idx.msk [tilespmem:v2+s11+$0x0], $0xffff;
	[tilespmem:$0x1FFB0] =	vst v1  }
0x14d: {  	v10 =	vor.u32 $0xF, v63;
	[tilespmem:s6+$0x0] =	vst v4;
	v4 =	vor.u32 $0x15, v45  }
0x14e: {  	v21 =	vor.u32 $0x1D, v7;
	v28 =	vor.u32 $0x1E, v7;
	s20 =	sor.u32 $0x17100, s4;
	v1 =	vor.u32 $0x14, v0;
	v11 =	vld.idx.msk [tilespmem:v16+s11+$0x0], $0xffff;
	[tilespmem:$0x1FFC0] =	vst v4  }
0x14f: {  	v25 =	vor.u32 $0x1F, v7;
	v23 =	vor.u32 $0x10, v44;
	v59 =	vor.u32 $0x12, v44;
	s21 =	sor.u32 s13, s20;
	[tilespmem:$0x1FFD0] =	vst v1  }
0x150: {  	v49 =	vor.u32 $0x13, v44;
	v58 =	vor.u32 $0x15, v44;
	v8 =	vor.u32 $0xF, v45;
	s22 =	sor.u32 s10, s5;
	[tilespmem:s21+$0x0] =	vst v6  }
0x151: {  	v53 =	vor.u32 $0x16, v44;
	v46 =	vor.u32 $0x17, v44;
	v7 =	vor.u32 $0xF, v44;
	s26 =	sor.u32 s1, s20;
	v4 =	vld.idx.msk [tilespmem:v18+s11+$0x0], $0xffff;
	[tilespmem:s22+$0x0] =	vst v5  }
0x152: {  	v41 =	vor.u32 $0x18, v44;
	v14 =	vor.u32 $0xF, v0;
	v1 =	vor.u32 $0x17, v0;
	[tilespmem:s26+$0x0] =	vst v17;
	v6 =	vld.idx.msk [tilespmem:v10+s11+$0x0], $0xffff  }
0x153: {  	v39 =	vor.u32 $0x19, v44;
	v34 =	vor.u32 $0x1A, v44;
	v32 =	vor.u32 $0x1B, v44;
	s30 =	sor.u32 s0, s20;
	v5 =	vld.idx.msk [tilespmem:v19+s11+$0x0], $0xffff;
	[tilespmem:$0x1FFE0] =	vst v1  }
0x154: {  	v51 =	vor.u32 $0x1E, v44;
	v61 =	vor.u32 $0x1F, v44;
	v55 =	vor.u32 $0x11, v45;
	s9 =	sor.u32 s2, s20;
	[tilespmem:s30+$0x0] =	vst v3  }
0x155: {  	v48 =	vor.u32 $0x12, v45;
	v57 =	vor.u32 $0x13, v45;
	v42 =	vor.u32 $0x14, v45;
	s14 =	sor.u32 s24, s5;
	v8 =	vld.idx.msk [tilespmem:v8+s11+$0x0], $0xffff;
	[tilespmem:s9+$0x0] =	vst v2  }
0x156: {  	v54 =	vor.u32 $0x16, v45;
	v47 =	vor.u32 $0x17, v45;
	s5 =	sor.u32 s12, s5;
	v10 =	vor.u32 $0x10, v63;
	v13 =	vld.idx.msk [tilespmem:v7+s11+$0x0], $0xffff;
	[tilespmem:s14+$0x0] =	vst v11  }
0x157: {  	v40 =	vor.u32 $0x18, v45;
	v38 =	vor.u32 $0x19, v45;
	v33 =	vor.u32 $0x1A, v45;
	v14 =	vld.idx.msk [tilespmem:v14+s11+$0x0], $0xffff;
	[tilespmem:s5+$0x0] =	vst v4  }
0x158: {  	v30 =	vor.u32 $0x1B, v45;
	v43 =	vor.u32 $0x1F, v45;
	v12 =	vor.u32 $0x10, v45;
	s17 =	sor.u32 $0x17180, s4;
	s21 =	sor.u32 $0x100, s23;
	v3 =	vld.idx.msk [tilespmem:v20+s11+$0x0], $0xffff;
	[dreg:$0x4] =	wrdreg s23  }
0x159: {  	v62 =	vor.u32 $0x12, v0;
	v56 =	vor.u32 $0x13, v0;
	v60 =	vor.u32 $0x15, v0;
	s20 =	sor.u32 s13, s17;
	[dreg:$0x3] =	wrdreg s21  }
0x15a: {  	v52 =	vor.u32 $0x16, v0;
	v37 =	vor.u32 $0x19, v0;
	v36 =	vor.u32 $0x1A, v0;
	s28 =	sor.u32 s24, s3;
	s22 =	sor.u32 s10, s3;
	[tilespmem:s20+$0x0] =	vst v6;
	v4 =	vld.idx.msk [tilespmem:v21+s11+$0x0], $0xffff  }
0x15b: {  	v31 =	vor.u32 $0x1B, v0;
	v50 =	vor.u32 $0x1E, v0;
	v35 =	vor.u32 $0x1F, v0;
	s29 =	sor.u32 s12, s3;
	s8 =	simm.s32 $0x4;
	s23 =	sor.u32 s1, s17;
	[tilespmem:s22+$0x0] =	vst v5;
	v6 =	vld.idx.msk [tilespmem:v10+s11+$0x0], $0xffff  }
0x15c: {  	v15 =	vor.u32 $0x18, v0;
	v22 =	vor.u32 $0x1C, v44;
	s19 =	sor.u32 s12, s16;
	s18 =	sor.u32 s24, s7;
	v16 =	vor.u32 $0x1E, v45;
	s26 =	sor.u32 s0, s17;
	[tilespmem:s23+$0x0] =	vst v8;
	v2 =	vld.idx.msk [tilespmem:v9+s11+$0x0], $0xffff  }
0x15d: {  	v17 =	vor.u32 $0x1D, v45;
	v18 =	vor.u32 $0x1D, v0;
	v19 =	vor.u32 $0x1D, v44;
	s9 =	sor.u32 s10, s16;
	s30 =	sor.u32 s2, s17;
	s5 =	sor.u32 s10, s7;
	[tilespmem:s26+$0x0] =	vst v13;
	v5 =	vld.idx.msk [tilespmem:v12+s11+$0x0], $0xffff  }
0x15e: {  	v20 =	vor.u32 $0x1C, v45;
	v21 =	vor.u32 $0x1C, v0;
	s20 =	sor.u32 s24, s16;
	s24 =	sor.u32 s12, s7;
	v8 =	vor.u32 $0x11, v63;
	s12 =	simm.s32 $0xB0;
	[tilespmem:s30+$0x0] =	vst v14;
	v0 =	vld.idx.msk [tilespmem:v23+s11+$0x0], $0xffff  }
.LBB2_3:
0x15f: {  	[tilespmem:$0x1FCC0] =	vst v38  }
0x160: {  	[tilespmem:$0x1FD20] =	vst v37  }
0x161: {  	[tilespmem:$0x1FD30] =	vst v33  }
0x162: {  	[tilespmem:$0x1FC80] =	vst v15  }
0x163: {  	[tilespmem:$0x1FD70] =	vst v34  }
0x164: {  	[tilespmem:$0x1FD80] =	vst v36  }
0x165: {  	[tilespmem:$0x1FDA0] =	vst v30  }
0x166: {  	[tilespmem:$0x1FE20] =	vst v20  }
0x167: {  	[tilespmem:$0x1FDE0] =	vst v32  }
0x168: {  	[tilespmem:$0x1FE00] =	vst v31;
	v1 =	vld [tilespmem:$0x1FF80]  }
0x169: {  	[tilespmem:$0x1FE70] =	vst v22;
	s3 =	sadd.s32 $0xFFFFFFD0, s12  }
0x16a: {  	[tilespmem:$0x1FE90] =	vst v21;
	s10 =	rddreg [dreg:$0x4];
	s7 =	sand.u32 $0x80, s3  }
0x16b: {  	s6 =	sadd.s32 $0x17600, s4;
	[tilespmem:s28+$0x0] =	vst v3;
	s14 =	sand.u32 $0x40, s3;
	s7 =	sadd.s32 s7, s10  }
0x16c: {  	[tilespmem:s9+$0x0] =	vst v2;
	s23 =	sor.u32 s13, s6;
	s22 =	sadd.s32 s14, s7;
	v10 =	vld.idx.msk [tilespmem:v29+s11+$0x0], $0xffff  }
0x16d: {  	s8 =	sadd.s32 $0x4, s8;
	s30 =	sadd.s32 $0xFFFFFFE0, s12;
	s26 =	sand.u32 $0x70, s12;
	[tilespmem:s23+$0x0] =	vst v6;
	v12 =	vld [tilespmem:s22+$0x0]  }
0x16e: {  	[tilespmem:$0x1FF00] =	vst v19;
	[dreg:$0xd] =	wrdreg s8;
	p2 =	slt.u32 s8, $0xC;
	s21 =	sadd.s32 s26, s7;
	v8 =	vld.idx.msk [tilespmem:v8+s11+$0x0], $0xffff  }
0x16f: {  	[tilespmem:$0x1FEB0] =	vst v17;
	s8 =	sadd.s32 $0xFFFFFFF0, s12;
	s17 =	sand.u32 $0x50, s30;
	v6 =	vmov s30;
	s30 =	sor.u32 s1, s6;
	v11 =	vld [tilespmem:s21+$0x0]  }
0x170: {  	s16 =	sand.u32 $0x60, s8;
	s23 =	sadd.s32 s17, s7;
	v2 =	vshll.u32 v6, $0x7;
	v6 =	vmov s8;
	[tilespmem:s30+$0x0] =	vst v5;
	s8 =	sor.u32 s0, s6;
	v9 =	vld.idx.msk [tilespmem:v1+s11+$0x0], $0xffff  }
0x171: {  	v13 =	vor.u32 $0x12, v63;
	v14 =	vld [tilespmem:s23+$0x0];
	[tilespmem:s8+$0x0] =	vst v0  }
0x172: {  	s9 =	sadd.s32 $0x17680, s4;
	v15 =	vld.idx.msk [tilespmem:v55+s11+$0x0], $0xffff;
	[tilespmem:s29+$0x0] =	vst v4;
	v1 =	vmov v50  }
0x173: {  	s7 =	sadd.s32 s16, s7;
	s22 =	sor.u32 s13, s9;
	[tilespmem:$0x1FC00] =	vst v1;
	v1 =	vld [tilespmem:$0x1FF90]  }
0x174: {  	v3 =	vmov s3;
	s6 =	sor.u32 s2, s6;
	v0 =	vmov s12;
	v5 =	vld [tilespmem:s7+$0x0];
	[tilespmem:s22+$0x0] =	vst v8  }
0x175: {  	v3 =	vshll.u32 v3, $0x7;
	v0 =	vshll.u32 v0, $0x7;
	v4 =	vld.idx.msk [tilespmem:v28+s11+$0x0], $0xffff;
	[tilespmem:s6+$0x0] =	vst v9;
	v9 =	vshll.u32 v11, $0x5  }
0x176: {  	[tilespmem:$0x1FF20] =	vst v18;
	v0 =	vor.u32 v24, v0;
	v8 =	vshll.u32 v12, $0x5;
	v12 =	vld.idx.msk [tilespmem:v13+s11+$0x0], $0xffff;
	v9 =	vand.u32 $0x60, v9  }
0x177: {  	[tilespmem:$0x1FF40] =	vst v16;
	s10 =	sor.u32 s1, s9;
	v3 =	vor.u32 v24, v3;
	v8 =	vand.u32 $0x60, v8;
	v55 =	vor.u32 v0, v9;
	v0 =	vld [tilespmem:$0x1FFA0]  }
0x178: {  	v7 =	vmov v51;
	v13 =	vld.idx.msk [tilespmem:v27+s11+$0x0], $0xffff;
	[tilespmem:s10+$0x0] =	vst v15;
	v45 =	vor.u32 v3, v8  }
0x179: {  	[tilespmem:$0x1FC20] =	vst v7;
	v18 =	vld.idx.msk [tilespmem:v48+s11+$0x0], $0xffff;
	v7 =	vshll.u32 v5, $0x5;
	v5 =	vmov v61  }
0x17a: {  	[tilespmem:$0x1FCD0] =	vst v5  }
0x17b: {  	v11 =	vld.idx.msk [tilespmem:v1+s11+$0x0], $0xffff;
	[tilespmem:s20+$0x0] =	vst v10;
	v10 =	vmov v43  }
0x17c: {  	s23 =	sadd.s32 $0x17700, s4;
	[tilespmem:$0x1FC30] =	vst v10;
	v3 =	vld.idx.msk [tilespmem:v26+s11+$0x0], $0xffff  }
0x17d: {  	s30 =	sor.u32 s1, s23;
	v26 =	vld.idx.msk [tilespmem:v45+s11+$0x0], $0xffff;
	[tilespmem:s5+$0x0] =	vst v13  }
0x17e: {  	s25 =	sadd.s32 $0x2, s25;
	p1 =	por !p1, !p1;
	s31 =	sadd.s32 $0x200, s31;
	v1 =	vshll.u32 v14, $0x5;
	[tilespmem:s30+$0x0] =	vst v18  }
0x17f: {  	[dreg:$0x9] =	wrdreg s25;
	s21 =	sor.u32 s0, s9;
	v2 =	vor.u32 v24, v2;
	s6 =	simm.s32 $0x1;
	v0 =	vld.idx.msk [tilespmem:v0+s11+$0x0], $0xffff;
	[tilespmem:s19+$0x0] =	vst v4;
	v4 =	vand.u32 $0x60, v1  }
0x180: {  	s8 =	sor.u32 s13, s23;
	s6 =	simm.s32 @!p1 $0x0;
	[tilespmem:s21+$0x0] =	vst v11;
	s21 =	sand.u32 $0x400, s31;
	v28 =	vor.u32 v2, v4  }
0x181: {  	v6 =	vshll.u32 v6, $0x7;
	s10 =	sand.u32 $0x3, s25;
	s6 =	sshll.u32 s6, $0x6;
	v23 =	vld.idx.msk [tilespmem:v55+s11+$0x0], $0xffff;
	[tilespmem:s8+$0x0] =	vst v12;
	v1 =	vmov v35;
	s25 =	sadd.s32 $0x16600, s21  }
0x182: {  	v6 =	vor.u32 v24, v6;
	v9 =	vor.u32 $0x13, v63;
	s19 =	sadd.s32 s6, s31;
	v2 =	vand.u32 $0x60, v7;
	[tilespmem:$0x1FC40] =	vst v1;
	s6 =	sor.u32 s14, s25  }
0x183: {  	s7 =	sor.u32 s2, s9;
	v15 =	vld.idx.msk [tilespmem:v25+s11+$0x0], $0xffff;
	v29 =	vor.u32 v6, v2;
	[tilespmem:s6+$0x0] =	vst v26  }
0x184: {  	[tilespmem:s7+$0x0] =	vst v0  }
0x185: {  	v0 =	vor.u32 $0x7, v28;
	v61 =	vld.idx.msk [tilespmem:v28+s11+$0x0], $0xffff;
	[tilespmem:s18+$0x0] =	vst v3  }
0x186: {  	v4 =	vor.u32 $0x1, v45;
	s7 =	sor.u32 s26, s25;
	[tilespmem:$0x1FC10] =	vst v0  }
0x187: {  	v31 =	vor.u32 $0x1, v55;
	v9 =	vld.idx.msk [tilespmem:v9+s11+$0x0], $0xffff;
	[tilespmem:s7+$0x0] =	vst v23  }
0x188: {  	v0 =	vor.u32 $0x9, v45;
	v50 =	vld.idx.msk [tilespmem:v29+s11+$0x0], $0xffff;
	[tilespmem:s24+$0x0] =	vst v15  }
0x189: {  	[tilespmem:$0x1FC50] =	vst v0;
	v0 =	vor.u32 $0x9, v28  }
0x18a: {  	s24 =	sadd.s32 $0x17780, s4;
	[tilespmem:$0x1FC60] =	vst v0;
	v0 =	vor.u32 $0x9, v29  }
0x18b: {  	v51 =	vld.idx.msk [tilespmem:v4+s11+$0x0], $0xffff;
	s30 =	sor.u32 s13, s24;
	[tilespmem:$0x1FC70] =	vst v0  }
0x18c: {  	v31 =	vld.idx.msk [tilespmem:v31+s11+$0x0], $0xffff;
	[tilespmem:s30+$0x0] =	vst v9;
	v0 =	vor.u32 $0xA, v45  }
0x18d: {  	[tilespmem:$0x1FC90] =	vst v0;
	v0 =	vor.u32 $0xA, v28  }
0x18e: {  	s8 =	sor.u32 s17, s25;
	v16 =	vor.u32 $0x1, v28;
	v7 =	vld.idx.msk [tilespmem:v59+s11+$0x0], $0xffff;
	[tilespmem:$0x1FCA0] =	vst v0  }
0x18f: {  	s3 =	sshll.u32 s10, $0x5;
	v43 =	vor.u32 $0x14, v63;
	v23 =	vld.idx.msk [tilespmem:v62+s11+$0x0], $0xffff;
	[tilespmem:s8+$0x0] =	vst v61  }
0x190: {  	s22 =	sor.u32 s2, s23;
	s3 =	sadd.s32 s31, s3;
	v62 =	vld.idx.msk [tilespmem:v57+s11+$0x0], $0xffff;
	v0 =	vor.u32 $0xA, v29;
	[tilespmem:s6+$0x80] =	vst v51  }
0x191: {  	s20 =	sor.u32 s0, s23;
	s23 =	sadd.s32 $0x20, s3;
	s3 =	sor.u32 s16, s25;
	v17 =	vor.u32 $0x1, v29;
	[tilespmem:$0x1FCB0] =	vst v0  }
0x192: {  	v14 =	vor.u32 $0x2, v45;
	[tilespmem:s3+$0x0] =	vst v50  }
0x193: {  	v16 =	vld.idx.msk [tilespmem:v16+s11+$0x0], $0xffff;
	[tilespmem:s20+$0x0] =	vst v7  }
0x194: {  	v26 =	vld.idx.msk [tilespmem:v43+s11+$0x0], $0xffff;
	v0 =	vor.u32 $0xB, v45;
	[tilespmem:s7+$0x80] =	vst v31  }
0x195: {  	v59 =	vor.u32 $0x2, v55;
	[tilespmem:$0x1FCE0] =	vst v0  }
0x196: {  	s30 =	sor.u32 s1, s24;
	v17 =	vld.idx.msk [tilespmem:v17+s11+$0x0], $0xffff;
	[tilespmem:s22+$0x0] =	vst v23  }
0x197: {  	v14 =	vld.idx.msk [tilespmem:v14+s11+$0x0], $0xffff;
	v0 =	vor.u32 $0xB, v28;
	[tilespmem:s30+$0x0] =	vst v62  }
0x198: {  	s5 =	sor.u32 s0, s24;
	s10 =	sor.u32 s2, s24;
	s24 =	sor.u32 $0x17800, s4;
	[tilespmem:$0x1FCF0] =	vst v0;
	v0 =	vor.u32 $0xC, v45  }
0x199: {  	s28 =	sor.u32 s13, s24;
	[tilespmem:$0x1FD40] =	vst v0  }
0x19a: {  	v31 =	vld.idx.msk [tilespmem:v59+s11+$0x0], $0xffff;
	v0 =	vor.u32 $0xB, v29;
	[tilespmem:s28+$0x0] =	vst v26  }
0x19b: {  	[tilespmem:$0x1FD10] =	vst v0;
	v0 =	vor.u32 $0xD, v45  }
0x19c: {  	v2 =	vor.u32 $0x2, v28;
	v23 =	vld.idx.msk [tilespmem:v49+s11+$0x0], $0xffff;
	[tilespmem:$0x1FDB0] =	vst v0  }
0x19d: {  	v61 =	vor.u32 $0x15, v63;
	[tilespmem:s8+$0x80] =	vst v16  }
0x19e: {  	v57 =	vld.idx.msk [tilespmem:v42+s11+$0x0], $0xffff;
	v0 =	vor.u32 $0xC, v28;
	[tilespmem:s6+$0x100] =	vst v14  }
0x19f: {  	v1 =	vor.u32 $0x3, v45;
	[tilespmem:$0x1FD50] =	vst v0  }
0x1a0: {  	[tilespmem:s3+$0x80] =	vst v17  }
0x1a1: {  	v2 =	vld.idx.msk [tilespmem:v2+s11+$0x0], $0xffff;
	[tilespmem:s5+$0x0] =	vst v23  }
0x1a2: {  	v26 =	vld.idx.msk [tilespmem:v61+s11+$0x0], $0xffff;
	v0 =	vor.u32 $0xC, v29;
	[tilespmem:s7+$0x100] =	vst v31  }
0x1a3: {  	v43 =	vor.u32 $0x14, v45;
	s22 =	sor.u32 s1, s24;
	[tilespmem:$0x1FD60] =	vst v0  }
0x1a4: {  	v12 =	vmov v43;
	v43 =	vld.idx.msk [tilespmem:v1+s11+$0x0], $0xffff;
	v0 =	vor.u32 $0xE, v45;
	[tilespmem:s22+$0x0] =	vst v57  }
0x1a5: {  	[tilespmem:$0x1FE40] =	vst v0;
	v0 =	vor.u32 $0xD, v28  }
0x1a6: {  	[tilespmem:$0x1FDC0] =	vst v0;
	v0 =	vor.u32 $0xD, v29  }
0x1a7: {  	[tilespmem:$0x1FDD0] =	vst v0;
	v0 =	vor.u32 $0xF, v45  }
0x1a8: {  	[tilespmem:$0x1FED0] =	vst v0;
	v0 =	vor.u32 $0xE, v28  }
0x1a9: {  	[tilespmem:$0x1FE50] =	vst v0;
	v0 =	vor.u32 $0xE, v29  }
0x1aa: {  	[tilespmem:$0x1FE60] =	vst v0;
	v0 =	vor.u32 $0x10, v45  }
0x1ab: {  	v11 =	vor.u32 $0x2, v29;
	[tilespmem:$0x1FF60] =	vst v0;
	v0 =	vor.u32 $0xF, v28  }
0x1ac: {  	[tilespmem:$0x1FEE0] =	vst v0;
	v0 =	vor.u32 $0xF, v29  }
0x1ad: {  	[tilespmem:$0x1FEF0] =	vst v0;
	v0 =	vor.u32 $0x11, v45  }
0x1ae: {  	[tilespmem:$0x1FD00] =	vst v0;
	v0 =	vor.u32 $0x10, v28  }
0x1af: {  	[tilespmem:$0x1FF70] =	vst v0;
	v0 =	vor.u32 $0x10, v29  }
0x1b0: {  	v11 =	vld.idx.msk [tilespmem:v11+s11+$0x0], $0xffff;
	[tilespmem:$0x1FF80] =	vst v0;
	v0 =	vor.u32 $0x11, v28  }
0x1b1: {  	v16 =	vor.u32 $0x3, v55;
	[tilespmem:$0x1FF90] =	vst v0;
	v0 =	vor.u32 $0x11, v29  }
0x1b2: {  	[tilespmem:$0x1FFA0] =	vst v0;
	v0 =	vor.u32 $0x12, v28  }
0x1b3: {  	v10 =	vor.u32 $0x3, v29;
	v50 =	vld.idx.msk [tilespmem:v56+s11+$0x0], $0xffff;
	[tilespmem:$0x1FEC0] =	vst v0;
	v0 =	vor.u32 $0x13, v45  }
0x1b4: {  	v6 =	vor.u32 $0x3, v28;
	[tilespmem:s8+$0x100] =	vst v2  }
0x1b5: {  	v17 =	vor.u32 $0x16, v63;
	[tilespmem:s3+$0x100] =	vst v11  }
0x1b6: {  	[dreg:$0xf] =	wrdreg s26;
	s26 =	sor.u32 $0x300, s23;
	v11 =	vor.u32 $0x1A, v29;
	[tilespmem:$0x1FDF0] =	vst v0;
	v0 =	vmov v58;
	v58 =	vld.idx.msk [tilespmem:v16+s11+$0x0], $0xffff  }
0x1b7: {  	[dreg:$0x11] =	wrdreg s26;
	s26 =	sor.u32 $0x17880, s4;
	[tilespmem:$0x1FD90] =	vst v11;
	v11 =	vld [tilespmem:$0x1FFB0]  }
0x1b8: {  	s5 =	sor.u32 s13, s26;
	v61 =	vld.idx.msk [tilespmem:v10+s11+$0x0], $0xffff;
	[tilespmem:s10+$0x0] =	vst v50;
	v50 =	vor.u32 $0x1B, v29  }
0x1b9: {  	v48 =	vor.u32 $0x4, v45;
	v44 =	vor.u32 $0x4, v28;
	v33 =	vor.u32 $0x5, v28;
	v6 =	vld.idx.msk [tilespmem:v6+s11+$0x0], $0xffff;
	[tilespmem:s5+$0x0] =	vst v26  }
0x1ba: {  	v25 =	vor.u32 $0x6, v28;
	v19 =	vor.u32 $0x8, v28;
	v51 =	vor.u32 $0x14, v29;
	[tilespmem:$0x1FE10] =	vst v50;
	v42 =	vld.idx.msk [tilespmem:v17+s11+$0x0], $0xffff  }
0x1bb: {  	v13 =	vmovc v40;
	v40 =	vor.u32 $0x16, v28;
	v38 =	vor.u32 $0x17, v28;
	v50 =	vmovc v51;
	v51 =	vor.u32 $0x1C, v28;
	[tilespmem:s7+$0x180] =	vst v58;
	v58 =	vld [tilespmem:$0x1FFD0]  }
0x1bc: {  	v34 =	vor.u32 $0x18, v28;
	v35 =	vor.u32 $0x4, v29;
	[tilespmem:$0x1FE80] =	vst v51;
	v51 =	vor.u32 $0x1D, v28  }
0x1bd: {  	v32 =	vor.u32 $0x5, v29;
	v59 =	vor.u32 $0x4, v55;
	[tilespmem:$0x1FF10] =	vst v51;
	v51 =	vor.u32 $0x1E, v45  }
0x1be: {  	v24 =	vor.u32 $0x6, v29;
	v21 =	vor.u32 $0x7, v29;
	v18 =	vor.u32 $0x8, v29;
	[tilespmem:$0x1FF50] =	vst v51  }
0x1bf: {  	v5 =	vor.u32 $0x12, v29;
	v37 =	vor.u32 $0x17, v29;
	v4 =	vor.u32 $0x13, v29;
	s20 =	sor.u32 s2, s26;
	v2 =	vmovc v47;
	v47 =	vld.idx.msk [tilespmem:v11+s11+$0x0], $0xffff;
	[tilespmem:s8+$0x180] =	vst v6  }
0x1c0: {  	v15 =	vmovc v41;
	v41 =	vor.u32 $0x16, v29;
	v9 =	vor.u32 $0x13, v28;
	s30 =	sor.u32 s1, s26;
	s28 =	sor.u32 s0, s26;
	s26 =	sor.u32 $0x17900, s4;
	[tilespmem:$0x1FFD0] =	vst v50;
	v50 =	vor.u32 $0x1C, v45  }
0x1c1: {  	v49 =	vmovc v46;
	v46 =	vor.u32 $0x14, v28;
	v62 =	vmovc v54;
	v54 =	vor.u32 $0x15, v28;
	v31 =	vor.u32 $0x18, v29;
	v44 =	vld.idx.msk [tilespmem:v44+s11+$0x0], $0xffff;
	s5 =	sor.u32 s13, s26;
	[tilespmem:$0x1FE30] =	vst v50  }
0x1c2: {  	v1 =	vmovc v60;
	v60 =	vor.u32 $0x17, v63;
	v23 =	vor.u32 $0x19, v28;
	v56 =	vor.u32 $0x15, v29;
	v11 =	vmovc v46;
	s7 =	rddreg [dreg:$0x7];
	v46 =	vld.idx.msk [tilespmem:v59+s11+$0x0], $0xffff;
	[tilespmem:s5+$0x0] =	vst v42  }
0x1c3: {  	s9 =	sor.u32 $0x300, s19;
	v57 =	vor.u32 $0x1B, v28;
	s22 =	sor.u32 s0, s26;
	v51 =	vor.u32 $0x1E, v28;
	v50 =	vor.u32 $0x1C, v29;
	s5 =	sadd.s32 $0x4, s7;
	v58 =	vld.idx.msk [tilespmem:v58+s11+$0x0], $0xffff;
	[tilespmem:s3+$0x180] =	vst v61  }
0x1c4: {  	s25 =	sor.u32 s2, s26;
	s10 =	sor.u32 s1, s26;
	v17 =	vor.u32 $0x1A, v28;
	[tilespmem:$0x1FEA0] =	vst v50;
	s26 =	sand.u32 $0x7, s5;
	v50 =	vor.u32 $0x1D, v29;
	v61 =	vor.u32 $0x1F, v28;
	v28 =	vld.idx.msk [tilespmem:v35+s11+$0x0], $0xffff  }
0x1c5: {  	s18 =	sor.u32 $0x200, s19;
	v10 =	vor.u32 $0x19, v29;
	[dreg:$0x7] =	wrdreg s5;
	[tilespmem:$0x1FF30] =	vst v50;
	s5 =	sshll.u32 s26, $0x4;
	v50 =	vor.u32 $0x1E, v29;
	v35 =	vor.u32 $0x1F, v29;
	v29 =	vld [tilespmem:$0x1FFC0]  }
0x1c6: {  	v30 =	vor.u32 $0x5, v45;
	v27 =	vor.u32 $0x6, v45;
	s19 =	sor.u32 $0x200, s23;
	s23 =	sor.u32 s0, s24;
	[tilespmem:s6+$0x180] =	vst v43;
	s6 =	sadd.s32 s31, s5  }
0x1c7: {  	v22 =	vor.u32 $0x7, v45;
	v20 =	vor.u32 $0x8, v45;
	v7 =	vor.u32 $0x15, v45;
	v48 =	vld.idx.msk [tilespmem:v48+s11+$0x0], $0xffff;
	[tilespmem:s23+$0x0] =	vst v47;
	s7 =	sadd.s32 $0x10, s6  }
0x1c8: {  	v36 =	vor.u32 $0x18, v45;
	v8 =	vmovc v52;
	v52 =	vmovc v53;
	v53 =	vor.u32 $0x16, v45;
	[tilespmem:$0x1FFB0] =	vst v11;
	v42 =	vmov v7;
	v7 =	vld.idx.msk [tilespmem:v0+s11+$0x0], $0xffff;
	s23 =	sor.u32 $0x200, s7  }
0x1c9: {  	v3 =	vor.u32 $0x12, v45;
	s24 =	sor.u32 s2, s24;
	v14 =	vmovc v39;
	v39 =	vor.u32 $0x17, v45;
	v6 =	vor.u32 $0x5, v55;
	v0 =	vld [tilespmem:$0x1FC10];
	[tilespmem:s23+$0x16600] =	vst v44  }
0x1ca: {  	v43 =	vor.u32 $0x1F, v45;
	v11 =	vor.u32 $0x1B, v45;
	v26 =	vor.u32 $0x19, v45;
	v60 =	vld.idx.msk [tilespmem:v60+s11+$0x0], $0xffff;
	s6 =	sadd.s32 $0x30, s6;
	[tilespmem:s24+$0x0] =	vst v58  }
0x1cb: {  	v16 =	vor.u32 $0x1A, v45;
	v59 =	vor.u32 $0x1D, v45;
	v45 =	vor.u32 $0x18, v63;
	s8 =	sor.u32 $0x200, s6;
	v33 =	vld.idx.msk [tilespmem:v33+s11+$0x0], $0xffff;
	[tilespmem:s19+$0x16600] =	vst v28  }
0x1cc: {  	[tilespmem:s8+$0x16600] =	vst v46;
	v32 =	vld.idx.msk [tilespmem:v32+s11+$0x0], $0xffff  }
0x1cd: {  	s29 =	rddreg [dreg:$0xb];
	s26 =	sor.u32 $0x17980, s4;
	[tilespmem:s28+$0x0] =	vst v7;
	v29 =	vld.idx.msk [tilespmem:v29+s11+$0x0], $0xffff  }
0x1ce: {  	s29 =	sadd.s32 $0x240, s29;
	v6 =	vld.idx.msk [tilespmem:v6+s11+$0x0], $0xffff;
	s24 =	sor.u32 s13, s26;
	[tilespmem:s18+$0x16600] =	vst v48  }
0x1cf: {  	s28 =	sadd.s32 $0xFFFFFFF0, s29;
	[tilespmem:s24+$0x0] =	vst v60;
	v30 =	vld.idx.msk [tilespmem:v30+s11+$0x0], $0xffff  }
0x1d0: {  	[dreg:$0x5] =	wrdreg s31;
	s31 =	sor.u32 $0x280, s28;
	v45 =	vld.idx.msk [tilespmem:v45+s11+$0x0], $0xffff  }
0x1d1: {  	s5 =	sor.u32 s0, s26;
	s8 =	sor.u32 s1, s26;
	v7 =	vld.idx.msk [tilespmem:v1+s11+$0x0], $0xffff;
	[tilespmem:s31+$0x16600] =	vst v32  }
0x1d2: {  	s3 =	sor.u32 $0x300, s7;
	v1 =	vld [tilespmem:$0x1FFE0];
	s18 =	sadd.s32 $0xFFFFFFD0, s29;
	[tilespmem:s30+$0x0] =	vst v29;
	s30 =	sor.u32 $0x280, s29  }
0x1d3: {  	v44 =	vor.u32 $0x6, v55;
	s7 =	sor.u32 s2, s26;
	s24 =	sadd.s32 $0xFFFFFFE0, s29;
	s26 =	sor.u32 $0x280, s18;
	v24 =	vld.idx.msk [tilespmem:v24+s11+$0x0], $0xffff;
	[tilespmem:s30+$0x16600] =	vst v6  }
0x1d4: {  	v6 =	vld.idx.msk [tilespmem:v62+s11+$0x0], $0xffff;
	s30 =	sor.u32 $0x280, s24;
	[tilespmem:s26+$0x16600] =	vst v30  }
0x1d5: {  	v28 =	vor.u32 $0x19, v63;
	v27 =	vld.idx.msk [tilespmem:v27+s11+$0x0], $0xffff;
	[tilespmem:s30+$0x16600] =	vst v33  }
0x1d6: {  	s23 =	sadd.s32 $0x17E00, s4;
	[tilespmem:s20+$0x0] =	vst v7;
	v25 =	vld.idx.msk [tilespmem:v25+s11+$0x0], $0xffff  }
0x1d7: {  	s19 =	sor.u32 s13, s23;
	v7 =	vld.idx.msk [tilespmem:v8+s11+$0x0], $0xffff  }
0x1d8: {  	v29 =	vld.idx.msk [tilespmem:v44+s11+$0x0], $0xffff;
	[tilespmem:s19+$0x0] =	vst v45  }
0x1d9: {  	[tilespmem:s10+$0x0] =	vst v6;
	v6 =	vld.idx.msk [tilespmem:v52+s11+$0x0], $0xffff  }
0x1da: {  	v30 =	vor.u32 $0x7, v55;
	v28 =	vld.idx.msk [tilespmem:v28+s11+$0x0], $0xffff;
	[tilespmem:s9+$0x16600] =	vst v27  }
0x1db: {  	s9 =	rddreg [dreg:$0x11];
	v22 =	vld.idx.msk [tilespmem:v22+s11+$0x0], $0xffff;
	[tilespmem:s3+$0x16600] =	vst v25  }
0x1dc: {  	v47 =	vor.u32 $0x1A, v63;
	s6 =	sor.u32 $0x300, s6;
	[tilespmem:s9+$0x16600] =	vst v24;
	v0 =	vld.idx.msk [tilespmem:v0+s11+$0x0], $0xffff  }
0x1dd: {  	s10 =	sadd.s32 $0x17E80, s4;
	[tilespmem:s6+$0x16600] =	vst v29;
	v21 =	vld.idx.msk [tilespmem:v21+s11+$0x0], $0xffff  }
0x1de: {  	s6 =	sor.u32 s13, s10;
	[tilespmem:s22+$0x0] =	vst v6;
	v6 =	vld.idx.msk [tilespmem:v2+s11+$0x0], $0xffff  }
0x1df: {  	v29 =	vld.idx.msk [tilespmem:v30+s11+$0x0], $0xffff;
	[tilespmem:s6+$0x0] =	vst v28  }
0x1e0: {  	s19 =	sor.u32 $0x380, s18;
	[tilespmem:s25+$0x0] =	vst v7  }
0x1e1: {  	s28 =	sor.u32 $0x380, s28;
	v27 =	vld.idx.msk [tilespmem:v47+s11+$0x0], $0xffff;
	[tilespmem:s19+$0x16600] =	vst v22  }
0x1e2: {  	v20 =	vld.idx.msk [tilespmem:v20+s11+$0x0], $0xffff;
	[tilespmem:s28+$0x16600] =	vst v21  }
0x1e3: {  	v25 =	vor.u32 $0x8, v55;
	[tilespmem:s8+$0x0] =	vst v6;
	v6 =	vld.idx.msk [tilespmem:v1+s11+$0x0], $0xffff;
	v1 =	vmov v37  }
0x1e4: {  	[tilespmem:$0x1FFE0] =	vst v1;
	v1 =	vld [tilespmem:$0x1FC50]  }
0x1e5: {  	v7 =	vld.idx.msk [tilespmem:v49+s11+$0x0], $0xffff  }
0x1e6: {  	s6 =	sor.u32 $0x380, s29;
	s9 =	sadd.s32 $0x17F00, s4  }
0x1e7: {  	s25 =	sor.u32 s13, s9;
	[tilespmem:s6+$0x16600] =	vst v29  }
0x1e8: {  	s26 =	sor.u32 $0x380, s24;
	v25 =	vld.idx.msk [tilespmem:v25+s11+$0x0], $0xffff;
	[tilespmem:s25+$0x0] =	vst v27  }
0x1e9: {  	[tilespmem:s26+$0x16600] =	vst v0;
	s25 =	sadd.s32 $0x16E00, s21  }
0x1ea: {  	v19 =	vld.idx.msk [tilespmem:v19+s11+$0x0], $0xffff;
	s8 =	sor.u32 s14, s25;
	[tilespmem:s5+$0x0] =	vst v7  }
0x1eb: {  	v7 =	vld.idx.msk [tilespmem:v13+s11+$0x0], $0xffff;
	[tilespmem:s8+$0x0] =	vst v20  }
0x1ec: {  	v48 =	vmov v3;
	v3 =	vld.idx.msk [tilespmem:v1+s11+$0x0], $0xffff  }
0x1ed: {  	v1 =	vld [tilespmem:$0x1FC60];
	_ =	sdelay $0x5  }
0x1ee: {  	s5 =	sor.u32 s17, s25  }
0x1ef: {  	[tilespmem:s5+$0x0] =	vst v19  }
0x1f0: {  	v13 =	vld.idx.msk [tilespmem:v1+s11+$0x0], $0xffff  }
0x1f1: {  	v1 =	vld [tilespmem:$0x1FC70];
	_ =	sdelay $0x1  }
0x1f2: {  	v24 =	vor.u32 $0x1B, v63;
	v18 =	vld.idx.msk [tilespmem:v18+s11+$0x0], $0xffff;
	_ =	sdelay $0x2  }
0x1f3: {  	s31 =	sor.u32 s1, s9;
	s22 =	sor.u32 s0, s9  }
0x1f4: {  	[dreg:$0x15] =	wrdreg s22;
	s22 =	sor.u32 s2, s9;
	s9 =	sor.u32 s16, s25  }
0x1f5: {  	v22 =	vld.idx.msk [tilespmem:v24+s11+$0x0], $0xffff;
	[tilespmem:s9+$0x0] =	vst v18  }
0x1f6: {  	[tilespmem:$0x1FFC0] =	vst v42;
	v42 =	vmov v12;
	s24 =	sor.u32 s0, s23;
	v12 =	vld.idx.msk [tilespmem:v1+s11+$0x0], $0xffff  }
0x1f7: {  	s30 =	sor.u32 s1, s23;
	s18 =	sor.u32 s2, s23;
	s23 =	sor.u32 s1, s10;
	v0 =	vor.u32 $0x9, v55;
	v1 =	vld [tilespmem:$0x1FC90]  }
0x1f8: {  	s20 =	sor.u32 s0, s10;
	s10 =	sor.u32 s2, s10;
	s3 =	smov.u32 s2  }
0x1f9: {  	s2 =	smov.u32 s0;
	s0 =	smov.u32 s1;
	s1 =	rddreg [dreg:$0xf];
	v21 =	vor.u32 $0x1C, v63  }
0x1fa: {  	s6 =	sadd.s32 $0x17F80, s4;
	s26 =	sor.u32 s1, s25  }
0x1fb: {  	s19 =	sor.u32 s13, s6;
	[tilespmem:s26+$0x0] =	vst v25  }
0x1fc: {  	v0 =	vld.idx.msk [tilespmem:v0+s11+$0x0], $0xffff;
	[tilespmem:s19+$0x0] =	vst v22;
	s19 =	sadd.s32 $0x16E80, s21  }
0x1fd: {  	s9 =	sor.u32 s14, s19;
	[tilespmem:s30+$0x0] =	vst v7  }
0x1fe: {  	v20 =	vld.idx.msk [tilespmem:v21+s11+$0x0], $0xffff;
	[tilespmem:s9+$0x0] =	vst v3  }
0x1ff: {  	v49 =	vmov v9;
	v9 =	vld.idx.msk [tilespmem:v1+s11+$0x0], $0xffff  }
0x200: {  	v19 =	vor.u32 $0xA, v55;
	v1 =	vld [tilespmem:$0x1FCA0]  }
0x201: {  	v18 =	vor.u32 $0x1D, v63  }
0x202: {  	[dreg:$0x13] =	wrdreg s22;
	s22 =	sor.u32 s3, s6  }
0x203: {  	[dreg:$0x16] =	wrdreg s22;
	s22 =	sor.u32 s1, s19;
	s30 =	sor.u32 $0x18000, s4  }
0x204: {  	[dreg:$0xb] =	wrdreg s29;
	[tilespmem:s22+$0x0] =	vst v0;
	v0 =	vld [tilespmem:$0x1FC80];
	s29 =	sor.u32 s13, s30  }
0x205: {  	v7 =	vld.idx.msk [tilespmem:v19+s11+$0x0], $0xffff;
	[tilespmem:s29+$0x0] =	vst v20  }
0x206: {  	s25 =	sor.u32 s0, s6;
	s26 =	sor.u32 s2, s6;
	s6 =	sor.u32 s17, s19;
	v3 =	vld.idx.msk [tilespmem:v18+s11+$0x0], $0xffff;
	[tilespmem:s7+$0x0] =	vst v6  }
0x207: {  	v6 =	vld.idx.msk [tilespmem:v15+s11+$0x0], $0xffff;
	[tilespmem:s6+$0x0] =	vst v13  }
0x208: {  	v18 =	vld.idx.msk [tilespmem:v1+s11+$0x0], $0xffff  }
0x209: {  	v1 =	vld [tilespmem:$0x1FCB0];
	_ =	sdelay $0x5  }
0x20a: {  	s5 =	sor.u32 s16, s19  }
0x20b: {  	v0 =	vld.idx.msk [tilespmem:v0+s11+$0x0], $0xffff;
	[tilespmem:s5+$0x0] =	vst v12  }
0x20c: {  	v19 =	vld.idx.msk [tilespmem:v1+s11+$0x0], $0xffff  }
0x20d: {  	v1 =	vld [tilespmem:$0x1FCC0];
	_ =	sdelay $0x7  }
0x20e: {  	[tilespmem:s24+$0x0] =	vst v6;
	v6 =	vld.idx.msk [tilespmem:v1+s11+$0x0], $0xffff  }
0x20f: {  	v1 =	vld [tilespmem:$0x1FCE0];
	_ =	sdelay $0x4  }
0x210: {  	s19 =	sadd.s32 $0x16F00, s21  }
0x211: {  	s9 =	sor.u32 s14, s19  }
0x212: {  	[tilespmem:s9+$0x0] =	vst v9  }
0x213: {  	v60 =	vmov v56;
	v56 =	vmov v4;
	v4 =	vld.idx.msk [tilespmem:v1+s11+$0x0], $0xffff  }
0x214: {  	v13 =	vor.u32 $0xB, v55;
	v1 =	vld [tilespmem:$0x1FCF0]  }
0x215: {  	v12 =	vor.u32 $0x1E, v63;
	_ =	sdelay $0x1  }
0x216: {  	s22 =	sor.u32 s1, s19;
	s29 =	sor.u32 $0x18080, s4  }
0x217: {  	[tilespmem:s22+$0x0] =	vst v7;
	s6 =	sor.u32 s13, s29  }
0x218: {  	v7 =	vld.idx.msk [tilespmem:v13+s11+$0x0], $0xffff;
	[tilespmem:s6+$0x0] =	vst v3  }
0x219: {  	v3 =	vld.idx.msk [tilespmem:v12+s11+$0x0], $0xffff;
	s24 =	sor.u32 s17, s19;
	[tilespmem:s18+$0x0] =	vst v0  }
0x21a: {  	v0 =	vld.idx.msk [tilespmem:v14+s11+$0x0], $0xffff;
	[tilespmem:s24+$0x0] =	vst v18  }
0x21b: {  	v12 =	vld.idx.msk [tilespmem:v1+s11+$0x0], $0xffff  }
0x21c: {  	v1 =	vld [tilespmem:$0x1FD10];
	_ =	sdelay $0x5  }
0x21d: {  	s5 =	sor.u32 s16, s19  }
0x21e: {  	[tilespmem:s5+$0x0] =	vst v19  }
0x21f: {  	v18 =	vld.idx.msk [tilespmem:v1+s11+$0x0], $0xffff  }
0x220: {  	v1 =	vld [tilespmem:$0x1FD30];
	_ =	sdelay $0x6  }
0x221: {  	[tilespmem:s23+$0x0] =	vst v6  }
0x222: {  	v6 =	vld.idx.msk [tilespmem:v1+s11+$0x0], $0xffff  }
0x223: {  	v1 =	vld [tilespmem:$0x1FD40];
	_ =	sdelay $0x4  }
0x224: {  	s9 =	sadd.s32 $0x16F80, s21  }
0x225: {  	s18 =	sor.u32 s14, s9  }
0x226: {  	[tilespmem:s18+$0x0] =	vst v4  }
0x227: {  	v4 =	vld.idx.msk [tilespmem:v1+s11+$0x0], $0xffff  }
0x228: {  	v1 =	vld [tilespmem:$0x1FD50];
	_ =	sdelay $0x5  }
0x229: {  	[tilespmem:s20+$0x0] =	vst v0;
	s20 =	sor.u32 s17, s9  }
0x22a: {  	v0 =	vld [tilespmem:$0x1FD20];
	[tilespmem:s20+$0x0] =	vst v12  }
0x22b: {  	v12 =	vld.idx.msk [tilespmem:v1+s11+$0x0], $0xffff  }
0x22c: {  	v9 =	vor.u32 $0xC, v55;
	v1 =	vld [tilespmem:$0x1FD60]  }
0x22d: {  	v13 =	vor.u32 $0x1F, v63;
	_ =	sdelay $0x1  }
0x22e: {  	s19 =	sor.u32 s1, s9;
	s23 =	sor.u32 $0x18100, s4  }
0x22f: {  	[tilespmem:s19+$0x0] =	vst v7;
	s24 =	sor.u32 s13, s23  }
0x230: {  	v7 =	vld.idx.msk [tilespmem:v9+s11+$0x0], $0xffff;
	[tilespmem:s24+$0x0] =	vst v3  }
0x231: {  	s5 =	sor.u32 s16, s9;
	v3 =	vld.idx.msk [tilespmem:v13+s11+$0x0], $0xffff  }
0x232: {  	v0 =	vld.idx.msk [tilespmem:v0+s11+$0x0], $0xffff;
	[tilespmem:s5+$0x0] =	vst v18  }
0x233: {  	v13 =	vld.idx.msk [tilespmem:v1+s11+$0x0], $0xffff  }
0x234: {  	v1 =	vld [tilespmem:$0x1FD80];
	_ =	sdelay $0x6  }
0x235: {  	[tilespmem:s10+$0x0] =	vst v0  }
0x236: {  	[tilespmem:s31+$0x0] =	vst v6;
	v6 =	vld.idx.msk [tilespmem:v1+s11+$0x0], $0xffff  }
0x237: {  	v1 =	vld [tilespmem:$0x1FD90];
	_ =	sdelay $0x4  }
0x238: {  	v58 =	vmovc v54;
	v54 =	vmovc v53;
	v53 =	vmov v40;
	v40 =	vmov v36;
	v36 =	vmov v1;
	v1 =	vld [tilespmem:$0x1FDA0]  }
0x239: {  	v63 =	vmov v55  }
0x23a: {  	v9 =	vor.u32 $0xD, v63  }
0x23b: {  	s6 =	sor.u32 s2, s23  }
0x23c: {  	s19 =	sor.u32 s3, s23;
	s9 =	sor.u32 s0, s23;
	s23 =	sor.u32 $0x17000, s21  }
0x23d: {  	s18 =	sor.u32 s1, s23  }
0x23e: {  	s24 =	sor.u32 $0x18180, s4;
	[tilespmem:s18+$0x0] =	vst v7;
	s10 =	sor.u32 s14, s23  }
0x23f: {  	s13 =	sor.u32 s13, s24;
	v7 =	vld.idx.msk [tilespmem:v9+s11+$0x0], $0xffff;
	[tilespmem:s10+$0x0] =	vst v4  }
0x240: {  	[tilespmem:s13+$0x0] =	vst v3;
	v3 =	vld.idx.msk [tilespmem:v1+s11+$0x0], $0xffff  }
0x241: {  	v1 =	vld [tilespmem:$0x1FDB0];
	_ =	sdelay $0x6  }
0x242: {  	v0 =	vld [tilespmem:$0x1FD70]  }
0x243: {  	v4 =	vld.idx.msk [tilespmem:v1+s11+$0x0], $0xffff  }
0x244: {  	v1 =	vld [tilespmem:$0x1FDC0];
	_ =	sdelay $0x5  }
0x245: {  	s20 =	sor.u32 s17, s23  }
0x246: {  	v0 =	vld.idx.msk [tilespmem:v0+s11+$0x0], $0xffff;
	[tilespmem:s20+$0x0] =	vst v12  }
0x247: {  	v12 =	vld.idx.msk [tilespmem:v1+s11+$0x0], $0xffff  }
0x248: {  	v1 =	vld [tilespmem:$0x1FDD0];
	_ =	sdelay $0x5  }
0x249: {  	s23 =	sor.u32 s16, s23  }
0x24a: {  	[tilespmem:s23+$0x0] =	vst v13  }
0x24b: {  	v13 =	vld.idx.msk [tilespmem:v1+s11+$0x0], $0xffff  }
0x24c: {  	v1 =	vld [tilespmem:$0x1FE00];
	_ =	sdelay $0x5  }
0x24d: {  	s23 =	rddreg [dreg:$0x13]  }
0x24e: {  	[tilespmem:s23+$0x0] =	vst v6  }
0x24f: {  	v6 =	vld.idx.msk [tilespmem:v1+s11+$0x0], $0xffff  }
0x250: {  	v1 =	vld [tilespmem:$0x1FE10];
	_ =	sdelay $0x4  }
0x251: {  	v15 =	vmov v31;
	v31 =	vmov v1;
	v1 =	vld [tilespmem:$0x1FE20];
	_ =	sdelay $0x2  }
0x252: {  	s8 =	sor.u32 s2, s30;
	s28 =	sor.u32 s2, s29  }
0x253: {  	s4 =	smov.u32 s21;
	s18 =	sor.u32 s2, s24;
	s2 =	smov.u32 s16  }
0x254: {  	s13 =	smov.u32 s1;
	s1 =	smov.u32 s14;
	s16 =	sor.u32 $0x17080, s4  }
0x255: {  	s14 =	sor.u32 s1, s16;
	[tilespmem:s25+$0x0] =	vst v3  }
0x256: {  	[tilespmem:s14+$0x0] =	vst v4  }
0x257: {  	v3 =	vld.idx.msk [tilespmem:v1+s11+$0x0], $0xffff  }
0x258: {  	v1 =	vld [tilespmem:$0x1FE30];
	_ =	sdelay $0x4  }
0x259: {  	v20 =	vmov v1;
	v1 =	vld [tilespmem:$0x1FE40];
	_ =	sdelay $0x5  }
0x25a: {  	s20 =	smov.u32 s6;
	s6 =	rddreg [dreg:$0x15]  }
0x25b: {  	[tilespmem:s6+$0x0] =	vst v0;
	v0 =	vld [tilespmem:$0x1FDE0]  }
0x25c: {  	v4 =	vld.idx.msk [tilespmem:v1+s11+$0x0], $0xffff  }
0x25d: {  	v1 =	vld [tilespmem:$0x1FE50]  }
0x25e: {  	v9 =	vor.u32 $0xE, v63;
	_ =	sdelay $0x2  }
0x25f: {  	s22 =	sor.u32 s0, s29;
	s21 =	sor.u32 s13, s16  }
0x260: {  	s7 =	sor.u32 s0, s30;
	s5 =	sor.u32 s0, s24;
	s0 =	smov.u32 s17;
	[tilespmem:s21+$0x0] =	vst v7  }
0x261: {  	s17 =	sor.u32 s0, s16;
	v7 =	vld.idx.msk [tilespmem:v9+s11+$0x0], $0xffff  }
0x262: {  	v0 =	vld.idx.msk [tilespmem:v0+s11+$0x0], $0xffff;
	[tilespmem:s17+$0x0] =	vst v12  }
0x263: {  	v9 =	vld.idx.msk [tilespmem:v1+s11+$0x0], $0xffff  }
0x264: {  	v1 =	vld [tilespmem:$0x1FE60];
	_ =	sdelay $0x5  }
0x265: {  	s10 =	sor.u32 s2, s16  }
0x266: {  	[tilespmem:s10+$0x0] =	vst v13  }
0x267: {  	v37 =	vmov v10;
	v10 =	vld.idx.msk [tilespmem:v1+s11+$0x0], $0xffff  }
0x268: {  	v1 =	vld [tilespmem:$0x1FE80];
	_ =	sdelay $0x4  }
0x269: {  	v22 =	vmov v1;
	v1 =	vld [tilespmem:$0x1FE90];
	_ =	sdelay $0x5  }
0x26a: {  	[tilespmem:s26+$0x0] =	vst v0;
	s26 =	rddreg [dreg:$0x16]  }
0x26b: {  	[tilespmem:s26+$0x0] =	vst v6  }
0x26c: {  	v2 =	vld.idx.msk [tilespmem:v1+s11+$0x0], $0xffff  }
0x26d: {  	v1 =	vld [tilespmem:$0x1FEA0];
	_ =	sdelay $0x4  }
0x26e: {  	v21 =	vmov v1;
	v1 =	vld [tilespmem:$0x1FEB0];
	_ =	sdelay $0x4  }
0x26f: {  	s14 =	sor.u32 $0x17100, s4  }
0x270: {  	s17 =	sor.u32 s1, s14;
	[tilespmem:s7+$0x0] =	vst v3  }
0x271: {  	s23 =	sor.u32 s13, s14;
	[tilespmem:s17+$0x0] =	vst v4  }
0x272: {  	[tilespmem:s23+$0x0] =	vst v7;
	v7 =	vld.idx.msk [tilespmem:v1+s11+$0x0], $0xffff  }
0x273: {  	v1 =	vld [tilespmem:$0x1FED0];
	_ =	sdelay $0x1  }
0x274: {  	v8 =	vor.u32 $0xF, v63;
	_ =	sdelay $0x2  }
0x275: {  	v0 =	vld [tilespmem:$0x1FE70];
	_ =	sdelay $0x1  }
0x276: {  	v6 =	vld.idx.msk [tilespmem:v8+s11+$0x0], $0xffff  }
0x277: {  	v8 =	vld.idx.msk [tilespmem:v1+s11+$0x0], $0xffff  }
0x278: {  	v1 =	vld [tilespmem:$0x1FEE0];
	_ =	sdelay $0x3  }
0x279: {  	v0 =	vld.idx.msk [tilespmem:v0+s11+$0x0], $0xffff;
	_ =	sdelay $0x1  }
0x27a: {  	s21 =	sor.u32 s0, s14  }
0x27b: {  	[tilespmem:s21+$0x0] =	vst v9  }
0x27c: {  	v30 =	vmov v11;
	v11 =	vld.idx.msk [tilespmem:v1+s11+$0x0], $0xffff  }
0x27d: {  	[tilespmem:s8+$0x0] =	vst v0;
	v0 =	vld [tilespmem:$0x1FF00];
	_ =	sdelay $0x7  }
0x27e: {  	v3 =	vld.idx.msk [tilespmem:v0+s11+$0x0], $0xffff  }
0x27f: {  	v0 =	vld [tilespmem:$0x1FF10];
	_ =	sdelay $0x3  }
0x280: {  	v1 =	vld [tilespmem:$0x1FEF0]  }
0x281: {  	v19 =	vmov v0;
	v0 =	vld [tilespmem:$0x1FF20];
	_ =	sdelay $0x3  }
0x282: {  	s30 =	sor.u32 s3, s30  }
0x283: {  	s29 =	sor.u32 s3, s29;
	s24 =	sor.u32 s3, s24;
	s3 =	sor.u32 s2, s14  }
0x284: {  	[tilespmem:s3+$0x0] =	vst v10  }
0x285: {  	v10 =	vld.idx.msk [tilespmem:v1+s11+$0x0], $0xffff;
	[tilespmem:s30+$0x0] =	vst v2  }
0x286: {  	v4 =	vld.idx.msk [tilespmem:v0+s11+$0x0], $0xffff  }
0x287: {  	v0 =	vld [tilespmem:$0x1FF30];
	_ =	sdelay $0x4  }
0x288: {  	v18 =	vmov v0;
	v0 =	vld [tilespmem:$0x1FF40];
	_ =	sdelay $0x4  }
0x289: {  	s17 =	sor.u32 $0x17180, s4  }
0x28a: {  	s21 =	sor.u32 s1, s17;
	[tilespmem:s22+$0x0] =	vst v7  }
0x28b: {  	[tilespmem:s21+$0x0] =	vst v8  }
0x28c: {  	v2 =	vld.idx.msk [tilespmem:v0+s11+$0x0], $0xffff  }
0x28d: {  	v0 =	vld [tilespmem:$0x1FF50];
	_ =	sdelay $0x4  }
0x28e: {  	v33 =	vmov v16;
	v16 =	vmov v0;
	v0 =	vld [tilespmem:$0x1FF60];
	_ =	sdelay $0x4  }
0x28f: {  	v46 =	vmov v38;
	v38 =	vmov v26;
	v26 =	vld [tilespmem:$0x1FCD0]  }
0x290: {  	v32 =	vmov v57;
	v57 =	vld [tilespmem:$0x1FDF0]  }
0x291: {  	v52 =	vmovc v41;
	v41 =	vmov v34;
	v34 =	vmov v17;
	v17 =	vmov v59;
	v59 =	vld [tilespmem:$0x1FEC0]  }
0x292: {  	v62 =	vmov v5;
	v5 =	vld.idx.msk [tilespmem:v0+s11+$0x0], $0xffff  }
0x293: {  	v0 =	vld [tilespmem:$0x1FF70]  }
0x294: {  	v28 =	vld [tilespmem:$0x1FC00]  }
0x295: {  	v29 =	vld [tilespmem:$0x1FC20];
	v9 =	vor.u32 $0x10, v63  }
0x296: {  	v27 =	vld [tilespmem:$0x1FC30]  }
.Ltmp0:
0x297: {  	v24 =	vld [tilespmem:$0x1FFF0];
	(pc) =	sbr.rel @p2 .LBB2_3-.Ltmp0, $4  }
0x298: {  	v25 =	vld [tilespmem:$0x1FC40];
	s26 =	sor.u32 s13, s17  }
0x299: {  	v55 =	vld [tilespmem:$0x1FD00];
	s31 =	rddreg [dreg:$0x5];
	s23 =	sor.u32 s0, s17;
	[tilespmem:s26+$0x0] =	vst v6  }
0x29a: {  	s25 =	rddreg [dreg:$0x9];
	v6 =	vld.idx.msk [tilespmem:v9+s11+$0x0], $0xffff;
	s3 =	sor.u32 s2, s17;
	[tilespmem:s23+$0x0] =	vst v11  }
0x29b: {  	s12 =	sadd.s32 $0x40, s12;
	v47 =	vmov v39;
	v39 =	vmov v23;
	v8 =	vor.u32 $0x11, v63;
	s8 =	rddreg [dreg:$0xd];
	[tilespmem:s3+$0x0] =	vst v10;
	v0 =	vld.idx.msk [tilespmem:v0+s11+$0x0], $0xffff  }
0x29c: {  	v1 =	vld [tilespmem:$0x1FF80];
	_ =	sdelay $0x7  }
0x29d: {  	s3 =	sadd.s32 $0x17600, s4;
	v7 =	vld.idx.msk [tilespmem:v1+s11+$0x0], $0xffff  }
0x29e: {  	s22 =	sor.u32 s1, s3  }
0x29f: {  	s6 =	sor.u32 s13, s3;
	[tilespmem:s22+$0x0] =	vst v5  }
0x2a0: {  	s23 =	sor.u32 s0, s3;
	[tilespmem:s6+$0x0] =	vst v6  }
0x2a1: {  	s3 =	sor.u32 s2, s3;
	[tilespmem:s23+$0x0] =	vst v0  }
0x2a2: {  	[tilespmem:s3+$0x0] =	vst v7  }
0x2a3: {  	v12 =	vld [tilespmem:$0x1FF90]  }
0x2a4: {  	v14 =	vld [tilespmem:$0x1FFA0];
	_ =	sdelay $0x4  }
0x2a5: {  	v6 =	vld.idx.msk [tilespmem:v8+s11+$0x0], $0xffff  }
0x2a6: {  	v45 =	vor.u32 $0x12, v63;
	v55 =	vld.idx.msk [tilespmem:v55+s11+$0x0], $0xffff  }
0x2a7: {  	v13 =	vld.idx.msk [tilespmem:v12+s11+$0x0], $0xffff  }
0x2a8: {  	s25 =	sadd.s32 $0x17680, s4;
	v23 =	vld.idx.msk [tilespmem:v14+s11+$0x0], $0xffff  }
0x2a9: {  	s26 =	sor.u32 s13, s25  }
0x2aa: {  	s30 =	sor.u32 s1, s25;
	[tilespmem:s26+$0x0] =	vst v6  }
0x2ab: {  	s31 =	sor.u32 s0, s25;
	[tilespmem:s30+$0x0] =	vst v55;
	v44 =	vld.idx.msk [tilespmem:v45+s11+$0x0], $0xffff  }
0x2ac: {  	s3 =	sor.u32 s2, s25;
	v45 =	vor.u32 $0x13, v63;
	v48 =	vld.idx.msk [tilespmem:v48+s11+$0x0], $0xffff;
	[tilespmem:s31+$0x0] =	vst v13  }
0x2ad: {  	[tilespmem:s3+$0x0] =	vst v23;
	v7 =	vld.idx.msk [tilespmem:v59+s11+$0x0], $0xffff  }
0x2ae: {  	s7 =	sadd.s32 $0x17700, s4;
	v8 =	vld.idx.msk [tilespmem:v62+s11+$0x0], $0xffff  }
0x2af: {  	s8 =	sor.u32 s13, s7  }
0x2b0: {  	s10 =	sor.u32 s1, s7;
	[tilespmem:s8+$0x0] =	vst v44  }
0x2b1: {  	s12 =	sor.u32 s0, s7;
	[tilespmem:s10+$0x0] =	vst v48;
	v0 =	vld.idx.msk [tilespmem:v45+s11+$0x0], $0xffff  }
0x2b2: {  	v6 =	vld.idx.msk [tilespmem:v57+s11+$0x0], $0xffff;
	s3 =	sor.u32 s2, s7;
	[tilespmem:s12+$0x0] =	vst v7  }
0x2b3: {  	[tilespmem:s3+$0x0] =	vst v8;
	v7 =	vld.idx.msk [tilespmem:v49+s11+$0x0], $0xffff  }
0x2b4: {  	s14 =	sadd.s32 $0x17780, s4;
	v8 =	vld.idx.msk [tilespmem:v56+s11+$0x0], $0xffff  }
0x2b5: {  	s16 =	sor.u32 s13, s14  }
0x2b6: {  	s17 =	sor.u32 s1, s14;
	[tilespmem:s16+$0x0] =	vst v0  }
0x2b7: {  	s21 =	sor.u32 s0, s14;
	[tilespmem:s17+$0x0] =	vst v6  }
0x2b8: {  	s3 =	sor.u32 s2, s14;
	[tilespmem:s21+$0x0] =	vst v7  }
0x2b9: {  	[tilespmem:s3+$0x0] =	vst v8  }
0x2ba: {  	v55 =	vor.u32 $0x14, v63;
	v59 =	vld [tilespmem:$0x1FFB0];
	_ =	sdelay $0x4  }
0x2bb: {  	v0 =	vld.idx.msk [tilespmem:v55+s11+$0x0], $0xffff  }
0x2bc: {  	v6 =	vld.idx.msk [tilespmem:v42+s11+$0x0], $0xffff  }
0x2bd: {  	v62 =	vld [tilespmem:$0x1FFD0]  }
0x2be: {  	v7 =	vld.idx.msk [tilespmem:v59+s11+$0x0], $0xffff  }
0x2bf: {  	s22 =	sor.u32 $0x17800, s4  }
0x2c0: {  	s23 =	sor.u32 s13, s22  }
0x2c1: {  	s25 =	sor.u32 s1, s22;
	[tilespmem:s23+$0x0] =	vst v0  }
0x2c2: {  	s26 =	sor.u32 s0, s22;
	[tilespmem:s25+$0x0] =	vst v6  }
0x2c3: {  	[tilespmem:s26+$0x0] =	vst v7  }
0x2c4: {  	v57 =	vor.u32 $0x15, v63;
	v6 =	vld [tilespmem:$0x1FFC0]  }
0x2c5: {  	v8 =	vld.idx.msk [tilespmem:v62+s11+$0x0], $0xffff;
	_ =	sdelay $0x3  }
0x2c6: {  	s3 =	sor.u32 s2, s22;
	v0 =	vld.idx.msk [tilespmem:v57+s11+$0x0], $0xffff  }
0x2c7: {  	v1 =	vor.u32 $0x16, v63;
	[tilespmem:s3+$0x0] =	vst v8;
	v7 =	vld.idx.msk [tilespmem:v58+s11+$0x0], $0xffff  }
0x2c8: {  	v8 =	vld.idx.msk [tilespmem:v60+s11+$0x0], $0xffff  }
0x2c9: {  	s30 =	sor.u32 $0x17880, s4;
	v6 =	vld.idx.msk [tilespmem:v6+s11+$0x0], $0xffff  }
0x2ca: {  	s31 =	sor.u32 s13, s30  }
0x2cb: {  	s8 =	sor.u32 s0, s30;
	[tilespmem:s31+$0x0] =	vst v0  }
0x2cc: {  	s3 =	sor.u32 s2, s30;
	v0 =	vld.idx.msk [tilespmem:v1+s11+$0x0], $0xffff;
	[tilespmem:s8+$0x0] =	vst v7  }
0x2cd: {  	s7 =	sor.u32 s1, s30;
	[tilespmem:s3+$0x0] =	vst v8;
	v7 =	vld.idx.msk [tilespmem:v53+s11+$0x0], $0xffff  }
0x2ce: {  	v8 =	vld.idx.msk [tilespmem:v52+s11+$0x0], $0xffff;
	[tilespmem:s7+$0x0] =	vst v6  }
0x2cf: {  	s10 =	sor.u32 $0x17900, s4;
	v6 =	vld.idx.msk [tilespmem:v54+s11+$0x0], $0xffff  }
0x2d0: {  	s12 =	sor.u32 s13, s10  }
0x2d1: {  	s16 =	sor.u32 s0, s10;
	[tilespmem:s12+$0x0] =	vst v0  }
0x2d2: {  	s3 =	sor.u32 s2, s10;
	[tilespmem:s16+$0x0] =	vst v7  }
0x2d3: {  	v12 =	vor.u32 $0x17, v63;
	s14 =	sor.u32 s1, s10;
	[tilespmem:s3+$0x0] =	vst v8  }
0x2d4: {  	[tilespmem:s14+$0x0] =	vst v6  }
0x2d5: {  	v14 =	vld [tilespmem:$0x1FFE0];
	_ =	sdelay $0x2  }
0x2d6: {  	v0 =	vld.idx.msk [tilespmem:v12+s11+$0x0], $0xffff  }
0x2d7: {  	v13 =	vor.u32 $0x18, v63  }
0x2d8: {  	v6 =	vld.idx.msk [tilespmem:v47+s11+$0x0], $0xffff  }
0x2d9: {  	s17 =	sor.u32 $0x17980, s4;
	v7 =	vld.idx.msk [tilespmem:v46+s11+$0x0], $0xffff  }
0x2da: {  	s21 =	sor.u32 s13, s17  }
0x2db: {  	[tilespmem:s21+$0x0] =	vst v0;
	v8 =	vld.idx.msk [tilespmem:v14+s11+$0x0], $0xffff  }
0x2dc: {  	s22 =	sor.u32 s1, s17;
	v0 =	vld.idx.msk [tilespmem:v13+s11+$0x0], $0xffff  }
0x2dd: {  	v23 =	vor.u32 $0x19, v63;
	s23 =	sor.u32 s0, s17;
	[tilespmem:s22+$0x0] =	vst v6  }
0x2de: {  	[tilespmem:s23+$0x0] =	vst v7;
	v6 =	vld.idx.msk [tilespmem:v40+s11+$0x0], $0xffff  }
0x2df: {  	s25 =	sadd.s32 $0x17E00, s4;
	s3 =	sor.u32 s2, s17;
	v7 =	vld.idx.msk [tilespmem:v41+s11+$0x0], $0xffff  }
0x2e0: {  	s26 =	sor.u32 s13, s25;
	[tilespmem:s3+$0x0] =	vst v8  }
0x2e1: {  	[tilespmem:s26+$0x0] =	vst v0;
	v8 =	vld.idx.msk [tilespmem:v15+s11+$0x0], $0xffff  }
0x2e2: {  	s30 =	sor.u32 s1, s25;
	v0 =	vld.idx.msk [tilespmem:v23+s11+$0x0], $0xffff  }
0x2e3: {  	s31 =	sor.u32 s0, s25;
	v41 =	vor.u32 $0x1A, v63;
	[tilespmem:s30+$0x0] =	vst v6  }
0x2e4: {  	[tilespmem:s31+$0x0] =	vst v7;
	v6 =	vld.idx.msk [tilespmem:v38+s11+$0x0], $0xffff  }
0x2e5: {  	s7 =	sadd.s32 $0x17E80, s4;
	v7 =	vld.idx.msk [tilespmem:v39+s11+$0x0], $0xffff;
	s3 =	sor.u32 s2, s25  }
0x2e6: {  	s8 =	sor.u32 s13, s7;
	[tilespmem:s3+$0x0] =	vst v8  }
0x2e7: {  	[tilespmem:s8+$0x0] =	vst v0;
	v8 =	vld.idx.msk [tilespmem:v37+s11+$0x0], $0xffff  }
0x2e8: {  	s10 =	sor.u32 s1, s7;
	v0 =	vld.idx.msk [tilespmem:v41+s11+$0x0], $0xffff  }
0x2e9: {  	v42 =	vor.u32 $0x1B, v63;
	s12 =	sor.u32 s0, s7;
	[tilespmem:s10+$0x0] =	vst v6  }
0x2ea: {  	[tilespmem:s12+$0x0] =	vst v7;
	v6 =	vld.idx.msk [tilespmem:v33+s11+$0x0], $0xffff  }
0x2eb: {  	s14 =	sadd.s32 $0x17F00, s4;
	v7 =	vld.idx.msk [tilespmem:v34+s11+$0x0], $0xffff;
	s3 =	sor.u32 s2, s7  }
0x2ec: {  	s16 =	sor.u32 s13, s14;
	[tilespmem:s3+$0x0] =	vst v8  }
0x2ed: {  	[tilespmem:s16+$0x0] =	vst v0;
	v8 =	vld.idx.msk [tilespmem:v36+s11+$0x0], $0xffff  }
0x2ee: {  	s17 =	sor.u32 s1, s14;
	v0 =	vld.idx.msk [tilespmem:v42+s11+$0x0], $0xffff  }
0x2ef: {  	v44 =	vor.u32 $0x1C, v63;
	s21 =	sor.u32 s0, s14;
	[tilespmem:s17+$0x0] =	vst v6  }
0x2f0: {  	[tilespmem:s21+$0x0] =	vst v7;
	v6 =	vld.idx.msk [tilespmem:v30+s11+$0x0], $0xffff  }
0x2f1: {  	s22 =	sadd.s32 $0x17F80, s4;
	v7 =	vld.idx.msk [tilespmem:v32+s11+$0x0], $0xffff;
	s3 =	sor.u32 s2, s14  }
0x2f2: {  	s23 =	sor.u32 s13, s22;
	[tilespmem:s3+$0x0] =	vst v8  }
0x2f3: {  	[tilespmem:s23+$0x0] =	vst v0;
	v8 =	vld.idx.msk [tilespmem:v31+s11+$0x0], $0xffff  }
0x2f4: {  	[tilespmem:s28+$0x0] =	vst v3;
	s25 =	sor.u32 s1, s22;
	v0 =	vld.idx.msk [tilespmem:v44+s11+$0x0], $0xffff  }
0x2f5: {  	v45 =	vor.u32 $0x1D, v63;
	s26 =	sor.u32 s0, s22;
	[tilespmem:s25+$0x0] =	vst v6  }
0x2f6: {  	[tilespmem:s26+$0x0] =	vst v7;
	v6 =	vld.idx.msk [tilespmem:v20+s11+$0x0], $0xffff  }
0x2f7: {  	[tilespmem:s29+$0x0] =	vst v4;
	s30 =	sor.u32 $0x18000, s4;
	v7 =	vld.idx.msk [tilespmem:v22+s11+$0x0], $0xffff;
	s3 =	sor.u32 s2, s22  }
0x2f8: {  	v47 =	vld.idx.msk [tilespmem:v29+s11+$0x0], $0xffff;
	s31 =	sor.u32 s13, s30;
	[tilespmem:s3+$0x0] =	vst v8  }
0x2f9: {  	[tilespmem:s31+$0x0] =	vst v0;
	v46 =	vld.idx.msk [tilespmem:v21+s11+$0x0], $0xffff  }
0x2fa: {  	[tilespmem:s9+$0x0] =	vst v2;
	s7 =	sor.u32 s1, s30;
	v0 =	vld.idx.msk [tilespmem:v45+s11+$0x0], $0xffff  }
0x2fb: {  	v48 =	vor.u32 $0x1E, v63;
	v53 =	vld.idx.msk [tilespmem:v28+s11+$0x0], $0xffff;
	s8 =	sor.u32 s0, s30;
	[tilespmem:s7+$0x0] =	vst v6  }
0x2fc: {  	[tilespmem:s8+$0x0] =	vst v7;
	v6 =	vld.idx.msk [tilespmem:v17+s11+$0x0], $0xffff  }
0x2fd: {  	s9 =	sor.u32 $0x18080, s4;
	[tilespmem:s20+$0x0] =	vst v47;
	v49 =	vld.idx.msk [tilespmem:v19+s11+$0x0], $0xffff;
	s3 =	sor.u32 s2, s30  }
0x2fe: {  	v54 =	vld.idx.msk [tilespmem:v27+s11+$0x0], $0xffff;
	s10 =	sor.u32 s13, s9;
	[tilespmem:s3+$0x0] =	vst v46  }
0x2ff: {  	[tilespmem:s10+$0x0] =	vst v0;
	v52 =	vld.idx.msk [tilespmem:v18+s11+$0x0], $0xffff  }
0x300: {  	[tilespmem:s19+$0x0] =	vst v53;
	s12 =	sor.u32 s1, s9;
	v0 =	vld.idx.msk [tilespmem:v48+s11+$0x0], $0xffff  }
0x301: {  	v55 =	vor.u32 $0x1F, v63;
	v59 =	vld.idx.msk [tilespmem:v26+s11+$0x0], $0xffff;
	s14 =	sor.u32 s0, s9;
	[tilespmem:s12+$0x0] =	vst v6  }
0x302: {  	[tilespmem:s14+$0x0] =	vst v49;
	v56 =	vld.idx.msk [tilespmem:v16+s11+$0x0], $0xffff  }
0x303: {  	[tilespmem:s5+$0x0] =	vst v54;
	s16 =	sor.u32 $0x18100, s4;
	v57 =	vld.idx.msk [tilespmem:v51+s11+$0x0], $0xffff;
	s3 =	sor.u32 s2, s9  }
0x304: {  	v60 =	vld.idx.msk [tilespmem:v25+s11+$0x0], $0xffff;
	s17 =	sor.u32 s13, s16;
	[tilespmem:s3+$0x0] =	vst v52  }
0x305: {  	[tilespmem:s17+$0x0] =	vst v0;
	v58 =	vld.idx.msk [tilespmem:v50+s11+$0x0], $0xffff  }
0x306: {  	[tilespmem:s18+$0x0] =	vst v59;
	s19 =	sor.u32 s1, s16;
	v0 =	vld.idx.msk [tilespmem:v55+s11+$0x0], $0xffff  }
0x307: {  	s20 =	sor.u32 s0, s16;
	[tilespmem:s19+$0x0] =	vst v56  }
0x308: {  	[tilespmem:s20+$0x0] =	vst v57;
	v62 =	vld.idx.msk [tilespmem:v43+s11+$0x0], $0xffff  }
0x309: {  	[tilespmem:s24+$0x0] =	vst v60;
	s21 =	sor.u32 $0x18180, s4;
	v2 =	vld.idx.msk [tilespmem:v61+s11+$0x0], $0xffff;
	s3 =	sor.u32 s2, s16  }
0x30a: {  	s4 =	sor.u32 s13, s21;
	[tilespmem:s3+$0x0] =	vst v58  }
0x30b: {  	v63 =	vld.idx.msk [tilespmem:v35+s11+$0x0], $0xffff;
	s6 =	rddreg [dreg:$0x1f];
	[tilespmem:s4+$0x0] =	vst v0  }
0x30c: {  	s23 =	sor.u32 s1, s21;
	s22 =	sshrl.u32 s6, $0x1;
	s4 =	rddreg [dreg:$0x1b]  }
0x30d: {  	s24 =	sor.u32 s0, s21;
	[tilespmem:s23+$0x0] =	vst v62;
	s4 =	sadd.s32 s4, s22  }
0x30e: {  	p1 =	sne.s32 s6, $0x31;
	s1 =	rddreg [dreg:$0x4];
	[tilespmem:s24+$0x0] =	vst v2;
	s4 =	sshll.u32 s4, $0x10  }
.Ltmp1:
0x30f: {  	s25 =	sor.u32 s2, s21;
	[smem:$0x7FD] =	sst s4;
	(pc) =	sbr.rel @p1 .LBB2_6-.Ltmp1, $4  }
0x310: {  	s1 =	sand.u32 $0x200, s1;
	[tilespmem:s25+$0x0] =	vst v63  }
0x311: {  	s29 =	simm.s32 $0x800;
	s26 =	sor.u32 s4, s1;
	s28 =	rddreg [dreg:$0x1c]  }
0x312: {  	s31 =	simm.s32 $0x16600;
	s30 =	simm.s32 $0x20000;
	s0 =	sadd.s32 s26, s28  }
0x313: {  	[hbm4b:s0+s29] =	stream.strided.scatter [tilespmem:s31], [sflag:$0x3], $0x2000, s30, s29, $0x38;
	[tilespmem:$0x1A600] =	vst v63  }
.Ltmp2:
0x314: {  	(pc) =	sbr.rel .LBB2_7-.Ltmp2, $4  }
0x315: {  	s0 =	simm.s32 $0x2  }
0x316: {  	_ =	swait.ge [sflag:s0], $0x8000  }
0x317: {  	[sflag:s0] =	ssyncset.done $0x0  }
0x318: {  	s23 =	rddreg [dreg:$0x3];
	[sflag:s0] =	ssyncadd.s32 $0xFFFF8000  }
.LBB2_6:
0x319: {  	s0 =	rddreg [dreg:$0x4]  }
0x31a: {  	v0 =	vld [tilespmem:s0+$0x200];
	_ =	sdelay $0x4  }
0x31b: {  	v0 =	vshra.s32 v0, $0x2  }
0x31c: {  	[tilespmem:$0x6400] =	vst v0  }
0x31d: {  	v0 =	vld [tilespmem:s0+$0x210];
	_ =	sdelay $0x4  }
0x31e: {  	v0 =	vshra.s32 v0, $0x2  }
0x31f: {  	[tilespmem:$0x6410] =	vst v0  }
0x320: {  	v0 =	vld [tilespmem:s0+$0x220];
	_ =	sdelay $0x4  }
0x321: {  	v0 =	vshra.s32 v0, $0x2  }
0x322: {  	[tilespmem:$0x6420] =	vst v0  }
0x323: {  	v0 =	vld [tilespmem:s0+$0x230];
	_ =	sdelay $0x4  }
0x324: {  	v0 =	vshra.s32 v0, $0x2  }
0x325: {  	[tilespmem:$0x6430] =	vst v0  }
0x326: {  	v0 =	vld [tilespmem:s0+$0x240];
	_ =	sdelay $0x4  }
0x327: {  	v0 =	vshra.s32 v0, $0x2  }
0x328: {  	[tilespmem:$0x6440] =	vst v0  }
0x329: {  	v0 =	vld [tilespmem:s0+$0x250];
	_ =	sdelay $0x4  }
0x32a: {  	v0 =	vshra.s32 v0, $0x2  }
0x32b: {  	[tilespmem:$0x6450] =	vst v0  }
0x32c: {  	v0 =	vld [tilespmem:s0+$0x260];
	_ =	sdelay $0x4  }
0x32d: {  	v0 =	vshra.s32 v0, $0x2  }
0x32e: {  	[tilespmem:$0x6460] =	vst v0  }
0x32f: {  	v0 =	vld [tilespmem:s0+$0x270];
	_ =	sdelay $0x4  }
0x330: {  	v0 =	vshra.s32 v0, $0x2  }
0x331: {  	[tilespmem:$0x6470] =	vst v0  }
0x332: {  	v0 =	vld [tilespmem:s0+$0x280];
	_ =	sdelay $0x4  }
0x333: {  	v0 =	vshra.s32 v0, $0x2  }
0x334: {  	[tilespmem:$0x6480] =	vst v0  }
0x335: {  	v0 =	vld [tilespmem:s0+$0x290];
	_ =	sdelay $0x4  }
0x336: {  	v0 =	vshra.s32 v0, $0x2  }
0x337: {  	[tilespmem:$0x6490] =	vst v0  }
0x338: {  	v0 =	vld [tilespmem:s0+$0x2A0];
	_ =	sdelay $0x4  }
0x339: {  	v0 =	vshra.s32 v0, $0x2  }
0x33a: {  	[tilespmem:$0x64A0] =	vst v0  }
0x33b: {  	v0 =	vld [tilespmem:s0+$0x2B0];
	_ =	sdelay $0x4  }
0x33c: {  	v0 =	vshra.s32 v0, $0x2  }
0x33d: {  	[tilespmem:$0x64B0] =	vst v0  }
0x33e: {  	v0 =	vld [tilespmem:s0+$0x2C0];
	_ =	sdelay $0x4  }
0x33f: {  	v0 =	vshra.s32 v0, $0x2  }
0x340: {  	[tilespmem:$0x64C0] =	vst v0  }
0x341: {  	v0 =	vld [tilespmem:s0+$0x2D0];
	_ =	sdelay $0x4  }
0x342: {  	v0 =	vshra.s32 v0, $0x2  }
0x343: {  	[tilespmem:$0x64D0] =	vst v0  }
0x344: {  	v0 =	vld [tilespmem:s0+$0x2E0];
	_ =	sdelay $0x4  }
0x345: {  	v0 =	vshra.s32 v0, $0x2  }
0x346: {  	[tilespmem:$0x64E0] =	vst v0  }
0x347: {  	v0 =	vld [tilespmem:s0+$0x2F0];
	_ =	sdelay $0x4  }
0x348: {  	s29 =	rddreg [dreg:$0x19];
	v0 =	vshra.s32 v0, $0x2  }
0x349: {  	s1 =	simm.s32 $0x80;
	s2 =	simm.s32 $0x6400;
	s30 =	simm.s32 $0x6480;
	[tilespmem:$0x64F0] =	vst v0  }
0x34a: {  	[tilespmem:s11], [sflag:$0x1] =	stream.indirect.gather [hbm4b:s29+s1], $0x80, s2, s1, $0xb8;
	[tilespmem:$0x1A600] =	vst v63  }
.Ltmp3:
0x34b: {  	s3 =	simm.s32 $0xA600;
	s31 =	simm.s32 $0x2;
	(pc) =	sbr.rel @p0 .LBB2_8-.Ltmp3, $4  }
0x34c: {  	[tilespmem:s3], [sflag:$0x1] =	stream.indirect.gather [hbm4b:s29+s1], $0x80, s30, s1, $0xb8;
	[tilespmem:$0x1A600] =	vst v63  }
0x34d: {  	_ =	swait.ge [sflag:s31], $0x8000  }
0x34e: {  	[sflag:s31] =	ssyncset.done $0x0  }
0x34f: {  	s23 =	rddreg [dreg:$0x3];
	[sflag:s31] =	ssyncadd.s32 $0xFFFF8000  }
.LBB2_7:
0x350: {  	s0 =	simm.s32 $0x4  }
0x351: {  	_ =	swait.ge [sflag:s0], $0x2000  }
0x352: {  	[sflag:s0] =	ssyncset.done $0x0  }
0x353: {  	[sflag:s0] =	ssyncadd.s32 $0xFFFFE000  }
.LBB2_8:
0x354: {  	s0 =	simm.s32 $0x0  }
0x355: {  	s1 =	simm.s32 $0x30;
	s2 =	sand.u32 $0x80, s0  }
0x356: {  	s25 =	sand.u32 $0x70, s1;
	s4 =	sadd.s32 s2, s23  }
0x357: {  	s10 =	sand.u32 $0x40, s0;
	s3 =	sadd.s32 s25, s4  }
0x358: {  	s2 =	simm.s32 $0x10;
	s5 =	sadd.s32 s10, s4;
	v0 =	vld [tilespmem:s3+$0x0]  }
0x359: {  	s13 =	sand.u32 $0x50, s2;
	s3 =	simm.s32 $0x20;
	v2 =	vld [tilespmem:s5+$0x0]  }
0x35a: {  	s9 =	sadd.s32 s13, s4;
	s12 =	sand.u32 $0x60, s3  }
0x35b: {  	v1 =	vmov s0;
	v6 =	vmov s1;
	v3 =	vld [tilespmem:s9+$0x0];
	s4 =	sadd.s32 s12, s4  }
0x35c: {  	v1 =	vshll.u32 v1, $0x7;
	v6 =	vshll.u32 v6, $0x7;
	v4 =	vmov s2;
	v5 =	vld [tilespmem:s4+$0x0]  }
0x35d: {  	v1 =	vor.u32 v24, v1;
	v6 =	vor.u32 v24, v6;
	v4 =	vshll.u32 v4, $0x7  }
0x35e: {  	v7 =	vmov s3;
	v0 =	vshll.u32 v0, $0x5;
	v2 =	vshll.u32 v2, $0x5  }
0x35f: {  	v8 =	vor.u32 v24, v4;
	v0 =	vand.u32 $0x60, v0;
	v2 =	vand.u32 $0x60, v2  }
0x360: {  	v3 =	vshll.u32 v3, $0x5;
	v4 =	vor.u32 v6, v0;
	v0 =	vshll.u32 v7, $0x7  }
0x361: {  	v6 =	vand.u32 $0x60, v3;
	v3 =	vor.u32 v1, v2;
	v5 =	vshll.u32 v5, $0x5  }
0x362: {  	v0 =	vor.u32 v24, v0;
	v2 =	vor.u32 v8, v6;
	v1 =	vand.u32 $0x60, v5  }
0x363: {  	v7 =	vor.u32 v0, v1;
	_ =	sdelay $0x1  }
0x364: {  	v0 =	vld.idx.msk [tilespmem:v4+s15+$0x0], $0xffff  }
0x365: {  	s14 =	simm.s32 $0x0;
	v1 =	vor.u32 $0x1, v4;
	v5 =	vld.idx.msk [tilespmem:v3+s15+$0x0], $0xffff  }
0x366: {  	s16 =	sand.u32 $0x400, s14;
	v6 =	vor.u32 $0x1, v3;
	v8 =	vld.idx.msk [tilespmem:v2+s15+$0x0], $0xffff  }
0x367: {  	s17 =	sadd.s32 $0x18600, s16;
	v9 =	vor.u32 $0x1, v2;
	v10 =	vld.idx.msk [tilespmem:v7+s15+$0x0], $0xffff  }
0x368: {  	s6 =	sor.u32 s25, s17;
	v11 =	vor.u32 $0x1, v7  }
0x369: {  	s7 =	sor.u32 s10, s17;
	[tilespmem:s6+$0x0] =	vst v0  }
0x36a: {  	s8 =	sor.u32 s13, s17;
	[tilespmem:s7+$0x0] =	vst v5;
	v0 =	vld.idx.msk [tilespmem:v1+s15+$0x0], $0xffff  }
0x36b: {  	s5 =	sor.u32 s12, s17;
	v1 =	vor.u32 $0x2, v4;
	v5 =	vld.idx.msk [tilespmem:v6+s15+$0x0], $0xffff;
	[tilespmem:s8+$0x0] =	vst v8  }
0x36c: {  	v6 =	vor.u32 $0x2, v3;
	v8 =	vld.idx.msk [tilespmem:v9+s15+$0x0], $0xffff;
	[tilespmem:s5+$0x0] =	vst v10  }
0x36d: {  	v9 =	vor.u32 $0x2, v2;
	v10 =	vld.idx.msk [tilespmem:v11+s15+$0x0], $0xffff  }
0x36e: {  	v11 =	vor.u32 $0x2, v7  }
0x36f: {  	[tilespmem:s6+$0x80] =	vst v0  }
0x370: {  	[tilespmem:s7+$0x80] =	vst v5;
	v0 =	vld.idx.msk [tilespmem:v1+s15+$0x0], $0xffff  }
0x371: {  	v1 =	vor.u32 $0x3, v4;
	v5 =	vld.idx.msk [tilespmem:v6+s15+$0x0], $0xffff;
	[tilespmem:s8+$0x80] =	vst v8  }
0x372: {  	v6 =	vor.u32 $0x3, v3;
	v8 =	vld.idx.msk [tilespmem:v9+s15+$0x0], $0xffff;
	[tilespmem:s5+$0x80] =	vst v10  }
0x373: {  	v9 =	vor.u32 $0x3, v2;
	v10 =	vld.idx.msk [tilespmem:v11+s15+$0x0], $0xffff  }
0x374: {  	v11 =	vor.u32 $0x3, v7  }
0x375: {  	[tilespmem:s6+$0x100] =	vst v0  }
0x376: {  	[tilespmem:s7+$0x100] =	vst v5;
	v0 =	vld.idx.msk [tilespmem:v1+s15+$0x0], $0xffff  }
0x377: {  	v1 =	vor.u32 $0x4, v4;
	v5 =	vld.idx.msk [tilespmem:v6+s15+$0x0], $0xffff;
	[tilespmem:s8+$0x100] =	vst v8  }
0x378: {  	v6 =	vor.u32 $0x4, v3;
	v8 =	vld.idx.msk [tilespmem:v9+s15+$0x0], $0xffff;
	[tilespmem:s5+$0x100] =	vst v10  }
0x379: {  	v9 =	vor.u32 $0x4, v2;
	v10 =	vld.idx.msk [tilespmem:v11+s15+$0x0], $0xffff  }
0x37a: {  	v11 =	vor.u32 $0x4, v7  }
0x37b: {  	[tilespmem:s6+$0x180] =	vst v0  }
0x37c: {  	s18 =	sand.u32 $0x7, s14;
	[tilespmem:s7+$0x180] =	vst v5;
	v0 =	vld.idx.msk [tilespmem:v1+s15+$0x0], $0xffff  }
0x37d: {  	p0 =	por $0x0, $0x0;
	s6 =	sshll.u32 s18, $0x4;
	s7 =	simm.s32 $0x1;
	v1 =	vor.u32 $0x5, v4;
	v5 =	vld.idx.msk [tilespmem:v6+s15+$0x0], $0xffff;
	[tilespmem:s8+$0x180] =	vst v8  }
0x37e: {  	s6 =	sadd.s32 $0x0, s6;
	s7 =	simm.s32 @!p0 $0x0;
	v6 =	vor.u32 $0x5, v3;
	v8 =	vld.idx.msk [tilespmem:v9+s15+$0x0], $0xffff;
	[tilespmem:s5+$0x180] =	vst v10  }
0x37f: {  	s4 =	sand.u32 $0x3, s14;
	s19 =	sadd.s32 $0x30, s6;
	s7 =	sshll.u32 s7, $0x6;
	v9 =	vor.u32 $0x5, v2;
	v10 =	vld.idx.msk [tilespmem:v11+s15+$0x0], $0xffff  }
0x380: {  	s4 =	sshll.u32 s4, $0x5;
	s20 =	sor.u32 $0x200, s19;
	s7 =	sadd.s32 $0x0, s7;
	v11 =	vor.u32 $0x5, v7  }
0x381: {  	s4 =	sadd.s32 $0x0, s4;
	s6 =	sadd.s32 $0x10, s6;
	s21 =	sor.u32 $0x200, s7;
	[tilespmem:s20+$0x18600] =	vst v0  }
0x382: {  	s4 =	sadd.s32 $0x20, s4;
	s9 =	sor.u32 $0x200, s6;
	[tilespmem:s21+$0x18600] =	vst v5;
	v0 =	vld.idx.msk [tilespmem:v1+s15+$0x0], $0xffff  }
0x383: {  	s22 =	sor.u32 $0x200, s4;
	v1 =	vor.u32 $0x6, v4;
	v5 =	vld.idx.msk [tilespmem:v6+s15+$0x0], $0xffff;
	[tilespmem:s9+$0x18600] =	vst v8  }
0x384: {  	v6 =	vor.u32 $0x6, v3;
	v8 =	vld.idx.msk [tilespmem:v9+s15+$0x0], $0xffff;
	[tilespmem:s22+$0x18600] =	vst v10  }
0x385: {  	v9 =	vor.u32 $0x6, v2;
	v10 =	vld.idx.msk [tilespmem:v11+s15+$0x0], $0xffff  }
0x386: {  	s24 =	sor.u32 $0x280, s1;
	v11 =	vor.u32 $0x6, v7  }
0x387: {  	s26 =	sor.u32 $0x280, s0;
	[tilespmem:s24+$0x18600] =	vst v0  }
0x388: {  	s29 =	sor.u32 $0x280, s2;
	[tilespmem:s26+$0x18600] =	vst v5;
	v0 =	vld.idx.msk [tilespmem:v1+s15+$0x0], $0xffff  }
0x389: {  	s31 =	sor.u32 $0x280, s3;
	v1 =	vor.u32 $0x7, v4;
	v5 =	vld.idx.msk [tilespmem:v6+s15+$0x0], $0xffff;
	[tilespmem:s29+$0x18600] =	vst v8  }
0x38a: {  	v6 =	vor.u32 $0x7, v3;
	v8 =	vld.idx.msk [tilespmem:v9+s15+$0x0], $0xffff;
	[tilespmem:s31+$0x18600] =	vst v10  }
0x38b: {  	v9 =	vor.u32 $0x7, v2;
	v10 =	vld.idx.msk [tilespmem:v11+s15+$0x0], $0xffff  }
0x38c: {  	s5 =	sor.u32 $0x300, s19;
	v11 =	vor.u32 $0x7, v7  }
0x38d: {  	s9 =	sor.u32 $0x300, s7;
	[tilespmem:s5+$0x18600] =	vst v0  }
0x38e: {  	s6 =	sor.u32 $0x300, s6;
	[tilespmem:s9+$0x18600] =	vst v5;
	v0 =	vld.idx.msk [tilespmem:v1+s15+$0x0], $0xffff  }
0x38f: {  	s4 =	sor.u32 $0x300, s4;
	v1 =	vor.u32 $0x8, v4;
	v5 =	vld.idx.msk [tilespmem:v6+s15+$0x0], $0xffff;
	[tilespmem:s6+$0x18600] =	vst v8  }
0x390: {  	v6 =	vor.u32 $0x8, v3;
	v8 =	vld.idx.msk [tilespmem:v9+s15+$0x0], $0xffff;
	[tilespmem:s4+$0x18600] =	vst v10  }
0x391: {  	v9 =	vor.u32 $0x8, v2;
	v10 =	vld.idx.msk [tilespmem:v11+s15+$0x0], $0xffff  }
0x392: {  	s1 =	sor.u32 $0x380, s1;
	v11 =	vor.u32 $0x8, v7  }
0x393: {  	s0 =	sor.u32 $0x380, s0;
	[tilespmem:s1+$0x18600] =	vst v0  }
0x394: {  	s14 =	sor.u32 $0x380, s2;
	[tilespmem:s0+$0x18600] =	vst v5;
	v0 =	vld.idx.msk [tilespmem:v1+s15+$0x0], $0xffff  }
0x395: {  	s17 =	sor.u32 $0x380, s3;
	v1 =	vor.u32 $0x9, v4;
	v5 =	vld.idx.msk [tilespmem:v6+s15+$0x0], $0xffff;
	[tilespmem:s14+$0x18600] =	vst v8  }
0x396: {  	v6 =	vor.u32 $0x9, v3;
	v8 =	vld.idx.msk [tilespmem:v9+s15+$0x0], $0xffff;
	[tilespmem:s17+$0x18600] =	vst v10  }
0x397: {  	s18 =	sadd.s32 $0x18E00, s16;
	v9 =	vor.u32 $0x9, v2;
	v10 =	vld.idx.msk [tilespmem:v11+s15+$0x0], $0xffff  }
0x398: {  	s19 =	sor.u32 s25, s18;
	v11 =	vor.u32 $0x9, v7  }
0x399: {  	s20 =	sor.u32 s10, s18;
	[tilespmem:s19+$0x0] =	vst v0  }
0x39a: {  	s21 =	sor.u32 s13, s18;
	[tilespmem:s20+$0x0] =	vst v5;
	v0 =	vld.idx.msk [tilespmem:v1+s15+$0x0], $0xffff  }
0x39b: {  	s0 =	sor.u32 s12, s18;
	v1 =	vor.u32 $0xA, v4;
	v5 =	vld.idx.msk [tilespmem:v6+s15+$0x0], $0xffff;
	[tilespmem:s21+$0x0] =	vst v8  }
0x39c: {  	v6 =	vor.u32 $0xA, v3;
	v8 =	vld.idx.msk [tilespmem:v9+s15+$0x0], $0xffff;
	[tilespmem:s0+$0x0] =	vst v10  }
0x39d: {  	s22 =	sadd.s32 $0x18E80, s16;
	v9 =	vor.u32 $0xA, v2;
	v10 =	vld.idx.msk [tilespmem:v11+s15+$0x0], $0xffff  }
0x39e: {  	s24 =	sor.u32 s25, s22;
	v11 =	vor.u32 $0xA, v7  }
0x39f: {  	s26 =	sor.u32 s10, s22;
	[tilespmem:s24+$0x0] =	vst v0  }
0x3a0: {  	s29 =	sor.u32 s13, s22;
	[tilespmem:s26+$0x0] =	vst v5;
	v0 =	vld.idx.msk [tilespmem:v1+s15+$0x0], $0xffff  }
0x3a1: {  	s0 =	sor.u32 s12, s22;
	v1 =	vor.u32 $0xB, v4;
	v5 =	vld.idx.msk [tilespmem:v6+s15+$0x0], $0xffff;
	[tilespmem:s29+$0x0] =	vst v8  }
0x3a2: {  	v6 =	vor.u32 $0xB, v3;
	v8 =	vld.idx.msk [tilespmem:v9+s15+$0x0], $0xffff;
	[tilespmem:s0+$0x0] =	vst v10  }
0x3a3: {  	s31 =	sadd.s32 $0x18F00, s16;
	v9 =	vor.u32 $0xB, v2;
	v10 =	vld.idx.msk [tilespmem:v11+s15+$0x0], $0xffff  }
0x3a4: {  	s2 =	sor.u32 s25, s31;
	v11 =	vor.u32 $0xB, v7  }
0x3a5: {  	s3 =	sor.u32 s10, s31;
	[tilespmem:s2+$0x0] =	vst v0  }
0x3a6: {  	s4 =	sor.u32 s13, s31;
	[tilespmem:s3+$0x0] =	vst v5;
	v0 =	vld.idx.msk [tilespmem:v1+s15+$0x0], $0xffff  }
0x3a7: {  	s0 =	sor.u32 s12, s31;
	v1 =	vor.u32 $0xC, v4;
	v5 =	vld.idx.msk [tilespmem:v6+s15+$0x0], $0xffff;
	[tilespmem:s4+$0x0] =	vst v8  }
0x3a8: {  	v6 =	vor.u32 $0xC, v3;
	v8 =	vld.idx.msk [tilespmem:v9+s15+$0x0], $0xffff;
	[tilespmem:s0+$0x0] =	vst v10  }
0x3a9: {  	s5 =	sadd.s32 $0x18F80, s16;
	v9 =	vor.u32 $0xC, v2;
	v10 =	vld.idx.msk [tilespmem:v11+s15+$0x0], $0xffff  }
0x3aa: {  	s6 =	sor.u32 s25, s5;
	v11 =	vor.u32 $0xC, v7  }
0x3ab: {  	s7 =	sor.u32 s10, s5;
	[tilespmem:s6+$0x0] =	vst v0  }
0x3ac: {  	s8 =	sor.u32 s13, s5;
	[tilespmem:s7+$0x0] =	vst v5;
	v0 =	vld.idx.msk [tilespmem:v1+s15+$0x0], $0xffff  }
0x3ad: {  	s0 =	sor.u32 s12, s5;
	v1 =	vor.u32 $0xD, v4;
	v5 =	vld.idx.msk [tilespmem:v6+s15+$0x0], $0xffff;
	[tilespmem:s8+$0x0] =	vst v8  }
0x3ae: {  	v6 =	vor.u32 $0xD, v3;
	v8 =	vld.idx.msk [tilespmem:v9+s15+$0x0], $0xffff;
	[tilespmem:s0+$0x0] =	vst v10  }
0x3af: {  	s9 =	sor.u32 $0x19000, s16;
	v9 =	vor.u32 $0xD, v2;
	v10 =	vld.idx.msk [tilespmem:v11+s15+$0x0], $0xffff  }
0x3b0: {  	s14 =	sor.u32 s25, s9;
	v11 =	vor.u32 $0xD, v7  }
0x3b1: {  	s17 =	sor.u32 s10, s9;
	[tilespmem:s14+$0x0] =	vst v0  }
0x3b2: {  	s18 =	sor.u32 s13, s9;
	[tilespmem:s17+$0x0] =	vst v5;
	v0 =	vld.idx.msk [tilespmem:v1+s15+$0x0], $0xffff  }
0x3b3: {  	s0 =	sor.u32 s12, s9;
	v1 =	vor.u32 $0xE, v4;
	v5 =	vld.idx.msk [tilespmem:v6+s15+$0x0], $0xffff;
	[tilespmem:s18+$0x0] =	vst v8  }
0x3b4: {  	v6 =	vor.u32 $0xE, v3;
	v8 =	vld.idx.msk [tilespmem:v9+s15+$0x0], $0xffff;
	[tilespmem:s0+$0x0] =	vst v10  }
0x3b5: {  	s19 =	sor.u32 $0x19080, s16;
	v9 =	vor.u32 $0xE, v2;
	v10 =	vld.idx.msk [tilespmem:v11+s15+$0x0], $0xffff  }
0x3b6: {  	s20 =	sor.u32 s25, s19;
	v11 =	vor.u32 $0xE, v7  }
0x3b7: {  	s21 =	sor.u32 s10, s19;
	[tilespmem:s20+$0x0] =	vst v0  }
0x3b8: {  	s22 =	sor.u32 s13, s19;
	[tilespmem:s21+$0x0] =	vst v5;
	v0 =	vld.idx.msk [tilespmem:v1+s15+$0x0], $0xffff  }
0x3b9: {  	s0 =	sor.u32 s12, s19;
	v1 =	vor.u32 $0xF, v4;
	v5 =	vld.idx.msk [tilespmem:v6+s15+$0x0], $0xffff;
	[tilespmem:s22+$0x0] =	vst v8  }
0x3ba: {  	v6 =	vor.u32 $0xF, v3;
	v8 =	vld.idx.msk [tilespmem:v9+s15+$0x0], $0xffff;
	[tilespmem:s0+$0x0] =	vst v10  }
0x3bb: {  	s24 =	sor.u32 $0x19100, s16;
	v9 =	vor.u32 $0xF, v2;
	v10 =	vld.idx.msk [tilespmem:v11+s15+$0x0], $0xffff  }
0x3bc: {  	s26 =	sor.u32 s25, s24;
	v11 =	vor.u32 $0xF, v7  }
0x3bd: {  	s29 =	sor.u32 s10, s24;
	[tilespmem:s26+$0x0] =	vst v0  }
0x3be: {  	s31 =	sor.u32 s13, s24;
	[tilespmem:s29+$0x0] =	vst v5;
	v0 =	vld.idx.msk [tilespmem:v1+s15+$0x0], $0xffff  }
0x3bf: {  	s7 =	simm.s32 $0x40;
	s0 =	sor.u32 s12, s24;
	v1 =	vor.u32 $0x10, v4;
	v5 =	vld.idx.msk [tilespmem:v6+s15+$0x0], $0xffff;
	[tilespmem:s31+$0x0] =	vst v8  }
0x3c0: {  	s14 =	sand.u32 $0x80, s7;
	v6 =	vor.u32 $0x10, v3;
	v8 =	vld.idx.msk [tilespmem:v9+s15+$0x0], $0xffff;
	[tilespmem:s0+$0x0] =	vst v10  }
0x3c1: {  	s3 =	sor.u32 $0x19180, s16;
	s30 =	sand.u32 $0x40, s7;
	s18 =	sadd.s32 s14, s23;
	v9 =	vor.u32 $0x10, v2;
	v10 =	vld.idx.msk [tilespmem:v11+s15+$0x0], $0xffff  }
0x3c2: {  	s4 =	sor.u32 s25, s3;
	s24 =	sadd.s32 s30, s18;
	v11 =	vor.u32 $0x10, v7  }
0x3c3: {  	s5 =	sor.u32 s10, s3;
	v13 =	vld [tilespmem:s24+$0x0];
	[tilespmem:s4+$0x0] =	vst v0  }
0x3c4: {  	s6 =	sor.u32 s13, s3;
	[tilespmem:s5+$0x0] =	vst v5;
	v0 =	vld.idx.msk [tilespmem:v1+s15+$0x0], $0xffff  }
0x3c5: {  	s21 =	simm.s32 $0x50;
	s0 =	sor.u32 s12, s3;
	v1 =	vor.u32 $0x11, v4;
	v5 =	vld.idx.msk [tilespmem:v6+s15+$0x0], $0xffff;
	[tilespmem:s6+$0x0] =	vst v8  }
0x3c6: {  	s8 =	simm.s32 $0x70;
	v6 =	vld.idx.msk [tilespmem:v9+s15+$0x0], $0xffff;
	[tilespmem:s0+$0x0] =	vst v10;
	s0 =	sand.u32 $0x50, s21  }
0x3c7: {  	s17 =	sadd.s32 $0x19600, s16;
	s14 =	sand.u32 $0x70, s8;
	v8 =	vld.idx.msk [tilespmem:v11+s15+$0x0], $0xffff;
	s26 =	sadd.s32 s0, s18  }
0x3c8: {  	s19 =	sor.u32 s25, s17;
	s20 =	sadd.s32 s14, s18;
	s22 =	simm.s32 $0x60;
	v9 =	vor.u32 $0x11, v3;
	v17 =	vld [tilespmem:s26+$0x0]  }
0x3c9: {  	v14 =	vor.u32 $0x12, v4;
	s2 =	sand.u32 $0x60, s22;
	[tilespmem:s19+$0x0] =	vst v0;
	v0 =	vld [tilespmem:s20+$0x0]  }
0x3ca: {  	v15 =	vor.u32 $0x12, v3;
	v12 =	vmov s7;
	s29 =	sor.u32 s10, s17;
	s6 =	sadd.s32 s2, s18;
	v10 =	vor.u32 $0x11, v2;
	v1 =	vld.idx.msk [tilespmem:v1+s15+$0x0], $0xffff  }
0x3cb: {  	v12 =	vshll.u32 v12, $0x7;
	v18 =	vmov s8;
	v16 =	vmov s21;
	[tilespmem:s29+$0x0] =	vst v5;
	v5 =	vld [tilespmem:s6+$0x0]  }
0x3cc: {  	v12 =	vor.u32 v24, v12;
	v18 =	vshll.u32 v18, $0x7;
	s7 =	sor.u32 s13, s17;
	v16 =	vshll.u32 v16, $0x7  }
0x3cd: {  	v19 =	vmov s22;
	s31 =	sadd.s32 $0x19680, s16;
	s5 =	sor.u32 s12, s17;
	v11 =	vor.u32 $0x11, v7;
	v9 =	vld.idx.msk [tilespmem:v9+s15+$0x0], $0xffff;
	[tilespmem:s7+$0x0] =	vst v6;
	v6 =	vshll.u32 v17, $0x5  }
0x3ce: {  	v16 =	vor.u32 v24, v16;
	s6 =	sor.u32 s25, s31;
	[tilespmem:s5+$0x0] =	vst v8;
	v0 =	vshll.u32 v0, $0x5;
	v6 =	vand.u32 $0x60, v6  }
0x3cf: {  	v8 =	vld.idx.msk [tilespmem:v10+s15+$0x0], $0xffff;
	[tilespmem:s6+$0x0] =	vst v1;
	v0 =	vand.u32 $0x60, v0;
	v1 =	vor.u32 v24, v18;
	v44 =	vor.u32 v16, v6  }
0x3d0: {  	v13 =	vshll.u32 v13, $0x5;
	v5 =	vshll.u32 v5, $0x5;
	v14 =	vld.idx.msk [tilespmem:v14+s15+$0x0], $0xffff;
	v63 =	vor.u32 v1, v0  }
0x3d1: {  	s8 =	sor.u32 s10, s31;
	v18 =	vshll.u32 v19, $0x7;
	v0 =	vand.u32 $0x60, v13;
	v13 =	vor.u32 $0x13, v4  }
0x3d2: {  	v10 =	vld.idx.msk [tilespmem:v11+s15+$0x0], $0xffff;
	v5 =	vand.u32 $0x60, v5;
	[tilespmem:s8+$0x0] =	vst v9;
	v45 =	vor.u32 v12, v0;
	v0 =	vor.u32 v24, v18  }
0x3d3: {  	s9 =	sadd.s32 $0x19700, s16;
	s18 =	sor.u32 s13, s31;
	v0 =	vor.u32 v0, v5;
	v5 =	vld.idx.msk [tilespmem:v15+s15+$0x0], $0xffff  }
0x3d4: {  	s17 =	sor.u32 s25, s9;
	v6 =	vor.u32 $0x12, v2;
	[tilespmem:s18+$0x0] =	vst v8;
	v8 =	vld.idx.msk [tilespmem:v44+s15+$0x0], $0xffff  }
0x3d5: {  	s1 =	simm.s32 $0x200;
	v11 =	vor.u32 $0x12, v7;
	v9 =	vld.idx.msk [tilespmem:v63+s15+$0x0], $0xffff;
	[tilespmem:s17+$0x0] =	vst v14  }
0x3d6: {  	s3 =	sor.u32 s12, s31;
	s4 =	sand.u32 $0x400, s1;
	v14 =	vor.u32 $0x1, v63;
	v12 =	vld.idx.msk [tilespmem:v13+s15+$0x0], $0xffff  }
0x3d7: {  	s19 =	sor.u32 s10, s9;
	s20 =	sadd.s32 $0x18600, s4;
	v15 =	vor.u32 $0x14, v4;
	[tilespmem:s3+$0x0] =	vst v10;
	v13 =	vld.idx.msk [tilespmem:v45+s15+$0x0], $0xffff  }
0x3d8: {  	s5 =	sor.u32 s0, s20;
	v16 =	vor.u32 $0x1, v45;
	v10 =	vld.idx.msk [tilespmem:v0+s15+$0x0], $0xffff;
	[tilespmem:s19+$0x0] =	vst v5  }
0x3d9: {  	s22 =	sadd.s32 $0x19780, s16;
	s21 =	sor.u32 s14, s20;
	v17 =	vor.u32 $0x1, v44;
	v5 =	vld.idx.msk [tilespmem:v6+s15+$0x0], $0xffff;
	[tilespmem:s5+$0x0] =	vst v8  }
0x3da: {  	s24 =	sor.u32 s25, s22;
	v6 =	vor.u32 $0x1, v0;
	[tilespmem:s21+$0x0] =	vst v9;
	v9 =	vld.idx.msk [tilespmem:v11+s15+$0x0], $0xffff  }
0x3db: {  	s8 =	sor.u32 s30, s20;
	v11 =	vor.u32 $0x13, v3;
	v14 =	vld.idx.msk [tilespmem:v14+s15+$0x0], $0xffff;
	[tilespmem:s24+$0x0] =	vst v12  }
0x3dc: {  	s3 =	sor.u32 s2, s20;
	v12 =	vor.u32 $0x13, v2;
	[tilespmem:s8+$0x0] =	vst v13;
	v13 =	vld.idx.msk [tilespmem:v15+s15+$0x0], $0xffff  }
0x3dd: {  	s17 =	sor.u32 s13, s9;
	v8 =	vor.u32 $0x2, v63;
	v15 =	vld.idx.msk [tilespmem:v16+s15+$0x0], $0xffff;
	[tilespmem:s3+$0x0] =	vst v10  }
0x3de: {  	s7 =	sor.u32 s12, s9;
	v16 =	vld.idx.msk [tilespmem:v17+s15+$0x0], $0xffff;
	v10 =	vor.u32 $0x15, v4;
	[tilespmem:s17+$0x0] =	vst v5  }
0x3df: {  	v17 =	vor.u32 $0x2, v45;
	s17 =	sor.u32 $0x19800, s16;
	v6 =	vld.idx.msk [tilespmem:v6+s15+$0x0], $0xffff;
	[tilespmem:s7+$0x0] =	vst v9  }
0x3e0: {  	v5 =	vor.u32 $0x2, v44;
	s26 =	sor.u32 s25, s17;
	v11 =	vld.idx.msk [tilespmem:v11+s15+$0x0], $0xffff;
	[tilespmem:s21+$0x80] =	vst v14  }
0x3e1: {  	v9 =	vor.u32 $0x2, v0;
	v12 =	vld.idx.msk [tilespmem:v12+s15+$0x0], $0xffff;
	[tilespmem:s26+$0x0] =	vst v13  }
0x3e2: {  	v14 =	vor.u32 $0x13, v7;
	v8 =	vld.idx.msk [tilespmem:v8+s15+$0x0], $0xffff;
	[tilespmem:s8+$0x80] =	vst v15  }
0x3e3: {  	v13 =	vor.u32 $0x14, v3;
	[tilespmem:s5+$0x80] =	vst v16;
	v10 =	vld.idx.msk [tilespmem:v10+s15+$0x0], $0xffff  }
0x3e4: {  	s29 =	sor.u32 s10, s22;
	v16 =	vor.u32 $0x3, v63;
	v15 =	vld.idx.msk [tilespmem:v17+s15+$0x0], $0xffff;
	[tilespmem:s3+$0x80] =	vst v6  }
0x3e5: {  	s18 =	sor.u32 s13, s22;
	v5 =	vld.idx.msk [tilespmem:v5+s15+$0x0], $0xffff;
	v6 =	vor.u32 $0x16, v4;
	[tilespmem:s29+$0x0] =	vst v11  }
0x3e6: {  	s7 =	sor.u32 $0x19880, s16;
	v17 =	vor.u32 $0x3, v45;
	v9 =	vld.idx.msk [tilespmem:v9+s15+$0x0], $0xffff;
	[tilespmem:s18+$0x0] =	vst v12  }
0x3e7: {  	s31 =	sor.u32 s25, s7;
	v11 =	vor.u32 $0x3, v44;
	v12 =	vld.idx.msk [tilespmem:v14+s15+$0x0], $0xffff;
	[tilespmem:s21+$0x100] =	vst v8  }
0x3e8: {  	v14 =	vor.u32 $0x3, v0;
	v8 =	vld.idx.msk [tilespmem:v13+s15+$0x0], $0xffff;
	[tilespmem:s31+$0x0] =	vst v10  }
0x3e9: {  	v13 =	vor.u32 $0x14, v2;
	v16 =	vld.idx.msk [tilespmem:v16+s15+$0x0], $0xffff;
	[tilespmem:s8+$0x100] =	vst v15  }
0x3ea: {  	v10 =	vor.u32 $0x14, v7;
	[tilespmem:s5+$0x100] =	vst v5;
	v6 =	vld.idx.msk [tilespmem:v6+s15+$0x0], $0xffff  }
0x3eb: {  	s6 =	sor.u32 s12, s22;
	v5 =	vor.u32 $0x4, v63;
	v15 =	vld.idx.msk [tilespmem:v17+s15+$0x0], $0xffff;
	[tilespmem:s3+$0x100] =	vst v9  }
0x3ec: {  	s19 =	sor.u32 s10, s17;
	v11 =	vld.idx.msk [tilespmem:v11+s15+$0x0], $0xffff;
	[tilespmem:s6+$0x0] =	vst v12  }
0x3ed: {  	v9 =	vor.u32 $0x17, v4;
	v14 =	vld.idx.msk [tilespmem:v14+s15+$0x0], $0xffff;
	s6 =	sor.u32 $0x19900, s16;
	[tilespmem:s19+$0x0] =	vst v8  }
0x3ee: {  	v17 =	vor.u32 $0x4, v45;
	v8 =	vld.idx.msk [tilespmem:v13+s15+$0x0], $0xffff;
	s20 =	sor.u32 s25, s6;
	[tilespmem:s21+$0x180] =	vst v16  }
0x3ef: {  	s22 =	simm.s32 $0x4;
	v12 =	vor.u32 $0x4, v44;
	v10 =	vld.idx.msk [tilespmem:v10+s15+$0x0], $0xffff;
	[tilespmem:s20+$0x0] =	vst v6  }
0x3f0: {  	v13 =	vor.u32 $0x4, v0;
	s21 =	simm.s32 $0x4;
	v5 =	vld.idx.msk [tilespmem:v5+s15+$0x0], $0xffff;
	[dreg:$0x8] =	wrdreg s22  }
0x3f1: {  	s24 =	simm.s32 $0x2;
	v16 =	vor.u32 $0x15, v3;
	s26 =	sand.u32 $0x7, s21;
	[tilespmem:s8+$0x180] =	vst v15  }
0x3f2: {  	p0 =	por !p0, !p0;
	s29 =	sand.u32 $0x3, s24;
	v6 =	vor.u32 $0x15, v2;
	s9 =	sshll.u32 s26, $0x4;
	v9 =	vld.idx.msk [tilespmem:v9+s15+$0x0], $0xffff;
	[tilespmem:s5+$0x180] =	vst v11  }
0x3f3: {  	s31 =	sor.u32 s13, s17;
	v11 =	vor.u32 $0x5, v63;
	s5 =	simm.s32 $0x1;
	s19 =	sadd.s32 $0x200, s9;
	[tilespmem:s3+$0x180] =	vst v14;
	v15 =	vld.idx.msk [tilespmem:v17+s15+$0x0], $0xffff  }
0x3f4: {  	s17 =	sor.u32 s12, s17;
	v14 =	vor.u32 $0x18, v4;
	v12 =	vld.idx.msk [tilespmem:v12+s15+$0x0], $0xffff;
	s5 =	simm.s32 @!p0 $0x0;
	s9 =	sadd.s32 $0x30, s19;
	[tilespmem:s31+$0x0] =	vst v8  }
0x3f5: {  	v17 =	vor.u32 $0x5, v45;
	v13 =	vld.idx.msk [tilespmem:v13+s15+$0x0], $0xffff;
	s20 =	sshll.u32 s5, $0x6;
	s21 =	sor.u32 $0x200, s9;
	s5 =	sor.u32 $0x19980, s16;
	[tilespmem:s17+$0x0] =	vst v10  }
0x3f6: {  	s22 =	sshll.u32 s29, $0x5;
	v8 =	vor.u32 $0x5, v44;
	v16 =	vld.idx.msk [tilespmem:v16+s15+$0x0], $0xffff;
	s8 =	sadd.s32 $0x200, s20;
	[tilespmem:s21+$0x18600] =	vst v5;
	s26 =	sor.u32 s25, s5  }
0x3f7: {  	s3 =	sadd.s32 $0x200, s22;
	v10 =	vor.u32 $0x5, v0;
	s17 =	sadd.s32 $0x10, s19;
	v5 =	vld.idx.msk [tilespmem:v6+s15+$0x0], $0xffff;
	s20 =	sor.u32 $0x200, s8;
	[tilespmem:s26+$0x0] =	vst v9  }
0x3f8: {  	s18 =	sadd.s32 $0x20, s3;
	v6 =	vor.u32 $0x15, v7;
	s29 =	sor.u32 $0x200, s17;
	v11 =	vld.idx.msk [tilespmem:v11+s15+$0x0], $0xffff;
	[tilespmem:s20+$0x18600] =	vst v15  }
0x3f9: {  	s31 =	sor.u32 $0x200, s18;
	v9 =	vor.u32 $0x16, v3;
	v14 =	vld.idx.msk [tilespmem:v14+s15+$0x0], $0xffff;
	[tilespmem:s29+$0x18600] =	vst v12  }
0x3fa: {  	v12 =	vor.u32 $0x6, v63;
	s20 =	sor.u32 s10, s7;
	[tilespmem:s31+$0x18600] =	vst v13;
	v15 =	vld.idx.msk [tilespmem:v17+s15+$0x0], $0xffff  }
0x3fb: {  	s21 =	sor.u32 s13, s7;
	s26 =	simm.s32 $0x270;
	v13 =	vor.u32 $0x19, v4;
	v8 =	vld.idx.msk [tilespmem:v8+s15+$0x0], $0xffff;
	[tilespmem:s20+$0x0] =	vst v16  }
0x3fc: {  	s3 =	sadd.s32 $0x19E00, s16;
	s22 =	sor.u32 $0x280, s26;
	v17 =	vor.u32 $0x6, v45;
	v10 =	vld.idx.msk [tilespmem:v10+s15+$0x0], $0xffff;
	[tilespmem:s21+$0x0] =	vst v5  }
0x3fd: {  	s19 =	simm.s32 $0x240;
	v16 =	vor.u32 $0x6, v44;
	v5 =	vld.idx.msk [tilespmem:v6+s15+$0x0], $0xffff;
	s21 =	sor.u32 s25, s3;
	[tilespmem:s22+$0x18600] =	vst v11  }
0x3fe: {  	s20 =	simm.s32 $0x250;
	v6 =	vor.u32 $0x6, v0;
	v9 =	vld.idx.msk [tilespmem:v9+s15+$0x0], $0xffff;
	s22 =	sor.u32 $0x280, s19;
	[tilespmem:s21+$0x0] =	vst v14  }
0x3ff: {  	s29 =	sor.u32 $0x280, s20;
	v11 =	vor.u32 $0x16, v2;
	v12 =	vld.idx.msk [tilespmem:v12+s15+$0x0], $0xffff;
	s21 =	simm.s32 $0x260;
	[tilespmem:s22+$0x18600] =	vst v15  }
0x400: {  	v14 =	vor.u32 $0x16, v7;
	v13 =	vld.idx.msk [tilespmem:v13+s15+$0x0], $0xffff;
	[tilespmem:s29+$0x18600] =	vst v8;
	s31 =	sor.u32 $0x280, s21  }
0x401: {  	s7 =	sor.u32 s12, s7;
	v15 =	vor.u32 $0x7, v63;
	v8 =	vld.idx.msk [tilespmem:v17+s15+$0x0], $0xffff;
	[tilespmem:s31+$0x18600] =	vst v10  }
0x402: {  	s29 =	sor.u32 s10, s6;
	v10 =	vld.idx.msk [tilespmem:v16+s15+$0x0], $0xffff;
	v16 =	vor.u32 $0x1A, v4;
	[tilespmem:s7+$0x0] =	vst v5  }
0x403: {  	s9 =	sor.u32 $0x300, s9;
	v17 =	vor.u32 $0x7, v45;
	s7 =	sadd.s32 $0x19E80, s16;
	v5 =	vld.idx.msk [tilespmem:v6+s15+$0x0], $0xffff;
	[tilespmem:s29+$0x0] =	vst v9  }
0x404: {  	v6 =	vor.u32 $0x7, v44;
	s31 =	sor.u32 s25, s7;
	v9 =	vld.idx.msk [tilespmem:v11+s15+$0x0], $0xffff;
	[tilespmem:s9+$0x18600] =	vst v12  }
0x405: {  	s8 =	sor.u32 $0x300, s8;
	v11 =	vor.u32 $0x7, v0;
	v12 =	vld.idx.msk [tilespmem:v14+s15+$0x0], $0xffff;
	[tilespmem:s31+$0x0] =	vst v13  }
0x406: {  	s22 =	sor.u32 $0x300, s17;
	v14 =	vld.idx.msk [tilespmem:v15+s15+$0x0], $0xffff;
	[tilespmem:s8+$0x18600] =	vst v8  }
0x407: {  	s29 =	sor.u32 $0x300, s18;
	v13 =	vor.u32 $0x17, v3;
	v15 =	vld.idx.msk [tilespmem:v16+s15+$0x0], $0xffff;
	[tilespmem:s22+$0x18600] =	vst v10  }
0x408: {  	s31 =	sor.u32 s13, s6;
	v8 =	vor.u32 $0x17, v2;
	v10 =	vld.idx.msk [tilespmem:v17+s15+$0x0], $0xffff;
	[tilespmem:s29+$0x18600] =	vst v5  }
0x409: {  	s9 =	simm.s32 $0x270;
	v16 =	vor.u32 $0x8, v63;
	v5 =	vld.idx.msk [tilespmem:v6+s15+$0x0], $0xffff;
	[tilespmem:s31+$0x0] =	vst v9  }
0x40a: {  	s6 =	sor.u32 s12, s6;
	v6 =	vor.u32 $0x1B, v4;
	v11 =	vld.idx.msk [tilespmem:v11+s15+$0x0], $0xffff;
	[dreg:$0xc] =	wrdreg s9  }
0x40b: {  	s17 =	sor.u32 $0x380, s26;
	s8 =	sadd.s32 $0x19F00, s16;
	v17 =	vor.u32 $0x8, v45;
	[tilespmem:s6+$0x0] =	vst v12  }
0x40c: {  	s18 =	sor.u32 s25, s8;
	v9 =	vor.u32 $0x8, v44;
	v13 =	vld.idx.msk [tilespmem:v13+s15+$0x0], $0xffff;
	[tilespmem:s17+$0x18600] =	vst v14  }
0x40d: {  	s19 =	sor.u32 $0x380, s19;
	v12 =	vor.u32 $0x8, v0;
	v8 =	vld.idx.msk [tilespmem:v8+s15+$0x0], $0xffff;
	[tilespmem:s18+$0x0] =	vst v15  }
0x40e: {  	s20 =	sor.u32 $0x380, s20;
	v14 =	vor.u32 $0x17, v7;
	v16 =	vld.idx.msk [tilespmem:v16+s15+$0x0], $0xffff;
	[tilespmem:s19+$0x18600] =	vst v10  }
0x40f: {  	s22 =	sor.u32 $0x380, s21;
	v15 =	vor.u32 $0x18, v3;
	v6 =	vld.idx.msk [tilespmem:v6+s15+$0x0], $0xffff;
	[tilespmem:s20+$0x18600] =	vst v5  }
0x410: {  	s26 =	sor.u32 s10, s5;
	v5 =	vor.u32 $0x9, v63;
	v10 =	vld.idx.msk [tilespmem:v17+s15+$0x0], $0xffff;
	[tilespmem:s22+$0x18600] =	vst v11  }
0x411: {  	s29 =	sor.u32 s13, s5;
	s31 =	sadd.s32 $0x18E00, s4;
	v9 =	vld.idx.msk [tilespmem:v9+s15+$0x0], $0xffff;
	v11 =	vor.u32 $0x1C, v4;
	[tilespmem:s26+$0x0] =	vst v13  }
0x412: {  	s6 =	sadd.s32 $0x19F80, s16;
	s19 =	sor.u32 s14, s31;
	v17 =	vor.u32 $0x9, v45;
	v12 =	vld.idx.msk [tilespmem:v12+s15+$0x0], $0xffff;
	[tilespmem:s29+$0x0] =	vst v8  }
0x413: {  	s20 =	sor.u32 s25, s6;
	v13 =	vor.u32 $0x9, v44;
	v8 =	vld.idx.msk [tilespmem:v14+s15+$0x0], $0xffff;
	[tilespmem:s19+$0x0] =	vst v16  }
0x414: {  	s21 =	sor.u32 s30, s31;
	v14 =	vor.u32 $0x9, v0;
	v15 =	vld.idx.msk [tilespmem:v15+s15+$0x0], $0xffff;
	[tilespmem:s20+$0x0] =	vst v6  }
0x415: {  	s22 =	sor.u32 s0, s31;
	v16 =	vor.u32 $0x18, v2;
	v5 =	vld.idx.msk [tilespmem:v5+s15+$0x0], $0xffff;
	[tilespmem:s21+$0x0] =	vst v10  }
0x416: {  	s17 =	sor.u32 s2, s31;
	v6 =	vor.u32 $0x18, v7;
	v10 =	vld.idx.msk [tilespmem:v11+s15+$0x0], $0xffff;
	[tilespmem:s22+$0x0] =	vst v9  }
0x417: {  	s5 =	sor.u32 s12, s5;
	v9 =	vor.u32 $0xA, v63;
	v11 =	vld.idx.msk [tilespmem:v17+s15+$0x0], $0xffff;
	[tilespmem:s17+$0x0] =	vst v12  }
0x418: {  	s26 =	sor.u32 s10, s3;
	s29 =	sadd.s32 $0x18E80, s4;
	v13 =	vld.idx.msk [tilespmem:v13+s15+$0x0], $0xffff;
	v12 =	vor.u32 $0x1D, v4;
	[tilespmem:s5+$0x0] =	vst v8  }
0x419: {  	s31 =	sor.u32 s14, s29;
	v17 =	vor.u32 $0xA, v45;
	v14 =	vld.idx.msk [tilespmem:v14+s15+$0x0], $0xffff;
	[tilespmem:s26+$0x0] =	vst v15;
	s5 =	sor.u32 $0x1A000, s16  }
0x41a: {  	v8 =	vor.u32 $0xA, v44;
	v15 =	vld.idx.msk [tilespmem:v16+s15+$0x0], $0xffff;
	[tilespmem:s31+$0x0] =	vst v5;
	s19 =	sor.u32 s25, s5  }
0x41b: {  	s20 =	sor.u32 s30, s29;
	v16 =	vor.u32 $0xA, v0;
	v5 =	vld.idx.msk [tilespmem:v6+s15+$0x0], $0xffff;
	[tilespmem:s19+$0x0] =	vst v10  }
0x41c: {  	s21 =	sor.u32 s0, s29;
	v6 =	vor.u32 $0x19, v3;
	v9 =	vld.idx.msk [tilespmem:v9+s15+$0x0], $0xffff;
	[tilespmem:s20+$0x0] =	vst v11  }
0x41d: {  	s17 =	sor.u32 s2, s29;
	v10 =	vor.u32 $0x19, v2;
	v11 =	vld.idx.msk [tilespmem:v12+s15+$0x0], $0xffff;
	[tilespmem:s21+$0x0] =	vst v13  }
0x41e: {  	s22 =	sor.u32 s13, s3;
	v12 =	vld.idx.msk [tilespmem:v17+s15+$0x0], $0xffff;
	v13 =	vor.u32 $0xB, v63;
	[tilespmem:s17+$0x0] =	vst v14  }
0x41f: {  	s29 =	sadd.s32 $0x18F00, s4;
	s26 =	sor.u32 s12, s3;
	v8 =	vld.idx.msk [tilespmem:v8+s15+$0x0], $0xffff;
	v14 =	vor.u32 $0x1E, v4;
	[tilespmem:s22+$0x0] =	vst v15  }
0x420: {  	s3 =	sor.u32 $0x1A080, s16;
	s31 =	sor.u32 s14, s29;
	v17 =	vor.u32 $0xB, v45;
	v16 =	vld.idx.msk [tilespmem:v16+s15+$0x0], $0xffff;
	[tilespmem:s26+$0x0] =	vst v5  }
0x421: {  	v15 =	vor.u32 $0xB, v44;
	s17 =	sor.u32 s25, s3;
	v6 =	vld.idx.msk [tilespmem:v6+s15+$0x0], $0xffff;
	[tilespmem:s31+$0x0] =	vst v9  }
0x422: {  	s19 =	sor.u32 s30, s29;
	v5 =	vor.u32 $0xB, v0;
	v9 =	vld.idx.msk [tilespmem:v10+s15+$0x0], $0xffff;
	[tilespmem:s17+$0x0] =	vst v11  }
0x423: {  	s20 =	sor.u32 s0, s29;
	v10 =	vor.u32 $0x19, v7;
	v13 =	vld.idx.msk [tilespmem:v13+s15+$0x0], $0xffff;
	[tilespmem:s19+$0x0] =	vst v12  }
0x424: {  	s21 =	sor.u32 s2, s29;
	v11 =	vor.u32 $0x1A, v3;
	v12 =	vld.idx.msk [tilespmem:v14+s15+$0x0], $0xffff;
	[tilespmem:s20+$0x0] =	vst v8  }
0x425: {  	s22 =	sor.u32 s10, s7;
	v14 =	vld.idx.msk [tilespmem:v17+s15+$0x0], $0xffff;
	v8 =	vor.u32 $0xC, v63;
	[tilespmem:s21+$0x0] =	vst v16  }
0x426: {  	s29 =	sadd.s32 $0x18F80, s4;
	v4 =	vor.u32 $0x1F, v4;
	s26 =	sor.u32 s13, s7;
	v15 =	vld.idx.msk [tilespmem:v15+s15+$0x0], $0xffff;
	[tilespmem:s22+$0x0] =	vst v6  }
0x427: {  	s31 =	sor.u32 s14, s29;
	s17 =	sor.u32 $0x1A100, s16;
	v16 =	vor.u32 $0xC, v45;
	v5 =	vld.idx.msk [tilespmem:v5+s15+$0x0], $0xffff;
	[tilespmem:s26+$0x0] =	vst v9  }
0x428: {  	s19 =	sor.u32 s25, s17;
	v6 =	vor.u32 $0xC, v44;
	v9 =	vld.idx.msk [tilespmem:v10+s15+$0x0], $0xffff;
	[tilespmem:s31+$0x0] =	vst v13  }
0x429: {  	s20 =	sor.u32 s30, s29;
	v10 =	vor.u32 $0xC, v0;
	v11 =	vld.idx.msk [tilespmem:v11+s15+$0x0], $0xffff;
	[tilespmem:s19+$0x0] =	vst v12  }
0x42a: {  	s21 =	sor.u32 s0, s29;
	v13 =	vor.u32 $0x1A, v2;
	v8 =	vld.idx.msk [tilespmem:v8+s15+$0x0], $0xffff;
	[tilespmem:s20+$0x0] =	vst v14  }
0x42b: {  	s22 =	sor.u32 s2, s29;
	v12 =	vor.u32 $0x1A, v7;
	v4 =	vld.idx.msk [tilespmem:v4+s15+$0x0], $0xffff;
	[tilespmem:s21+$0x0] =	vst v15  }
0x42c: {  	s7 =	sor.u32 s12, s7;
	v14 =	vld.idx.msk [tilespmem:v16+s15+$0x0], $0xffff;
	v15 =	vor.u32 $0xD, v63;
	[tilespmem:s22+$0x0] =	vst v5  }
0x42d: {  	s29 =	sor.u32 $0x19000, s4;
	s26 =	sor.u32 s10, s8;
	v16 =	vor.u32 $0x1B, v3;
	v6 =	vld.idx.msk [tilespmem:v6+s15+$0x0], $0xffff;
	[tilespmem:s7+$0x0] =	vst v9  }
0x42e: {  	s31 =	sor.u32 s14, s29;
	v5 =	vor.u32 $0xD, v45;
	s7 =	sor.u32 $0x1A180, s16;
	v9 =	vld.idx.msk [tilespmem:v10+s15+$0x0], $0xffff;
	[tilespmem:s26+$0x0] =	vst v11  }
0x42f: {  	v10 =	vor.u32 $0xD, v44;
	s16 =	sor.u32 s25, s7;
	v11 =	vld.idx.msk [tilespmem:v13+s15+$0x0], $0xffff;
	[tilespmem:s31+$0x0] =	vst v8  }
0x430: {  	s19 =	sor.u32 s30, s29;
	v8 =	vor.u32 $0xD, v0;
	v12 =	vld.idx.msk [tilespmem:v12+s15+$0x0], $0xffff;
	[tilespmem:s16+$0x0] =	vst v4  }
0x431: {  	s20 =	sor.u32 s0, s29;
	v13 =	vor.u32 $0x1B, v2;
	v4 =	vld.idx.msk [tilespmem:v15+s15+$0x0], $0xffff;
	[tilespmem:s19+$0x0] =	vst v14  }
0x432: {  	s21 =	sor.u32 s2, s29;
	v15 =	vor.u32 $0x1B, v7;
	v14 =	vld.idx.msk [tilespmem:v16+s15+$0x0], $0xffff;
	[tilespmem:s20+$0x0] =	vst v6  }
0x433: {  	s22 =	sor.u32 s13, s8;
	v5 =	vld.idx.msk [tilespmem:v5+s15+$0x0], $0xffff;
	v6 =	vor.u32 $0xE, v63;
	[tilespmem:s21+$0x0] =	vst v9  }
0x434: {  	v17 =	vor.u32 $0x1C, v3;
	s8 =	sor.u32 s12, s8;
	s25 =	sor.u32 $0x19080, s4;
	v10 =	vld.idx.msk [tilespmem:v10+s15+$0x0], $0xffff;
	[tilespmem:s22+$0x0] =	vst v11  }
0x435: {  	s26 =	sor.u32 s14, s25;
	v8 =	vld.idx.msk [tilespmem:v8+s15+$0x0], $0xffff;
	[tilespmem:s8+$0x0] =	vst v12  }
0x436: {  	s29 =	sor.u32 s10, s6;
	v11 =	vld.idx.msk [tilespmem:v13+s15+$0x0], $0xffff;
	[tilespmem:s26+$0x0] =	vst v4  }
0x437: {  	v27 =	vor.u32 $0x1F, v3;
	v20 =	vor.u32 $0x1D, v2;
	v22 =	vor.u32 $0xE, v45;
	s31 =	sor.u32 s30, s25;
	v4 =	vld.idx.msk [tilespmem:v15+s15+$0x0], $0xffff;
	[tilespmem:s29+$0x0] =	vst v14  }
0x438: {  	v29 =	vor.u32 $0x1E, v2;
	v19 =	vor.u32 $0x1D, v3;
	v1 =	vor.u32 $0x10, v0;
	v6 =	vld.idx.msk [tilespmem:v6+s15+$0x0], $0xffff;
	[tilespmem:s31+$0x0] =	vst v5  }
0x439: {  	v9 =	vor.u32 $0x1E, v3;
	v3 =	vor.u32 $0xE, v44;
	v5 =	vld.idx.msk [tilespmem:v17+s15+$0x0], $0xffff;
	[tilespmem:$0x1FB90] =	vst v1;
	v1 =	vor.u32 $0x11, v44  }
0x43a: {  	v26 =	vor.u32 $0x1F, v2;
	s18 =	sor.u32 s0, s25;
	v16 =	vor.u32 $0x1C, v2;
	v2 =	vor.u32 $0xE, v0;
	[tilespmem:$0x1FBA0] =	vst v1  }
0x43b: {  	v1 =	vor.u32 $0x11, v0;
	[tilespmem:s18+$0x0] =	vst v10  }
0x43c: {  	s19 =	sor.u32 s2, s25;
	v17 =	vld.idx.msk [tilespmem:v22+s15+$0x0], $0xffff;
	[tilespmem:$0x1FBB0] =	vst v1  }
0x43d: {  	v21 =	vor.u32 $0x1D, v7;
	s20 =	sor.u32 s13, s6;
	[tilespmem:s19+$0x0] =	vst v8  }
0x43e: {  	v28 =	vor.u32 $0x1E, v7;
	v25 =	vor.u32 $0x1F, v7;
	v1 =	vor.u32 $0x14, v44;
	v3 =	vld.idx.msk [tilespmem:v3+s15+$0x0], $0xffff;
	[tilespmem:s20+$0x0] =	vst v11  }
0x43f: {  	v23 =	vor.u32 $0x10, v44;
	v57 =	vor.u32 $0x12, v44;
	v18 =	vor.u32 $0x1C, v7;
	s6 =	sor.u32 s12, s6;
	v2 =	vld.idx.msk [tilespmem:v2+s15+$0x0], $0xffff;
	[tilespmem:$0x1FBC0] =	vst v1  }
0x440: {  	v50 =	vor.u32 $0x13, v44;
	v10 =	vor.u32 $0xF, v63;
	[tilespmem:s6+$0x0] =	vst v4;
	v4 =	vor.u32 $0x15, v45  }
0x441: {  	v58 =	vor.u32 $0x15, v44;
	v53 =	vor.u32 $0x16, v44;
	s21 =	sor.u32 $0x19100, s4;
	v1 =	vor.u32 $0x14, v0;
	v8 =	vld.idx.msk [tilespmem:v16+s15+$0x0], $0xffff;
	[tilespmem:$0x1FBD0] =	vst v4  }
0x442: {  	v46 =	vor.u32 $0x17, v44;
	v39 =	vor.u32 $0x19, v44;
	s22 =	sor.u32 s14, s21;
	v12 =	vor.u32 $0xF, v45;
	[tilespmem:$0x1FBE0] =	vst v1  }
0x443: {  	v34 =	vor.u32 $0x1A, v44;
	v32 =	vor.u32 $0x1B, v44;
	v7 =	vor.u32 $0xF, v44;
	s25 =	sor.u32 s10, s5;
	[tilespmem:s22+$0x0] =	vst v6  }
0x444: {  	v51 =	vor.u32 $0x1E, v44;
	v61 =	vor.u32 $0x1F, v44;
	v14 =	vor.u32 $0xF, v0;
	s26 =	sor.u32 s30, s21;
	v4 =	vld.idx.msk [tilespmem:v18+s15+$0x0], $0xffff;
	[tilespmem:s25+$0x0] =	vst v5  }
0x445: {  	v55 =	vor.u32 $0x11, v45;
	v48 =	vor.u32 $0x12, v45;
	v1 =	vor.u32 $0x17, v0;
	[tilespmem:s26+$0x0] =	vst v17;
	v6 =	vld.idx.msk [tilespmem:v10+s15+$0x0], $0xffff  }
0x446: {  	v52 =	vor.u32 $0x13, v45;
	v42 =	vor.u32 $0x14, v45;
	v54 =	vor.u32 $0x16, v45;
	s29 =	sor.u32 s0, s21;
	v5 =	vld.idx.msk [tilespmem:v19+s15+$0x0], $0xffff;
	[tilespmem:$0x1FBF0] =	vst v1  }
0x447: {  	v47 =	vor.u32 $0x17, v45;
	v40 =	vor.u32 $0x18, v45;
	s31 =	sor.u32 s2, s21;
	v11 =	vor.u32 $0x10, v63;
	v10 =	vld.idx.msk [tilespmem:v12+s15+$0x0], $0xffff;
	[tilespmem:s29+$0x0] =	vst v3  }
0x448: {  	v38 =	vor.u32 $0x19, v45;
	v33 =	vor.u32 $0x1A, v45;
	v30 =	vor.u32 $0x1B, v45;
	s9 =	sor.u32 s13, s5;
	[tilespmem:s31+$0x0] =	vst v2;
	v12 =	vld.idx.msk [tilespmem:v7+s15+$0x0], $0xffff  }
0x449: {  	v59 =	vor.u32 $0x1F, v45;
	v62 =	vor.u32 $0x12, v0;
	s5 =	sor.u32 s12, s5;
	s16 =	sor.u32 $0x19180, s4;
	v13 =	vor.u32 $0x10, v45;
	v14 =	vld.idx.msk [tilespmem:v14+s15+$0x0], $0xffff;
	[tilespmem:s9+$0x0] =	vst v8  }
0x44a: {  	v49 =	vor.u32 $0x13, v0;
	v60 =	vor.u32 $0x15, v0;
	v56 =	vor.u32 $0x16, v0;
	s21 =	sor.u32 s14, s16;
	v3 =	vld.idx.msk [tilespmem:v20+s15+$0x0], $0xffff;
	[tilespmem:s5+$0x0] =	vst v4  }
0x44b: {  	v41 =	vor.u32 $0x18, v0;
	v37 =	vor.u32 $0x19, v0;
	v36 =	vor.u32 $0x1A, v0;
	s28 =	sor.u32 s12, s3;
	s25 =	sor.u32 s10, s3;
	[tilespmem:s21+$0x0] =	vst v6;
	v4 =	vld.idx.msk [tilespmem:v21+s15+$0x0], $0xffff  }
0x44c: {  	v31 =	vor.u32 $0x1B, v0;
	v43 =	vor.u32 $0x1E, v0;
	v35 =	vor.u32 $0x1F, v0;
	s8 =	simm.s32 $0x4;
	s18 =	sor.u32 s13, s7;
	s26 =	sor.u32 s30, s16;
	[tilespmem:s25+$0x0] =	vst v5;
	v6 =	vld.idx.msk [tilespmem:v11+s15+$0x0], $0xffff  }
0x44d: {  	v15 =	vor.u32 $0x18, v44;
	v22 =	vor.u32 $0x1C, v44;
	s20 =	sor.u32 s13, s17;
	s19 =	sor.u32 s12, s17;
	v16 =	vor.u32 $0x1E, v45;
	s29 =	sor.u32 s0, s16;
	[tilespmem:s26+$0x0] =	vst v10;
	v2 =	vld.idx.msk [tilespmem:v9+s15+$0x0], $0xffff  }
0x44e: {  	s22 =	sor.u32 s13, s3;
	v17 =	vor.u32 $0x1D, v45;
	v18 =	vor.u32 $0x1D, v0;
	v19 =	vor.u32 $0x1D, v44;
	s31 =	sor.u32 s2, s16;
	s9 =	sor.u32 s10, s17;
	[tilespmem:s29+$0x0] =	vst v12;
	v5 =	vld.idx.msk [tilespmem:v13+s15+$0x0], $0xffff  }
0x44f: {  	v8 =	vor.u32 $0x11, v63;
	v20 =	vor.u32 $0x1C, v45;
	s5 =	sor.u32 s10, s7;
	v21 =	vor.u32 $0x1C, v0;
	s25 =	sor.u32 s12, s7;
	s12 =	simm.s32 $0xB0;
	[tilespmem:s31+$0x0] =	vst v14;
	v0 =	vld.idx.msk [tilespmem:v23+s15+$0x0], $0xffff  }
.LBB2_9:
0x450: {  	[tilespmem:$0x1F8E0] =	vst v38  }
0x451: {  	[tilespmem:$0x1F940] =	vst v37  }
0x452: {  	[tilespmem:$0x1F950] =	vst v33  }
0x453: {  	[tilespmem:$0x1F890] =	vst v15  }
0x454: {  	[tilespmem:$0x1F990] =	vst v34  }
0x455: {  	[tilespmem:$0x1F9A0] =	vst v36  }
0x456: {  	[tilespmem:$0x1F9B0] =	vst v30  }
0x457: {  	[tilespmem:$0x1FA30] =	vst v20  }
0x458: {  	[tilespmem:$0x1F9F0] =	vst v32  }
0x459: {  	[tilespmem:$0x1FA10] =	vst v31  }
0x45a: {  	[tilespmem:$0x1FA80] =	vst v22;
	s3 =	sadd.s32 $0xFFFFFFD0, s12;
	v1 =	vld [tilespmem:$0x1FB90]  }
0x45b: {  	[tilespmem:$0x1FAA0] =	vst v21;
	s7 =	sand.u32 $0x80, s3  }
0x45c: {  	s6 =	sadd.s32 $0x19600, s4;
	[tilespmem:s22+$0x0] =	vst v3;
	s13 =	sand.u32 $0x40, s3;
	s7 =	sadd.s32 s7, s23  }
0x45d: {  	[tilespmem:s9+$0x0] =	vst v2;
	s17 =	sor.u32 s14, s6;
	s23 =	sadd.s32 s13, s7;
	v10 =	vld.idx.msk [tilespmem:v29+s15+$0x0], $0xffff  }
0x45e: {  	s26 =	sand.u32 $0x70, s12;
	[tilespmem:s17+$0x0] =	vst v6;
	v12 =	vld [tilespmem:s23+$0x0]  }
0x45f: {  	[tilespmem:$0x1FB10] =	vst v19;
	s31 =	sor.u32 s30, s6;
	s22 =	sadd.s32 s26, s7;
	v8 =	vld.idx.msk [tilespmem:v8+s15+$0x0], $0xffff  }
0x460: {  	s10 =	sadd.s32 $0xFFFFFFE0, s12;
	[tilespmem:s31+$0x0] =	vst v5;
	v11 =	vld [tilespmem:s22+$0x0]  }
0x461: {  	[tilespmem:$0x1FAC0] =	vst v17;
	s17 =	sand.u32 $0x50, s10;
	v15 =	vld.idx.msk [tilespmem:v55+s15+$0x0], $0xffff  }
0x462: {  	[tilespmem:$0x1FB30] =	vst v18;
	v13 =	vor.u32 $0x12, v63;
	s29 =	sadd.s32 s17, s7;
	v9 =	vld.idx.msk [tilespmem:v1+s15+$0x0], $0xffff  }
0x463: {  	s21 =	sadd.s32 $0xFFFFFFF0, s12;
	v3 =	vmov s3;
	v14 =	vld [tilespmem:s29+$0x0];
	[tilespmem:s28+$0x0] =	vst v4;
	v1 =	vmov v43  }
0x464: {  	s16 =	sand.u32 $0x60, s21;
	s9 =	sor.u32 s0, s6;
	v3 =	vshll.u32 v3, $0x7;
	v6 =	vmov s10;
	s10 =	sadd.s32 $0x19680, s4;
	[tilespmem:$0x1F810] =	vst v1;
	v1 =	vld [tilespmem:$0x1FBA0]  }
0x465: {  	v3 =	vor.u32 v24, v3;
	s7 =	sadd.s32 s16, s7;
	s23 =	sor.u32 s14, s10;
	[tilespmem:s9+$0x0] =	vst v0;
	v4 =	vld.idx.msk [tilespmem:v28+s15+$0x0], $0xffff  }
0x466: {  	s6 =	sor.u32 s2, s6;
	v2 =	vshll.u32 v6, $0x7;
	v6 =	vmov s21;
	v0 =	vmov s12;
	v5 =	vld [tilespmem:s7+$0x0];
	[tilespmem:s23+$0x0] =	vst v8  }
0x467: {  	v7 =	vmovc v51;
	v0 =	vshll.u32 v0, $0x7;
	v8 =	vshll.u32 v12, $0x5;
	v12 =	vld.idx.msk [tilespmem:v13+s15+$0x0], $0xffff;
	[tilespmem:s6+$0x0] =	vst v9;
	v9 =	vshll.u32 v11, $0x5  }
0x468: {  	[tilespmem:$0x1FB50] =	vst v16;
	s21 =	sor.u32 s30, s10;
	v0 =	vor.u32 v24, v0;
	v8 =	vand.u32 $0x60, v8;
	v13 =	vld.idx.msk [tilespmem:v27+s15+$0x0], $0xffff;
	v9 =	vand.u32 $0x60, v9  }
0x469: {  	[tilespmem:s21+$0x0] =	vst v15;
	v45 =	vor.u32 v3, v8;
	v55 =	vor.u32 v0, v9;
	v0 =	vld [tilespmem:$0x1FBB0]  }
0x46a: {  	[tilespmem:$0x1F830] =	vst v7;
	v7 =	vmov v59;
	v18 =	vld.idx.msk [tilespmem:v48+s15+$0x0], $0xffff  }
0x46b: {  	[tilespmem:$0x1F840] =	vst v7  }
0x46c: {  	v11 =	vld.idx.msk [tilespmem:v1+s15+$0x0], $0xffff;
	[tilespmem:s20+$0x0] =	vst v10;
	v1 =	vmov v35  }
0x46d: {  	s8 =	sadd.s32 $0x4, s8;
	p0 =	por !p0, !p0;
	s29 =	sadd.s32 $0x19700, s4;
	v3 =	vld.idx.msk [tilespmem:v26+s15+$0x0], $0xffff;
	[tilespmem:$0x1F850] =	vst v1  }
0x46e: {  	s1 =	sadd.s32 $0x200, s1;
	[dreg:$0xe] =	wrdreg s8;
	s31 =	sor.u32 s30, s29;
	v26 =	vld.idx.msk [tilespmem:v45+s15+$0x0], $0xffff;
	[tilespmem:s5+$0x0] =	vst v13  }
0x46f: {  	p1 =	slt.u32 s8, $0xC;
	s8 =	sor.u32 s14, s29;
	s6 =	simm.s32 $0x1;
	[tilespmem:s31+$0x0] =	vst v18  }
0x470: {  	v2 =	vor.u32 v24, v2;
	s21 =	sand.u32 $0x400, s1;
	v5 =	vshll.u32 v5, $0x5;
	s6 =	simm.s32 @!p0 $0x0;
	v10 =	vshll.u32 v14, $0x5;
	v23 =	vld.idx.msk [tilespmem:v55+s15+$0x0], $0xffff;
	[tilespmem:s8+$0x0] =	vst v12  }
0x471: {  	s22 =	sor.u32 s0, s10;
	v6 =	vshll.u32 v6, $0x7;
	s23 =	sadd.s32 $0x18600, s21;
	v9 =	vor.u32 $0x13, v63;
	s6 =	sshll.u32 s6, $0x6;
	v0 =	vld.idx.msk [tilespmem:v0+s15+$0x0], $0xffff;
	[tilespmem:s19+$0x0] =	vst v4;
	v4 =	vand.u32 $0x60, v10  }
0x472: {  	v6 =	vor.u32 v24, v6;
	[tilespmem:s22+$0x0] =	vst v11;
	s19 =	sadd.s32 s6, s1;
	s6 =	sor.u32 s13, s23;
	v28 =	vor.u32 v2, v4;
	v2 =	vand.u32 $0x60, v5  }
0x473: {  	v5 =	vmov v61;
	[tilespmem:s6+$0x0] =	vst v26;
	v29 =	vor.u32 v6, v2  }
0x474: {  	[tilespmem:$0x1F8F0] =	vst v5;
	v1 =	vor.u32 $0x13, v29  }
0x475: {  	s7 =	sor.u32 s2, s10;
	v15 =	vld.idx.msk [tilespmem:v25+s15+$0x0], $0xffff;
	[tilespmem:$0x1F8A0] =	vst v1  }
0x476: {  	v9 =	vld.idx.msk [tilespmem:v9+s15+$0x0], $0xffff;
	[tilespmem:s7+$0x0] =	vst v0  }
0x477: {  	v31 =	vor.u32 $0x1, v55;
	v0 =	vor.u32 $0x7, v29;
	v43 =	vld.idx.msk [tilespmem:v28+s15+$0x0], $0xffff;
	[tilespmem:s18+$0x0] =	vst v3  }
0x478: {  	s7 =	sor.u32 s26, s23;
	[tilespmem:$0x1F820] =	vst v0  }
0x479: {  	[tilespmem:s7+$0x0] =	vst v23  }
0x47a: {  	[dreg:$0x10] =	wrdreg s26;
	s26 =	sadd.s32 $0x19780, s4;
	v0 =	vor.u32 $0x9, v45;
	v3 =	vld.idx.msk [tilespmem:v29+s15+$0x0], $0xffff;
	[tilespmem:s25+$0x0] =	vst v15  }
0x47b: {  	s31 =	sor.u32 s14, s26;
	[tilespmem:$0x1F860] =	vst v0  }
0x47c: {  	v4 =	vor.u32 $0x1, v45;
	v0 =	vor.u32 $0x9, v28;
	v31 =	vld.idx.msk [tilespmem:v31+s15+$0x0], $0xffff;
	[tilespmem:s31+$0x0] =	vst v9  }
0x47d: {  	[tilespmem:$0x1F870] =	vst v0;
	v0 =	vor.u32 $0x9, v29  }
0x47e: {  	s24 =	sadd.s32 $0x2, s24;
	v51 =	vor.u32 $0x14, v63;
	[tilespmem:$0x1F880] =	vst v0;
	v0 =	vor.u32 $0xA, v45  }
0x47f: {  	s10 =	sand.u32 $0x3, s24;
	v16 =	vor.u32 $0x1, v28;
	v7 =	vld.idx.msk [tilespmem:v57+s15+$0x0], $0xffff;
	[tilespmem:$0x1F8B0] =	vst v0;
	v0 =	vor.u32 $0xA, v28  }
0x480: {  	s3 =	sshll.u32 s10, $0x5;
	s8 =	sor.u32 s17, s23;
	[tilespmem:$0x1F8C0] =	vst v0  }
0x481: {  	s3 =	sadd.s32 s1, s3;
	v57 =	vld.idx.msk [tilespmem:v4+s15+$0x0], $0xffff;
	v0 =	vor.u32 $0xA, v29;
	[tilespmem:s8+$0x0] =	vst v43  }
0x482: {  	[dreg:$0xa] =	wrdreg s24;
	s24 =	sadd.s32 $0x20, s3;
	s3 =	sor.u32 s16, s23;
	v23 =	vld.idx.msk [tilespmem:v62+s15+$0x0], $0xffff;
	[tilespmem:$0x1F8D0] =	vst v0  }
0x483: {  	s20 =	sor.u32 s0, s29;
	v17 =	vor.u32 $0x1, v29;
	v26 =	vld.idx.msk [tilespmem:v51+s15+$0x0], $0xffff;
	[tilespmem:s3+$0x0] =	vst v3  }
0x484: {  	v59 =	vor.u32 $0x2, v55;
	v16 =	vld.idx.msk [tilespmem:v16+s15+$0x0], $0xffff;
	[tilespmem:s20+$0x0] =	vst v7  }
0x485: {  	v14 =	vor.u32 $0x2, v45;
	v62 =	vld.idx.msk [tilespmem:v52+s15+$0x0], $0xffff;
	[tilespmem:s7+$0x80] =	vst v31  }
0x486: {  	v0 =	vor.u32 $0xB, v45;
	[tilespmem:s6+$0x80] =	vst v57  }
0x487: {  	s22 =	sor.u32 s2, s29;
	s31 =	sor.u32 $0x19800, s4;
	[tilespmem:$0x1F900] =	vst v0  }
0x488: {  	s28 =	sor.u32 s14, s31;
	v17 =	vld.idx.msk [tilespmem:v17+s15+$0x0], $0xffff;
	[tilespmem:s22+$0x0] =	vst v23  }
0x489: {  	s25 =	sor.u32 s30, s26;
	v31 =	vld.idx.msk [tilespmem:v59+s15+$0x0], $0xffff;
	[tilespmem:s28+$0x0] =	vst v26  }
0x48a: {  	v0 =	vor.u32 $0xB, v28;
	v14 =	vld.idx.msk [tilespmem:v14+s15+$0x0], $0xffff;
	[tilespmem:s25+$0x0] =	vst v62  }
0x48b: {  	[tilespmem:$0x1F910] =	vst v0;
	v0 =	vor.u32 $0xC, v45  }
0x48c: {  	[tilespmem:$0x1F960] =	vst v0;
	v0 =	vor.u32 $0xB, v29  }
0x48d: {  	v2 =	vor.u32 $0x2, v28;
	v23 =	vld.idx.msk [tilespmem:v50+s15+$0x0], $0xffff;
	[tilespmem:$0x1F930] =	vst v0;
	v0 =	vor.u32 $0xD, v45  }
0x48e: {  	v61 =	vor.u32 $0x15, v63;
	[tilespmem:$0x1F9C0] =	vst v0  }
0x48f: {  	v0 =	vor.u32 $0xC, v28;
	[tilespmem:s8+$0x80] =	vst v16  }
0x490: {  	[tilespmem:$0x1F970] =	vst v0  }
0x491: {  	v8 =	vor.u32 $0x3, v45;
	s29 =	sor.u32 s0, s26;
	v57 =	vld.idx.msk [tilespmem:v42+s15+$0x0], $0xffff;
	[tilespmem:s3+$0x80] =	vst v17  }
0x492: {  	v2 =	vld.idx.msk [tilespmem:v2+s15+$0x0], $0xffff;
	[tilespmem:s29+$0x0] =	vst v23  }
0x493: {  	v11 =	vor.u32 $0x2, v29;
	v26 =	vld.idx.msk [tilespmem:v61+s15+$0x0], $0xffff;
	[tilespmem:s7+$0x100] =	vst v31  }
0x494: {  	v0 =	vor.u32 $0xC, v29;
	[tilespmem:s6+$0x100] =	vst v14  }
0x495: {  	s5 =	sor.u32 s30, s31;
	v43 =	vor.u32 $0x14, v45;
	[tilespmem:$0x1F980] =	vst v0  }
0x496: {  	v15 =	vmov v43;
	v0 =	vor.u32 $0xE, v45;
	v43 =	vld.idx.msk [tilespmem:v8+s15+$0x0], $0xffff;
	[tilespmem:s5+$0x0] =	vst v57  }
0x497: {  	[tilespmem:$0x1FA50] =	vst v0;
	v0 =	vor.u32 $0xD, v28  }
0x498: {  	v11 =	vld.idx.msk [tilespmem:v11+s15+$0x0], $0xffff;
	[tilespmem:$0x1F9D0] =	vst v0;
	v0 =	vor.u32 $0xD, v29  }
0x499: {  	[tilespmem:$0x1F9E0] =	vst v0;
	v0 =	vor.u32 $0xF, v45  }
0x49a: {  	[tilespmem:$0x1FAE0] =	vst v0  }
0x49b: {  	v0 =	vor.u32 $0xE, v28;
	[tilespmem:s8+$0x100] =	vst v2  }
0x49c: {  	v10 =	vor.u32 $0x3, v29;
	[tilespmem:$0x1FA60] =	vst v0  }
0x49d: {  	v50 =	vld.idx.msk [tilespmem:v49+s15+$0x0], $0xffff;
	v0 =	vor.u32 $0xE, v29;
	[tilespmem:s3+$0x100] =	vst v11  }
0x49e: {  	[tilespmem:$0x1FA70] =	vst v0;
	v0 =	vor.u32 $0x10, v45  }
0x49f: {  	[tilespmem:$0x1FB70] =	vst v0;
	v0 =	vor.u32 $0xF, v28  }
0x4a0: {  	v6 =	vor.u32 $0x3, v28;
	[tilespmem:$0x1FAF0] =	vst v0;
	v0 =	vor.u32 $0xF, v29  }
0x4a1: {  	v61 =	vld.idx.msk [tilespmem:v10+s15+$0x0], $0xffff;
	[tilespmem:$0x1FB00] =	vst v0;
	v0 =	vor.u32 $0x11, v45  }
0x4a2: {  	v10 =	vld [tilespmem:$0x1FBC0];
	[tilespmem:$0x1F920] =	vst v0;
	v0 =	vor.u32 $0x10, v28  }
0x4a3: {  	[tilespmem:$0x1FB80] =	vst v0;
	v0 =	vor.u32 $0x10, v29  }
0x4a4: {  	v16 =	vor.u32 $0x3, v55;
	[tilespmem:$0x1FB90] =	vst v0;
	v0 =	vor.u32 $0x11, v28  }
0x4a5: {  	v6 =	vld.idx.msk [tilespmem:v6+s15+$0x0], $0xffff;
	[tilespmem:$0x1FBA0] =	vst v0;
	v0 =	vor.u32 $0x11, v29  }
0x4a6: {  	[tilespmem:$0x1FBB0] =	vst v0;
	v0 =	vor.u32 $0x12, v28  }
0x4a7: {  	v48 =	vor.u32 $0x4, v45;
	s10 =	sor.u32 s2, s26;
	[tilespmem:s6+$0x180] =	vst v43  }
0x4a8: {  	v30 =	vor.u32 $0x5, v45;
	v27 =	vor.u32 $0x6, v45;
	v17 =	vor.u32 $0x16, v63;
	[tilespmem:s10+$0x0] =	vst v50  }
0x4a9: {  	v22 =	vor.u32 $0x7, v45;
	v20 =	vor.u32 $0x8, v45;
	v52 =	vmovc v46;
	v46 =	vor.u32 $0x14, v28;
	[tilespmem:$0x1FA00] =	vst v0;
	v0 =	vmovc v58;
	v58 =	vld.idx.msk [tilespmem:v16+s15+$0x0], $0xffff  }
0x4aa: {  	v36 =	vor.u32 $0x18, v45;
	v13 =	vor.u32 $0x13, v45;
	v44 =	vor.u32 $0x4, v28;
	s26 =	sor.u32 $0x19880, s4;
	v50 =	vmovc v47;
	v47 =	vld.idx.msk [tilespmem:v10+s15+$0x0], $0xffff;
	v10 =	vmovc v46;
	[tilespmem:s8+$0x180] =	vst v6  }
0x4ab: {  	v33 =	vor.u32 $0x5, v28;
	v25 =	vor.u32 $0x6, v28;
	s29 =	sor.u32 s14, s26;
	v46 =	vor.u32 $0x1B, v29;
	[tilespmem:$0x1FBC0] =	vst v10  }
0x4ac: {  	v21 =	vor.u32 $0x7, v28;
	v19 =	vor.u32 $0x8, v28;
	v12 =	vor.u32 $0x13, v28;
	[tilespmem:s29+$0x0] =	vst v26  }
0x4ad: {  	v38 =	vor.u32 $0x17, v28;
	v34 =	vor.u32 $0x18, v28;
	v51 =	vor.u32 $0x14, v29;
	[tilespmem:$0x1FA20] =	vst v46;
	v42 =	vld.idx.msk [tilespmem:v17+s15+$0x0], $0xffff  }
0x4ae: {  	v35 =	vor.u32 $0x4, v29;
	v32 =	vor.u32 $0x5, v29;
	v46 =	vmovc v51;
	v51 =	vor.u32 $0x1C, v45;
	[tilespmem:s7+$0x180] =	vst v58;
	v58 =	vld [tilespmem:$0x1FBE0]  }
0x4af: {  	s9 =	sor.u32 $0x300, s19;
	v24 =	vor.u32 $0x6, v29;
	v18 =	vor.u32 $0x8, v29;
	s23 =	sor.u32 $0x300, s24;
	[tilespmem:$0x1FA40] =	vst v51;
	v51 =	vor.u32 $0x1C, v28  }
0x4b0: {  	v37 =	vor.u32 $0x17, v29;
	v5 =	vmovc v56;
	v56 =	vor.u32 $0x15, v29;
	s18 =	sor.u32 $0x200, s19;
	[dreg:$0x12] =	wrdreg s23;
	s23 =	sor.u32 s0, s31;
	v59 =	vor.u32 $0x4, v55;
	[tilespmem:$0x1FA90] =	vst v51  }
0x4b1: {  	s19 =	sor.u32 $0x200, s24;
	v1 =	vmovc v60;
	v60 =	vor.u32 $0x17, v63;
	v9 =	vor.u32 $0x12, v29;
	s24 =	sor.u32 s2, s31;
	s31 =	sor.u32 s30, s26;
	v44 =	vld.idx.msk [tilespmem:v44+s15+$0x0], $0xffff;
	v51 =	vor.u32 $0x1C, v29;
	[tilespmem:s23+$0x0] =	vst v47  }
0x4b2: {  	v4 =	vmovc v54;
	v54 =	vor.u32 $0x15, v28;
	v3 =	vor.u32 $0x12, v45;
	s20 =	sor.u32 s2, s26;
	s28 =	sor.u32 s0, s26;
	s5 =	sor.u32 $0x19900, s4;
	[tilespmem:$0x1FAB0] =	vst v51;
	v51 =	vor.u32 $0x1D, v45  }
0x4b3: {  	v7 =	vor.u32 $0x15, v45;
	v62 =	vmovc v53;
	v53 =	vor.u32 $0x16, v45;
	v23 =	vmovc v40;
	v40 =	vor.u32 $0x16, v28;
	s22 =	sor.u32 s0, s5;
	s26 =	sor.u32 s14, s5;
	s29 =	rddreg [dreg:$0x8];
	[tilespmem:$0x1FAD0] =	vst v51  }
0x4b4: {  	v31 =	vor.u32 $0x18, v29;
	v49 =	vmovc v41;
	v41 =	vor.u32 $0x16, v29;
	s25 =	sor.u32 s2, s5;
	s10 =	sor.u32 s30, s5;
	s5 =	sadd.s32 $0x4, s29;
	v51 =	vor.u32 $0x1D, v29;
	[tilespmem:$0x1FBE0] =	vst v46  }
0x4b5: {  	v8 =	vor.u32 $0x19, v29;
	v57 =	vor.u32 $0x1B, v28;
	v2 =	vor.u32 $0x19, v28;
	[dreg:$0x8] =	wrdreg s5;
	s5 =	sand.u32 $0x7, s5;
	[tilespmem:$0x1FB40] =	vst v51;
	v46 =	vld.idx.msk [tilespmem:v59+s15+$0x0], $0xffff  }
0x4b6: {  	v43 =	vor.u32 $0x1E, v29;
	v6 =	vor.u32 $0x5, v55;
	v17 =	vor.u32 $0x1A, v28;
	s7 =	sshll.u32 s5, $0x4;
	v58 =	vld.idx.msk [tilespmem:v58+s15+$0x0], $0xffff;
	[tilespmem:s3+$0x180] =	vst v61  }
0x4b7: {  	v51 =	vor.u32 $0x1E, v28;
	[tilespmem:s26+$0x0] =	vst v42;
	v59 =	vor.u32 $0x1D, v28;
	s6 =	sadd.s32 s1, s7;
	v61 =	vor.u32 $0x1F, v28;
	v28 =	vld.idx.msk [tilespmem:v35+s15+$0x0], $0xffff  }
0x4b8: {  	v16 =	vor.u32 $0x1A, v29;
	[tilespmem:$0x1FB20] =	vst v59;
	v59 =	vor.u32 $0x1E, v45;
	s26 =	sadd.s32 $0x10, s6;
	v35 =	vor.u32 $0x1F, v29;
	v29 =	vld [tilespmem:$0x1FBD0]  }
0x4b9: {  	v14 =	vmovc v39;
	v39 =	vor.u32 $0x17, v45;
	v11 =	vor.u32 $0x1A, v45;
	v10 =	vor.u32 $0x1B, v45;
	v60 =	vld.idx.msk [tilespmem:v60+s15+$0x0], $0xffff;
	s6 =	sadd.s32 $0x30, s6;
	[tilespmem:$0x1FB60] =	vst v59;
	s23 =	sor.u32 $0x200, s26  }
0x4ba: {  	v26 =	vor.u32 $0x19, v45;
	v42 =	vmovc v7;
	v7 =	vld.idx.msk [tilespmem:v0+s15+$0x0], $0xffff;
	v59 =	vor.u32 $0x1F, v45;
	v45 =	vor.u32 $0x18, v63;
	s29 =	sor.u32 $0x200, s6;
	[tilespmem:s23+$0x18600] =	vst v44  }
0x4bb: {  	v48 =	vld.idx.msk [tilespmem:v48+s15+$0x0], $0xffff;
	[tilespmem:s29+$0x18600] =	vst v46  }
0x4bc: {  	[dreg:$0x6] =	wrdreg s1;
	s1 =	sor.u32 $0x19980, s4;
	v33 =	vld.idx.msk [tilespmem:v33+s15+$0x0], $0xffff;
	[tilespmem:s24+$0x0] =	vst v58  }
0x4bd: {  	s29 =	sor.u32 s14, s1;
	v6 =	vld.idx.msk [tilespmem:v6+s15+$0x0], $0xffff;
	[tilespmem:s19+$0x18600] =	vst v28  }
0x4be: {  	[tilespmem:s29+$0x0] =	vst v60;
	v32 =	vld.idx.msk [tilespmem:v32+s15+$0x0], $0xffff  }
0x4bf: {  	s29 =	rddreg [dreg:$0xc];
	v45 =	vld.idx.msk [tilespmem:v45+s15+$0x0], $0xffff  }
0x4c0: {  	s8 =	sor.u32 s30, s1;
	s5 =	sor.u32 s0, s1;
	v44 =	vor.u32 $0x6, v55;
	[tilespmem:s28+$0x0] =	vst v7;
	s29 =	sadd.s32 $0x240, s29;
	v29 =	vld.idx.msk [tilespmem:v29+s15+$0x0], $0xffff  }
0x4c1: {  	s7 =	sor.u32 s2, s1;
	s1 =	sor.u32 $0x280, s29;
	s28 =	sadd.s32 $0xFFFFFFF0, s29;
	v7 =	vld.idx.msk [tilespmem:v1+s15+$0x0], $0xffff;
	[tilespmem:s18+$0x18600] =	vst v48  }
0x4c2: {  	[tilespmem:s1+$0x18600] =	vst v6;
	s1 =	sor.u32 $0x280, s28;
	v30 =	vld.idx.msk [tilespmem:v30+s15+$0x0], $0xffff  }
0x4c3: {  	v0 =	vld [tilespmem:$0x1F820];
	[tilespmem:s1+$0x18600] =	vst v32  }
0x4c4: {  	v24 =	vld.idx.msk [tilespmem:v24+s15+$0x0], $0xffff  }
0x4c5: {  	v28 =	vor.u32 $0x19, v63;
	s18 =	sadd.s32 $0xFFFFFFD0, s29;
	[tilespmem:s31+$0x0] =	vst v29;
	v29 =	vld.idx.msk [tilespmem:v44+s15+$0x0], $0xffff  }
0x4c6: {  	s3 =	sor.u32 $0x300, s26;
	s24 =	sadd.s32 $0xFFFFFFE0, s29;
	s26 =	sor.u32 $0x280, s18;
	[tilespmem:s20+$0x0] =	vst v7;
	v6 =	vld.idx.msk [tilespmem:v4+s15+$0x0], $0xffff  }
0x4c7: {  	s23 =	sadd.s32 $0x19E00, s4;
	v1 =	vld [tilespmem:$0x1FBF0];
	s31 =	sor.u32 $0x280, s24;
	[tilespmem:s26+$0x18600] =	vst v30  }
0x4c8: {  	s19 =	sor.u32 s14, s23;
	[tilespmem:s31+$0x18600] =	vst v33;
	v27 =	vld.idx.msk [tilespmem:v27+s15+$0x0], $0xffff  }
0x4c9: {  	s6 =	sor.u32 $0x300, s6;
	[tilespmem:s19+$0x0] =	vst v45;
	v25 =	vld.idx.msk [tilespmem:v25+s15+$0x0], $0xffff  }
0x4ca: {  	v28 =	vld.idx.msk [tilespmem:v28+s15+$0x0], $0xffff;
	[tilespmem:s6+$0x18600] =	vst v29  }
0x4cb: {  	s6 =	rddreg [dreg:$0x12];
	[tilespmem:s10+$0x0] =	vst v6;
	v6 =	vld.idx.msk [tilespmem:v62+s15+$0x0], $0xffff  }
0x4cc: {  	v7 =	vld.idx.msk [tilespmem:v5+s15+$0x0], $0xffff;
	[tilespmem:s6+$0x18600] =	vst v24  }
0x4cd: {  	[tilespmem:s9+$0x18600] =	vst v27;
	v0 =	vld.idx.msk [tilespmem:v0+s15+$0x0], $0xffff  }
0x4ce: {  	v30 =	vor.u32 $0x7, v55;
	[tilespmem:s3+$0x18600] =	vst v25;
	v22 =	vld.idx.msk [tilespmem:v22+s15+$0x0], $0xffff  }
0x4cf: {  	v21 =	vld.idx.msk [tilespmem:v21+s15+$0x0], $0xffff  }
0x4d0: {  	[tilespmem:s22+$0x0] =	vst v6;
	v6 =	vld.idx.msk [tilespmem:v50+s15+$0x0], $0xffff;
	_ =	sdelay $0x1  }
0x4d1: {  	s19 =	sor.u32 $0x380, s18;
	[tilespmem:s25+$0x0] =	vst v7  }
0x4d2: {  	s28 =	sor.u32 $0x380, s28;
	v29 =	vld.idx.msk [tilespmem:v30+s15+$0x0], $0xffff;
	[tilespmem:s19+$0x18600] =	vst v22  }
0x4d3: {  	[tilespmem:s28+$0x18600] =	vst v0;
	v20 =	vld.idx.msk [tilespmem:v20+s15+$0x0], $0xffff  }
0x4d4: {  	v47 =	vor.u32 $0x1A, v63;
	[tilespmem:s8+$0x0] =	vst v6;
	v6 =	vld.idx.msk [tilespmem:v1+s15+$0x0], $0xffff;
	v1 =	vmov v37  }
0x4d5: {  	[tilespmem:$0x1FBF0] =	vst v1;
	v1 =	vld [tilespmem:$0x1F860]  }
0x4d6: {  	s10 =	sadd.s32 $0x19E80, s4;
	v7 =	vld.idx.msk [tilespmem:v52+s15+$0x0], $0xffff  }
0x4d7: {  	s1 =	sor.u32 s14, s10  }
0x4d8: {  	[dreg:$0xc] =	wrdreg s29;
	s9 =	sor.u32 $0x380, s29;
	[tilespmem:s1+$0x0] =	vst v28;
	s22 =	sadd.s32 $0x19F00, s4  }
0x4d9: {  	s26 =	sor.u32 $0x380, s24;
	v27 =	vld.idx.msk [tilespmem:v47+s15+$0x0], $0xffff;
	[tilespmem:s9+$0x18600] =	vst v29;
	s3 =	sor.u32 s30, s22;
	s6 =	sor.u32 s0, s22  }
0x4da: {  	s29 =	sor.u32 s14, s22;
	s9 =	sor.u32 s2, s22;
	s22 =	sadd.s32 $0x18E00, s21;
	[tilespmem:s26+$0x18600] =	vst v21  }
0x4db: {  	v19 =	vld.idx.msk [tilespmem:v19+s15+$0x0], $0xffff;
	s8 =	sor.u32 s13, s22;
	[tilespmem:s5+$0x0] =	vst v7  }
0x4dc: {  	v7 =	vld.idx.msk [tilespmem:v23+s15+$0x0], $0xffff;
	[tilespmem:s8+$0x0] =	vst v20  }
0x4dd: {  	v50 =	vmov v12;
	v12 =	vld.idx.msk [tilespmem:v1+s15+$0x0], $0xffff  }
0x4de: {  	v1 =	vld [tilespmem:$0x1F870];
	_ =	sdelay $0x5  }
0x4df: {  	s5 =	sor.u32 s17, s22  }
0x4e0: {  	[tilespmem:s5+$0x0] =	vst v19  }
0x4e1: {  	v52 =	vmov v13;
	v13 =	vld.idx.msk [tilespmem:v1+s15+$0x0], $0xffff  }
0x4e2: {  	v25 =	vor.u32 $0x8, v55;
	v1 =	vld [tilespmem:$0x1F880];
	_ =	sdelay $0x1  }
0x4e3: {  	v18 =	vld.idx.msk [tilespmem:v18+s15+$0x0], $0xffff;
	_ =	sdelay $0x2  }
0x4e4: {  	v25 =	vld.idx.msk [tilespmem:v25+s15+$0x0], $0xffff;
	[tilespmem:s29+$0x0] =	vst v27;
	s29 =	rddreg [dreg:$0x10]  }
0x4e5: {  	s25 =	sor.u32 s29, s22;
	s22 =	sor.u32 s16, s22  }
0x4e6: {  	[tilespmem:s22+$0x0] =	vst v18  }
0x4e7: {  	v20 =	vld.idx.msk [tilespmem:v1+s15+$0x0], $0xffff  }
0x4e8: {  	v1 =	vld [tilespmem:$0x1F890];
	_ =	sdelay $0x1  }
0x4e9: {  	v24 =	vor.u32 $0x1B, v63;
	_ =	sdelay $0x4  }
0x4ea: {  	v22 =	vld.idx.msk [tilespmem:v24+s15+$0x0], $0xffff  }
0x4eb: {  	[tilespmem:s7+$0x0] =	vst v6;
	v6 =	vld.idx.msk [tilespmem:v1+s15+$0x0], $0xffff  }
0x4ec: {  	v21 =	vor.u32 $0x9, v55;
	v1 =	vld [tilespmem:$0x1F8B0];
	_ =	sdelay $0x2  }
0x4ed: {  	s19 =	sadd.s32 $0x19F80, s4  }
0x4ee: {  	[dreg:$0x14] =	wrdreg s9;
	s9 =	sor.u32 s14, s19;
	[tilespmem:s25+$0x0] =	vst v25  }
0x4ef: {  	s31 =	sor.u32 s30, s23;
	s25 =	sadd.s32 $0x18E80, s21;
	v21 =	vld.idx.msk [tilespmem:v21+s15+$0x0], $0xffff;
	[tilespmem:s9+$0x0] =	vst v22  }
0x4f0: {  	s9 =	sor.u32 s13, s25;
	[tilespmem:s31+$0x0] =	vst v7  }
0x4f1: {  	[tilespmem:s9+$0x0] =	vst v12  }
0x4f2: {  	v62 =	vmov v9;
	v9 =	vld.idx.msk [tilespmem:v1+s15+$0x0], $0xffff  }
0x4f3: {  	v1 =	vld [tilespmem:$0x1F8C0];
	_ =	sdelay $0x5  }
0x4f4: {  	s22 =	sor.u32 s17, s25  }
0x4f5: {  	[tilespmem:s22+$0x0] =	vst v13  }
0x4f6: {  	v13 =	vld.idx.msk [tilespmem:v1+s15+$0x0], $0xffff  }
0x4f7: {  	v1 =	vld [tilespmem:$0x1F8D0];
	_ =	sdelay $0x5  }
0x4f8: {  	s5 =	sor.u32 s16, s25  }
0x4f9: {  	v7 =	vld.idx.msk [tilespmem:v49+s15+$0x0], $0xffff;
	[tilespmem:s5+$0x0] =	vst v20  }
0x4fa: {  	v20 =	vld.idx.msk [tilespmem:v1+s15+$0x0], $0xffff  }
0x4fb: {  	v1 =	vld [tilespmem:$0x1F8E0];
	_ =	sdelay $0x6  }
0x4fc: {  	s24 =	sor.u32 s0, s23  }
0x4fd: {  	[tilespmem:s24+$0x0] =	vst v6;
	v6 =	vld.idx.msk [tilespmem:v1+s15+$0x0], $0xffff  }
0x4fe: {  	v1 =	vld [tilespmem:$0x1F900];
	_ =	sdelay $0x4  }
0x4ff: {  	s22 =	sadd.s32 $0x18F00, s21  }
0x500: {  	s9 =	sor.u32 s13, s22  }
0x501: {  	[tilespmem:s9+$0x0] =	vst v9  }
0x502: {  	v4 =	vld.idx.msk [tilespmem:v1+s15+$0x0], $0xffff  }
0x503: {  	v1 =	vld [tilespmem:$0x1F910];
	_ =	sdelay $0x4  }
0x504: {  	s18 =	sor.u32 s2, s23  }
0x505: {  	[tilespmem:s18+$0x0] =	vst v7;
	s18 =	sor.u32 s17, s22  }
0x506: {  	v7 =	vld.idx.msk [tilespmem:v14+s15+$0x0], $0xffff;
	[tilespmem:s18+$0x0] =	vst v13  }
0x507: {  	v13 =	vld.idx.msk [tilespmem:v1+s15+$0x0], $0xffff  }
0x508: {  	v1 =	vld [tilespmem:$0x1F930];
	_ =	sdelay $0x5  }
0x509: {  	s5 =	sor.u32 s16, s22  }
0x50a: {  	[tilespmem:s5+$0x0] =	vst v20  }
0x50b: {  	v48 =	vmov v3;
	v3 =	vld.idx.msk [tilespmem:v1+s15+$0x0], $0xffff  }
0x50c: {  	v1 =	vld [tilespmem:$0x1F940];
	_ =	sdelay $0x6  }
0x50d: {  	s23 =	sor.u32 s30, s10  }
0x50e: {  	[tilespmem:s23+$0x0] =	vst v6;
	v6 =	vld.idx.msk [tilespmem:v1+s15+$0x0], $0xffff  }
0x50f: {  	v1 =	vld [tilespmem:$0x1F950];
	_ =	sdelay $0x6  }
0x510: {  	s20 =	sor.u32 s0, s10  }
0x511: {  	[tilespmem:s20+$0x0] =	vst v7;
	v7 =	vld.idx.msk [tilespmem:v1+s15+$0x0], $0xffff  }
0x512: {  	v1 =	vld [tilespmem:$0x1F960];
	_ =	sdelay $0x4  }
0x513: {  	s9 =	sadd.s32 $0x18F80, s21  }
0x514: {  	s18 =	sor.u32 s13, s9  }
0x515: {  	[tilespmem:s18+$0x0] =	vst v4  }
0x516: {  	v4 =	vld.idx.msk [tilespmem:v1+s15+$0x0], $0xffff  }
0x517: {  	v1 =	vld [tilespmem:$0x1F970];
	_ =	sdelay $0x5  }
0x518: {  	s20 =	sor.u32 s17, s9  }
0x519: {  	[tilespmem:s20+$0x0] =	vst v13  }
0x51a: {  	v13 =	vld.idx.msk [tilespmem:v1+s15+$0x0], $0xffff  }
0x51b: {  	v1 =	vld [tilespmem:$0x1F980];
	_ =	sdelay $0x5  }
0x51c: {  	s5 =	sor.u32 s16, s9  }
0x51d: {  	[tilespmem:s5+$0x0] =	vst v3  }
0x51e: {  	v3 =	vld.idx.msk [tilespmem:v1+s15+$0x0], $0xffff  }
0x51f: {  	v1 =	vld [tilespmem:$0x1F990];
	_ =	sdelay $0x6  }
0x520: {  	s10 =	sor.u32 s2, s10  }
0x521: {  	[tilespmem:s10+$0x0] =	vst v6;
	v6 =	vld.idx.msk [tilespmem:v1+s15+$0x0], $0xffff  }
0x522: {  	v1 =	vld [tilespmem:$0x1F9A0];
	_ =	sdelay $0x1  }
0x523: {  	v0 =	vor.u32 $0x1C, v63;
	_ =	sdelay $0x2  }
0x524: {  	v19 =	vor.u32 $0xA, v55;
	_ =	sdelay $0x1  }
0x525: {  	s26 =	sor.u32 s0, s19;
	v0 =	vld.idx.msk [tilespmem:v0+s15+$0x0], $0xffff  }
0x526: {  	[dreg:$0x18] =	wrdreg s26;
	v18 =	vor.u32 $0x1D, v63;
	s26 =	sor.u32 s29, s25;
	[tilespmem:s3+$0x0] =	vst v7;
	v7 =	vld.idx.msk [tilespmem:v1+s15+$0x0], $0xffff  }
0x527: {  	[tilespmem:s26+$0x0] =	vst v21;
	v1 =	vld [tilespmem:$0x1F9C0]  }
0x528: {  	v19 =	vld.idx.msk [tilespmem:v19+s15+$0x0], $0xffff;
	s31 =	sor.u32 $0x1A000, s4  }
0x529: {  	s25 =	sor.u32 s14, s31;
	v12 =	vor.u32 $0xB, v55  }
0x52a: {  	[tilespmem:s25+$0x0] =	vst v0  }
0x52b: {  	v0 =	vld.idx.msk [tilespmem:v18+s15+$0x0], $0xffff  }
0x52c: {  	v18 =	vor.u32 $0x1E, v63;
	s24 =	sor.u32 s29, s22;
	s20 =	sor.u32 $0x19000, s21  }
0x52d: {  	[tilespmem:s24+$0x0] =	vst v19;
	s10 =	sor.u32 s13, s20  }
0x52e: {  	s26 =	sor.u32 $0x1A080, s4;
	v12 =	vld.idx.msk [tilespmem:v12+s15+$0x0], $0xffff;
	[tilespmem:s10+$0x0] =	vst v4  }
0x52f: {  	s25 =	sor.u32 s14, s26;
	v4 =	vld.idx.msk [tilespmem:v1+s15+$0x0], $0xffff  }
0x530: {  	[tilespmem:s25+$0x0] =	vst v0;
	v1 =	vld [tilespmem:$0x1F9D0]  }
0x531: {  	v0 =	vld.idx.msk [tilespmem:v18+s15+$0x0], $0xffff;
	v9 =	vor.u32 $0xC, v55;
	_ =	sdelay $0x1  }
0x532: {  	s1 =	sor.u32 s30, s19;
	s19 =	sor.u32 s2, s19  }
0x533: {  	[dreg:$0x17] =	wrdreg s19;
	s19 =	sor.u32 s29, s9;
	s23 =	sor.u32 $0x1A100, s4  }
0x534: {  	[tilespmem:s19+$0x0] =	vst v12;
	s25 =	sor.u32 s14, s23  }
0x535: {  	v9 =	vld.idx.msk [tilespmem:v9+s15+$0x0], $0xffff;
	[tilespmem:s25+$0x0] =	vst v0;
	s25 =	sor.u32 $0x1A180, s4;
	s4 =	sor.u32 s17, s20  }
0x536: {  	[tilespmem:s4+$0x0] =	vst v13  }
0x537: {  	v13 =	vld.idx.msk [tilespmem:v1+s15+$0x0], $0xffff  }
0x538: {  	v1 =	vld [tilespmem:$0x1F9E0];
	_ =	sdelay $0x3  }
0x539: {  	s28 =	sor.u32 s2, s26;
	s24 =	sor.u32 s30, s26  }
0x53a: {  	s22 =	sor.u32 s0, s26;
	s26 =	sor.u32 s0, s23;
	s19 =	sor.u32 s2, s23  }
0x53b: {  	s9 =	sor.u32 s30, s23;
	s23 =	sor.u32 s29, s20;
	s20 =	sor.u32 s16, s20  }
0x53c: {  	[tilespmem:s20+$0x0] =	vst v3  }
0x53d: {  	v3 =	vld.idx.msk [tilespmem:v1+s15+$0x0], $0xffff  }
0x53e: {  	v1 =	vld [tilespmem:$0x1F9F0];
	_ =	sdelay $0x4  }
0x53f: {  	v18 =	vor.u32 $0x1F, v63;
	_ =	sdelay $0x1  }
0x540: {  	[tilespmem:s6+$0x0] =	vst v6  }
0x541: {  	v6 =	vld.idx.msk [tilespmem:v1+s15+$0x0], $0xffff  }
0x542: {  	v63 =	vmov v55;
	v1 =	vld [tilespmem:$0x1FA10]  }
0x543: {  	v12 =	vor.u32 $0xD, v63;
	v0 =	vld.idx.msk [tilespmem:v18+s15+$0x0], $0xffff;
	_ =	sdelay $0x3  }
0x544: {  	s14 =	sor.u32 s14, s25;
	[tilespmem:s23+$0x0] =	vst v9  }
0x545: {  	v9 =	vld.idx.msk [tilespmem:v12+s15+$0x0], $0xffff;
	[tilespmem:s14+$0x0] =	vst v0;
	s14 =	smov.u32 s29;
	s29 =	rddreg [dreg:$0x14]  }
0x546: {  	[tilespmem:s29+$0x0] =	vst v7  }
0x547: {  	v7 =	vld.idx.msk [tilespmem:v1+s15+$0x0], $0xffff  }
0x548: {  	v1 =	vld [tilespmem:$0x1FA20];
	_ =	sdelay $0x2  }
0x549: {  	v0 =	vld [tilespmem:$0x1F9B0];
	_ =	sdelay $0x1  }
0x54a: {  	v60 =	vmovc v56;
	v56 =	vmov v41;
	v41 =	vmov v31;
	v31 =	vmov v1;
	v1 =	vld [tilespmem:$0x1FA40];
	_ =	sdelay $0x4  }
0x54b: {  	v20 =	vmov v1;
	v1 =	vld [tilespmem:$0x1FA50]  }
0x54c: {  	v0 =	vld.idx.msk [tilespmem:v0+s15+$0x0], $0xffff;
	_ =	sdelay $0x2  }
0x54d: {  	s8 =	sor.u32 s0, s31;
	s7 =	sor.u32 s30, s31;
	s4 =	smov.u32 s21  }
0x54e: {  	s5 =	sor.u32 s30, s25;
	s30 =	smov.u32 s13;
	s13 =	sor.u32 $0x19080, s4  }
0x54f: {  	s18 =	sor.u32 s0, s25;
	s0 =	smov.u32 s17;
	s17 =	sor.u32 s30, s13;
	[tilespmem:s1+$0x0] =	vst v0  }
0x550: {  	[tilespmem:s17+$0x0] =	vst v4  }
0x551: {  	v4 =	vld.idx.msk [tilespmem:v1+s15+$0x0], $0xffff  }
0x552: {  	v1 =	vld [tilespmem:$0x1FA60];
	_ =	sdelay $0x5  }
0x553: {  	s21 =	sor.u32 s0, s13  }
0x554: {  	[tilespmem:s21+$0x0] =	vst v13  }
0x555: {  	v30 =	vmov v10;
	v10 =	vld.idx.msk [tilespmem:v1+s15+$0x0], $0xffff  }
0x556: {  	v1 =	vld [tilespmem:$0x1FA70];
	_ =	sdelay $0x4  }
0x557: {  	s31 =	sor.u32 s2, s31;
	s25 =	sor.u32 s2, s25;
	s2 =	smov.u32 s16  }
0x558: {  	s3 =	sor.u32 s2, s13  }
0x559: {  	[tilespmem:s3+$0x0] =	vst v3  }
0x55a: {  	v3 =	vld.idx.msk [tilespmem:v1+s15+$0x0], $0xffff  }
0x55b: {  	v1 =	vld [tilespmem:$0x1FA80];
	_ =	sdelay $0x5  }
0x55c: {  	s17 =	rddreg [dreg:$0x18]  }
0x55d: {  	[tilespmem:s17+$0x0] =	vst v6  }
0x55e: {  	v6 =	vld.idx.msk [tilespmem:v1+s15+$0x0], $0xffff  }
0x55f: {  	v1 =	vld [tilespmem:$0x1FA90];
	_ =	sdelay $0x4  }
0x560: {  	v22 =	vmov v1;
	v1 =	vld [tilespmem:$0x1FAA0];
	_ =	sdelay $0x5  }
0x561: {  	s16 =	rddreg [dreg:$0x17]  }
0x562: {  	[tilespmem:s16+$0x0] =	vst v7  }
0x563: {  	v47 =	vmov v39;
	v39 =	vmov v2;
	v2 =	vld.idx.msk [tilespmem:v1+s15+$0x0], $0xffff  }
0x564: {  	v1 =	vld [tilespmem:$0x1FAB0];
	_ =	sdelay $0x2  }
0x565: {  	v0 =	vld [tilespmem:$0x1FA30];
	_ =	sdelay $0x1  }
0x566: {  	v21 =	vmov v1;
	v1 =	vld [tilespmem:$0x1FAD0];
	_ =	sdelay $0x2  }
0x567: {  	v12 =	vor.u32 $0xE, v63;
	_ =	sdelay $0x1  }
0x568: {  	[tilespmem:$0x1FBD0] =	vst v42;
	v42 =	vmovc v15;
	v15 =	vmov v34;
	v34 =	vmov v17;
	v17 =	vmov v1;
	v1 =	vld [tilespmem:$0x1FAE0]  }
0x569: {  	s20 =	smov.u32 s26;
	s26 =	sor.u32 s14, s13;
	v0 =	vld.idx.msk [tilespmem:v0+s15+$0x0], $0xffff  }
0x56a: {  	[tilespmem:s26+$0x0] =	vst v9  }
0x56b: {  	v37 =	vmov v8;
	v8 =	vld.idx.msk [tilespmem:v12+s15+$0x0], $0xffff;
	_ =	sdelay $0x1  }
0x56c: {  	s10 =	sor.u32 $0x19100, s4  }
0x56d: {  	s21 =	sor.u32 s30, s10;
	[tilespmem:s7+$0x0] =	vst v0  }
0x56e: {  	s29 =	sor.u32 s14, s10;
	[tilespmem:s21+$0x0] =	vst v4  }
0x56f: {  	[tilespmem:s29+$0x0] =	vst v8;
	v8 =	vld.idx.msk [tilespmem:v1+s15+$0x0], $0xffff  }
0x570: {  	v1 =	vld [tilespmem:$0x1FAF0];
	_ =	sdelay $0x1  }
0x571: {  	v0 =	vld [tilespmem:$0x1FAC0];
	_ =	sdelay $0x3  }
0x572: {  	s26 =	sor.u32 s0, s10  }
0x573: {  	[tilespmem:s26+$0x0] =	vst v10  }
0x574: {  	v10 =	vld.idx.msk [tilespmem:v1+s15+$0x0], $0xffff  }
0x575: {  	v1 =	vld [tilespmem:$0x1FB00]  }
0x576: {  	v0 =	vld.idx.msk [tilespmem:v0+s15+$0x0], $0xffff;
	_ =	sdelay $0x4  }
0x577: {  	s3 =	sor.u32 s2, s10;
	[tilespmem:s24+$0x0] =	vst v0;
	v0 =	vld [tilespmem:$0x1FB50]  }
0x578: {  	[tilespmem:s3+$0x0] =	vst v3  }
0x579: {  	v33 =	vmov v11;
	v11 =	vld.idx.msk [tilespmem:v1+s15+$0x0], $0xffff  }
0x57a: {  	v1 =	vld [tilespmem:$0x1FB10];
	_ =	sdelay $0x1  }
0x57b: {  	s17 =	sor.u32 $0x19180, s4  }
0x57c: {  	s21 =	sor.u32 s30, s17  }
0x57d: {  	[tilespmem:s21+$0x0] =	vst v8  }
0x57e: {  	[tilespmem:s31+$0x0] =	vst v2;
	v2 =	vld.idx.msk [tilespmem:v0+s15+$0x0], $0xffff  }
0x57f: {  	v0 =	vld [tilespmem:$0x1FB60]  }
0x580: {  	[tilespmem:s8+$0x0] =	vst v6  }
0x581: {  	v3 =	vld.idx.msk [tilespmem:v1+s15+$0x0], $0xffff  }
0x582: {  	v1 =	vld [tilespmem:$0x1FB20]  }
0x583: {  	v58 =	vmov v54  }
0x584: {  	v54 =	vmovc v53;
	v53 =	vmovc v40;
	v40 =	vmov v36;
	v36 =	vmov v16;
	v16 =	vmov v0;
	v0 =	vld [tilespmem:$0x1FB70]  }
0x585: {  	v46 =	vmov v38;
	v38 =	vmov v26;
	v26 =	vld [tilespmem:$0x1F8F0]  }
0x586: {  	v32 =	vmov v57;
	v57 =	vld [tilespmem:$0x1FA00]  }
0x587: {  	v19 =	vmov v1;
	v1 =	vld [tilespmem:$0x1FB30]  }
0x588: {  	v28 =	vld [tilespmem:$0x1F810]  }
0x589: {  	v29 =	vld [tilespmem:$0x1F830];
	v9 =	vor.u32 $0xF, v63  }
0x58a: {  	v27 =	vld [tilespmem:$0x1F840]  }
0x58b: {  	v24 =	vld [tilespmem:$0x1FFF0]  }
0x58c: {  	v5 =	vld.idx.msk [tilespmem:v0+s15+$0x0], $0xffff  }
0x58d: {  	v0 =	vld [tilespmem:$0x1FB80]  }
0x58e: {  	v7 =	vld.idx.msk [tilespmem:v9+s15+$0x0], $0xffff  }
0x58f: {  	v9 =	vor.u32 $0x10, v63;
	v4 =	vld.idx.msk [tilespmem:v1+s15+$0x0], $0xffff  }
0x590: {  	v1 =	vld [tilespmem:$0x1FB40]  }
.Ltmp4:
0x591: {  	v25 =	vld [tilespmem:$0x1F850];
	(pc) =	sbr.rel @p1 .LBB2_9-.Ltmp4, $4  }
0x592: {  	v49 =	vld [tilespmem:$0x1F8A0];
	s23 =	rddreg [dreg:$0x3];
	s29 =	sor.u32 s14, s17  }
0x593: {  	v55 =	vld [tilespmem:$0x1F920];
	[tilespmem:s29+$0x0] =	vst v7;
	s26 =	sor.u32 s0, s17;
	s24 =	rddreg [dreg:$0xa]  }
0x594: {  	s1 =	sor.u32 s2, s17;
	s8 =	rddreg [dreg:$0xe];
	v6 =	vld.idx.msk [tilespmem:v9+s15+$0x0], $0xffff;
	[tilespmem:s26+$0x0] =	vst v10  }
0x595: {  	s12 =	sadd.s32 $0x40, s12;
	v8 =	vor.u32 $0x11, v63;
	v0 =	vld.idx.msk [tilespmem:v0+s15+$0x0], $0xffff;
	[tilespmem:s1+$0x0] =	vst v11;
	s1 =	rddreg [dreg:$0x6];
	v18 =	vmov v1  }
0x596: {  	v1 =	vld [tilespmem:$0x1FB90];
	_ =	sdelay $0x7  }
0x597: {  	s1 =	sadd.s32 $0x19600, s4;
	v7 =	vld.idx.msk [tilespmem:v1+s15+$0x0], $0xffff  }
0x598: {  	s13 =	sor.u32 s30, s1  }
0x599: {  	s3 =	sor.u32 s14, s1;
	[tilespmem:s13+$0x0] =	vst v5  }
0x59a: {  	s16 =	sor.u32 s0, s1;
	[tilespmem:s3+$0x0] =	vst v6  }
0x59b: {  	s1 =	sor.u32 s2, s1;
	[tilespmem:s16+$0x0] =	vst v0  }
0x59c: {  	[tilespmem:s1+$0x0] =	vst v7  }
0x59d: {  	v11 =	vld [tilespmem:$0x1FBA0]  }
0x59e: {  	v13 =	vld [tilespmem:$0x1FBB0];
	_ =	sdelay $0x4  }
0x59f: {  	v6 =	vld.idx.msk [tilespmem:v8+s15+$0x0], $0xffff  }
0x5a0: {  	v45 =	vor.u32 $0x12, v63;
	v55 =	vld.idx.msk [tilespmem:v55+s15+$0x0], $0xffff  }
0x5a1: {  	v12 =	vld.idx.msk [tilespmem:v11+s15+$0x0], $0xffff  }
0x5a2: {  	s17 =	sadd.s32 $0x19680, s4;
	v14 =	vld.idx.msk [tilespmem:v13+s15+$0x0], $0xffff  }
0x5a3: {  	s21 =	sor.u32 s14, s17  }
0x5a4: {  	s24 =	sor.u32 s30, s17;
	[tilespmem:s21+$0x0] =	vst v6  }
0x5a5: {  	s26 =	sor.u32 s0, s17;
	[tilespmem:s24+$0x0] =	vst v55;
	v23 =	vld.idx.msk [tilespmem:v45+s15+$0x0], $0xffff  }
0x5a6: {  	v44 =	vor.u32 $0x13, v63;
	s1 =	sor.u32 s2, s17;
	v45 =	vld.idx.msk [tilespmem:v48+s15+$0x0], $0xffff;
	[tilespmem:s26+$0x0] =	vst v12  }
0x5a7: {  	[tilespmem:s1+$0x0] =	vst v14;
	v7 =	vld.idx.msk [tilespmem:v57+s15+$0x0], $0xffff  }
0x5a8: {  	s29 =	sadd.s32 $0x19700, s4;
	v8 =	vld.idx.msk [tilespmem:v62+s15+$0x0], $0xffff  }
0x5a9: {  	s31 =	sor.u32 s14, s29  }
0x5aa: {  	s6 =	sor.u32 s30, s29;
	[tilespmem:s31+$0x0] =	vst v23  }
0x5ab: {  	s7 =	sor.u32 s0, s29;
	[tilespmem:s6+$0x0] =	vst v45;
	v0 =	vld.idx.msk [tilespmem:v44+s15+$0x0], $0xffff  }
0x5ac: {  	v6 =	vld.idx.msk [tilespmem:v52+s15+$0x0], $0xffff;
	s1 =	sor.u32 s2, s29;
	[tilespmem:s7+$0x0] =	vst v7  }
0x5ad: {  	[tilespmem:s1+$0x0] =	vst v8;
	v7 =	vld.idx.msk [tilespmem:v50+s15+$0x0], $0xffff  }
0x5ae: {  	s8 =	sadd.s32 $0x19780, s4;
	v8 =	vld.idx.msk [tilespmem:v49+s15+$0x0], $0xffff  }
0x5af: {  	s10 =	sor.u32 s14, s8  }
0x5b0: {  	s12 =	sor.u32 s30, s8;
	[tilespmem:s10+$0x0] =	vst v0  }
0x5b1: {  	s13 =	sor.u32 s0, s8;
	[tilespmem:s12+$0x0] =	vst v6  }
0x5b2: {  	s1 =	sor.u32 s2, s8;
	[tilespmem:s13+$0x0] =	vst v7  }
0x5b3: {  	[tilespmem:s1+$0x0] =	vst v8  }
0x5b4: {  	v48 =	vor.u32 $0x14, v63;
	v57 =	vld [tilespmem:$0x1FBC0];
	_ =	sdelay $0x4  }
0x5b5: {  	v0 =	vld.idx.msk [tilespmem:v48+s15+$0x0], $0xffff  }
0x5b6: {  	v6 =	vld.idx.msk [tilespmem:v42+s15+$0x0], $0xffff  }
0x5b7: {  	v62 =	vld [tilespmem:$0x1FBE0]  }
0x5b8: {  	v7 =	vld.idx.msk [tilespmem:v57+s15+$0x0], $0xffff  }
0x5b9: {  	s16 =	sor.u32 $0x19800, s4  }
0x5ba: {  	s17 =	sor.u32 s14, s16  }
0x5bb: {  	s21 =	sor.u32 s30, s16;
	[tilespmem:s17+$0x0] =	vst v0  }
0x5bc: {  	s24 =	sor.u32 s0, s16;
	[tilespmem:s21+$0x0] =	vst v6  }
0x5bd: {  	[tilespmem:s24+$0x0] =	vst v7  }
0x5be: {  	v55 =	vor.u32 $0x15, v63;
	v6 =	vld [tilespmem:$0x1FBD0]  }
0x5bf: {  	v8 =	vld.idx.msk [tilespmem:v62+s15+$0x0], $0xffff;
	_ =	sdelay $0x3  }
0x5c0: {  	s1 =	sor.u32 s2, s16;
	v0 =	vld.idx.msk [tilespmem:v55+s15+$0x0], $0xffff  }
0x5c1: {  	v1 =	vor.u32 $0x16, v63;
	[tilespmem:s1+$0x0] =	vst v8;
	v7 =	vld.idx.msk [tilespmem:v58+s15+$0x0], $0xffff  }
0x5c2: {  	v8 =	vld.idx.msk [tilespmem:v60+s15+$0x0], $0xffff  }
0x5c3: {  	s26 =	sor.u32 $0x19880, s4;
	v6 =	vld.idx.msk [tilespmem:v6+s15+$0x0], $0xffff  }
0x5c4: {  	s29 =	sor.u32 s14, s26  }
0x5c5: {  	s6 =	sor.u32 s0, s26;
	[tilespmem:s29+$0x0] =	vst v0  }
0x5c6: {  	s1 =	sor.u32 s2, s26;
	v0 =	vld.idx.msk [tilespmem:v1+s15+$0x0], $0xffff;
	[tilespmem:s6+$0x0] =	vst v7  }
0x5c7: {  	s31 =	sor.u32 s30, s26;
	[tilespmem:s1+$0x0] =	vst v8;
	v7 =	vld.idx.msk [tilespmem:v53+s15+$0x0], $0xffff  }
0x5c8: {  	v8 =	vld.idx.msk [tilespmem:v56+s15+$0x0], $0xffff;
	[tilespmem:s31+$0x0] =	vst v6  }
0x5c9: {  	s7 =	sor.u32 $0x19900, s4;
	v6 =	vld.idx.msk [tilespmem:v54+s15+$0x0], $0xffff  }
0x5ca: {  	s8 =	sor.u32 s14, s7  }
0x5cb: {  	s12 =	sor.u32 s0, s7;
	[tilespmem:s8+$0x0] =	vst v0  }
0x5cc: {  	s1 =	sor.u32 s2, s7;
	[tilespmem:s12+$0x0] =	vst v7  }
0x5cd: {  	s10 =	sor.u32 s30, s7;
	[tilespmem:s1+$0x0] =	vst v8  }
0x5ce: {  	[tilespmem:s10+$0x0] =	vst v6  }
0x5cf: {  	v14 =	vld [tilespmem:$0x1FBF0];
	_ =	sdelay $0x1  }
0x5d0: {  	v12 =	vor.u32 $0x17, v63;
	_ =	sdelay $0x2  }
0x5d1: {  	v7 =	vld.idx.msk [tilespmem:v46+s15+$0x0], $0xffff  }
0x5d2: {  	v6 =	vld.idx.msk [tilespmem:v47+s15+$0x0], $0xffff  }
0x5d3: {  	v0 =	vld.idx.msk [tilespmem:v12+s15+$0x0], $0xffff  }
0x5d4: {  	v13 =	vor.u32 $0x18, v63;
	s13 =	sor.u32 $0x19980, s4;
	v8 =	vld.idx.msk [tilespmem:v14+s15+$0x0], $0xffff  }
0x5d5: {  	s21 =	sor.u32 s0, s13  }
0x5d6: {  	s17 =	sor.u32 s30, s13;
	[tilespmem:s21+$0x0] =	vst v7  }
0x5d7: {  	s16 =	sor.u32 s14, s13;
	v7 =	vld.idx.msk [tilespmem:v15+s15+$0x0], $0xffff;
	[tilespmem:s17+$0x0] =	vst v6  }
0x5d8: {  	s1 =	sor.u32 s2, s13;
	[tilespmem:s16+$0x0] =	vst v0;
	v6 =	vld.idx.msk [tilespmem:v40+s15+$0x0], $0xffff  }
0x5d9: {  	v0 =	vld.idx.msk [tilespmem:v13+s15+$0x0], $0xffff;
	[tilespmem:s1+$0x0] =	vst v8  }
0x5da: {  	v23 =	vor.u32 $0x19, v63;
	s24 =	sadd.s32 $0x19E00, s4;
	v8 =	vld.idx.msk [tilespmem:v41+s15+$0x0], $0xffff  }
0x5db: {  	s31 =	sor.u32 s0, s24  }
0x5dc: {  	s29 =	sor.u32 s30, s24;
	[tilespmem:s31+$0x0] =	vst v7  }
0x5dd: {  	s26 =	sor.u32 s14, s24;
	v7 =	vld.idx.msk [tilespmem:v39+s15+$0x0], $0xffff;
	[tilespmem:s29+$0x0] =	vst v6  }
0x5de: {  	[tilespmem:s26+$0x0] =	vst v0;
	v6 =	vld.idx.msk [tilespmem:v38+s15+$0x0], $0xffff;
	s1 =	sor.u32 s2, s24  }
0x5df: {  	v0 =	vld.idx.msk [tilespmem:v23+s15+$0x0], $0xffff;
	[tilespmem:s1+$0x0] =	vst v8  }
0x5e0: {  	s6 =	sadd.s32 $0x19E80, s4;
	v41 =	vor.u32 $0x1A, v63;
	v8 =	vld.idx.msk [tilespmem:v37+s15+$0x0], $0xffff  }
0x5e1: {  	s10 =	sor.u32 s0, s6  }
0x5e2: {  	s8 =	sor.u32 s30, s6;
	[tilespmem:s10+$0x0] =	vst v7  }
0x5e3: {  	s7 =	sor.u32 s14, s6;
	v7 =	vld.idx.msk [tilespmem:v34+s15+$0x0], $0xffff;
	[tilespmem:s8+$0x0] =	vst v6  }
0x5e4: {  	[tilespmem:s7+$0x0] =	vst v0;
	v6 =	vld.idx.msk [tilespmem:v33+s15+$0x0], $0xffff;
	s1 =	sor.u32 s2, s6  }
0x5e5: {  	v0 =	vld.idx.msk [tilespmem:v41+s15+$0x0], $0xffff;
	[tilespmem:s1+$0x0] =	vst v8  }
0x5e6: {  	v42 =	vor.u32 $0x1B, v63;
	s12 =	sadd.s32 $0x19F00, s4;
	v8 =	vld.idx.msk [tilespmem:v36+s15+$0x0], $0xffff  }
0x5e7: {  	s17 =	sor.u32 s0, s12  }
0x5e8: {  	s16 =	sor.u32 s30, s12;
	[tilespmem:s17+$0x0] =	vst v7  }
0x5e9: {  	s13 =	sor.u32 s14, s12;
	v7 =	vld.idx.msk [tilespmem:v32+s15+$0x0], $0xffff;
	[tilespmem:s16+$0x0] =	vst v6  }
0x5ea: {  	[tilespmem:s13+$0x0] =	vst v0;
	v6 =	vld.idx.msk [tilespmem:v30+s15+$0x0], $0xffff;
	s1 =	sor.u32 s2, s12  }
0x5eb: {  	v0 =	vld.idx.msk [tilespmem:v42+s15+$0x0], $0xffff;
	[tilespmem:s1+$0x0] =	vst v8  }
0x5ec: {  	v44 =	vor.u32 $0x1C, v63;
	s21 =	sadd.s32 $0x19F80, s4;
	v8 =	vld.idx.msk [tilespmem:v31+s15+$0x0], $0xffff  }
0x5ed: {  	s29 =	sor.u32 s0, s21  }
0x5ee: {  	s26 =	sor.u32 s30, s21;
	[tilespmem:s29+$0x0] =	vst v7  }
0x5ef: {  	s24 =	sor.u32 s14, s21;
	v7 =	vld.idx.msk [tilespmem:v22+s15+$0x0], $0xffff;
	[tilespmem:s26+$0x0] =	vst v6  }
0x5f0: {  	[tilespmem:s24+$0x0] =	vst v0;
	v6 =	vld.idx.msk [tilespmem:v20+s15+$0x0], $0xffff;
	s1 =	sor.u32 s2, s21  }
0x5f1: {  	v0 =	vld.idx.msk [tilespmem:v44+s15+$0x0], $0xffff;
	[tilespmem:s1+$0x0] =	vst v8  }
0x5f2: {  	v45 =	vor.u32 $0x1D, v63;
	[tilespmem:s22+$0x0] =	vst v3;
	s31 =	sor.u32 $0x1A000, s4;
	v46 =	vld.idx.msk [tilespmem:v21+s15+$0x0], $0xffff  }
0x5f3: {  	[tilespmem:s28+$0x0] =	vst v4;
	s8 =	sor.u32 s0, s31  }
0x5f4: {  	v47 =	vld.idx.msk [tilespmem:v29+s15+$0x0], $0xffff;
	s7 =	sor.u32 s30, s31;
	[tilespmem:s8+$0x0] =	vst v7  }
0x5f5: {  	s6 =	sor.u32 s14, s31;
	v49 =	vld.idx.msk [tilespmem:v19+s15+$0x0], $0xffff;
	[tilespmem:s7+$0x0] =	vst v6  }
0x5f6: {  	[tilespmem:s6+$0x0] =	vst v0;
	v6 =	vld.idx.msk [tilespmem:v17+s15+$0x0], $0xffff;
	s1 =	sor.u32 s2, s31  }
0x5f7: {  	v0 =	vld.idx.msk [tilespmem:v45+s15+$0x0], $0xffff;
	[tilespmem:s1+$0x0] =	vst v46  }
0x5f8: {  	v48 =	vor.u32 $0x1E, v63;
	[tilespmem:s9+$0x0] =	vst v2;
	s9 =	sor.u32 $0x1A080, s4;
	v50 =	vld.idx.msk [tilespmem:v18+s15+$0x0], $0xffff  }
0x5f9: {  	v52 =	vld.idx.msk [tilespmem:v28+s15+$0x0], $0xffff;
	[tilespmem:s20+$0x0] =	vst v47;
	s13 =	sor.u32 s0, s9  }
0x5fa: {  	v53 =	vld.idx.msk [tilespmem:v27+s15+$0x0], $0xffff;
	s12 =	sor.u32 s30, s9;
	[tilespmem:s13+$0x0] =	vst v49  }
0x5fb: {  	s10 =	sor.u32 s14, s9;
	v56 =	vld.idx.msk [tilespmem:v51+s15+$0x0], $0xffff;
	[tilespmem:s12+$0x0] =	vst v6  }
0x5fc: {  	[tilespmem:s10+$0x0] =	vst v0;
	v55 =	vld.idx.msk [tilespmem:v16+s15+$0x0], $0xffff;
	s1 =	sor.u32 s2, s9  }
0x5fd: {  	v0 =	vld.idx.msk [tilespmem:v48+s15+$0x0], $0xffff;
	[tilespmem:s1+$0x0] =	vst v50  }
0x5fe: {  	v54 =	vor.u32 $0x1F, v63;
	[tilespmem:s19+$0x0] =	vst v52;
	s16 =	sor.u32 $0x1A100, s4;
	v57 =	vld.idx.msk [tilespmem:v43+s15+$0x0], $0xffff  }
0x5ff: {  	[tilespmem:s5+$0x0] =	vst v53;
	v58 =	vld.idx.msk [tilespmem:v26+s15+$0x0], $0xffff;
	s20 =	sor.u32 s0, s16  }
0x600: {  	v60 =	vld.idx.msk [tilespmem:v25+s15+$0x0], $0xffff;
	s19 =	sor.u32 s30, s16;
	[tilespmem:s20+$0x0] =	vst v56  }
0x601: {  	s17 =	sor.u32 s14, s16;
	v2 =	vld.idx.msk [tilespmem:v61+s15+$0x0], $0xffff;
	[tilespmem:s19+$0x0] =	vst v55  }
0x602: {  	[tilespmem:s17+$0x0] =	vst v0;
	v62 =	vld.idx.msk [tilespmem:v59+s15+$0x0], $0xffff;
	s1 =	sor.u32 s2, s16  }
0x603: {  	v0 =	vld.idx.msk [tilespmem:v54+s15+$0x0], $0xffff;
	[tilespmem:s1+$0x0] =	vst v57  }
0x604: {  	[tilespmem:s18+$0x0] =	vst v58;
	s21 =	sor.u32 $0x1A180, s4;
	v63 =	vld.idx.msk [tilespmem:v35+s15+$0x0], $0xffff  }
0x605: {  	[tilespmem:s25+$0x0] =	vst v60;
	s25 =	sor.u32 s0, s21  }
0x606: {  	s24 =	sor.u32 s30, s21;
	[tilespmem:s25+$0x0] =	vst v2  }
0x607: {  	s22 =	sor.u32 s14, s21;
	[tilespmem:s24+$0x0] =	vst v62  }
0x608: {  	[tilespmem:s22+$0x0] =	vst v0;
	s1 =	sor.u32 s2, s21  }
0x609: {  	s0 =	sld [smem:$0x7FD];
	[tilespmem:s1+$0x0] =	vst v63  }
0x60a: {  	s31 =	rddreg [dreg:$0x1f]  }
0x60b: {  	s4 =	sadd.s32 $0x1, s31  }
0x60c: {  	p0 =	sne.s32 s4, $0x32  }
.Ltmp5:
0x60d: {  	_ = 	snop;
	(pc) =	sbr.rel @p0 .LBB2_2-.Ltmp5, $4  }
0x60e: {  	s26 =	sand.u32 $0x300, s23  }
0x60f: {  	s28 =	simm.s32 $0x800;
	s0 =	sor.u32 s0, s26;
	s1 =	rddreg [dreg:$0x1c]  }
0x610: {  	s29 =	simm.s32 $0x20000;
	s30 =	simm.s32 $0x18600;
	s0 =	sadd.s32 s0, s1  }
0x611: {  	[hbm4b:s0+s28] =	stream.strided.scatter [tilespmem:s30], [sflag:$0x4], $0x2000, s29, s28, $0x38;
	[tilespmem:$0x1A600] =	vst v63  }
0x612: {  	s0 =	simm.s32 $0x3  }
0x613: {  	_ =	swait.ge [sflag:s0], $0x2000  }
0x614: {  	[sflag:s0] =	ssyncset.done $0x0  }
0x615: {  	s1 =	simm.s32 $0x4;
	[sflag:s0] =	ssyncadd.s32 $0xFFFFE000  }
0x616: {  	_ =	swait.ge [sflag:s1], $0x2000  }
0x617: {  	s2 =	rddreg [dreg:$0x1e]  }
0x618: {  	s31 =	rddreg [dreg:$0x1d];
	s2 =	sadd.s32 $0x1, s2  }
0x619: {  	p0 =	sne.s32 s2, s31  }
.Ltmp6:
0x61a: {  	_ = 	snop;
	(pc) =	sbr.rel @p0 .LBB2_1-.Ltmp6, $3  }
0x61b: {  	_ =	sdelay $0x1  }
0x61c: {  	[sflag:s1] =	ssyncset.done $0x0  }
0x61d: {  	[sflag:s1] =	ssyncadd.s32 $0xFFFFE000  }
0x61e: {  	_ =	sfence.sel $0x180000  }
0x61f: {  	[bflag:$0x0] =	sbarrier.arrive $0xFFFF  }
0x620: {  	_ =	strace $0x90000047  }
0x621: {  	s0 =	stileid.u32;
	[bflag:$0x2] =	sbarrier.arrive $0xFFFF  }
0x622: {  	p0 =	sne.s32 s0, $0x0;
	s0 =	rddreg [dreg:$0x2]  }
0x623: {  	s0 =	sadd.s32 @!p0 $0x100000, s0  }
0x624: {  	[sflag:s0] =	ssyncadd.tile.s32 @!p0 $0x1;
	_ =	shalt  }
.Lfunc_end2:
_tile_overlayer_lowered:
.L_overlay_start_2:
0x625: {  	(tag) =	ssettag $0x2  }
0x626: {  	s0 =	rddreg [dreg:$0x0];
	s2 =	stileid.u32  }
0x627: {  	s1 =	rddreg [dreg:$0x1];
	p0 =	sne.s32 s2, $0x0  }
0x628: {  	s3 =	rddreg [dreg:$0x2];
	[bflag:$0x3] =	sbarrier.arrive $0xFFFF;
	s2 =	simm.s32 @!p0 $0x1C05  }
0x629: {  	[timem:s3], [sflag:s2] =	dma.local @!p0 [hbm:s0], s1  }
0x62a: {  	s0 =	simm.s32 @!p0 $0x5  }
0x62b: {  	_ =	swait.ge @!p0 [sflag:s0], s1  }
0x62c: {  	s1 =	ssub.s32 @!p0 $0x0, s1;
	[sflag:s0] =	ssyncset.done @!p0 $0x0  }
0x62d: {  	[sflag:s0] =	ssyncadd.s32 @!p0 s1  }
0x62e: {  	[bflag:$0x3] =	sbarrier.arrive $0xFFFF  }
0x62f: {  	_ =	shalt  }

</sc_bundles>
